<compile_context>
chip_gen: v7x
topology: tpu7x:2x2x1
jax: 0.10.2.dev20260603
libtpu: 0.0.44.dev20260713+nightly
codegen_flags: <defaults>
</compile_context>

<pallas_src>
import functools
import math

import jax
import jax.numpy as jnp
from jax import lax
from jax.experimental import pallas as pl
from jax.experimental.pallas import tpu as pltpu
from jax.experimental.pallas import tpu_sc as plsc

BATCH = 16
NUM_SLOTS = 16
SLOT_SIZE = 256
NUM_COMPONENTS = 1024
N = BATCH * NUM_SLOTS


def _logits_body(x_ref, mu_ref, ls_ref, idx_ref, ll_ref):
    x = x_ref[...]
    mu = mu_ref[...]
    ls = ls_ref[...]
    s2 = jnp.exp(-2.0 * ls)
    t = mu * s2
    log2pi = math.log(2.0 * math.pi)
    c = (-0.5 * jnp.sum(mu * t, axis=1)
         - jnp.sum(ls, axis=1)
         - 0.5 * SLOT_SIZE * log2pi)
    dn = (((1,), (1,)), ((), ()))
    hi = lax.Precision.HIGHEST
    lp = (lax.dot_general(x, t, dn, precision=hi,
                          preferred_element_type=jnp.float32)
          - 0.5 * lax.dot_general(x * x, s2, dn, precision=hi,
                                  preferred_element_type=jnp.float32)
          + c[None, :])
    idx_ref[...] = jnp.argmax(lp, axis=1).astype(jnp.int32)
    ll_ref[...] = jnp.max(lp, axis=1)


_logits_call = pl.pallas_call(
    _logits_body,
    out_shape=(
        jax.ShapeDtypeStruct((N,), jnp.int32),
        jax.ShapeDtypeStruct((N,), jnp.float32),
    ),
)


@functools.cache
def _make_sc_gather():
    info = plsc.get_sparse_core_info()
    nw = info.num_cores * info.num_subcores
    rows_per_w = N // nw
    mesh = plsc.VectorSubcoreMesh(core_axis_name="c", subcore_axis_name="s")

    @functools.partial(
        pl.kernel,
        mesh=mesh,
        out_type=jax.ShapeDtypeStruct((N, SLOT_SIZE), jnp.float32),
        scratch_types=[
            pltpu.VMEM((rows_per_w,), jnp.int32),
            pltpu.VMEM((rows_per_w, SLOT_SIZE), jnp.float32),
            pltpu.VMEM((rows_per_w, SLOT_SIZE), jnp.float32),
            pltpu.VMEM((rows_per_w, SLOT_SIZE), jnp.float32),
            pltpu.SemaphoreType.DMA,
        ],
    )
    def gather_kernel(mu_hbm, ls_hbm, idx_hbm, z_hbm, out_hbm,
                      idx_v, mu_v, ls_v, z_v, sem):
        wid = lax.axis_index("s") * info.num_cores + lax.axis_index("c")
        base = wid * rows_per_w
        pltpu.sync_copy(idx_hbm.at[pl.ds(base, rows_per_w)], idx_v)
        cp_mu = pltpu.async_copy(mu_hbm.at[idx_v], mu_v, sem)
        cp_ls = pltpu.async_copy(ls_hbm.at[idx_v], ls_v, sem)
        pltpu.sync_copy(z_hbm.at[pl.ds(base, rows_per_w)], z_v)
        cp_mu.wait()
        cp_ls.wait()
        for r in range(rows_per_w):
            for j in range(SLOT_SIZE // 16):
                sl = pl.ds(j * 16, 16)
                z_v[r, sl] = mu_v[r, sl] + jnp.exp(ls_v[r, sl]) * z_v[r, sl]
        pltpu.sync_copy(z_v, out_hbm.at[pl.ds(base, rows_per_w)])

    return gather_kernel


def kernel(slots, mu, log_sigma):
    x = slots.reshape(N, SLOT_SIZE)
    idx, ll = _logits_call(x, mu, log_sigma)
    z = jax.random.normal(jax.random.key(42), slots.shape,
                          dtype=slots.dtype).reshape(N, SLOT_SIZE)
    new_slots = _make_sc_gather()(mu, log_sigma, idx, z)
    return (new_slots.reshape(BATCH, NUM_SLOTS, SLOT_SIZE),
            ll.reshape(BATCH, NUM_SLOTS))

# --- scband reference (transcript-rebuilt; emitter-appended) ---
"""Pipeline reference for scband-global-concepts-56470230008398 (READ-ONLY COPY).

The authoritative reference and input builder live on the scoring server;
editing this copy changes nothing except your own understanding.
"""

import jax, jax.numpy as jnp
import numpy as np

BATCH = 16
NUM_SLOTS = 16
SLOT_SIZE = 256
NUM_COMPONENTS = 1024


def setup_inputs(seed: int = 0) -> dict:
    key = jax.random.key(seed)
    k1, k2, k3 = jax.random.split(key, 3)
    slots = jax.random.normal(k1, (BATCH, NUM_SLOTS, SLOT_SIZE), dtype=jnp.float32)
    # learned parameters per init_kwargs (num_components, slot_size)
    mu = jax.random.normal(k2, (NUM_COMPONENTS, SLOT_SIZE), dtype=jnp.float32)
    log_sigma = jax.random.normal(k3, (NUM_COMPONENTS, SLOT_SIZE), dtype=jnp.float32)
    return {"slots": slots, "mu": mu, "log_sigma": log_sigma}


def reference(slots, mu, log_sigma):
    # sigma of each Gaussian component
    sigma = jnp.exp(log_sigma)
    # Normal(mu, sigma).log_prob(slots.unsqueeze(2)).sum(-1)
    # broadcast: [B, S, 1, D] vs [K, D] -> [B, S, K, D]
    x = slots[:, :, None, :]
    log2pi = jnp.log(jnp.asarray(2.0 * np.pi, dtype=slots.dtype))
    log_probs = (-0.5 * ((x - mu) / sigma) ** 2 - jnp.log(sigma) - 0.5 * log2pi).sum(axis=-1)  # [B, S, K]
    # responsibilities over components
    responsibilities = jax.nn.softmax(log_probs, axis=-1)
    # hard assignment per slot
    assignments = jnp.argmax(responsibilities, axis=-1)  # [B, S] int
    # reparameterization sample (torch.randn in original forward; fixed key here)
    z = jax.random.normal(jax.random.key(42), slots.shape, dtype=slots.dtype)
    # gather assigned component params (SparseCore gather)
    mu_a = jnp.take(mu, assignments, axis=0)        # [B, S, D]
    sigma_a = jnp.take(sigma, assignments, axis=0)  # [B, S, D]
    new_slots = mu_a + sigma_a * z
    # complete log-likelihood of the chosen assignment
    log_likelihood = jnp.take_along_axis(log_probs, assignments[:, :, None], axis=-1)[..., 0]  # [B, S]
    return new_slots, log_likelihood

if __name__ == "__main__":
    import jax
    _d = setup_inputs()
    print(jax.jit(kernel)(*tuple(_d.values())))

</pallas_src>

<mosaic_0001>
#map = affine_map<(d0, d1) -> (0, 0)>
#map1 = affine_map<(d0, d1) -> (0)>
module attributes {stable_mosaic.version = 14 : i64} {
  func.func @gather_kernel(%arg0: i32, %arg1: i32, %arg2: memref<1024x256xf32, #tpu.memory_space<hbm>>, %arg3: memref<1024x256xf32, #tpu.memory_space<hbm>>, %arg4: memref<256xi32, #tpu.memory_space<hbm>>, %arg5: memref<256x256xf32, #tpu.memory_space<hbm>>, %arg6: memref<256x256xf32, #tpu.memory_space<hbm>>, %arg7: memref<8xi32, #tpu.memory_space<vmem>>, %arg8: memref<8x256xf32, #tpu.memory_space<vmem>>, %arg9: memref<8x256xf32, #tpu.memory_space<vmem>>, %arg10: memref<8x256xf32, #tpu.memory_space<vmem>>, %arg11: memref<!tpu.dma_semaphore, #tpu.memory_space<semaphore_mem>>) attributes {dimension_semantics = [#tpu.dimension_semantics<core_parallel>, #tpu.dimension_semantics<subcore_parallel>], iteration_bounds = array<i64: 2, 16>, scalar_prefetch = 0 : i64, scratch_operands = 5 : i64, tpu.core_type = #tpu.core_type<sc_vector_subcore>, window_params = [{transform_indices = #map}, {transform_indices = #map}, {transform_indices = #map1}, {transform_indices = #map}, {transform_indices = #map}]} {
    %mul3A = arith.constant 2 : i32
    %mul3A_0 = arith.muli %arg1, %mul3A : i32
    %add3A = arith.addi %mul3A_0, %arg0 : i32
    %mul3A_1 = arith.constant 8 : i32
    %mul3A_2 = arith.muli %add3A, %mul3A_1 : i32
    "tpu.region"() ({
      %run_scoped3A = tpu.sem_alloc : memref<!tpu.dma_semaphore, #tpu.memory_space<semaphore_mem>>
      %dma_start3A_3082 = tpu.memref_slice %arg4[%mul3A_2] : memref<256xi32, #tpu.memory_space<hbm>> -> memref<8xi32, #tpu.memory_space<hbm>>
      %dma_start3A_3083 = tpu.memref_slice %arg4[%mul3A_2] : memref<256xi32, #tpu.memory_space<hbm>> -> memref<8xi32, #tpu.memory_space<hbm>>
      tpu.enqueue_dma source(%dma_start3A_3083 : memref<8xi32, #tpu.memory_space<hbm>>) target(%arg7 : memref<8xi32, #tpu.memory_space<vmem>>) target_semaphore(%run_scoped3A : memref<!tpu.dma_semaphore, #tpu.memory_space<semaphore_mem>>)
      %dma_wait3A_3084 = tpu.memref_slice %arg4[%mul3A_2] : memref<256xi32, #tpu.memory_space<hbm>> -> memref<8xi32, #tpu.memory_space<hbm>>
      %dma_wait3A_3085 = tpu.memref_slice %arg4[%mul3A_2] : memref<256xi32, #tpu.memory_space<hbm>> -> memref<8xi32, #tpu.memory_space<hbm>>
      tpu.wait_dma2 semaphore(%run_scoped3A : memref<!tpu.dma_semaphore, #tpu.memory_space<semaphore_mem>>) src(%dma_wait3A_3085 : memref<8xi32, #tpu.memory_space<hbm>>) dst(%arg7 : memref<8xi32, #tpu.memory_space<vmem>>)
      tpu.yield
    }) : () -> ()
    %dma_start3A = arith.constant 0 : i32
    %dma_start3A_3 = arith.constant 0 : i32
    %dma_start3A_4 = tpu.memref_slice %arg2[%dma_start3A, %dma_start3A_3] : memref<1024x256xf32, #tpu.memory_space<hbm>> -> memref<1024x256xf32, #tpu.memory_space<hbm>>
    tpu.enqueue_indirect_dma source(%dma_start3A_4 : memref<1024x256xf32, #tpu.memory_space<hbm>>) target(%arg8 : memref<8x256xf32, #tpu.memory_space<vmem>>) offsets(%arg7 : memref<8xi32, #tpu.memory_space<vmem>>) semaphore(%arg11 : memref<!tpu.dma_semaphore, #tpu.memory_space<semaphore_mem>>)
    %dma_start3A_5 = arith.constant 0 : i32
    %dma_start3A_6 = arith.constant 0 : i32
    %dma_start3A_7 = tpu.memref_slice %arg3[%dma_start3A_5, %dma_start3A_6] : memref<1024x256xf32, #tpu.memory_space<hbm>> -> memref<1024x256xf32, #tpu.memory_space<hbm>>
    tpu.enqueue_indirect_dma source(%dma_start3A_7 : memref<1024x256xf32, #tpu.memory_space<hbm>>) target(%arg9 : memref<8x256xf32, #tpu.memory_space<vmem>>) offsets(%arg7 : memref<8xi32, #tpu.memory_space<vmem>>) semaphore(%arg11 : memref<!tpu.dma_semaphore, #tpu.memory_space<semaphore_mem>>)
    "tpu.region"() ({
      %run_scoped3A = tpu.sem_alloc : memref<!tpu.dma_semaphore, #tpu.memory_space<semaphore_mem>>
      %dma_start3A_3082 = arith.constant 0 : i32
      %dma_start3A_3083 = tpu.memref_slice %arg5[%mul3A_2, %dma_start3A_3082] : memref<256x256xf32, #tpu.memory_space<hbm>> -> memref<8x256xf32, #tpu.memory_space<hbm>>
      %dma_start3A_3084 = arith.constant 0 : i32
      %dma_start3A_3085 = tpu.memref_slice %arg5[%mul3A_2, %dma_start3A_3084] : memref<256x256xf32, #tpu.memory_space<hbm>> -> memref<8x256xf32, #tpu.memory_space<hbm>>
      tpu.enqueue_dma source(%dma_start3A_3085 : memref<8x256xf32, #tpu.memory_space<hbm>>) target(%arg10 : memref<8x256xf32, #tpu.memory_space<vmem>>) target_semaphore(%run_scoped3A : memref<!tpu.dma_semaphore, #tpu.memory_space<semaphore_mem>>)
      %dma_wait3A_3086 = arith.constant 0 : i32
      %dma_wait3A_3087 = tpu.memref_slice %arg5[%mul3A_2, %dma_wait3A_3086] : memref<256x256xf32, #tpu.memory_space<hbm>> -> memref<8x256xf32, #tpu.memory_space<hbm>>
      %dma_wait3A_3088 = arith.constant 0 : i32
      %dma_wait3A_3089 = tpu.memref_slice %arg5[%mul3A_2, %dma_wait3A_3088] : memref<256x256xf32, #tpu.memory_space<hbm>> -> memref<8x256xf32, #tpu.memory_space<hbm>>
      tpu.wait_dma2 semaphore(%run_scoped3A : memref<!tpu.dma_semaphore, #tpu.memory_space<semaphore_mem>>) src(%dma_wait3A_3089 : memref<8x256xf32, #tpu.memory_space<hbm>>) dst(%arg10 : memref<8x256xf32, #tpu.memory_space<vmem>>)
      tpu.yield
    }) : () -> ()
    %dma_wait3A = arith.constant 0 : i32
    %dma_wait3A_8 = arith.constant 0 : i32
    %dma_wait3A_9 = tpu.memref_slice %arg2[%dma_wait3A, %dma_wait3A_8] : memref<1024x256xf32, #tpu.memory_space<hbm>> -> memref<1024x256xf32, #tpu.memory_space<hbm>>
    tpu.wait_indirect_dma semaphore(%arg11 : memref<!tpu.dma_semaphore, #tpu.memory_space<semaphore_mem>>) src(%dma_wait3A_9 : memref<1024x256xf32, #tpu.memory_space<hbm>>) dst(%arg8 : memref<8x256xf32, #tpu.memory_space<vmem>>)
    %dma_wait3A_10 = arith.constant 0 : i32
    %dma_wait3A_11 = arith.constant 0 : i32
    %dma_wait3A_12 = tpu.memref_slice %arg3[%dma_wait3A_10, %dma_wait3A_11] : memref<1024x256xf32, #tpu.memory_space<hbm>> -> memref<1024x256xf32, #tpu.memory_space<hbm>>
    tpu.wait_indirect_dma semaphore(%arg11 : memref<!tpu.dma_semaphore, #tpu.memory_space<semaphore_mem>>) src(%dma_wait3A_12 : memref<1024x256xf32, #tpu.memory_space<hbm>>) dst(%arg9 : memref<8x256xf32, #tpu.memory_space<vmem>>)
    %get3A = arith.constant 0 : i32
    %get3A_13 = arith.index_cast %get3A : i32 to index
    %get3A_14 = arith.constant 0 : index
    %get3A_15 = tpu.vector_load %arg8[%get3A_13, %get3A_14] {strides = array<i32>} : memref<8x256xf32, #tpu.memory_space<vmem>>, vector<1x16xf32>,
    %get3A_16 = vector.shape_cast %get3A_15 : vector<1x16xf32> to vector<16xf32>
    %get3A_17 = arith.constant 0 : i32
    %get3A_18 = arith.index_cast %get3A_17 : i32 to index
    %get3A_19 = arith.constant 0 : index
    %get3A_20 = tpu.vector_load %arg9[%get3A_18, %get3A_19] {strides = array<i32>} : memref<8x256xf32, #tpu.memory_space<vmem>>, vector<1x16xf32>,
    %get3A_21 = vector.shape_cast %get3A_20 : vector<1x16xf32> to vector<16xf32>
    %exp3A = math.exp %get3A_21 : vector<16xf32>
    %get3A_22 = arith.constant 0 : i32
    %get3A_23 = arith.index_cast %get3A_22 : i32 to index
    %get3A_24 = arith.constant 0 : index
    %get3A_25 = tpu.vector_load %arg10[%get3A_23, %get3A_24] {strides = array<i32>} : memref<8x256xf32, #tpu.memory_space<vmem>>, vector<1x16xf32>,
    %get3A_26 = vector.shape_cast %get3A_25 : vector<1x16xf32> to vector<16xf32>
    %mul3A_27 = arith.mulf %exp3A, %get3A_26 : vector<16xf32>
    %add3A_28 = arith.addf %get3A_16, %mul3A_27 : vector<16xf32>
    %swap3A = arith.constant 0 : i32
    %swap3A_29 = arith.index_cast %swap3A : i32 to index
    %swap3A_30 = arith.constant 0 : index
    %swap3A_31 = tpu.vector_load %arg10[%swap3A_29, %swap3A_30] {strides = array<i32>} : memref<8x256xf32, #tpu.memory_space<vmem>>, vector<1x16xf32>,
    %swap3A_32 = vector.shape_cast %swap3A_31 : vector<1x16xf32> to vector<16xf32>
    %swap3A_33 = vector.shape_cast %add3A_28 : vector<16xf32> to vector<1x16xf32>
    tpu.vector_store %arg10[%swap3A_29, %swap3A_30], %swap3A_33 {strides = array<i32>} : memref<8x256xf32, #tpu.memory_space<vmem>>, vector<1x16xf32>,
    %get3A_34 = arith.constant 0 : i32
    %get3A_35 = arith.index_cast %get3A_34 : i32 to index
    %get3A_36 = arith.constant 16 : index
    %get3A_37 = tpu.vector_load %arg8[%get3A_35, %get3A_36] {strides = array<i32>} : memref<8x256xf32, #tpu.memory_space<vmem>>, vector<1x16xf32>,
    %get3A_38 = vector.shape_cast %get3A_37 : vector<1x16xf32> to vector<16xf32>
    %get3A_39 = arith.constant 0 : i32
    %get3A_40 = arith.index_cast %get3A_39 : i32 to index
    %get3A_41 = arith.constant 16 : index
    %get3A_42 = tpu.vector_load %arg9[%get3A_40, %get3A_41] {strides = array<i32>} : memref<8x256xf32, #tpu.memory_space<vmem>>, vector<1x16xf32>,
    %get3A_43 = vector.shape_cast %get3A_42 : vector<1x16xf32> to vector<16xf32>
    %exp3A_44 = math.exp %get3A_43 : vector<16xf32>
    %get3A_45 = arith.constant 0 : i32
    %get3A_46 = arith.index_cast %get3A_45 : i32 to index
    %get3A_47 = arith.constant 16 : index
    %get3A_48 = tpu.vector_load %arg10[%get3A_46, %get3A_47] {strides = array<i32>} : memref<8x256xf32, #tpu.memory_space<vmem>>, vector<1x16xf32>,
    %get3A_49 = vector.shape_cast %get3A_48 : vector<1x16xf32> to vector<16xf32>
    %mul3A_50 = arith.mulf %exp3A_44, %get3A_49 : vector<16xf32>
    %add3A_51 = arith.addf %get3A_38, %mul3A_50 : vector<16xf32>
    %swap3A_52 = arith.constant 0 : i32
    %swap3A_53 = arith.index_cast %swap3A_52 : i32 to index
    %swap3A_54 = arith.constant 16 : index
    %swap3A_55 = tpu.vector_load %arg10[%swap3A_53, %swap3A_54] {strides = array<i32>} : memref<8x256xf32, #tpu.memory_space<vmem>>, vector<1x16xf32>,
    %swap3A_56 = vector.shape_cast %swap3A_55 : vector<1x16xf32> to vector<16xf32>
    %swap3A_57 = vector.shape_cast %add3A_51 : vector<16xf32> to vector<1x16xf32>
    tpu.vector_store %arg10[%swap3A_53, %swap3A_54], %swap3A_57 {strides = array<i32>} : memref<8x256xf32, #tpu.memory_space<vmem>>, vector<1x16xf32>,
    %get3A_58 = arith.constant 0 : i32
    %get3A_59 = arith.index_cast %get3A_58 : i32 to index
    %get3A_60 = arith.constant 32 : index
    %get3A_61 = tpu.vector_load %arg8[%get3A_59, %get3A_60] {strides = array<i32>} : memref<8x256xf32, #tpu.memory_space<vmem>>, vector<1x16xf32>,
    %get3A_62 = vector.shape_cast %get3A_61 : vector<1x16xf32> to vector<16xf32>
    %get3A_63 = arith.constant 0 : i32
    %get3A_64 = arith.index_cast %get3A_63 : i32 to index
    %get3A_65 = arith.constant 32 : index
    %get3A_66 = tpu.vector_load %arg9[%get3A_64, %get3A_65] {strides = array<i32>} : memref<8x256xf32, #tpu.memory_space<vmem>>, vector<1x16xf32>,
    %get3A_67 = vector.shape_cast %get3A_66 : vector<1x16xf32> to vector<16xf32>
    %exp3A_68 = math.exp %get3A_67 : vector<16xf32>
    %get3A_69 = arith.constant 0 : i32
    %get3A_70 = arith.index_cast %get3A_69 : i32 to index
    %get3A_71 = arith.constant 32 : index
    %get3A_72 = tpu.vector_load %arg10[%get3A_70, %get3A_71] {strides = array<i32>} : memref<8x256xf32, #tpu.memory_space<vmem>>, vector<1x16xf32>,
    %get3A_73 = vector.shape_cast %get3A_72 : vector<1x16xf32> to vector<16xf32>
    %mul3A_74 = arith.mulf %exp3A_68, %get3A_73 : vector<16xf32>
    %add3A_75 = arith.addf %get3A_62, %mul3A_74 : vector<16xf32>
    %swap3A_76 = arith.constant 0 : i32
    %swap3A_77 = arith.index_cast %swap3A_76 : i32 to index
    %swap3A_78 = arith.constant 32 : index
    %swap3A_79 = tpu.vector_load %arg10[%swap3A_77, %swap3A_78] {strides = array<i32>} : memref<8x256xf32, #tpu.memory_space<vmem>>, vector<1x16xf32>,
    %swap3A_80 = vector.shape_cast %swap3A_79 : vector<1x16xf32> to vector<16xf32>
    %swap3A_81 = vector.shape_cast %add3A_75 : vector<16xf32> to vector<1x16xf32>
    tpu.vector_store %arg10[%swap3A_77, %swap3A_78], %swap3A_81 {strides = array<i32>} : memref<8x256xf32, #tpu.memory_space<vmem>>, vector<1x16xf32>,
    %get3A_82 = arith.constant 0 : i32
    %get3A_83 = arith.index_cast %get3A_82 : i32 to index
    %get3A_84 = arith.constant 48 : index
    %get3A_85 = tpu.vector_load %arg8[%get3A_83, %get3A_84] {strides = array<i32>} : memref<8x256xf32, #tpu.memory_space<vmem>>, vector<1x16xf32>,
    %get3A_86 = vector.shape_cast %get3A_85 : vector<1x16xf32> to vector<16xf32>
    %get3A_87 = arith.constant 0 : i32
    %get3A_88 = arith.index_cast %get3A_87 : i32 to index
    %get3A_89 = arith.constant 48 : index
    %get3A_90 = tpu.vector_load %arg9[%get3A_88, %get3A_89] {strides = array<i32>} : memref<8x256xf32, #tpu.memory_space<vmem>>, vector<1x16xf32>,
    %get3A_91 = vector.shape_cast %get3A_90 : vector<1x16xf32> to vector<16xf32>
    %exp3A_92 = math.exp %get3A_91 : vector<16xf32>
    %get3A_93 = arith.constant 0 : i32
    %get3A_94 = arith.index_cast %get3A_93 : i32 to index
    %get3A_95 = arith.constant 48 : index
    %get3A_96 = tpu.vector_load %arg10[%get3A_94, %get3A_95] {strides = array<i32>} : memref<8x256xf32, #tpu.memory_space<vmem>>, vector<1x16xf32>,
    %get3A_97 = vector.shape_cast %get3A_96 : vector<1x16xf32> to vector<16xf32>
    %mul3A_98 = arith.mulf %exp3A_92, %get3A_97 : vector<16xf32>
    %add3A_99 = arith.addf %get3A_86, %mul3A_98 : vector<16xf32>
    %swap3A_100 = arith.constant 0 : i32
    %swap3A_101 = arith.index_cast %swap3A_100 : i32 to index
    %swap3A_102 = arith.constant 48 : index
    %swap3A_103 = tpu.vector_load %arg10[%swap3A_101, %swap3A_102] {strides = array<i32>} : memref<8x256xf32, #tpu.memory_space<vmem>>, vector<1x16xf32>,
    %swap3A_104 = vector.shape_cast %swap3A_103 : vector<1x16xf32> to vector<16xf32>
    %swap3A_105 = vector.shape_cast %add3A_99 : vector<16xf32> to vector<1x16xf32>
    tpu.vector_store %arg10[%swap3A_101, %swap3A_102], %swap3A_105 {strides = array<i32>} : memref<8x256xf32, #tpu.memory_space<vmem>>, vector<1x16xf32>,
    %get3A_106 = arith.constant 0 : i32
    %get3A_107 = arith.index_cast %get3A_106 : i32 to index
    %get3A_108 = arith.constant 64 : index
    %get3A_109 = tpu.vector_load %arg8[%get3A_107, %get3A_108] {strides = array<i32>} : memref<8x256xf32, #tpu.memory_space<vmem>>, vector<1x16xf32>,
    %get3A_110 = vector.shape_cast %get3A_109 : vector<1x16xf32> to vector<16xf32>
    %get3A_111 = arith.constant 0 : i32
    %get3A_112 = arith.index_cast %get3A_111 : i32 to index
    %get3A_113 = arith.constant 64 : index
    %get3A_114 = tpu.vector_load %arg9[%get3A_112, %get3A_113] {strides = array<i32>} : memref<8x256xf32, #tpu.memory_space<vmem>>, vector<1x16xf32>,
    %get3A_115 = vector.shape_cast %get3A_114 : vector<1x16xf32> to vector<16xf32>
    %exp3A_116 = math.exp %get3A_115 : vector<16xf32>
    %get3A_117 = arith.constant 0 : i32
    %get3A_118 = arith.index_cast %get3A_117 : i32 to index
    %get3A_119 = arith.constant 64 : index
    %get3A_120 = tpu.vector_load %arg10[%get3A_118, %get3A_119] {strides = array<i32>} : memref<8x256xf32, #tpu.memory_space<vmem>>, vector<1x16xf32>,
    %get3A_121 = vector.shape_cast %get3A_120 : vector<1x16xf32> to vector<16xf32>
    %mul3A_122 = arith.mulf %exp3A_116, %get3A_121 : vector<16xf32>
    %add3A_123 = arith.addf %get3A_110, %mul3A_122 : vector<16xf32>
    %swap3A_124 = arith.constant 0 : i32
    %swap3A_125 = arith.index_cast %swap3A_124 : i32 to index
    %swap3A_126 = arith.constant 64 : index
    %swap3A_127 = tpu.vector_load %arg10[%swap3A_125, %swap3A_126] {strides = array<i32>} : memref<8x256xf32, #tpu.memory_space<vmem>>, vector<1x16xf32>,
    %swap3A_128 = vector.shape_cast %swap3A_127 : vector<1x16xf32> to vector<16xf32>
    %swap3A_129 = vector.shape_cast %add3A_123 : vector<16xf32> to vector<1x16xf32>
    tpu.vector_store %arg10[%swap3A_125, %swap3A_126], %swap3A_129 {strides = array<i32>} : memref<8x256xf32, #tpu.memory_space<vmem>>, vector<1x16xf32>,
    %get3A_130 = arith.constant 0 : i32
    %get3A_131 = arith.index_cast %get3A_130 : i32 to index
    %get3A_132 = arith.constant 80 : index
    %get3A_133 = tpu.vector_load %arg8[%get3A_131, %get3A_132] {strides = array<i32>} : memref<8x256xf32, #tpu.memory_space<vmem>>, vector<1x16xf32>,
    %get3A_134 = vector.shape_cast %get3A_133 : vector<1x16xf32> to vector<16xf32>
    %get3A_135 = arith.constant 0 : i32
    %get3A_136 = arith.index_cast %get3A_135 : i32 to index
    %get3A_137 = arith.constant 80 : index
    %get3A_138 = tpu.vector_load %arg9[%get3A_136, %get3A_137] {strides = array<i32>} : memref<8x256xf32, #tpu.memory_space<vmem>>, vector<1x16xf32>,
    %get3A_139 = vector.shape_cast %get3A_138 : vector<1x16xf32> to vector<16xf32>
    %exp3A_140 = math.exp %get3A_139 : vector<16xf32>
    %get3A_141 = arith.constant 0 : i32
    %get3A_142 = arith.index_cast %get3A_141 : i32 to index
    %get3A_143 = arith.constant 80 : index
    %get3A_144 = tpu.vector_load %arg10[%get3A_142, %get3A_143] {strides = array<i32>} : memref<8x256xf32, #tpu.memory_space<vmem>>, vector<1x16xf32>,
    %get3A_145 = vector.shape_cast %get3A_144 : vector<1x16xf32> to vector<16xf32>
    %mul3A_146 = arith.mulf %exp3A_140, %get3A_145 : vector<16xf32>
    %add3A_147 = arith.addf %get3A_134, %mul3A_146 : vector<16xf32>
    %swap3A_148 = arith.constant 0 : i32
    %swap3A_149 = arith.index_cast %swap3A_148 : i32 to index
    %swap3A_150 = arith.constant 80 : index
    %swap3A_151 = tpu.vector_load %arg10[%swap3A_149, %swap3A_150] {strides = array<i32>} : memref<8x256xf32, #tpu.memory_space<vmem>>, vector<1x16xf32>,
    %swap3A_152 = vector.shape_cast %swap3A_151 : vector<1x16xf32> to vector<16xf32>
    %swap3A_153 = vector.shape_cast %add3A_147 : vector<16xf32> to vector<1x16xf32>
    tpu.vector_store %arg10[%swap3A_149, %swap3A_150], %swap3A_153 {strides = array<i32>} : memref<8x256xf32, #tpu.memory_space<vmem>>, vector<1x16xf32>,
    %get3A_154 = arith.constant 0 : i32
    %get3A_155 = arith.index_cast %get3A_154 : i32 to index
    %get3A_156 = arith.constant 96 : index
    %get3A_157 = tpu.vector_load %arg8[%get3A_155, %get3A_156] {strides = array<i32>} : memref<8x256xf32, #tpu.memory_space<vmem>>, vector<1x16xf32>,
    %get3A_158 = vector.shape_cast %get3A_157 : vector<1x16xf32> to vector<16xf32>
    %get3A_159 = arith.constant 0 : i32
    %get3A_160 = arith.index_cast %get3A_159 : i32 to index
    %get3A_161 = arith.constant 96 : index
    %get3A_162 = tpu.vector_load %arg9[%get3A_160, %get3A_161] {strides = array<i32>} : memref<8x256xf32, #tpu.memory_space<vmem>>, vector<1x16xf32>,
    %get3A_163 = vector.shape_cast %get3A_162 : vector<1x16xf32> to vector<16xf32>
    %exp3A_164 = math.exp %get3A_163 : vector<16xf32>
    %get3A_165 = arith.constant 0 : i32
    %get3A_166 = arith.index_cast %get3A_165 : i32 to index
    %get3A_167 = arith.constant 96 : index
    %get3A_168 = tpu.vector_load %arg10[%get3A_166, %get3A_167] {strides = array<i32>} : memref<8x256xf32, #tpu.memory_space<vmem>>, vector<1x16xf32>,
    %get3A_169 = vector.shape_cast %get3A_168 : vector<1x16xf32> to vector<16xf32>
    %mul3A_170 = arith.mulf %exp3A_164, %get3A_169 : vector<16xf32>
    %add3A_171 = arith.addf %get3A_158, %mul3A_170 : vector<16xf32>
    %swap3A_172 = arith.constant 0 : i32
    %swap3A_173 = arith.index_cast %swap3A_172 : i32 to index
    %swap3A_174 = arith.constant 96 : index
    %swap3A_175 = tpu.vector_load %arg10[%swap3A_173, %swap3A_174] {strides = array<i32>} : memref<8x256xf32, #tpu.memory_space<vmem>>, vector<1x16xf32>,
    %swap3A_176 = vector.shape_cast %swap3A_175 : vector<1x16xf32> to vector<16xf32>
    %swap3A_177 = vector.shape_cast %add3A_171 : vector<16xf32> to vector<1x16xf32>
    tpu.vector_store %arg10[%swap3A_173, %swap3A_174], %swap3A_177 {strides = array<i32>} : memref<8x256xf32, #tpu.memory_space<vmem>>, vector<1x16xf32>,
    %get3A_178 = arith.constant 0 : i32
    %get3A_179 = arith.index_cast %get3A_178 : i32 to index
    %get3A_180 = arith.constant 112 : index
    %get3A_181 = tpu.vector_load %arg8[%get3A_179, %get3A_180] {strides = array<i32>} : memref<8x256xf32, #tpu.memory_space<vmem>>, vector<1x16xf32>,
    %get3A_182 = vector.shape_cast %get3A_181 : vector<1x16xf32> to vector<16xf32>
    %get3A_183 = arith.constant 0 : i32
    %get3A_184 = arith.index_cast %get3A_183 : i32 to index
    %get3A_185 = arith.constant 112 : index
    %get3A_186 = tpu.vector_load %arg9[%get3A_184, %get3A_185] {strides = array<i32>} : memref<8x256xf32, #tpu.memory_space<vmem>>, vector<1x16xf32>,
    %get3A_187 = vector.shape_cast %get3A_186 : vector<1x16xf32> to vector<16xf32>
    %exp3A_188 = math.exp %get3A_187 : vector<16xf32>
    %get3A_189 = arith.constant 0 : i32
    %get3A_190 = arith.index_cast %get3A_189 : i32 to index
    %get3A_191 = arith.constant 112 : index
    %get3A_192 = tpu.vector_load %arg10[%get3A_190, %get3A_191] {strides = array<i32>} : memref<8x256xf32, #tpu.memory_space<vmem>>, vector<1x16xf32>,
    %get3A_193 = vector.shape_cast %get3A_192 : vector<1x16xf32> to vector<16xf32>
    %mul3A_194 = arith.mulf %exp3A_188, %get3A_193 : vector<16xf32>
    %add3A_195 = arith.addf %get3A_182, %mul3A_194 : vector<16xf32>
    %swap3A_196 = arith.constant 0 : i32
    %swap3A_197 = arith.index_cast %swap3A_196 : i32 to index
    %swap3A_198 = arith.constant 112 : index
    %swap3A_199 = tpu.vector_load %arg10[%swap3A_197, %swap3A_198] {strides = array<i32>} : memref<8x256xf32, #tpu.memory_space<vmem>>, vector<1x16xf32>,
    %swap3A_200 = vector.shape_cast %swap3A_199 : vector<1x16xf32> to vector<16xf32>
    %swap3A_201 = vector.shape_cast %add3A_195 : vector<16xf32> to vector<1x16xf32>
    tpu.vector_store %arg10[%swap3A_197, %swap3A_198], %swap3A_201 {strides = array<i32>} : memref<8x256xf32, #tpu.memory_space<vmem>>, vector<1x16xf32>,
    %get3A_202 = arith.constant 0 : i32
    %get3A_203 = arith.index_cast %get3A_202 : i32 to index
    %get3A_204 = arith.constant 128 : index
    %get3A_205 = tpu.vector_load %arg8[%get3A_203, %get3A_204] {strides = array<i32>} : memref<8x256xf32, #tpu.memory_space<vmem>>, vector<1x16xf32>,
    %get3A_206 = vector.shape_cast %get3A_205 : vector<1x16xf32> to vector<16xf32>
    %get3A_207 = arith.constant 0 : i32
    %get3A_208 = arith.index_cast %get3A_207 : i32 to index
    %get3A_209 = arith.constant 128 : index
    %get3A_210 = tpu.vector_load %arg9[%get3A_208, %get3A_209] {strides = array<i32>} : memref<8x256xf32, #tpu.memory_space<vmem>>, vector<1x16xf32>,
    %get3A_211 = vector.shape_cast %get3A_210 : vector<1x16xf32> to vector<16xf32>
    %exp3A_212 = math.exp %get3A_211 : vector<16xf32>
    %get3A_213 = arith.constant 0 : i32
    %get3A_214 = arith.index_cast %get3A_213 : i32 to index
    %get3A_215 = arith.constant 128 : index
    %get3A_216 = tpu.vector_load %arg10[%get3A_214, %get3A_215] {strides = array<i32>} : memref<8x256xf32, #tpu.memory_space<vmem>>, vector<1x16xf32>,
    %get3A_217 = vector.shape_cast %get3A_216 : vector<1x16xf32> to vector<16xf32>
    %mul3A_218 = arith.mulf %exp3A_212, %get3A_217 : vector<16xf32>
    %add3A_219 = arith.addf %get3A_206, %mul3A_218 : vector<16xf32>
    %swap3A_220 = arith.constant 0 : i32
    %swap3A_221 = arith.index_cast %swap3A_220 : i32 to index
    %swap3A_222 = arith.constant 128 : index
    %swap3A_223 = tpu.vector_load %arg10[%swap3A_221, %swap3A_222] {strides = array<i32>} : memref<8x256xf32, #tpu.memory_space<vmem>>, vector<1x16xf32>,
    %swap3A_224 = vector.shape_cast %swap3A_223 : vector<1x16xf32> to vector<16xf32>
    %swap3A_225 = vector.shape_cast %add3A_219 : vector<16xf32> to vector<1x16xf32>
    tpu.vector_store %arg10[%swap3A_221, %swap3A_222], %swap3A_225 {strides = array<i32>} : memref<8x256xf32, #tpu.memory_space<vmem>>, vector<1x16xf32>,
    %get3A_226 = arith.constant 0 : i32
    %get3A_227 = arith.index_cast %get3A_226 : i32 to index
    %get3A_228 = arith.constant 144 : index
    %get3A_229 = tpu.vector_load %arg8[%get3A_227, %get3A_228] {strides = array<i32>} : memref<8x256xf32, #tpu.memory_space<vmem>>, vector<1x16xf32>,
    %get3A_230 = vector.shape_cast %get3A_229 : vector<1x16xf32> to vector<16xf32>
    %get3A_231 = arith.constant 0 : i32
    %get3A_232 = arith.index_cast %get3A_231 : i32 to index
    %get3A_233 = arith.constant 144 : index
    %get3A_234 = tpu.vector_load %arg9[%get3A_232, %get3A_233] {strides = array<i32>} : memref<8x256xf32, #tpu.memory_space<vmem>>, vector<1x16xf32>,
    %get3A_235 = vector.shape_cast %get3A_234 : vector<1x16xf32> to vector<16xf32>
    %exp3A_236 = math.exp %get3A_235 : vector<16xf32>
    %get3A_237 = arith.constant 0 : i32
    %get3A_238 = arith.index_cast %get3A_237 : i32 to index
    %get3A_239 = arith.constant 144 : index
    %get3A_240 = tpu.vector_load %arg10[%get3A_238, %get3A_239] {strides = array<i32>} : memref<8x256xf32, #tpu.memory_space<vmem>>, vector<1x16xf32>,
    %get3A_241 = vector.shape_cast %get3A_240 : vector<1x16xf32> to vector<16xf32>
    %mul3A_242 = arith.mulf %exp3A_236, %get3A_241 : vector<16xf32>
    %add3A_243 = arith.addf %get3A_230, %mul3A_242 : vector<16xf32>
    %swap3A_244 = arith.constant 0 : i32
    %swap3A_245 = arith.index_cast %swap3A_244 : i32 to index
    %swap3A_246 = arith.constant 144 : index
    %swap3A_247 = tpu.vector_load %arg10[%swap3A_245, %swap3A_246] {strides = array<i32>} : memref<8x256xf32, #tpu.memory_space<vmem>>, vector<1x16xf32>,
    %swap3A_248 = vector.shape_cast %swap3A_247 : vector<1x16xf32> to vector<16xf32>
    %swap3A_249 = vector.shape_cast %add3A_243 : vector<16xf32> to vector<1x16xf32>
    tpu.vector_store %arg10[%swap3A_245, %swap3A_246], %swap3A_249 {strides = array<i32>} : memref<8x256xf32, #tpu.memory_space<vmem>>, vector<1x16xf32>,
    %get3A_250 = arith.constant 0 : i32
    %get3A_251 = arith.index_cast %get3A_250 : i32 to index
    %get3A_252 = arith.constant 160 : index
    %get3A_253 = tpu.vector_load %arg8[%get3A_251, %get3A_252] {strides = array<i32>} : memref<8x256xf32, #tpu.memory_space<vmem>>, vector<1x16xf32>,
    %get3A_254 = vector.shape_cast %get3A_253 : vector<1x16xf32> to vector<16xf32>
    %get3A_255 = arith.constant 0 : i32
    %get3A_256 = arith.index_cast %get3A_255 : i32 to index
    %get3A_257 = arith.constant 160 : index
    %get3A_258 = tpu.vector_load %arg9[%get3A_256, %get3A_257] {strides = array<i32>} : memref<8x256xf32, #tpu.memory_space<vmem>>, vector<1x16xf32>,
    %get3A_259 = vector.shape_cast %get3A_258 : vector<1x16xf32> to vector<16xf32>
    %exp3A_260 = math.exp %get3A_259 : vector<16xf32>
    %get3A_261 = arith.constant 0 : i32
    %get3A_262 = arith.index_cast %get3A_261 : i32 to index
    %get3A_263 = arith.constant 160 : index
    %get3A_264 = tpu.vector_load %arg10[%get3A_262, %get3A_263] {strides = array<i32>} : memref<8x256xf32, #tpu.memory_space<vmem>>, vector<1x16xf32>,
    %get3A_265 = vector.shape_cast %get3A_264 : vector<1x16xf32> to vector<16xf32>
    %mul3A_266 = arith.mulf %exp3A_260, %get3A_265 : vector<16xf32>
    %add3A_267 = arith.addf %get3A_254, %mul3A_266 : vector<16xf32>
    %swap3A_268 = arith.constant 0 : i32
    %swap3A_269 = arith.index_cast %swap3A_268 : i32 to index
    %swap3A_270 = arith.constant 160 : index
    %swap3A_271 = tpu.vector_load %arg10[%swap3A_269, %swap3A_270] {strides = array<i32>} : memref<8x256xf32, #tpu.memory_space<vmem>>, vector<1x16xf32>,
    %swap3A_272 = vector.shape_cast %swap3A_271 : vector<1x16xf32> to vector<16xf32>
    %swap3A_273 = vector.shape_cast %add3A_267 : vector<16xf32> to vector<1x16xf32>
    tpu.vector_store %arg10[%swap3A_269, %swap3A_270], %swap3A_273 {strides = array<i32>} : memref<8x256xf32, #tpu.memory_space<vmem>>, vector<1x16xf32>,
    %get3A_274 = arith.constant 0 : i32
    %get3A_275 = arith.index_cast %get3A_274 : i32 to index
    %get3A_276 = arith.constant 176 : index
    %get3A_277 = tpu.vector_load %arg8[%get3A_275, %get3A_276] {strides = array<i32>} : memref<8x256xf32, #tpu.memory_space<vmem>>, vector<1x16xf32>,
    %get3A_278 = vector.shape_cast %get3A_277 : vector<1x16xf32> to vector<16xf32>
    %get3A_279 = arith.constant 0 : i32
    %get3A_280 = arith.index_cast %get3A_279 : i32 to index
    %get3A_281 = arith.constant 176 : index
    %get3A_282 = tpu.vector_load %arg9[%get3A_280, %get3A_281] {strides = array<i32>} : memref<8x256xf32, #tpu.memory_space<vmem>>, vector<1x16xf32>,
    %get3A_283 = vector.shape_cast %get3A_282 : vector<1x16xf32> to vector<16xf32>
    %exp3A_284 = math.exp %get3A_283 : vector<16xf32>
    %get3A_285 = arith.constant 0 : i32
    %get3A_286 = arith.index_cast %get3A_285 : i32 to index
    %get3A_287 = arith.constant 176 : index
    %get3A_288 = tpu.vector_load %arg10[%get3A_286, %get3A_287] {strides = array<i32>} : memref<8x256xf32, #tpu.memory_space<vmem>>, vector<1x16xf32>,
    %get3A_289 = vector.shape_cast %get3A_288 : vector<1x16xf32> to vector<16xf32>
    %mul3A_290 = arith.mulf %exp3A_284, %get3A_289 : vector<16xf32>
    %add3A_291 = arith.addf %get3A_278, %mul3A_290 : vector<16xf32>
    %swap3A_292 = arith.constant 0 : i32
    %swap3A_293 = arith.index_cast %swap3A_292 : i32 to index
    %swap3A_294 = arith.constant 176 : index
    %swap3A_295 = tpu.vector_load %arg10[%swap3A_293, %swap3A_294] {strides = array<i32>} : memref<8x256xf32, #tpu.memory_space<vmem>>, vector<1x16xf32>,
    %swap3A_296 = vector.shape_cast %swap3A_295 : vector<1x16xf32> to vector<16xf32>
    %swap3A_297 = vector.shape_cast %add3A_291 : vector<16xf32> to vector<1x16xf32>
    tpu.vector_store %arg10[%swap3A_293, %swap3A_294], %swap3A_297 {strides = array<i32>} : memref<8x256xf32, #tpu.memory_space<vmem>>, vector<1x16xf32>,
    %get3A_298 = arith.constant 0 : i32
    %get3A_299 = arith.index_cast %get3A_298 : i32 to index
    %get3A_300 = arith.constant 192 : index
    %get3A_301 = tpu.vector_load %arg8[%get3A_299, %get3A_300] {strides = array<i32>} : memref<8x256xf32, #tpu.memory_space<vmem>>, vector<1x16xf32>,
    %get3A_302 = vector.shape_cast %get3A_301 : vector<1x16xf32> to vector<16xf32>
    %get3A_303 = arith.constant 0 : i32
    %get3A_304 = arith.index_cast %get3A_303 : i32 to index
    %get3A_305 = arith.constant 192 : index
    %get3A_306 = tpu.vector_load %arg9[%get3A_304, %get3A_305] {strides = array<i32>} : memref<8x256xf32, #tpu.memory_space<vmem>>, vector<1x16xf32>,
    %get3A_307 = vector.shape_cast %get3A_306 : vector<1x16xf32> to vector<16xf32>
    %exp3A_308 = math.exp %get3A_307 : vector<16xf32>
    %get3A_309 = arith.constant 0 : i32
    %get3A_310 = arith.index_cast %get3A_309 : i32 to index
    %get3A_311 = arith.constant 192 : index
    %get3A_312 = tpu.vector_load %arg10[%get3A_310, %get3A_311] {strides = array<i32>} : memref<8x256xf32, #tpu.memory_space<vmem>>, vector<1x16xf32>,
    %get3A_313 = vector.shape_cast %get3A_312 : vector<1x16xf32> to vector<16xf32>
    %mul3A_314 = arith.mulf %exp3A_308, %get3A_313 : vector<16xf32>
    %add3A_315 = arith.addf %get3A_302, %mul3A_314 : vector<16xf32>
    %swap3A_316 = arith.constant 0 : i32
    %swap3A_317 = arith.index_cast %swap3A_316 : i32 to index
    %swap3A_318 = arith.constant 192 : index
    %swap3A_319 = tpu.vector_load %arg10[%swap3A_317, %swap3A_318] {strides = array<i32>} : memref<8x256xf32, #tpu.memory_space<vmem>>, vector<1x16xf32>,
    %swap3A_320 = vector.shape_cast %swap3A_319 : vector<1x16xf32> to vector<16xf32>
    %swap3A_321 = vector.shape_cast %add3A_315 : vector<16xf32> to vector<1x16xf32>
    tpu.vector_store %arg10[%swap3A_317, %swap3A_318], %swap3A_321 {strides = array<i32>} : memref<8x256xf32, #tpu.memory_space<vmem>>, vector<1x16xf32>,
    %get3A_322 = arith.constant 0 : i32
    %get3A_323 = arith.index_cast %get3A_322 : i32 to index
    %get3A_324 = arith.constant 208 : index
    %get3A_325 = tpu.vector_load %arg8[%get3A_323, %get3A_324] {strides = array<i32>} : memref<8x256xf32, #tpu.memory_space<vmem>>, vector<1x16xf32>,
    %get3A_326 = vector.shape_cast %get3A_325 : vector<1x16xf32> to vector<16xf32>
    %get3A_327 = arith.constant 0 : i32
    %get3A_328 = arith.index_cast %get3A_327 : i32 to index
    %get3A_329 = arith.constant 208 : index
    %get3A_330 = tpu.vector_load %arg9[%get3A_328, %get3A_329] {strides = array<i32>} : memref<8x256xf32, #tpu.memory_space<vmem>>, vector<1x16xf32>,
    %get3A_331 = vector.shape_cast %get3A_330 : vector<1x16xf32> to vector<16xf32>
    %exp3A_332 = math.exp %get3A_331 : vector<16xf32>
    %get3A_333 = arith.constant 0 : i32
    %get3A_334 = arith.index_cast %get3A_333 : i32 to index
    %get3A_335 = arith.constant 208 : index
    %get3A_336 = tpu.vector_load %arg10[%get3A_334, %get3A_335] {strides = array<i32>} : memref<8x256xf32, #tpu.memory_space<vmem>>, vector<1x16xf32>,
    %get3A_337 = vector.shape_cast %get3A_336 : vector<1x16xf32> to vector<16xf32>
    %mul3A_338 = arith.mulf %exp3A_332, %get3A_337 : vector<16xf32>
    %add3A_339 = arith.addf %get3A_326, %mul3A_338 : vector<16xf32>
    %swap3A_340 = arith.constant 0 : i32
    %swap3A_341 = arith.index_cast %swap3A_340 : i32 to index
    %swap3A_342 = arith.constant 208 : index
    %swap3A_343 = tpu.vector_load %arg10[%swap3A_341, %swap3A_342] {strides = array<i32>} : memref<8x256xf32, #tpu.memory_space<vmem>>, vector<1x16xf32>,
    %swap3A_344 = vector.shape_cast %swap3A_343 : vector<1x16xf32> to vector<16xf32>
    %swap3A_345 = vector.shape_cast %add3A_339 : vector<16xf32> to vector<1x16xf32>
    tpu.vector_store %arg10[%swap3A_341, %swap3A_342], %swap3A_345 {strides = array<i32>} : memref<8x256xf32, #tpu.memory_space<vmem>>, vector<1x16xf32>,
    %get3A_346 = arith.constant 0 : i32
    %get3A_347 = arith.index_cast %get3A_346 : i32 to index
    %get3A_348 = arith.constant 224 : index
    %get3A_349 = tpu.vector_load %arg8[%get3A_347, %get3A_348] {strides = array<i32>} : memref<8x256xf32, #tpu.memory_space<vmem>>, vector<1x16xf32>,
    %get3A_350 = vector.shape_cast %get3A_349 : vector<1x16xf32> to vector<16xf32>
    %get3A_351 = arith.constant 0 : i32
    %get3A_352 = arith.index_cast %get3A_351 : i32 to index
    %get3A_353 = arith.constant 224 : index
    %get3A_354 = tpu.vector_load %arg9[%get3A_352, %get3A_353] {strides = array<i32>} : memref<8x256xf32, #tpu.memory_space<vmem>>, vector<1x16xf32>,
    %get3A_355 = vector.shape_cast %get3A_354 : vector<1x16xf32> to vector<16xf32>
    %exp3A_356 = math.exp %get3A_355 : vector<16xf32>
    %get3A_357 = arith.constant 0 : i32
    %get3A_358 = arith.index_cast %get3A_357 : i32 to index
    %get3A_359 = arith.constant 224 : index
    %get3A_360 = tpu.vector_load %arg10[%get3A_358, %get3A_359] {strides = array<i32>} : memref<8x256xf32, #tpu.memory_space<vmem>>, vector<1x16xf32>,
    %get3A_361 = vector.shape_cast %get3A_360 : vector<1x16xf32> to vector<16xf32>
    %mul3A_362 = arith.mulf %exp3A_356, %get3A_361 : vector<16xf32>
    %add3A_363 = arith.addf %get3A_350, %mul3A_362 : vector<16xf32>
    %swap3A_364 = arith.constant 0 : i32
    %swap3A_365 = arith.index_cast %swap3A_364 : i32 to index
    %swap3A_366 = arith.constant 224 : index
    %swap3A_367 = tpu.vector_load %arg10[%swap3A_365, %swap3A_366] {strides = array<i32>} : memref<8x256xf32, #tpu.memory_space<vmem>>, vector<1x16xf32>,
    %swap3A_368 = vector.shape_cast %swap3A_367 : vector<1x16xf32> to vector<16xf32>
    %swap3A_369 = vector.shape_cast %add3A_363 : vector<16xf32> to vector<1x16xf32>
    tpu.vector_store %arg10[%swap3A_365, %swap3A_366], %swap3A_369 {strides = array<i32>} : memref<8x256xf32, #tpu.memory_space<vmem>>, vector<1x16xf32>,
    %get3A_370 = arith.constant 0 : i32
    %get3A_371 = arith.index_cast %get3A_370 : i32 to index
    %get3A_372 = arith.constant 240 : index
    %get3A_373 = tpu.vector_load %arg8[%get3A_371, %get3A_372] {strides = array<i32>} : memref<8x256xf32, #tpu.memory_space<vmem>>, vector<1x16xf32>,
    %get3A_374 = vector.shape_cast %get3A_373 : vector<1x16xf32> to vector<16xf32>
    %get3A_375 = arith.constant 0 : i32
    %get3A_376 = arith.index_cast %get3A_375 : i32 to index
    %get3A_377 = arith.constant 240 : index
    %get3A_378 = tpu.vector_load %arg9[%get3A_376, %get3A_377] {strides = array<i32>} : memref<8x256xf32, #tpu.memory_space<vmem>>, vector<1x16xf32>,
    %get3A_379 = vector.shape_cast %get3A_378 : vector<1x16xf32> to vector<16xf32>
    %exp3A_380 = math.exp %get3A_379 : vector<16xf32>
    %get3A_381 = arith.constant 0 : i32
    %get3A_382 = arith.index_cast %get3A_381 : i32 to index
    %get3A_383 = arith.constant 240 : index
    %get3A_384 = tpu.vector_load %arg10[%get3A_382, %get3A_383] {strides = array<i32>} : memref<8x256xf32, #tpu.memory_space<vmem>>, vector<1x16xf32>,
    %get3A_385 = vector.shape_cast %get3A_384 : vector<1x16xf32> to vector<16xf32>
    %mul3A_386 = arith.mulf %exp3A_380, %get3A_385 : vector<16xf32>
    %add3A_387 = arith.addf %get3A_374, %mul3A_386 : vector<16xf32>
    %swap3A_388 = arith.constant 0 : i32
    %swap3A_389 = arith.index_cast %swap3A_388 : i32 to index
    %swap3A_390 = arith.constant 240 : index
    %swap3A_391 = tpu.vector_load %arg10[%swap3A_389, %swap3A_390] {strides = array<i32>} : memref<8x256xf32, #tpu.memory_space<vmem>>, vector<1x16xf32>,
    %swap3A_392 = vector.shape_cast %swap3A_391 : vector<1x16xf32> to vector<16xf32>
    %swap3A_393 = vector.shape_cast %add3A_387 : vector<16xf32> to vector<1x16xf32>
    tpu.vector_store %arg10[%swap3A_389, %swap3A_390], %swap3A_393 {strides = array<i32>} : memref<8x256xf32, #tpu.memory_space<vmem>>, vector<1x16xf32>,
    %get3A_394 = arith.constant 1 : i32
    %get3A_395 = arith.index_cast %get3A_394 : i32 to index
    %get3A_396 = arith.constant 0 : index
    %get3A_397 = tpu.vector_load %arg8[%get3A_395, %get3A_396] {strides = array<i32>} : memref<8x256xf32, #tpu.memory_space<vmem>>, vector<1x16xf32>,
    %get3A_398 = vector.shape_cast %get3A_397 : vector<1x16xf32> to vector<16xf32>
    %get3A_399 = arith.constant 1 : i32
    %get3A_400 = arith.index_cast %get3A_399 : i32 to index
    %get3A_401 = arith.constant 0 : index
    %get3A_402 = tpu.vector_load %arg9[%get3A_400, %get3A_401] {strides = array<i32>} : memref<8x256xf32, #tpu.memory_space<vmem>>, vector<1x16xf32>,
    %get3A_403 = vector.shape_cast %get3A_402 : vector<1x16xf32> to vector<16xf32>
    %exp3A_404 = math.exp %get3A_403 : vector<16xf32>
    %get3A_405 = arith.constant 1 : i32
    %get3A_406 = arith.index_cast %get3A_405 : i32 to index
    %get3A_407 = arith.constant 0 : index
    %get3A_408 = tpu.vector_load %arg10[%get3A_406, %get3A_407] {strides = array<i32>} : memref<8x256xf32, #tpu.memory_space<vmem>>, vector<1x16xf32>,
    %get3A_409 = vector.shape_cast %get3A_408 : vector<1x16xf32> to vector<16xf32>
    %mul3A_410 = arith.mulf %exp3A_404, %get3A_409 : vector<16xf32>
    %add3A_411 = arith.addf %get3A_398, %mul3A_410 : vector<16xf32>
    %swap3A_412 = arith.constant 1 : i32
    %swap3A_413 = arith.index_cast %swap3A_412 : i32 to index
    %swap3A_414 = arith.constant 0 : index
    %swap3A_415 = tpu.vector_load %arg10[%swap3A_413, %swap3A_414] {strides = array<i32>} : memref<8x256xf32, #tpu.memory_space<vmem>>, vector<1x16xf32>,
    %swap3A_416 = vector.shape_cast %swap3A_415 : vector<1x16xf32> to vector<16xf32>
    %swap3A_417 = vector.shape_cast %add3A_411 : vector<16xf32> to vector<1x16xf32>
    tpu.vector_store %arg10[%swap3A_413, %swap3A_414], %swap3A_417 {strides = array<i32>} : memref<8x256xf32, #tpu.memory_space<vmem>>, vector<1x16xf32>,
    %get3A_418 = arith.constant 1 : i32
    %get3A_419 = arith.index_cast %get3A_418 : i32 to index
    %get3A_420 = arith.constant 16 : index
    %get3A_421 = tpu.vector_load %arg8[%get3A_419, %get3A_420] {strides = array<i32>} : memref<8x256xf32, #tpu.memory_space<vmem>>, vector<1x16xf32>,
    %get3A_422 = vector.shape_cast %get3A_421 : vector<1x16xf32> to vector<16xf32>
    %get3A_423 = arith.constant 1 : i32
    %get3A_424 = arith.index_cast %get3A_423 : i32 to index
    %get3A_425 = arith.constant 16 : index
    %get3A_426 = tpu.vector_load %arg9[%get3A_424, %get3A_425] {strides = array<i32>} : memref<8x256xf32, #tpu.memory_space<vmem>>, vector<1x16xf32>,
    %get3A_427 = vector.shape_cast %get3A_426 : vector<1x16xf32> to vector<16xf32>
    %exp3A_428 = math.exp %get3A_427 : vector<16xf32>
    %get3A_429 = arith.constant 1 : i32
    %get3A_430 = arith.index_cast %get3A_429 : i32 to index
    %get3A_431 = arith.constant 16 : index
    %get3A_432 = tpu.vector_load %arg10[%get3A_430, %get3A_431] {strides = array<i32>} : memref<8x256xf32, #tpu.memory_space<vmem>>, vector<1x16xf32>,
    %get3A_433 = vector.shape_cast %get3A_432 : vector<1x16xf32> to vector<16xf32>
    %mul3A_434 = arith.mulf %exp3A_428, %get3A_433 : vector<16xf32>
    %add3A_435 = arith.addf %get3A_422, %mul3A_434 : vector<16xf32>
    %swap3A_436 = arith.constant 1 : i32
    %swap3A_437 = arith.index_cast %swap3A_436 : i32 to index
    %swap3A_438 = arith.constant 16 : index
    %swap3A_439 = tpu.vector_load %arg10[%swap3A_437, %swap3A_438] {strides = array<i32>} : memref<8x256xf32, #tpu.memory_space<vmem>>, vector<1x16xf32>,
    %swap3A_440 = vector.shape_cast %swap3A_439 : vector<1x16xf32> to vector<16xf32>
    %swap3A_441 = vector.shape_cast %add3A_435 : vector<16xf32> to vector<1x16xf32>
    tpu.vector_store %arg10[%swap3A_437, %swap3A_438], %swap3A_441 {strides = array<i32>} : memref<8x256xf32, #tpu.memory_space<vmem>>, vector<1x16xf32>,
    %get3A_442 = arith.constant 1 : i32
    %get3A_443 = arith.index_cast %get3A_442 : i32 to index
    %get3A_444 = arith.constant 32 : index
    %get3A_445 = tpu.vector_load %arg8[%get3A_443, %get3A_444] {strides = array<i32>} : memref<8x256xf32, #tpu.memory_space<vmem>>, vector<1x16xf32>,
    %get3A_446 = vector.shape_cast %get3A_445 : vector<1x16xf32> to vector<16xf32>
    %get3A_447 = arith.constant 1 : i32
    %get3A_448 = arith.index_cast %get3A_447 : i32 to index
    %get3A_449 = arith.constant 32 : index
    %get3A_450 = tpu.vector_load %arg9[%get3A_448, %get3A_449] {strides = array<i32>} : memref<8x256xf32, #tpu.memory_space<vmem>>, vector<1x16xf32>,
    %get3A_451 = vector.shape_cast %get3A_450 : vector<1x16xf32> to vector<16xf32>
    %exp3A_452 = math.exp %get3A_451 : vector<16xf32>
    %get3A_453 = arith.constant 1 : i32
    %get3A_454 = arith.index_cast %get3A_453 : i32 to index
    %get3A_455 = arith.constant 32 : index
    %get3A_456 = tpu.vector_load %arg10[%get3A_454, %get3A_455] {strides = array<i32>} : memref<8x256xf32, #tpu.memory_space<vmem>>, vector<1x16xf32>,
    %get3A_457 = vector.shape_cast %get3A_456 : vector<1x16xf32> to vector<16xf32>
    %mul3A_458 = arith.mulf %exp3A_452, %get3A_457 : vector<16xf32>
    %add3A_459 = arith.addf %get3A_446, %mul3A_458 : vector<16xf32>
    %swap3A_460 = arith.constant 1 : i32
    %swap3A_461 = arith.index_cast %swap3A_460 : i32 to index
    %swap3A_462 = arith.constant 32 : index
    %swap3A_463 = tpu.vector_load %arg10[%swap3A_461, %swap3A_462] {strides = array<i32>} : memref<8x256xf32, #tpu.memory_space<vmem>>, vector<1x16xf32>,
    %swap3A_464 = vector.shape_cast %swap3A_463 : vector<1x16xf32> to vector<16xf32>
    %swap3A_465 = vector.shape_cast %add3A_459 : vector<16xf32> to vector<1x16xf32>
    tpu.vector_store %arg10[%swap3A_461, %swap3A_462], %swap3A_465 {strides = array<i32>} : memref<8x256xf32, #tpu.memory_space<vmem>>, vector<1x16xf32>,
    %get3A_466 = arith.constant 1 : i32
    %get3A_467 = arith.index_cast %get3A_466 : i32 to index
    %get3A_468 = arith.constant 48 : index
    %get3A_469 = tpu.vector_load %arg8[%get3A_467, %get3A_468] {strides = array<i32>} : memref<8x256xf32, #tpu.memory_space<vmem>>, vector<1x16xf32>,
    %get3A_470 = vector.shape_cast %get3A_469 : vector<1x16xf32> to vector<16xf32>
    %get3A_471 = arith.constant 1 : i32
    %get3A_472 = arith.index_cast %get3A_471 : i32 to index
    %get3A_473 = arith.constant 48 : index
    %get3A_474 = tpu.vector_load %arg9[%get3A_472, %get3A_473] {strides = array<i32>} : memref<8x256xf32, #tpu.memory_space<vmem>>, vector<1x16xf32>,
    %get3A_475 = vector.shape_cast %get3A_474 : vector<1x16xf32> to vector<16xf32>
    %exp3A_476 = math.exp %get3A_475 : vector<16xf32>
    %get3A_477 = arith.constant 1 : i32
    %get3A_478 = arith.index_cast %get3A_477 : i32 to index
    %get3A_479 = arith.constant 48 : index
    %get3A_480 = tpu.vector_load %arg10[%get3A_478, %get3A_479] {strides = array<i32>} : memref<8x256xf32, #tpu.memory_space<vmem>>, vector<1x16xf32>,
    %get3A_481 = vector.shape_cast %get3A_480 : vector<1x16xf32> to vector<16xf32>
    %mul3A_482 = arith.mulf %exp3A_476, %get3A_481 : vector<16xf32>
    %add3A_483 = arith.addf %get3A_470, %mul3A_482 : vector<16xf32>
    %swap3A_484 = arith.constant 1 : i32
    %swap3A_485 = arith.index_cast %swap3A_484 : i32 to index
    %swap3A_486 = arith.constant 48 : index
    %swap3A_487 = tpu.vector_load %arg10[%swap3A_485, %swap3A_486] {strides = array<i32>} : memref<8x256xf32, #tpu.memory_space<vmem>>, vector<1x16xf32>,
    %swap3A_488 = vector.shape_cast %swap3A_487 : vector<1x16xf32> to vector<16xf32>
    %swap3A_489 = vector.shape_cast %add3A_483 : vector<16xf32> to vector<1x16xf32>
    tpu.vector_store %arg10[%swap3A_485, %swap3A_486], %swap3A_489 {strides = array<i32>} : memref<8x256xf32, #tpu.memory_space<vmem>>, vector<1x16xf32>,
    %get3A_490 = arith.constant 1 : i32
    %get3A_491 = arith.index_cast %get3A_490 : i32 to index
    %get3A_492 = arith.constant 64 : index
    %get3A_493 = tpu.vector_load %arg8[%get3A_491, %get3A_492] {strides = array<i32>} : memref<8x256xf32, #tpu.memory_space<vmem>>, vector<1x16xf32>,
    %get3A_494 = vector.shape_cast %get3A_493 : vector<1x16xf32> to vector<16xf32>
    %get3A_495 = arith.constant 1 : i32
    %get3A_496 = arith.index_cast %get3A_495 : i32 to index
    %get3A_497 = arith.constant 64 : index
    %get3A_498 = tpu.vector_load %arg9[%get3A_496, %get3A_497] {strides = array<i32>} : memref<8x256xf32, #tpu.memory_space<vmem>>, vector<1x16xf32>,
    %get3A_499 = vector.shape_cast %get3A_498 : vector<1x16xf32> to vector<16xf32>
    %exp3A_500 = math.exp %get3A_499 : vector<16xf32>
    %get3A_501 = arith.constant 1 : i32
    %get3A_502 = arith.index_cast %get3A_501 : i32 to index
    %get3A_503 = arith.constant 64 : index
    %get3A_504 = tpu.vector_load %arg10[%get3A_502, %get3A_503] {strides = array<i32>} : memref<8x256xf32, #tpu.memory_space<vmem>>, vector<1x16xf32>,
    %get3A_505 = vector.shape_cast %get3A_504 : vector<1x16xf32> to vector<16xf32>
    %mul3A_506 = arith.mulf %exp3A_500, %get3A_505 : vector<16xf32>
    %add3A_507 = arith.addf %get3A_494, %mul3A_506 : vector<16xf32>
    %swap3A_508 = arith.constant 1 : i32
    %swap3A_509 = arith.index_cast %swap3A_508 : i32 to index
    %swap3A_510 = arith.constant 64 : index
    %swap3A_511 = tpu.vector_load %arg10[%swap3A_509, %swap3A_510] {strides = array<i32>} : memref<8x256xf32, #tpu.memory_space<vmem>>, vector<1x16xf32>,
    %swap3A_512 = vector.shape_cast %swap3A_511 : vector<1x16xf32> to vector<16xf32>
    %swap3A_513 = vector.shape_cast %add3A_507 : vector<16xf32> to vector<1x16xf32>
    tpu.vector_store %arg10[%swap3A_509, %swap3A_510], %swap3A_513 {strides = array<i32>} : memref<8x256xf32, #tpu.memory_space<vmem>>, vector<1x16xf32>,
    %get3A_514 = arith.constant 1 : i32
    %get3A_515 = arith.index_cast %get3A_514 : i32 to index
    %get3A_516 = arith.constant 80 : index
    %get3A_517 = tpu.vector_load %arg8[%get3A_515, %get3A_516] {strides = array<i32>} : memref<8x256xf32, #tpu.memory_space<vmem>>, vector<1x16xf32>,
    %get3A_518 = vector.shape_cast %get3A_517 : vector<1x16xf32> to vector<16xf32>
    %get3A_519 = arith.constant 1 : i32
    %get3A_520 = arith.index_cast %get3A_519 : i32 to index
    %get3A_521 = arith.constant 80 : index
    %get3A_522 = tpu.vector_load %arg9[%get3A_520, %get3A_521] {strides = array<i32>} : memref<8x256xf32, #tpu.memory_space<vmem>>, vector<1x16xf32>,
    %get3A_523 = vector.shape_cast %get3A_522 : vector<1x16xf32> to vector<16xf32>
    %exp3A_524 = math.exp %get3A_523 : vector<16xf32>
    %get3A_525 = arith.constant 1 : i32
    %get3A_526 = arith.index_cast %get3A_525 : i32 to index
    %get3A_527 = arith.constant 80 : index
    %get3A_528 = tpu.vector_load %arg10[%get3A_526, %get3A_527] {strides = array<i32>} : memref<8x256xf32, #tpu.memory_space<vmem>>, vector<1x16xf32>,
    %get3A_529 = vector.shape_cast %get3A_528 : vector<1x16xf32> to vector<16xf32>
    %mul3A_530 = arith.mulf %exp3A_524, %get3A_529 : vector<16xf32>
    %add3A_531 = arith.addf %get3A_518, %mul3A_530 : vector<16xf32>
    %swap3A_532 = arith.constant 1 : i32
    %swap3A_533 = arith.index_cast %swap3A_532 : i32 to index
    %swap3A_534 = arith.constant 80 : index
    %swap3A_535 = tpu.vector_load %arg10[%swap3A_533, %swap3A_534] {strides = array<i32>} : memref<8x256xf32, #tpu.memory_space<vmem>>, vector<1x16xf32>,
    %swap3A_536 = vector.shape_cast %swap3A_535 : vector<1x16xf32> to vector<16xf32>
    %swap3A_537 = vector.shape_cast %add3A_531 : vector<16xf32> to vector<1x16xf32>
    tpu.vector_store %arg10[%swap3A_533, %swap3A_534], %swap3A_537 {strides = array<i32>} : memref<8x256xf32, #tpu.memory_space<vmem>>, vector<1x16xf32>,
    %get3A_538 = arith.constant 1 : i32
    %get3A_539 = arith.index_cast %get3A_538 : i32 to index
    %get3A_540 = arith.constant 96 : index
    %get3A_541 = tpu.vector_load %arg8[%get3A_539, %get3A_540] {strides = array<i32>} : memref<8x256xf32, #tpu.memory_space<vmem>>, vector<1x16xf32>,
    %get3A_542 = vector.shape_cast %get3A_541 : vector<1x16xf32> to vector<16xf32>
    %get3A_543 = arith.constant 1 : i32
    %get3A_544 = arith.index_cast %get3A_543 : i32 to index
    %get3A_545 = arith.constant 96 : index
    %get3A_546 = tpu.vector_load %arg9[%get3A_544, %get3A_545] {strides = array<i32>} : memref<8x256xf32, #tpu.memory_space<vmem>>, vector<1x16xf32>,
    %get3A_547 = vector.shape_cast %get3A_546 : vector<1x16xf32> to vector<16xf32>
    %exp3A_548 = math.exp %get3A_547 : vector<16xf32>
    %get3A_549 = arith.constant 1 : i32
    %get3A_550 = arith.index_cast %get3A_549 : i32 to index
    %get3A_551 = arith.constant 96 : index
    %get3A_552 = tpu.vector_load %arg10[%get3A_550, %get3A_551] {strides = array<i32>} : memref<8x256xf32, #tpu.memory_space<vmem>>, vector<1x16xf32>,
    %get3A_553 = vector.shape_cast %get3A_552 : vector<1x16xf32> to vector<16xf32>
    %mul3A_554 = arith.mulf %exp3A_548, %get3A_553 : vector<16xf32>
    %add3A_555 = arith.addf %get3A_542, %mul3A_554 : vector<16xf32>
    %swap3A_556 = arith.constant 1 : i32
    %swap3A_557 = arith.index_cast %swap3A_556 : i32 to index
    %swap3A_558 = arith.constant 96 : index
    %swap3A_559 = tpu.vector_load %arg10[%swap3A_557, %swap3A_558] {strides = array<i32>} : memref<8x256xf32, #tpu.memory_space<vmem>>, vector<1x16xf32>,
    %swap3A_560 = vector.shape_cast %swap3A_559 : vector<1x16xf32> to vector<16xf32>
    %swap3A_561 = vector.shape_cast %add3A_555 : vector<16xf32> to vector<1x16xf32>
    tpu.vector_store %arg10[%swap3A_557, %swap3A_558], %swap3A_561 {strides = array<i32>} : memref<8x256xf32, #tpu.memory_space<vmem>>, vector<1x16xf32>,
    %get3A_562 = arith.constant 1 : i32
    %get3A_563 = arith.index_cast %get3A_562 : i32 to index
    %get3A_564 = arith.constant 112 : index
    %get3A_565 = tpu.vector_load %arg8[%get3A_563, %get3A_564] {strides = array<i32>} : memref<8x256xf32, #tpu.memory_space<vmem>>, vector<1x16xf32>,
    %get3A_566 = vector.shape_cast %get3A_565 : vector<1x16xf32> to vector<16xf32>
    %get3A_567 = arith.constant 1 : i32
    %get3A_568 = arith.index_cast %get3A_567 : i32 to index
    %get3A_569 = arith.constant 112 : index
    %get3A_570 = tpu.vector_load %arg9[%get3A_568, %get3A_569] {strides = array<i32>} : memref<8x256xf32, #tpu.memory_space<vmem>>, vector<1x16xf32>,
    %get3A_571 = vector.shape_cast %get3A_570 : vector<1x16xf32> to vector<16xf32>
    %exp3A_572 = math.exp %get3A_571 : vector<16xf32>
    %get3A_573 = arith.constant 1 : i32
    %get3A_574 = arith.index_cast %get3A_573 : i32 to index
    %get3A_575 = arith.constant 112 : index
    %get3A_576 = tpu.vector_load %arg10[%get3A_574, %get3A_575] {strides = array<i32>} : memref<8x256xf32, #tpu.memory_space<vmem>>, vector<1x16xf32>,
    %get3A_577 = vector.shape_cast %get3A_576 : vector<1x16xf32> to vector<16xf32>
    %mul3A_578 = arith.mulf %exp3A_572, %get3A_577 : vector<16xf32>
    %add3A_579 = arith.addf %get3A_566, %mul3A_578 : vector<16xf32>
    %swap3A_580 = arith.constant 1 : i32
    %swap3A_581 = arith.index_cast %swap3A_580 : i32 to index
    %swap3A_582 = arith.constant 112 : index
    %swap3A_583 = tpu.vector_load %arg10[%swap3A_581, %swap3A_582] {strides = array<i32>} : memref<8x256xf32, #tpu.memory_space<vmem>>, vector<1x16xf32>,
    %swap3A_584 = vector.shape_cast %swap3A_583 : vector<1x16xf32> to vector<16xf32>
    %swap3A_585 = vector.shape_cast %add3A_579 : vector<16xf32> to vector<1x16xf32>
    tpu.vector_store %arg10[%swap3A_581, %swap3A_582], %swap3A_585 {strides = array<i32>} : memref<8x256xf32, #tpu.memory_space<vmem>>, vector<1x16xf32>,
    %get3A_586 = arith.constant 1 : i32
    %get3A_587 = arith.index_cast %get3A_586 : i32 to index
    %get3A_588 = arith.constant 128 : index
    %get3A_589 = tpu.vector_load %arg8[%get3A_587, %get3A_588] {strides = array<i32>} : memref<8x256xf32, #tpu.memory_space<vmem>>, vector<1x16xf32>,
    %get3A_590 = vector.shape_cast %get3A_589 : vector<1x16xf32> to vector<16xf32>
    %get3A_591 = arith.constant 1 : i32
    %get3A_592 = arith.index_cast %get3A_591 : i32 to index
    %get3A_593 = arith.constant 128 : index
    %get3A_594 = tpu.vector_load %arg9[%get3A_592, %get3A_593] {strides = array<i32>} : memref<8x256xf32, #tpu.memory_space<vmem>>, vector<1x16xf32>,
    %get3A_595 = vector.shape_cast %get3A_594 : vector<1x16xf32> to vector<16xf32>
    %exp3A_596 = math.exp %get3A_595 : vector<16xf32>
    %get3A_597 = arith.constant 1 : i32
    %get3A_598 = arith.index_cast %get3A_597 : i32 to index
    %get3A_599 = arith.constant 128 : index
    %get3A_600 = tpu.vector_load %arg10[%get3A_598, %get3A_599] {strides = array<i32>} : memref<8x256xf32, #tpu.memory_space<vmem>>, vector<1x16xf32>,
    %get3A_601 = vector.shape_cast %get3A_600 : vector<1x16xf32> to vector<16xf32>
    %mul3A_602 = arith.mulf %exp3A_596, %get3A_601 : vector<16xf32>
    %add3A_603 = arith.addf %get3A_590, %mul3A_602 : vector<16xf32>
    %swap3A_604 = arith.constant 1 : i32
    %swap3A_605 = arith.index_cast %swap3A_604 : i32 to index
    %swap3A_606 = arith.constant 128 : index
    %swap3A_607 = tpu.vector_load %arg10[%swap3A_605, %swap3A_606] {strides = array<i32>} : memref<8x256xf32, #tpu.memory_space<vmem>>, vector<1x16xf32>,
    %swap3A_608 = vector.shape_cast %swap3A_607 : vector<1x16xf32> to vector<16xf32>
    %swap3A_609 = vector.shape_cast %add3A_603 : vector<16xf32> to vector<1x16xf32>
    tpu.vector_store %arg10[%swap3A_605, %swap3A_606], %swap3A_609 {strides = array<i32>} : memref<8x256xf32, #tpu.memory_space<vmem>>, vector<1x16xf32>,
    %get3A_610 = arith.constant 1 : i32
    %get3A_611 = arith.index_cast %get3A_610 : i32 to index
    %get3A_612 = arith.constant 144 : index
    %get3A_613 = tpu.vector_load %arg8[%get3A_611, %get3A_612] {strides = array<i32>} : memref<8x256xf32, #tpu.memory_space<vmem>>, vector<1x16xf32>,
    %get3A_614 = vector.shape_cast %get3A_613 : vector<1x16xf32> to vector<16xf32>
    %get3A_615 = arith.constant 1 : i32
    %get3A_616 = arith.index_cast %get3A_615 : i32 to index
    %get3A_617 = arith.constant 144 : index
    %get3A_618 = tpu.vector_load %arg9[%get3A_616, %get3A_617] {strides = array<i32>} : memref<8x256xf32, #tpu.memory_space<vmem>>, vector<1x16xf32>,
    %get3A_619 = vector.shape_cast %get3A_618 : vector<1x16xf32> to vector<16xf32>
    %exp3A_620 = math.exp %get3A_619 : vector<16xf32>
    %get3A_621 = arith.constant 1 : i32
    %get3A_622 = arith.index_cast %get3A_621 : i32 to index
    %get3A_623 = arith.constant 144 : index
    %get3A_624 = tpu.vector_load %arg10[%get3A_622, %get3A_623] {strides = array<i32>} : memref<8x256xf32, #tpu.memory_space<vmem>>, vector<1x16xf32>,
    %get3A_625 = vector.shape_cast %get3A_624 : vector<1x16xf32> to vector<16xf32>
    %mul3A_626 = arith.mulf %exp3A_620, %get3A_625 : vector<16xf32>
    %add3A_627 = arith.addf %get3A_614, %mul3A_626 : vector<16xf32>
    %swap3A_628 = arith.constant 1 : i32
    %swap3A_629 = arith.index_cast %swap3A_628 : i32 to index
    %swap3A_630 = arith.constant 144 : index
    %swap3A_631 = tpu.vector_load %arg10[%swap3A_629, %swap3A_630] {strides = array<i32>} : memref<8x256xf32, #tpu.memory_space<vmem>>, vector<1x16xf32>,
    %swap3A_632 = vector.shape_cast %swap3A_631 : vector<1x16xf32> to vector<16xf32>
    %swap3A_633 = vector.shape_cast %add3A_627 : vector<16xf32> to vector<1x16xf32>
    tpu.vector_store %arg10[%swap3A_629, %swap3A_630], %swap3A_633 {strides = array<i32>} : memref<8x256xf32, #tpu.memory_space<vmem>>, vector<1x16xf32>,
    %get3A_634 = arith.constant 1 : i32
    %get3A_635 = arith.index_cast %get3A_634 : i32 to index
    %get3A_636 = arith.constant 160 : index
    %get3A_637 = tpu.vector_load %arg8[%get3A_635, %get3A_636] {strides = array<i32>} : memref<8x256xf32, #tpu.memory_space<vmem>>, vector<1x16xf32>,
    %get3A_638 = vector.shape_cast %get3A_637 : vector<1x16xf32> to vector<16xf32>
    %get3A_639 = arith.constant 1 : i32
    %get3A_640 = arith.index_cast %get3A_639 : i32 to index
    %get3A_641 = arith.constant 160 : index
    %get3A_642 = tpu.vector_load %arg9[%get3A_640, %get3A_641] {strides = array<i32>} : memref<8x256xf32, #tpu.memory_space<vmem>>, vector<1x16xf32>,
    %get3A_643 = vector.shape_cast %get3A_642 : vector<1x16xf32> to vector<16xf32>
    %exp3A_644 = math.exp %get3A_643 : vector<16xf32>
    %get3A_645 = arith.constant 1 : i32
    %get3A_646 = arith.index_cast %get3A_645 : i32 to index
    %get3A_647 = arith.constant 160 : index
    %get3A_648 = tpu.vector_load %arg10[%get3A_646, %get3A_647] {strides = array<i32>} : memref<8x256xf32, #tpu.memory_space<vmem>>, vector<1x16xf32>,
    %get3A_649 = vector.shape_cast %get3A_648 : vector<1x16xf32> to vector<16xf32>
    %mul3A_650 = arith.mulf %exp3A_644, %get3A_649 : vector<16xf32>
    %add3A_651 = arith.addf %get3A_638, %mul3A_650 : vector<16xf32>
    %swap3A_652 = arith.constant 1 : i32
    %swap3A_653 = arith.index_cast %swap3A_652 : i32 to index
    %swap3A_654 = arith.constant 160 : index
    %swap3A_655 = tpu.vector_load %arg10[%swap3A_653, %swap3A_654] {strides = array<i32>} : memref<8x256xf32, #tpu.memory_space<vmem>>, vector<1x16xf32>,
    %swap3A_656 = vector.shape_cast %swap3A_655 : vector<1x16xf32> to vector<16xf32>
    %swap3A_657 = vector.shape_cast %add3A_651 : vector<16xf32> to vector<1x16xf32>
    tpu.vector_store %arg10[%swap3A_653, %swap3A_654], %swap3A_657 {strides = array<i32>} : memref<8x256xf32, #tpu.memory_space<vmem>>, vector<1x16xf32>,
    %get3A_658 = arith.constant 1 : i32
    %get3A_659 = arith.index_cast %get3A_658 : i32 to index
    %get3A_660 = arith.constant 176 : index
    %get3A_661 = tpu.vector_load %arg8[%get3A_659, %get3A_660] {strides = array<i32>} : memref<8x256xf32, #tpu.memory_space<vmem>>, vector<1x16xf32>,
    %get3A_662 = vector.shape_cast %get3A_661 : vector<1x16xf32> to vector<16xf32>
    %get3A_663 = arith.constant 1 : i32
    %get3A_664 = arith.index_cast %get3A_663 : i32 to index
    %get3A_665 = arith.constant 176 : index
    %get3A_666 = tpu.vector_load %arg9[%get3A_664, %get3A_665] {strides = array<i32>} : memref<8x256xf32, #tpu.memory_space<vmem>>, vector<1x16xf32>,
    %get3A_667 = vector.shape_cast %get3A_666 : vector<1x16xf32> to vector<16xf32>
    %exp3A_668 = math.exp %get3A_667 : vector<16xf32>
    %get3A_669 = arith.constant 1 : i32
    %get3A_670 = arith.index_cast %get3A_669 : i32 to index
    %get3A_671 = arith.constant 176 : index
    %get3A_672 = tpu.vector_load %arg10[%get3A_670, %get3A_671] {strides = array<i32>} : memref<8x256xf32, #tpu.memory_space<vmem>>, vector<1x16xf32>,
    %get3A_673 = vector.shape_cast %get3A_672 : vector<1x16xf32> to vector<16xf32>
    %mul3A_674 = arith.mulf %exp3A_668, %get3A_673 : vector<16xf32>
    %add3A_675 = arith.addf %get3A_662, %mul3A_674 : vector<16xf32>
    %swap3A_676 = arith.constant 1 : i32
    %swap3A_677 = arith.index_cast %swap3A_676 : i32 to index
    %swap3A_678 = arith.constant 176 : index
    %swap3A_679 = tpu.vector_load %arg10[%swap3A_677, %swap3A_678] {strides = array<i32>} : memref<8x256xf32, #tpu.memory_space<vmem>>, vector<1x16xf32>,
    %swap3A_680 = vector.shape_cast %swap3A_679 : vector<1x16xf32> to vector<16xf32>
    %swap3A_681 = vector.shape_cast %add3A_675 : vector<16xf32> to vector<1x16xf32>
    tpu.vector_store %arg10[%swap3A_677, %swap3A_678], %swap3A_681 {strides = array<i32>} : memref<8x256xf32, #tpu.memory_space<vmem>>, vector<1x16xf32>,
    %get3A_682 = arith.constant 1 : i32
    %get3A_683 = arith.index_cast %get3A_682 : i32 to index
    %get3A_684 = arith.constant 192 : index
    %get3A_685 = tpu.vector_load %arg8[%get3A_683, %get3A_684] {strides = array<i32>} : memref<8x256xf32, #tpu.memory_space<vmem>>, vector<1x16xf32>,
    %get3A_686 = vector.shape_cast %get3A_685 : vector<1x16xf32> to vector<16xf32>
    %get3A_687 = arith.constant 1 : i32
    %get3A_688 = arith.index_cast %get3A_687 : i32 to index
    %get3A_689 = arith.constant 192 : index
    %get3A_690 = tpu.vector_load %arg9[%get3A_688, %get3A_689] {strides = array<i32>} : memref<8x256xf32, #tpu.memory_space<vmem>>, vector<1x16xf32>,
    %get3A_691 = vector.shape_cast %get3A_690 : vector<1x16xf32> to vector<16xf32>
    %exp3A_692 = math.exp %get3A_691 : vector<16xf32>
    %get3A_693 = arith.constant 1 : i32
    %get3A_694 = arith.index_cast %get3A_693 : i32 to index
    %get3A_695 = arith.constant 192 : index
    %get3A_696 = tpu.vector_load %arg10[%get3A_694, %get3A_695] {strides = array<i32>} : memref<8x256xf32, #tpu.memory_space<vmem>>, vector<1x16xf32>,
    %get3A_697 = vector.shape_cast %get3A_696 : vector<1x16xf32> to vector<16xf32>
    %mul3A_698 = arith.mulf %exp3A_692, %get3A_697 : vector<16xf32>
    %add3A_699 = arith.addf %get3A_686, %mul3A_698 : vector<16xf32>
    %swap3A_700 = arith.constant 1 : i32
    %swap3A_701 = arith.index_cast %swap3A_700 : i32 to index
    %swap3A_702 = arith.constant 192 : index
    %swap3A_703 = tpu.vector_load %arg10[%swap3A_701, %swap3A_702] {strides = array<i32>} : memref<8x256xf32, #tpu.memory_space<vmem>>, vector<1x16xf32>,
    %swap3A_704 = vector.shape_cast %swap3A_703 : vector<1x16xf32> to vector<16xf32>
    %swap3A_705 = vector.shape_cast %add3A_699 : vector<16xf32> to vector<1x16xf32>
    tpu.vector_store %arg10[%swap3A_701, %swap3A_702], %swap3A_705 {strides = array<i32>} : memref<8x256xf32, #tpu.memory_space<vmem>>, vector<1x16xf32>,
    %get3A_706 = arith.constant 1 : i32
    %get3A_707 = arith.index_cast %get3A_706 : i32 to index
    %get3A_708 = arith.constant 208 : index
    %get3A_709 = tpu.vector_load %arg8[%get3A_707, %get3A_708] {strides = array<i32>} : memref<8x256xf32, #tpu.memory_space<vmem>>, vector<1x16xf32>,
    %get3A_710 = vector.shape_cast %get3A_709 : vector<1x16xf32> to vector<16xf32>
    %get3A_711 = arith.constant 1 : i32
    %get3A_712 = arith.index_cast %get3A_711 : i32 to index
    %get3A_713 = arith.constant 208 : index
    %get3A_714 = tpu.vector_load %arg9[%get3A_712, %get3A_713] {strides = array<i32>} : memref<8x256xf32, #tpu.memory_space<vmem>>, vector<1x16xf32>,
    %get3A_715 = vector.shape_cast %get3A_714 : vector<1x16xf32> to vector<16xf32>
    %exp3A_716 = math.exp %get3A_715 : vector<16xf32>
    %get3A_717 = arith.constant 1 : i32
    %get3A_718 = arith.index_cast %get3A_717 : i32 to index
    %get3A_719 = arith.constant 208 : index
    %get3A_720 = tpu.vector_load %arg10[%get3A_718, %get3A_719] {strides = array<i32>} : memref<8x256xf32, #tpu.memory_space<vmem>>, vector<1x16xf32>,
    %get3A_721 = vector.shape_cast %get3A_720 : vector<1x16xf32> to vector<16xf32>
    %mul3A_722 = arith.mulf %exp3A_716, %get3A_721 : vector<16xf32>
    %add3A_723 = arith.addf %get3A_710, %mul3A_722 : vector<16xf32>
    %swap3A_724 = arith.constant 1 : i32
    %swap3A_725 = arith.index_cast %swap3A_724 : i32 to index
    %swap3A_726 = arith.constant 208 : index
    %swap3A_727 = tpu.vector_load %arg10[%swap3A_725, %swap3A_726] {strides = array<i32>} : memref<8x256xf32, #tpu.memory_space<vmem>>, vector<1x16xf32>,
    %swap3A_728 = vector.shape_cast %swap3A_727 : vector<1x16xf32> to vector<16xf32>
    %swap3A_729 = vector.shape_cast %add3A_723 : vector<16xf32> to vector<1x16xf32>
    tpu.vector_store %arg10[%swap3A_725, %swap3A_726], %swap3A_729 {strides = array<i32>} : memref<8x256xf32, #tpu.memory_space<vmem>>, vector<1x16xf32>,
    %get3A_730 = arith.constant 1 : i32
    %get3A_731 = arith.index_cast %get3A_730 : i32 to index
    %get3A_732 = arith.constant 224 : index
    %get3A_733 = tpu.vector_load %arg8[%get3A_731, %get3A_732] {strides = array<i32>} : memref<8x256xf32, #tpu.memory_space<vmem>>, vector<1x16xf32>,
    %get3A_734 = vector.shape_cast %get3A_733 : vector<1x16xf32> to vector<16xf32>
    %get3A_735 = arith.constant 1 : i32
    %get3A_736 = arith.index_cast %get3A_735 : i32 to index
    %get3A_737 = arith.constant 224 : index
    %get3A_738 = tpu.vector_load %arg9[%get3A_736, %get3A_737] {strides = array<i32>} : memref<8x256xf32, #tpu.memory_space<vmem>>, vector<1x16xf32>,
    %get3A_739 = vector.shape_cast %get3A_738 : vector<1x16xf32> to vector<16xf32>
    %exp3A_740 = math.exp %get3A_739 : vector<16xf32>
    %get3A_741 = arith.constant 1 : i32
    %get3A_742 = arith.index_cast %get3A_741 : i32 to index
    %get3A_743 = arith.constant 224 : index
    %get3A_744 = tpu.vector_load %arg10[%get3A_742, %get3A_743] {strides = array<i32>} : memref<8x256xf32, #tpu.memory_space<vmem>>, vector<1x16xf32>,
    %get3A_745 = vector.shape_cast %get3A_744 : vector<1x16xf32> to vector<16xf32>
    %mul3A_746 = arith.mulf %exp3A_740, %get3A_745 : vector<16xf32>
    %add3A_747 = arith.addf %get3A_734, %mul3A_746 : vector<16xf32>
    %swap3A_748 = arith.constant 1 : i32
    %swap3A_749 = arith.index_cast %swap3A_748 : i32 to index
    %swap3A_750 = arith.constant 224 : index
    %swap3A_751 = tpu.vector_load %arg10[%swap3A_749, %swap3A_750] {strides = array<i32>} : memref<8x256xf32, #tpu.memory_space<vmem>>, vector<1x16xf32>,
    %swap3A_752 = vector.shape_cast %swap3A_751 : vector<1x16xf32> to vector<16xf32>
    %swap3A_753 = vector.shape_cast %add3A_747 : vector<16xf32> to vector<1x16xf32>
    tpu.vector_store %arg10[%swap3A_749, %swap3A_750], %swap3A_753 {strides = array<i32>} : memref<8x256xf32, #tpu.memory_space<vmem>>, vector<1x16xf32>,
    %get3A_754 = arith.constant 1 : i32
    %get3A_755 = arith.index_cast %get3A_754 : i32 to index
    %get3A_756 = arith.constant 240 : index
    %get3A_757 = tpu.vector_load %arg8[%get3A_755, %get3A_756] {strides = array<i32>} : memref<8x256xf32, #tpu.memory_space<vmem>>, vector<1x16xf32>,
    %get3A_758 = vector.shape_cast %get3A_757 : vector<1x16xf32> to vector<16xf32>
    %get3A_759 = arith.constant 1 : i32
    %get3A_760 = arith.index_cast %get3A_759 : i32 to index
    %get3A_761 = arith.constant 240 : index
    %get3A_762 = tpu.vector_load %arg9[%get3A_760, %get3A_761] {strides = array<i32>} : memref<8x256xf32, #tpu.memory_space<vmem>>, vector<1x16xf32>,
    %get3A_763 = vector.shape_cast %get3A_762 : vector<1x16xf32> to vector<16xf32>
    %exp3A_764 = math.exp %get3A_763 : vector<16xf32>
    %get3A_765 = arith.constant 1 : i32
    %get3A_766 = arith.index_cast %get3A_765 : i32 to index
    %get3A_767 = arith.constant 240 : index
    %get3A_768 = tpu.vector_load %arg10[%get3A_766, %get3A_767] {strides = array<i32>} : memref<8x256xf32, #tpu.memory_space<vmem>>, vector<1x16xf32>,
    %get3A_769 = vector.shape_cast %get3A_768 : vector<1x16xf32> to vector<16xf32>
    %mul3A_770 = arith.mulf %exp3A_764, %get3A_769 : vector<16xf32>
    %add3A_771 = arith.addf %get3A_758, %mul3A_770 : vector<16xf32>
    %swap3A_772 = arith.constant 1 : i32
    %swap3A_773 = arith.index_cast %swap3A_772 : i32 to index
    %swap3A_774 = arith.constant 240 : index
    %swap3A_775 = tpu.vector_load %arg10[%swap3A_773, %swap3A_774] {strides = array<i32>} : memref<8x256xf32, #tpu.memory_space<vmem>>, vector<1x16xf32>,
    %swap3A_776 = vector.shape_cast %swap3A_775 : vector<1x16xf32> to vector<16xf32>
    %swap3A_777 = vector.shape_cast %add3A_771 : vector<16xf32> to vector<1x16xf32>
    tpu.vector_store %arg10[%swap3A_773, %swap3A_774], %swap3A_777 {strides = array<i32>} : memref<8x256xf32, #tpu.memory_space<vmem>>, vector<1x16xf32>,
    %get3A_778 = arith.constant 2 : i32
    %get3A_779 = arith.index_cast %get3A_778 : i32 to index
    %get3A_780 = arith.constant 0 : index
    %get3A_781 = tpu.vector_load %arg8[%get3A_779, %get3A_780] {strides = array<i32>} : memref<8x256xf32, #tpu.memory_space<vmem>>, vector<1x16xf32>,
    %get3A_782 = vector.shape_cast %get3A_781 : vector<1x16xf32> to vector<16xf32>
    %get3A_783 = arith.constant 2 : i32
    %get3A_784 = arith.index_cast %get3A_783 : i32 to index
    %get3A_785 = arith.constant 0 : index
    %get3A_786 = tpu.vector_load %arg9[%get3A_784, %get3A_785] {strides = array<i32>} : memref<8x256xf32, #tpu.memory_space<vmem>>, vector<1x16xf32>,
    %get3A_787 = vector.shape_cast %get3A_786 : vector<1x16xf32> to vector<16xf32>
    %exp3A_788 = math.exp %get3A_787 : vector<16xf32>
    %get3A_789 = arith.constant 2 : i32
    %get3A_790 = arith.index_cast %get3A_789 : i32 to index
    %get3A_791 = arith.constant 0 : index
    %get3A_792 = tpu.vector_load %arg10[%get3A_790, %get3A_791] {strides = array<i32>} : memref<8x256xf32, #tpu.memory_space<vmem>>, vector<1x16xf32>,
    %get3A_793 = vector.shape_cast %get3A_792 : vector<1x16xf32> to vector<16xf32>
    %mul3A_794 = arith.mulf %exp3A_788, %get3A_793 : vector<16xf32>
    %add3A_795 = arith.addf %get3A_782, %mul3A_794 : vector<16xf32>
    %swap3A_796 = arith.constant 2 : i32
    %swap3A_797 = arith.index_cast %swap3A_796 : i32 to index
    %swap3A_798 = arith.constant 0 : index
    %swap3A_799 = tpu.vector_load %arg10[%swap3A_797, %swap3A_798] {strides = array<i32>} : memref<8x256xf32, #tpu.memory_space<vmem>>, vector<1x16xf32>,
    %swap3A_800 = vector.shape_cast %swap3A_799 : vector<1x16xf32> to vector<16xf32>
    %swap3A_801 = vector.shape_cast %add3A_795 : vector<16xf32> to vector<1x16xf32>
    tpu.vector_store %arg10[%swap3A_797, %swap3A_798], %swap3A_801 {strides = array<i32>} : memref<8x256xf32, #tpu.memory_space<vmem>>, vector<1x16xf32>,
    %get3A_802 = arith.constant 2 : i32
    %get3A_803 = arith.index_cast %get3A_802 : i32 to index
    %get3A_804 = arith.constant 16 : index
    %get3A_805 = tpu.vector_load %arg8[%get3A_803, %get3A_804] {strides = array<i32>} : memref<8x256xf32, #tpu.memory_space<vmem>>, vector<1x16xf32>,
    %get3A_806 = vector.shape_cast %get3A_805 : vector<1x16xf32> to vector<16xf32>
    %get3A_807 = arith.constant 2 : i32
    %get3A_808 = arith.index_cast %get3A_807 : i32 to index
    %get3A_809 = arith.constant 16 : index
    %get3A_810 = tpu.vector_load %arg9[%get3A_808, %get3A_809] {strides = array<i32>} : memref<8x256xf32, #tpu.memory_space<vmem>>, vector<1x16xf32>,
    %get3A_811 = vector.shape_cast %get3A_810 : vector<1x16xf32> to vector<16xf32>
    %exp3A_812 = math.exp %get3A_811 : vector<16xf32>
    %get3A_813 = arith.constant 2 : i32
    %get3A_814 = arith.index_cast %get3A_813 : i32 to index
    %get3A_815 = arith.constant 16 : index
    %get3A_816 = tpu.vector_load %arg10[%get3A_814, %get3A_815] {strides = array<i32>} : memref<8x256xf32, #tpu.memory_space<vmem>>, vector<1x16xf32>,
    %get3A_817 = vector.shape_cast %get3A_816 : vector<1x16xf32> to vector<16xf32>
    %mul3A_818 = arith.mulf %exp3A_812, %get3A_817 : vector<16xf32>
    %add3A_819 = arith.addf %get3A_806, %mul3A_818 : vector<16xf32>
    %swap3A_820 = arith.constant 2 : i32
    %swap3A_821 = arith.index_cast %swap3A_820 : i32 to index
    %swap3A_822 = arith.constant 16 : index
    %swap3A_823 = tpu.vector_load %arg10[%swap3A_821, %swap3A_822] {strides = array<i32>} : memref<8x256xf32, #tpu.memory_space<vmem>>, vector<1x16xf32>,
    %swap3A_824 = vector.shape_cast %swap3A_823 : vector<1x16xf32> to vector<16xf32>
    %swap3A_825 = vector.shape_cast %add3A_819 : vector<16xf32> to vector<1x16xf32>
    tpu.vector_store %arg10[%swap3A_821, %swap3A_822], %swap3A_825 {strides = array<i32>} : memref<8x256xf32, #tpu.memory_space<vmem>>, vector<1x16xf32>,
    %get3A_826 = arith.constant 2 : i32
    %get3A_827 = arith.index_cast %get3A_826 : i32 to index
    %get3A_828 = arith.constant 32 : index
    %get3A_829 = tpu.vector_load %arg8[%get3A_827, %get3A_828] {strides = array<i32>} : memref<8x256xf32, #tpu.memory_space<vmem>>, vector<1x16xf32>,
    %get3A_830 = vector.shape_cast %get3A_829 : vector<1x16xf32> to vector<16xf32>
    %get3A_831 = arith.constant 2 : i32
    %get3A_832 = arith.index_cast %get3A_831 : i32 to index
    %get3A_833 = arith.constant 32 : index
    %get3A_834 = tpu.vector_load %arg9[%get3A_832, %get3A_833] {strides = array<i32>} : memref<8x256xf32, #tpu.memory_space<vmem>>, vector<1x16xf32>,
    %get3A_835 = vector.shape_cast %get3A_834 : vector<1x16xf32> to vector<16xf32>
    %exp3A_836 = math.exp %get3A_835 : vector<16xf32>
    %get3A_837 = arith.constant 2 : i32
    %get3A_838 = arith.index_cast %get3A_837 : i32 to index
    %get3A_839 = arith.constant 32 : index
    %get3A_840 = tpu.vector_load %arg10[%get3A_838, %get3A_839] {strides = array<i32>} : memref<8x256xf32, #tpu.memory_space<vmem>>, vector<1x16xf32>,
    %get3A_841 = vector.shape_cast %get3A_840 : vector<1x16xf32> to vector<16xf32>
    %mul3A_842 = arith.mulf %exp3A_836, %get3A_841 : vector<16xf32>
    %add3A_843 = arith.addf %get3A_830, %mul3A_842 : vector<16xf32>
    %swap3A_844 = arith.constant 2 : i32
    %swap3A_845 = arith.index_cast %swap3A_844 : i32 to index
    %swap3A_846 = arith.constant 32 : index
    %swap3A_847 = tpu.vector_load %arg10[%swap3A_845, %swap3A_846] {strides = array<i32>} : memref<8x256xf32, #tpu.memory_space<vmem>>, vector<1x16xf32>,
    %swap3A_848 = vector.shape_cast %swap3A_847 : vector<1x16xf32> to vector<16xf32>
    %swap3A_849 = vector.shape_cast %add3A_843 : vector<16xf32> to vector<1x16xf32>
    tpu.vector_store %arg10[%swap3A_845, %swap3A_846], %swap3A_849 {strides = array<i32>} : memref<8x256xf32, #tpu.memory_space<vmem>>, vector<1x16xf32>,
    %get3A_850 = arith.constant 2 : i32
    %get3A_851 = arith.index_cast %get3A_850 : i32 to index
    %get3A_852 = arith.constant 48 : index
    %get3A_853 = tpu.vector_load %arg8[%get3A_851, %get3A_852] {strides = array<i32>} : memref<8x256xf32, #tpu.memory_space<vmem>>, vector<1x16xf32>,
    %get3A_854 = vector.shape_cast %get3A_853 : vector<1x16xf32> to vector<16xf32>
    %get3A_855 = arith.constant 2 : i32
    %get3A_856 = arith.index_cast %get3A_855 : i32 to index
    %get3A_857 = arith.constant 48 : index
    %get3A_858 = tpu.vector_load %arg9[%get3A_856, %get3A_857] {strides = array<i32>} : memref<8x256xf32, #tpu.memory_space<vmem>>, vector<1x16xf32>,
    %get3A_859 = vector.shape_cast %get3A_858 : vector<1x16xf32> to vector<16xf32>
    %exp3A_860 = math.exp %get3A_859 : vector<16xf32>
    %get3A_861 = arith.constant 2 : i32
    %get3A_862 = arith.index_cast %get3A_861 : i32 to index
    %get3A_863 = arith.constant 48 : index
    %get3A_864 = tpu.vector_load %arg10[%get3A_862, %get3A_863] {strides = array<i32>} : memref<8x256xf32, #tpu.memory_space<vmem>>, vector<1x16xf32>,
    %get3A_865 = vector.shape_cast %get3A_864 : vector<1x16xf32> to vector<16xf32>
    %mul3A_866 = arith.mulf %exp3A_860, %get3A_865 : vector<16xf32>
    %add3A_867 = arith.addf %get3A_854, %mul3A_866 : vector<16xf32>
    %swap3A_868 = arith.constant 2 : i32
    %swap3A_869 = arith.index_cast %swap3A_868 : i32 to index
    %swap3A_870 = arith.constant 48 : index
    %swap3A_871 = tpu.vector_load %arg10[%swap3A_869, %swap3A_870] {strides = array<i32>} : memref<8x256xf32, #tpu.memory_space<vmem>>, vector<1x16xf32>,
    %swap3A_872 = vector.shape_cast %swap3A_871 : vector<1x16xf32> to vector<16xf32>
    %swap3A_873 = vector.shape_cast %add3A_867 : vector<16xf32> to vector<1x16xf32>
    tpu.vector_store %arg10[%swap3A_869, %swap3A_870], %swap3A_873 {strides = array<i32>} : memref<8x256xf32, #tpu.memory_space<vmem>>, vector<1x16xf32>,
    %get3A_874 = arith.constant 2 : i32
    %get3A_875 = arith.index_cast %get3A_874 : i32 to index
    %get3A_876 = arith.constant 64 : index
    %get3A_877 = tpu.vector_load %arg8[%get3A_875, %get3A_876] {strides = array<i32>} : memref<8x256xf32, #tpu.memory_space<vmem>>, vector<1x16xf32>,
    %get3A_878 = vector.shape_cast %get3A_877 : vector<1x16xf32> to vector<16xf32>
    %get3A_879 = arith.constant 2 : i32
    %get3A_880 = arith.index_cast %get3A_879 : i32 to index
    %get3A_881 = arith.constant 64 : index
    %get3A_882 = tpu.vector_load %arg9[%get3A_880, %get3A_881] {strides = array<i32>} : memref<8x256xf32, #tpu.memory_space<vmem>>, vector<1x16xf32>,
    %get3A_883 = vector.shape_cast %get3A_882 : vector<1x16xf32> to vector<16xf32>
    %exp3A_884 = math.exp %get3A_883 : vector<16xf32>
    %get3A_885 = arith.constant 2 : i32
    %get3A_886 = arith.index_cast %get3A_885 : i32 to index
    %get3A_887 = arith.constant 64 : index
    %get3A_888 = tpu.vector_load %arg10[%get3A_886, %get3A_887] {strides = array<i32>} : memref<8x256xf32, #tpu.memory_space<vmem>>, vector<1x16xf32>,
    %get3A_889 = vector.shape_cast %get3A_888 : vector<1x16xf32> to vector<16xf32>
    %mul3A_890 = arith.mulf %exp3A_884, %get3A_889 : vector<16xf32>
    %add3A_891 = arith.addf %get3A_878, %mul3A_890 : vector<16xf32>
    %swap3A_892 = arith.constant 2 : i32
    %swap3A_893 = arith.index_cast %swap3A_892 : i32 to index
    %swap3A_894 = arith.constant 64 : index
    %swap3A_895 = tpu.vector_load %arg10[%swap3A_893, %swap3A_894] {strides = array<i32>} : memref<8x256xf32, #tpu.memory_space<vmem>>, vector<1x16xf32>,
    %swap3A_896 = vector.shape_cast %swap3A_895 : vector<1x16xf32> to vector<16xf32>
    %swap3A_897 = vector.shape_cast %add3A_891 : vector<16xf32> to vector<1x16xf32>
    tpu.vector_store %arg10[%swap3A_893, %swap3A_894], %swap3A_897 {strides = array<i32>} : memref<8x256xf32, #tpu.memory_space<vmem>>, vector<1x16xf32>,
    %get3A_898 = arith.constant 2 : i32
    %get3A_899 = arith.index_cast %get3A_898 : i32 to index
    %get3A_900 = arith.constant 80 : index
    %get3A_901 = tpu.vector_load %arg8[%get3A_899, %get3A_900] {strides = array<i32>} : memref<8x256xf32, #tpu.memory_space<vmem>>, vector<1x16xf32>,
    %get3A_902 = vector.shape_cast %get3A_901 : vector<1x16xf32> to vector<16xf32>
    %get3A_903 = arith.constant 2 : i32
    %get3A_904 = arith.index_cast %get3A_903 : i32 to index
    %get3A_905 = arith.constant 80 : index
    %get3A_906 = tpu.vector_load %arg9[%get3A_904, %get3A_905] {strides = array<i32>} : memref<8x256xf32, #tpu.memory_space<vmem>>, vector<1x16xf32>,
    %get3A_907 = vector.shape_cast %get3A_906 : vector<1x16xf32> to vector<16xf32>
    %exp3A_908 = math.exp %get3A_907 : vector<16xf32>
    %get3A_909 = arith.constant 2 : i32
    %get3A_910 = arith.index_cast %get3A_909 : i32 to index
    %get3A_911 = arith.constant 80 : index
    %get3A_912 = tpu.vector_load %arg10[%get3A_910, %get3A_911] {strides = array<i32>} : memref<8x256xf32, #tpu.memory_space<vmem>>, vector<1x16xf32>,
    %get3A_913 = vector.shape_cast %get3A_912 : vector<1x16xf32> to vector<16xf32>
    %mul3A_914 = arith.mulf %exp3A_908, %get3A_913 : vector<16xf32>
    %add3A_915 = arith.addf %get3A_902, %mul3A_914 : vector<16xf32>
    %swap3A_916 = arith.constant 2 : i32
    %swap3A_917 = arith.index_cast %swap3A_916 : i32 to index
    %swap3A_918 = arith.constant 80 : index
    %swap3A_919 = tpu.vector_load %arg10[%swap3A_917, %swap3A_918] {strides = array<i32>} : memref<8x256xf32, #tpu.memory_space<vmem>>, vector<1x16xf32>,
    %swap3A_920 = vector.shape_cast %swap3A_919 : vector<1x16xf32> to vector<16xf32>
    %swap3A_921 = vector.shape_cast %add3A_915 : vector<16xf32> to vector<1x16xf32>
    tpu.vector_store %arg10[%swap3A_917, %swap3A_918], %swap3A_921 {strides = array<i32>} : memref<8x256xf32, #tpu.memory_space<vmem>>, vector<1x16xf32>,
    %get3A_922 = arith.constant 2 : i32
    %get3A_923 = arith.index_cast %get3A_922 : i32 to index
    %get3A_924 = arith.constant 96 : index
    %get3A_925 = tpu.vector_load %arg8[%get3A_923, %get3A_924] {strides = array<i32>} : memref<8x256xf32, #tpu.memory_space<vmem>>, vector<1x16xf32>,
    %get3A_926 = vector.shape_cast %get3A_925 : vector<1x16xf32> to vector<16xf32>
    %get3A_927 = arith.constant 2 : i32
    %get3A_928 = arith.index_cast %get3A_927 : i32 to index
    %get3A_929 = arith.constant 96 : index
    %get3A_930 = tpu.vector_load %arg9[%get3A_928, %get3A_929] {strides = array<i32>} : memref<8x256xf32, #tpu.memory_space<vmem>>, vector<1x16xf32>,
    %get3A_931 = vector.shape_cast %get3A_930 : vector<1x16xf32> to vector<16xf32>
    %exp3A_932 = math.exp %get3A_931 : vector<16xf32>
    %get3A_933 = arith.constant 2 : i32
    %get3A_934 = arith.index_cast %get3A_933 : i32 to index
    %get3A_935 = arith.constant 96 : index
    %get3A_936 = tpu.vector_load %arg10[%get3A_934, %get3A_935] {strides = array<i32>} : memref<8x256xf32, #tpu.memory_space<vmem>>, vector<1x16xf32>,
    %get3A_937 = vector.shape_cast %get3A_936 : vector<1x16xf32> to vector<16xf32>
    %mul3A_938 = arith.mulf %exp3A_932, %get3A_937 : vector<16xf32>
    %add3A_939 = arith.addf %get3A_926, %mul3A_938 : vector<16xf32>
    %swap3A_940 = arith.constant 2 : i32
    %swap3A_941 = arith.index_cast %swap3A_940 : i32 to index
    %swap3A_942 = arith.constant 96 : index
    %swap3A_943 = tpu.vector_load %arg10[%swap3A_941, %swap3A_942] {strides = array<i32>} : memref<8x256xf32, #tpu.memory_space<vmem>>, vector<1x16xf32>,
    %swap3A_944 = vector.shape_cast %swap3A_943 : vector<1x16xf32> to vector<16xf32>
    %swap3A_945 = vector.shape_cast %add3A_939 : vector<16xf32> to vector<1x16xf32>
    tpu.vector_store %arg10[%swap3A_941, %swap3A_942], %swap3A_945 {strides = array<i32>} : memref<8x256xf32, #tpu.memory_space<vmem>>, vector<1x16xf32>,
    %get3A_946 = arith.constant 2 : i32
    %get3A_947 = arith.index_cast %get3A_946 : i32 to index
    %get3A_948 = arith.constant 112 : index
    %get3A_949 = tpu.vector_load %arg8[%get3A_947, %get3A_948] {strides = array<i32>} : memref<8x256xf32, #tpu.memory_space<vmem>>, vector<1x16xf32>,
    %get3A_950 = vector.shape_cast %get3A_949 : vector<1x16xf32> to vector<16xf32>
    %get3A_951 = arith.constant 2 : i32
    %get3A_952 = arith.index_cast %get3A_951 : i32 to index
    %get3A_953 = arith.constant 112 : index
    %get3A_954 = tpu.vector_load %arg9[%get3A_952, %get3A_953] {strides = array<i32>} : memref<8x256xf32, #tpu.memory_space<vmem>>, vector<1x16xf32>,
    %get3A_955 = vector.shape_cast %get3A_954 : vector<1x16xf32> to vector<16xf32>
    %exp3A_956 = math.exp %get3A_955 : vector<16xf32>
    %get3A_957 = arith.constant 2 : i32
    %get3A_958 = arith.index_cast %get3A_957 : i32 to index
    %get3A_959 = arith.constant 112 : index
    %get3A_960 = tpu.vector_load %arg10[%get3A_958, %get3A_959] {strides = array<i32>} : memref<8x256xf32, #tpu.memory_space<vmem>>, vector<1x16xf32>,
    %get3A_961 = vector.shape_cast %get3A_960 : vector<1x16xf32> to vector<16xf32>
    %mul3A_962 = arith.mulf %exp3A_956, %get3A_961 : vector<16xf32>
    %add3A_963 = arith.addf %get3A_950, %mul3A_962 : vector<16xf32>
    %swap3A_964 = arith.constant 2 : i32
    %swap3A_965 = arith.index_cast %swap3A_964 : i32 to index
    %swap3A_966 = arith.constant 112 : index
    %swap3A_967 = tpu.vector_load %arg10[%swap3A_965, %swap3A_966] {strides = array<i32>} : memref<8x256xf32, #tpu.memory_space<vmem>>, vector<1x16xf32>,
    %swap3A_968 = vector.shape_cast %swap3A_967 : vector<1x16xf32> to vector<16xf32>
    %swap3A_969 = vector.shape_cast %add3A_963 : vector<16xf32> to vector<1x16xf32>
    tpu.vector_store %arg10[%swap3A_965, %swap3A_966], %swap3A_969 {strides = array<i32>} : memref<8x256xf32, #tpu.memory_space<vmem>>, vector<1x16xf32>,
    %get3A_970 = arith.constant 2 : i32
    %get3A_971 = arith.index_cast %get3A_970 : i32 to index
    %get3A_972 = arith.constant 128 : index
    %get3A_973 = tpu.vector_load %arg8[%get3A_971, %get3A_972] {strides = array<i32>} : memref<8x256xf32, #tpu.memory_space<vmem>>, vector<1x16xf32>,
    %get3A_974 = vector.shape_cast %get3A_973 : vector<1x16xf32> to vector<16xf32>
    %get3A_975 = arith.constant 2 : i32
    %get3A_976 = arith.index_cast %get3A_975 : i32 to index
    %get3A_977 = arith.constant 128 : index
    %get3A_978 = tpu.vector_load %arg9[%get3A_976, %get3A_977] {strides = array<i32>} : memref<8x256xf32, #tpu.memory_space<vmem>>, vector<1x16xf32>,
    %get3A_979 = vector.shape_cast %get3A_978 : vector<1x16xf32> to vector<16xf32>
    %exp3A_980 = math.exp %get3A_979 : vector<16xf32>
    %get3A_981 = arith.constant 2 : i32
    %get3A_982 = arith.index_cast %get3A_981 : i32 to index
    %get3A_983 = arith.constant 128 : index
    %get3A_984 = tpu.vector_load %arg10[%get3A_982, %get3A_983] {strides = array<i32>} : memref<8x256xf32, #tpu.memory_space<vmem>>, vector<1x16xf32>,
    %get3A_985 = vector.shape_cast %get3A_984 : vector<1x16xf32> to vector<16xf32>
    %mul3A_986 = arith.mulf %exp3A_980, %get3A_985 : vector<16xf32>
    %add3A_987 = arith.addf %get3A_974, %mul3A_986 : vector<16xf32>
    %swap3A_988 = arith.constant 2 : i32
    %swap3A_989 = arith.index_cast %swap3A_988 : i32 to index
    %swap3A_990 = arith.constant 128 : index
    %swap3A_991 = tpu.vector_load %arg10[%swap3A_989, %swap3A_990] {strides = array<i32>} : memref<8x256xf32, #tpu.memory_space<vmem>>, vector<1x16xf32>,
    %swap3A_992 = vector.shape_cast %swap3A_991 : vector<1x16xf32> to vector<16xf32>
    %swap3A_993 = vector.shape_cast %add3A_987 : vector<16xf32> to vector<1x16xf32>
    tpu.vector_store %arg10[%swap3A_989, %swap3A_990], %swap3A_993 {strides = array<i32>} : memref<8x256xf32, #tpu.memory_space<vmem>>, vector<1x16xf32>,
    %get3A_994 = arith.constant 2 : i32
    %get3A_995 = arith.index_cast %get3A_994 : i32 to index
    %get3A_996 = arith.constant 144 : index
    %get3A_997 = tpu.vector_load %arg8[%get3A_995, %get3A_996] {strides = array<i32>} : memref<8x256xf32, #tpu.memory_space<vmem>>, vector<1x16xf32>,
    %get3A_998 = vector.shape_cast %get3A_997 : vector<1x16xf32> to vector<16xf32>
    %get3A_999 = arith.constant 2 : i32
    %get3A_1000 = arith.index_cast %get3A_999 : i32 to index
    %get3A_1001 = arith.constant 144 : index
    %get3A_1002 = tpu.vector_load %arg9[%get3A_1000, %get3A_1001] {strides = array<i32>} : memref<8x256xf32, #tpu.memory_space<vmem>>, vector<1x16xf32>,
    %get3A_1003 = vector.shape_cast %get3A_1002 : vector<1x16xf32> to vector<16xf32>
    %exp3A_1004 = math.exp %get3A_1003 : vector<16xf32>
    %get3A_1005 = arith.constant 2 : i32
    %get3A_1006 = arith.index_cast %get3A_1005 : i32 to index
    %get3A_1007 = arith.constant 144 : index
    %get3A_1008 = tpu.vector_load %arg10[%get3A_1006, %get3A_1007] {strides = array<i32>} : memref<8x256xf32, #tpu.memory_space<vmem>>, vector<1x16xf32>,
    %get3A_1009 = vector.shape_cast %get3A_1008 : vector<1x16xf32> to vector<16xf32>
    %mul3A_1010 = arith.mulf %exp3A_1004, %get3A_1009 : vector<16xf32>
    %add3A_1011 = arith.addf %get3A_998, %mul3A_1010 : vector<16xf32>
    %swap3A_1012 = arith.constant 2 : i32
    %swap3A_1013 = arith.index_cast %swap3A_1012 : i32 to index
    %swap3A_1014 = arith.constant 144 : index
    %swap3A_1015 = tpu.vector_load %arg10[%swap3A_1013, %swap3A_1014] {strides = array<i32>} : memref<8x256xf32, #tpu.memory_space<vmem>>, vector<1x16xf32>,
    %swap3A_1016 = vector.shape_cast %swap3A_1015 : vector<1x16xf32> to vector<16xf32>
    %swap3A_1017 = vector.shape_cast %add3A_1011 : vector<16xf32> to vector<1x16xf32>
    tpu.vector_store %arg10[%swap3A_1013, %swap3A_1014], %swap3A_1017 {strides = array<i32>} : memref<8x256xf32, #tpu.memory_space<vmem>>, vector<1x16xf32>,
    %get3A_1018 = arith.constant 2 : i32
    %get3A_1019 = arith.index_cast %get3A_1018 : i32 to index
    %get3A_1020 = arith.constant 160 : index
    %get3A_1021 = tpu.vector_load %arg8[%get3A_1019, %get3A_1020] {strides = array<i32>} : memref<8x256xf32, #tpu.memory_space<vmem>>, vector<1x16xf32>,
    %get3A_1022 = vector.shape_cast %get3A_1021 : vector<1x16xf32> to vector<16xf32>
    %get3A_1023 = arith.constant 2 : i32
    %get3A_1024 = arith.index_cast %get3A_1023 : i32 to index
    %get3A_1025 = arith.constant 160 : index
    %get3A_1026 = tpu.vector_load %arg9[%get3A_1024, %get3A_1025] {strides = array<i32>} : memref<8x256xf32, #tpu.memory_space<vmem>>, vector<1x16xf32>,
    %get3A_1027 = vector.shape_cast %get3A_1026 : vector<1x16xf32> to vector<16xf32>
    %exp3A_1028 = math.exp %get3A_1027 : vector<16xf32>
    %get3A_1029 = arith.constant 2 : i32
    %get3A_1030 = arith.index_cast %get3A_1029 : i32 to index
    %get3A_1031 = arith.constant 160 : index
    %get3A_1032 = tpu.vector_load %arg10[%get3A_1030, %get3A_1031] {strides = array<i32>} : memref<8x256xf32, #tpu.memory_space<vmem>>, vector<1x16xf32>,
    %get3A_1033 = vector.shape_cast %get3A_1032 : vector<1x16xf32> to vector<16xf32>
    %mul3A_1034 = arith.mulf %exp3A_1028, %get3A_1033 : vector<16xf32>
    %add3A_1035 = arith.addf %get3A_1022, %mul3A_1034 : vector<16xf32>
    %swap3A_1036 = arith.constant 2 : i32
    %swap3A_1037 = arith.index_cast %swap3A_1036 : i32 to index
    %swap3A_1038 = arith.constant 160 : index
    %swap3A_1039 = tpu.vector_load %arg10[%swap3A_1037, %swap3A_1038] {strides = array<i32>} : memref<8x256xf32, #tpu.memory_space<vmem>>, vector<1x16xf32>,
    %swap3A_1040 = vector.shape_cast %swap3A_1039 : vector<1x16xf32> to vector<16xf32>
    %swap3A_1041 = vector.shape_cast %add3A_1035 : vector<16xf32> to vector<1x16xf32>
    tpu.vector_store %arg10[%swap3A_1037, %swap3A_1038], %swap3A_1041 {strides = array<i32>} : memref<8x256xf32, #tpu.memory_space<vmem>>, vector<1x16xf32>,
    %get3A_1042 = arith.constant 2 : i32
    %get3A_1043 = arith.index_cast %get3A_1042 : i32 to index
    %get3A_1044 = arith.constant 176 : index
    %get3A_1045 = tpu.vector_load %arg8[%get3A_1043, %get3A_1044] {strides = array<i32>} : memref<8x256xf32, #tpu.memory_space<vmem>>, vector<1x16xf32>,
    %get3A_1046 = vector.shape_cast %get3A_1045 : vector<1x16xf32> to vector<16xf32>
    %get3A_1047 = arith.constant 2 : i32
    %get3A_1048 = arith.index_cast %get3A_1047 : i32 to index
    %get3A_1049 = arith.constant 176 : index
    %get3A_1050 = tpu.vector_load %arg9[%get3A_1048, %get3A_1049] {strides = array<i32>} : memref<8x256xf32, #tpu.memory_space<vmem>>, vector<1x16xf32>,
    %get3A_1051 = vector.shape_cast %get3A_1050 : vector<1x16xf32> to vector<16xf32>
    %exp3A_1052 = math.exp %get3A_1051 : vector<16xf32>
    %get3A_1053 = arith.constant 2 : i32
    %get3A_1054 = arith.index_cast %get3A_1053 : i32 to index
    %get3A_1055 = arith.constant 176 : index
    %get3A_1056 = tpu.vector_load %arg10[%get3A_1054, %get3A_1055] {strides = array<i32>} : memref<8x256xf32, #tpu.memory_space<vmem>>, vector<1x16xf32>,
    %get3A_1057 = vector.shape_cast %get3A_1056 : vector<1x16xf32> to vector<16xf32>
    %mul3A_1058 = arith.mulf %exp3A_1052, %get3A_1057 : vector<16xf32>
    %add3A_1059 = arith.addf %get3A_1046, %mul3A_1058 : vector<16xf32>
    %swap3A_1060 = arith.constant 2 : i32
    %swap3A_1061 = arith.index_cast %swap3A_1060 : i32 to index
    %swap3A_1062 = arith.constant 176 : index
    %swap3A_1063 = tpu.vector_load %arg10[%swap3A_1061, %swap3A_1062] {strides = array<i32>} : memref<8x256xf32, #tpu.memory_space<vmem>>, vector<1x16xf32>,
    %swap3A_1064 = vector.shape_cast %swap3A_1063 : vector<1x16xf32> to vector<16xf32>
    %swap3A_1065 = vector.shape_cast %add3A_1059 : vector<16xf32> to vector<1x16xf32>
    tpu.vector_store %arg10[%swap3A_1061, %swap3A_1062], %swap3A_1065 {strides = array<i32>} : memref<8x256xf32, #tpu.memory_space<vmem>>, vector<1x16xf32>,
    %get3A_1066 = arith.constant 2 : i32
    %get3A_1067 = arith.index_cast %get3A_1066 : i32 to index
    %get3A_1068 = arith.constant 192 : index
    %get3A_1069 = tpu.vector_load %arg8[%get3A_1067, %get3A_1068] {strides = array<i32>} : memref<8x256xf32, #tpu.memory_space<vmem>>, vector<1x16xf32>,
    %get3A_1070 = vector.shape_cast %get3A_1069 : vector<1x16xf32> to vector<16xf32>
    %get3A_1071 = arith.constant 2 : i32
    %get3A_1072 = arith.index_cast %get3A_1071 : i32 to index
    %get3A_1073 = arith.constant 192 : index
    %get3A_1074 = tpu.vector_load %arg9[%get3A_1072, %get3A_1073] {strides = array<i32>} : memref<8x256xf32, #tpu.memory_space<vmem>>, vector<1x16xf32>,
    %get3A_1075 = vector.shape_cast %get3A_1074 : vector<1x16xf32> to vector<16xf32>
    %exp3A_1076 = math.exp %get3A_1075 : vector<16xf32>
    %get3A_1077 = arith.constant 2 : i32
    %get3A_1078 = arith.index_cast %get3A_1077 : i32 to index
    %get3A_1079 = arith.constant 192 : index
    %get3A_1080 = tpu.vector_load %arg10[%get3A_1078, %get3A_1079] {strides = array<i32>} : memref<8x256xf32, #tpu.memory_space<vmem>>, vector<1x16xf32>,
    %get3A_1081 = vector.shape_cast %get3A_1080 : vector<1x16xf32> to vector<16xf32>
    %mul3A_1082 = arith.mulf %exp3A_1076, %get3A_1081 : vector<16xf32>
    %add3A_1083 = arith.addf %get3A_1070, %mul3A_1082 : vector<16xf32>
    %swap3A_1084 = arith.constant 2 : i32
    %swap3A_1085 = arith.index_cast %swap3A_1084 : i32 to index
    %swap3A_1086 = arith.constant 192 : index
    %swap3A_1087 = tpu.vector_load %arg10[%swap3A_1085, %swap3A_1086] {strides = array<i32>} : memref<8x256xf32, #tpu.memory_space<vmem>>, vector<1x16xf32>,
    %swap3A_1088 = vector.shape_cast %swap3A_1087 : vector<1x16xf32> to vector<16xf32>
    %swap3A_1089 = vector.shape_cast %add3A_1083 : vector<16xf32> to vector<1x16xf32>
    tpu.vector_store %arg10[%swap3A_1085, %swap3A_1086], %swap3A_1089 {strides = array<i32>} : memref<8x256xf32, #tpu.memory_space<vmem>>, vector<1x16xf32>,
    %get3A_1090 = arith.constant 2 : i32
    %get3A_1091 = arith.index_cast %get3A_1090 : i32 to index
    %get3A_1092 = arith.constant 208 : index
    %get3A_1093 = tpu.vector_load %arg8[%get3A_1091, %get3A_1092] {strides = array<i32>} : memref<8x256xf32, #tpu.memory_space<vmem>>, vector<1x16xf32>,
    %get3A_1094 = vector.shape_cast %get3A_1093 : vector<1x16xf32> to vector<16xf32>
    %get3A_1095 = arith.constant 2 : i32
    %get3A_1096 = arith.index_cast %get3A_1095 : i32 to index
    %get3A_1097 = arith.constant 208 : index
    %get3A_1098 = tpu.vector_load %arg9[%get3A_1096, %get3A_1097] {strides = array<i32>} : memref<8x256xf32, #tpu.memory_space<vmem>>, vector<1x16xf32>,
    %get3A_1099 = vector.shape_cast %get3A_1098 : vector<1x16xf32> to vector<16xf32>
    %exp3A_1100 = math.exp %get3A_1099 : vector<16xf32>
    %get3A_1101 = arith.constant 2 : i32
    %get3A_1102 = arith.index_cast %get3A_1101 : i32 to index
    %get3A_1103 = arith.constant 208 : index
    %get3A_1104 = tpu.vector_load %arg10[%get3A_1102, %get3A_1103] {strides = array<i32>} : memref<8x256xf32, #tpu.memory_space<vmem>>, vector<1x16xf32>,
    %get3A_1105 = vector.shape_cast %get3A_1104 : vector<1x16xf32> to vector<16xf32>
    %mul3A_1106 = arith.mulf %exp3A_1100, %get3A_1105 : vector<16xf32>
    %add3A_1107 = arith.addf %get3A_1094, %mul3A_1106 : vector<16xf32>
    %swap3A_1108 = arith.constant 2 : i32
    %swap3A_1109 = arith.index_cast %swap3A_1108 : i32 to index
    %swap3A_1110 = arith.constant 208 : index
    %swap3A_1111 = tpu.vector_load %arg10[%swap3A_1109, %swap3A_1110] {strides = array<i32>} : memref<8x256xf32, #tpu.memory_space<vmem>>, vector<1x16xf32>,
    %swap3A_1112 = vector.shape_cast %swap3A_1111 : vector<1x16xf32> to vector<16xf32>
    %swap3A_1113 = vector.shape_cast %add3A_1107 : vector<16xf32> to vector<1x16xf32>
    tpu.vector_store %arg10[%swap3A_1109, %swap3A_1110], %swap3A_1113 {strides = array<i32>} : memref<8x256xf32, #tpu.memory_space<vmem>>, vector<1x16xf32>,
    %get3A_1114 = arith.constant 2 : i32
    %get3A_1115 = arith.index_cast %get3A_1114 : i32 to index
    %get3A_1116 = arith.constant 224 : index
    %get3A_1117 = tpu.vector_load %arg8[%get3A_1115, %get3A_1116] {strides = array<i32>} : memref<8x256xf32, #tpu.memory_space<vmem>>, vector<1x16xf32>,
    %get3A_1118 = vector.shape_cast %get3A_1117 : vector<1x16xf32> to vector<16xf32>
    %get3A_1119 = arith.constant 2 : i32
    %get3A_1120 = arith.index_cast %get3A_1119 : i32 to index
    %get3A_1121 = arith.constant 224 : index
    %get3A_1122 = tpu.vector_load %arg9[%get3A_1120, %get3A_1121] {strides = array<i32>} : memref<8x256xf32, #tpu.memory_space<vmem>>, vector<1x16xf32>,
    %get3A_1123 = vector.shape_cast %get3A_1122 : vector<1x16xf32> to vector<16xf32>
    %exp3A_1124 = math.exp %get3A_1123 : vector<16xf32>
    %get3A_1125 = arith.constant 2 : i32
    %get3A_1126 = arith.index_cast %get3A_1125 : i32 to index
    %get3A_1127 = arith.constant 224 : index
    %get3A_1128 = tpu.vector_load %arg10[%get3A_1126, %get3A_1127] {strides = array<i32>} : memref<8x256xf32, #tpu.memory_space<vmem>>, vector<1x16xf32>,
    %get3A_1129 = vector.shape_cast %get3A_1128 : vector<1x16xf32> to vector<16xf32>
    %mul3A_1130 = arith.mulf %exp3A_1124, %get3A_1129 : vector<16xf32>
    %add3A_1131 = arith.addf %get3A_1118, %mul3A_1130 : vector<16xf32>
    %swap3A_1132 = arith.constant 2 : i32
    %swap3A_1133 = arith.index_cast %swap3A_1132 : i32 to index
    %swap3A_1134 = arith.constant 224 : index
    %swap3A_1135 = tpu.vector_load %arg10[%swap3A_1133, %swap3A_1134] {strides = array<i32>} : memref<8x256xf32, #tpu.memory_space<vmem>>, vector<1x16xf32>,
    %swap3A_1136 = vector.shape_cast %swap3A_1135 : vector<1x16xf32> to vector<16xf32>
    %swap3A_1137 = vector.shape_cast %add3A_1131 : vector<16xf32> to vector<1x16xf32>
    tpu.vector_store %arg10[%swap3A_1133, %swap3A_1134], %swap3A_1137 {strides = array<i32>} : memref<8x256xf32, #tpu.memory_space<vmem>>, vector<1x16xf32>,
    %get3A_1138 = arith.constant 2 : i32
    %get3A_1139 = arith.index_cast %get3A_1138 : i32 to index
    %get3A_1140 = arith.constant 240 : index
    %get3A_1141 = tpu.vector_load %arg8[%get3A_1139, %get3A_1140] {strides = array<i32>} : memref<8x256xf32, #tpu.memory_space<vmem>>, vector<1x16xf32>,
    %get3A_1142 = vector.shape_cast %get3A_1141 : vector<1x16xf32> to vector<16xf32>
    %get3A_1143 = arith.constant 2 : i32
    %get3A_1144 = arith.index_cast %get3A_1143 : i32 to index
    %get3A_1145 = arith.constant 240 : index
    %get3A_1146 = tpu.vector_load %arg9[%get3A_1144, %get3A_1145] {strides = array<i32>} : memref<8x256xf32, #tpu.memory_space<vmem>>, vector<1x16xf32>,
    %get3A_1147 = vector.shape_cast %get3A_1146 : vector<1x16xf32> to vector<16xf32>
    %exp3A_1148 = math.exp %get3A_1147 : vector<16xf32>
    %get3A_1149 = arith.constant 2 : i32
    %get3A_1150 = arith.index_cast %get3A_1149 : i32 to index
    %get3A_1151 = arith.constant 240 : index
    %get3A_1152 = tpu.vector_load %arg10[%get3A_1150, %get3A_1151] {strides = array<i32>} : memref<8x256xf32, #tpu.memory_space<vmem>>, vector<1x16xf32>,
    %get3A_1153 = vector.shape_cast %get3A_1152 : vector<1x16xf32> to vector<16xf32>
    %mul3A_1154 = arith.mulf %exp3A_1148, %get3A_1153 : vector<16xf32>
    %add3A_1155 = arith.addf %get3A_1142, %mul3A_1154 : vector<16xf32>
    %swap3A_1156 = arith.constant 2 : i32
    %swap3A_1157 = arith.index_cast %swap3A_1156 : i32 to index
    %swap3A_1158 = arith.constant 240 : index
    %swap3A_1159 = tpu.vector_load %arg10[%swap3A_1157, %swap3A_1158] {strides = array<i32>} : memref<8x256xf32, #tpu.memory_space<vmem>>, vector<1x16xf32>,
    %swap3A_1160 = vector.shape_cast %swap3A_1159 : vector<1x16xf32> to vector<16xf32>
    %swap3A_1161 = vector.shape_cast %add3A_1155 : vector<16xf32> to vector<1x16xf32>
    tpu.vector_store %arg10[%swap3A_1157, %swap3A_1158], %swap3A_1161 {strides = array<i32>} : memref<8x256xf32, #tpu.memory_space<vmem>>, vector<1x16xf32>,
    %get3A_1162 = arith.constant 3 : i32
    %get3A_1163 = arith.index_cast %get3A_1162 : i32 to index
    %get3A_1164 = arith.constant 0 : index
    %get3A_1165 = tpu.vector_load %arg8[%get3A_1163, %get3A_1164] {strides = array<i32>} : memref<8x256xf32, #tpu.memory_space<vmem>>, vector<1x16xf32>,
    %get3A_1166 = vector.shape_cast %get3A_1165 : vector<1x16xf32> to vector<16xf32>
    %get3A_1167 = arith.constant 3 : i32
    %get3A_1168 = arith.index_cast %get3A_1167 : i32 to index
    %get3A_1169 = arith.constant 0 : index
    %get3A_1170 = tpu.vector_load %arg9[%get3A_1168, %get3A_1169] {strides = array<i32>} : memref<8x256xf32, #tpu.memory_space<vmem>>, vector<1x16xf32>,
    %get3A_1171 = vector.shape_cast %get3A_1170 : vector<1x16xf32> to vector<16xf32>
    %exp3A_1172 = math.exp %get3A_1171 : vector<16xf32>
    %get3A_1173 = arith.constant 3 : i32
    %get3A_1174 = arith.index_cast %get3A_1173 : i32 to index
    %get3A_1175 = arith.constant 0 : index
    %get3A_1176 = tpu.vector_load %arg10[%get3A_1174, %get3A_1175] {strides = array<i32>} : memref<8x256xf32, #tpu.memory_space<vmem>>, vector<1x16xf32>,
    %get3A_1177 = vector.shape_cast %get3A_1176 : vector<1x16xf32> to vector<16xf32>
    %mul3A_1178 = arith.mulf %exp3A_1172, %get3A_1177 : vector<16xf32>
    %add3A_1179 = arith.addf %get3A_1166, %mul3A_1178 : vector<16xf32>
    %swap3A_1180 = arith.constant 3 : i32
    %swap3A_1181 = arith.index_cast %swap3A_1180 : i32 to index
    %swap3A_1182 = arith.constant 0 : index
    %swap3A_1183 = tpu.vector_load %arg10[%swap3A_1181, %swap3A_1182] {strides = array<i32>} : memref<8x256xf32, #tpu.memory_space<vmem>>, vector<1x16xf32>,
    %swap3A_1184 = vector.shape_cast %swap3A_1183 : vector<1x16xf32> to vector<16xf32>
    %swap3A_1185 = vector.shape_cast %add3A_1179 : vector<16xf32> to vector<1x16xf32>
    tpu.vector_store %arg10[%swap3A_1181, %swap3A_1182], %swap3A_1185 {strides = array<i32>} : memref<8x256xf32, #tpu.memory_space<vmem>>, vector<1x16xf32>,
    %get3A_1186 = arith.constant 3 : i32
    %get3A_1187 = arith.index_cast %get3A_1186 : i32 to index
    %get3A_1188 = arith.constant 16 : index
    %get3A_1189 = tpu.vector_load %arg8[%get3A_1187, %get3A_1188] {strides = array<i32>} : memref<8x256xf32, #tpu.memory_space<vmem>>, vector<1x16xf32>,
    %get3A_1190 = vector.shape_cast %get3A_1189 : vector<1x16xf32> to vector<16xf32>
    %get3A_1191 = arith.constant 3 : i32
    %get3A_1192 = arith.index_cast %get3A_1191 : i32 to index
    %get3A_1193 = arith.constant 16 : index
    %get3A_1194 = tpu.vector_load %arg9[%get3A_1192, %get3A_1193] {strides = array<i32>} : memref<8x256xf32, #tpu.memory_space<vmem>>, vector<1x16xf32>,
    %get3A_1195 = vector.shape_cast %get3A_1194 : vector<1x16xf32> to vector<16xf32>
    %exp3A_1196 = math.exp %get3A_1195 : vector<16xf32>
    %get3A_1197 = arith.constant 3 : i32
    %get3A_1198 = arith.index_cast %get3A_1197 : i32 to index
    %get3A_1199 = arith.constant 16 : index
    %get3A_1200 = tpu.vector_load %arg10[%get3A_1198, %get3A_1199] {strides = array<i32>} : memref<8x256xf32, #tpu.memory_space<vmem>>, vector<1x16xf32>,
    %get3A_1201 = vector.shape_cast %get3A_1200 : vector<1x16xf32> to vector<16xf32>
    %mul3A_1202 = arith.mulf %exp3A_1196, %get3A_1201 : vector<16xf32>
    %add3A_1203 = arith.addf %get3A_1190, %mul3A_1202 : vector<16xf32>
    %swap3A_1204 = arith.constant 3 : i32
    %swap3A_1205 = arith.index_cast %swap3A_1204 : i32 to index
    %swap3A_1206 = arith.constant 16 : index
    %swap3A_1207 = tpu.vector_load %arg10[%swap3A_1205, %swap3A_1206] {strides = array<i32>} : memref<8x256xf32, #tpu.memory_space<vmem>>, vector<1x16xf32>,
    %swap3A_1208 = vector.shape_cast %swap3A_1207 : vector<1x16xf32> to vector<16xf32>
    %swap3A_1209 = vector.shape_cast %add3A_1203 : vector<16xf32> to vector<1x16xf32>
    tpu.vector_store %arg10[%swap3A_1205, %swap3A_1206], %swap3A_1209 {strides = array<i32>} : memref<8x256xf32, #tpu.memory_space<vmem>>, vector<1x16xf32>,
    %get3A_1210 = arith.constant 3 : i32
    %get3A_1211 = arith.index_cast %get3A_1210 : i32 to index
    %get3A_1212 = arith.constant 32 : index
    %get3A_1213 = tpu.vector_load %arg8[%get3A_1211, %get3A_1212] {strides = array<i32>} : memref<8x256xf32, #tpu.memory_space<vmem>>, vector<1x16xf32>,
    %get3A_1214 = vector.shape_cast %get3A_1213 : vector<1x16xf32> to vector<16xf32>
    %get3A_1215 = arith.constant 3 : i32
    %get3A_1216 = arith.index_cast %get3A_1215 : i32 to index
    %get3A_1217 = arith.constant 32 : index
    %get3A_1218 = tpu.vector_load %arg9[%get3A_1216, %get3A_1217] {strides = array<i32>} : memref<8x256xf32, #tpu.memory_space<vmem>>, vector<1x16xf32>,
    %get3A_1219 = vector.shape_cast %get3A_1218 : vector<1x16xf32> to vector<16xf32>
    %exp3A_1220 = math.exp %get3A_1219 : vector<16xf32>
    %get3A_1221 = arith.constant 3 : i32
    %get3A_1222 = arith.index_cast %get3A_1221 : i32 to index
    %get3A_1223 = arith.constant 32 : index
    %get3A_1224 = tpu.vector_load %arg10[%get3A_1222, %get3A_1223] {strides = array<i32>} : memref<8x256xf32, #tpu.memory_space<vmem>>, vector<1x16xf32>,
    %get3A_1225 = vector.shape_cast %get3A_1224 : vector<1x16xf32> to vector<16xf32>
    %mul3A_1226 = arith.mulf %exp3A_1220, %get3A_1225 : vector<16xf32>
    %add3A_1227 = arith.addf %get3A_1214, %mul3A_1226 : vector<16xf32>
    %swap3A_1228 = arith.constant 3 : i32
    %swap3A_1229 = arith.index_cast %swap3A_1228 : i32 to index
    %swap3A_1230 = arith.constant 32 : index
    %swap3A_1231 = tpu.vector_load %arg10[%swap3A_1229, %swap3A_1230] {strides = array<i32>} : memref<8x256xf32, #tpu.memory_space<vmem>>, vector<1x16xf32>,
    %swap3A_1232 = vector.shape_cast %swap3A_1231 : vector<1x16xf32> to vector<16xf32>
    %swap3A_1233 = vector.shape_cast %add3A_1227 : vector<16xf32> to vector<1x16xf32>
    tpu.vector_store %arg10[%swap3A_1229, %swap3A_1230], %swap3A_1233 {strides = array<i32>} : memref<8x256xf32, #tpu.memory_space<vmem>>, vector<1x16xf32>,
    %get3A_1234 = arith.constant 3 : i32
    %get3A_1235 = arith.index_cast %get3A_1234 : i32 to index
    %get3A_1236 = arith.constant 48 : index
    %get3A_1237 = tpu.vector_load %arg8[%get3A_1235, %get3A_1236] {strides = array<i32>} : memref<8x256xf32, #tpu.memory_space<vmem>>, vector<1x16xf32>,
    %get3A_1238 = vector.shape_cast %get3A_1237 : vector<1x16xf32> to vector<16xf32>
    %get3A_1239 = arith.constant 3 : i32
    %get3A_1240 = arith.index_cast %get3A_1239 : i32 to index
    %get3A_1241 = arith.constant 48 : index
    %get3A_1242 = tpu.vector_load %arg9[%get3A_1240, %get3A_1241] {strides = array<i32>} : memref<8x256xf32, #tpu.memory_space<vmem>>, vector<1x16xf32>,
    %get3A_1243 = vector.shape_cast %get3A_1242 : vector<1x16xf32> to vector<16xf32>
    %exp3A_1244 = math.exp %get3A_1243 : vector<16xf32>
    %get3A_1245 = arith.constant 3 : i32
    %get3A_1246 = arith.index_cast %get3A_1245 : i32 to index
    %get3A_1247 = arith.constant 48 : index
    %get3A_1248 = tpu.vector_load %arg10[%get3A_1246, %get3A_1247] {strides = array<i32>} : memref<8x256xf32, #tpu.memory_space<vmem>>, vector<1x16xf32>,
    %get3A_1249 = vector.shape_cast %get3A_1248 : vector<1x16xf32> to vector<16xf32>
    %mul3A_1250 = arith.mulf %exp3A_1244, %get3A_1249 : vector<16xf32>
    %add3A_1251 = arith.addf %get3A_1238, %mul3A_1250 : vector<16xf32>
    %swap3A_1252 = arith.constant 3 : i32
    %swap3A_1253 = arith.index_cast %swap3A_1252 : i32 to index
    %swap3A_1254 = arith.constant 48 : index
    %swap3A_1255 = tpu.vector_load %arg10[%swap3A_1253, %swap3A_1254] {strides = array<i32>} : memref<8x256xf32, #tpu.memory_space<vmem>>, vector<1x16xf32>,
    %swap3A_1256 = vector.shape_cast %swap3A_1255 : vector<1x16xf32> to vector<16xf32>
    %swap3A_1257 = vector.shape_cast %add3A_1251 : vector<16xf32> to vector<1x16xf32>
    tpu.vector_store %arg10[%swap3A_1253, %swap3A_1254], %swap3A_1257 {strides = array<i32>} : memref<8x256xf32, #tpu.memory_space<vmem>>, vector<1x16xf32>,
    %get3A_1258 = arith.constant 3 : i32
    %get3A_1259 = arith.index_cast %get3A_1258 : i32 to index
    %get3A_1260 = arith.constant 64 : index
    %get3A_1261 = tpu.vector_load %arg8[%get3A_1259, %get3A_1260] {strides = array<i32>} : memref<8x256xf32, #tpu.memory_space<vmem>>, vector<1x16xf32>,
    %get3A_1262 = vector.shape_cast %get3A_1261 : vector<1x16xf32> to vector<16xf32>
    %get3A_1263 = arith.constant 3 : i32
    %get3A_1264 = arith.index_cast %get3A_1263 : i32 to index
    %get3A_1265 = arith.constant 64 : index
    %get3A_1266 = tpu.vector_load %arg9[%get3A_1264, %get3A_1265] {strides = array<i32>} : memref<8x256xf32, #tpu.memory_space<vmem>>, vector<1x16xf32>,
    %get3A_1267 = vector.shape_cast %get3A_1266 : vector<1x16xf32> to vector<16xf32>
    %exp3A_1268 = math.exp %get3A_1267 : vector<16xf32>
    %get3A_1269 = arith.constant 3 : i32
    %get3A_1270 = arith.index_cast %get3A_1269 : i32 to index
    %get3A_1271 = arith.constant 64 : index
    %get3A_1272 = tpu.vector_load %arg10[%get3A_1270, %get3A_1271] {strides = array<i32>} : memref<8x256xf32, #tpu.memory_space<vmem>>, vector<1x16xf32>,
    %get3A_1273 = vector.shape_cast %get3A_1272 : vector<1x16xf32> to vector<16xf32>
    %mul3A_1274 = arith.mulf %exp3A_1268, %get3A_1273 : vector<16xf32>
    %add3A_1275 = arith.addf %get3A_1262, %mul3A_1274 : vector<16xf32>
    %swap3A_1276 = arith.constant 3 : i32
    %swap3A_1277 = arith.index_cast %swap3A_1276 : i32 to index
    %swap3A_1278 = arith.constant 64 : index
    %swap3A_1279 = tpu.vector_load %arg10[%swap3A_1277, %swap3A_1278] {strides = array<i32>} : memref<8x256xf32, #tpu.memory_space<vmem>>, vector<1x16xf32>,
    %swap3A_1280 = vector.shape_cast %swap3A_1279 : vector<1x16xf32> to vector<16xf32>
    %swap3A_1281 = vector.shape_cast %add3A_1275 : vector<16xf32> to vector<1x16xf32>
    tpu.vector_store %arg10[%swap3A_1277, %swap3A_1278], %swap3A_1281 {strides = array<i32>} : memref<8x256xf32, #tpu.memory_space<vmem>>, vector<1x16xf32>,
    %get3A_1282 = arith.constant 3 : i32
    %get3A_1283 = arith.index_cast %get3A_1282 : i32 to index
    %get3A_1284 = arith.constant 80 : index
    %get3A_1285 = tpu.vector_load %arg8[%get3A_1283, %get3A_1284] {strides = array<i32>} : memref<8x256xf32, #tpu.memory_space<vmem>>, vector<1x16xf32>,
    %get3A_1286 = vector.shape_cast %get3A_1285 : vector<1x16xf32> to vector<16xf32>
    %get3A_1287 = arith.constant 3 : i32
    %get3A_1288 = arith.index_cast %get3A_1287 : i32 to index
    %get3A_1289 = arith.constant 80 : index
    %get3A_1290 = tpu.vector_load %arg9[%get3A_1288, %get3A_1289] {strides = array<i32>} : memref<8x256xf32, #tpu.memory_space<vmem>>, vector<1x16xf32>,
    %get3A_1291 = vector.shape_cast %get3A_1290 : vector<1x16xf32> to vector<16xf32>
    %exp3A_1292 = math.exp %get3A_1291 : vector<16xf32>
    %get3A_1293 = arith.constant 3 : i32
    %get3A_1294 = arith.index_cast %get3A_1293 : i32 to index
    %get3A_1295 = arith.constant 80 : index
    %get3A_1296 = tpu.vector_load %arg10[%get3A_1294, %get3A_1295] {strides = array<i32>} : memref<8x256xf32, #tpu.memory_space<vmem>>, vector<1x16xf32>,
    %get3A_1297 = vector.shape_cast %get3A_1296 : vector<1x16xf32> to vector<16xf32>
    %mul3A_1298 = arith.mulf %exp3A_1292, %get3A_1297 : vector<16xf32>
    %add3A_1299 = arith.addf %get3A_1286, %mul3A_1298 : vector<16xf32>
    %swap3A_1300 = arith.constant 3 : i32
    %swap3A_1301 = arith.index_cast %swap3A_1300 : i32 to index
    %swap3A_1302 = arith.constant 80 : index
    %swap3A_1303 = tpu.vector_load %arg10[%swap3A_1301, %swap3A_1302] {strides = array<i32>} : memref<8x256xf32, #tpu.memory_space<vmem>>, vector<1x16xf32>,
    %swap3A_1304 = vector.shape_cast %swap3A_1303 : vector<1x16xf32> to vector<16xf32>
    %swap3A_1305 = vector.shape_cast %add3A_1299 : vector<16xf32> to vector<1x16xf32>
    tpu.vector_store %arg10[%swap3A_1301, %swap3A_1302], %swap3A_1305 {strides = array<i32>} : memref<8x256xf32, #tpu.memory_space<vmem>>, vector<1x16xf32>,
    %get3A_1306 = arith.constant 3 : i32
    %get3A_1307 = arith.index_cast %get3A_1306 : i32 to index
    %get3A_1308 = arith.constant 96 : index
    %get3A_1309 = tpu.vector_load %arg8[%get3A_1307, %get3A_1308] {strides = array<i32>} : memref<8x256xf32, #tpu.memory_space<vmem>>, vector<1x16xf32>,
    %get3A_1310 = vector.shape_cast %get3A_1309 : vector<1x16xf32> to vector<16xf32>
    %get3A_1311 = arith.constant 3 : i32
    %get3A_1312 = arith.index_cast %get3A_1311 : i32 to index
    %get3A_1313 = arith.constant 96 : index
    %get3A_1314 = tpu.vector_load %arg9[%get3A_1312, %get3A_1313] {strides = array<i32>} : memref<8x256xf32, #tpu.memory_space<vmem>>, vector<1x16xf32>,
    %get3A_1315 = vector.shape_cast %get3A_1314 : vector<1x16xf32> to vector<16xf32>
    %exp3A_1316 = math.exp %get3A_1315 : vector<16xf32>
    %get3A_1317 = arith.constant 3 : i32
    %get3A_1318 = arith.index_cast %get3A_1317 : i32 to index
    %get3A_1319 = arith.constant 96 : index
    %get3A_1320 = tpu.vector_load %arg10[%get3A_1318, %get3A_1319] {strides = array<i32>} : memref<8x256xf32, #tpu.memory_space<vmem>>, vector<1x16xf32>,
    %get3A_1321 = vector.shape_cast %get3A_1320 : vector<1x16xf32> to vector<16xf32>
    %mul3A_1322 = arith.mulf %exp3A_1316, %get3A_1321 : vector<16xf32>
    %add3A_1323 = arith.addf %get3A_1310, %mul3A_1322 : vector<16xf32>
    %swap3A_1324 = arith.constant 3 : i32
    %swap3A_1325 = arith.index_cast %swap3A_1324 : i32 to index
    %swap3A_1326 = arith.constant 96 : index
    %swap3A_1327 = tpu.vector_load %arg10[%swap3A_1325, %swap3A_1326] {strides = array<i32>} : memref<8x256xf32, #tpu.memory_space<vmem>>, vector<1x16xf32>,
    %swap3A_1328 = vector.shape_cast %swap3A_1327 : vector<1x16xf32> to vector<16xf32>
    %swap3A_1329 = vector.shape_cast %add3A_1323 : vector<16xf32> to vector<1x16xf32>
    tpu.vector_store %arg10[%swap3A_1325, %swap3A_1326], %swap3A_1329 {strides = array<i32>} : memref<8x256xf32, #tpu.memory_space<vmem>>, vector<1x16xf32>,
    %get3A_1330 = arith.constant 3 : i32
    %get3A_1331 = arith.index_cast %get3A_1330 : i32 to index
    %get3A_1332 = arith.constant 112 : index
    %get3A_1333 = tpu.vector_load %arg8[%get3A_1331, %get3A_1332] {strides = array<i32>} : memref<8x256xf32, #tpu.memory_space<vmem>>, vector<1x16xf32>,
    %get3A_1334 = vector.shape_cast %get3A_1333 : vector<1x16xf32> to vector<16xf32>
    %get3A_1335 = arith.constant 3 : i32
    %get3A_1336 = arith.index_cast %get3A_1335 : i32 to index
    %get3A_1337 = arith.constant 112 : index
    %get3A_1338 = tpu.vector_load %arg9[%get3A_1336, %get3A_1337] {strides = array<i32>} : memref<8x256xf32, #tpu.memory_space<vmem>>, vector<1x16xf32>,
    %get3A_1339 = vector.shape_cast %get3A_1338 : vector<1x16xf32> to vector<16xf32>
    %exp3A_1340 = math.exp %get3A_1339 : vector<16xf32>
    %get3A_1341 = arith.constant 3 : i32
    %get3A_1342 = arith.index_cast %get3A_1341 : i32 to index
    %get3A_1343 = arith.constant 112 : index
    %get3A_1344 = tpu.vector_load %arg10[%get3A_1342, %get3A_1343] {strides = array<i32>} : memref<8x256xf32, #tpu.memory_space<vmem>>, vector<1x16xf32>,
    %get3A_1345 = vector.shape_cast %get3A_1344 : vector<1x16xf32> to vector<16xf32>
    %mul3A_1346 = arith.mulf %exp3A_1340, %get3A_1345 : vector<16xf32>
    %add3A_1347 = arith.addf %get3A_1334, %mul3A_1346 : vector<16xf32>
    %swap3A_1348 = arith.constant 3 : i32
    %swap3A_1349 = arith.index_cast %swap3A_1348 : i32 to index
    %swap3A_1350 = arith.constant 112 : index
    %swap3A_1351 = tpu.vector_load %arg10[%swap3A_1349, %swap3A_1350] {strides = array<i32>} : memref<8x256xf32, #tpu.memory_space<vmem>>, vector<1x16xf32>,
    %swap3A_1352 = vector.shape_cast %swap3A_1351 : vector<1x16xf32> to vector<16xf32>
    %swap3A_1353 = vector.shape_cast %add3A_1347 : vector<16xf32> to vector<1x16xf32>
    tpu.vector_store %arg10[%swap3A_1349, %swap3A_1350], %swap3A_1353 {strides = array<i32>} : memref<8x256xf32, #tpu.memory_space<vmem>>, vector<1x16xf32>,
    %get3A_1354 = arith.constant 3 : i32
    %get3A_1355 = arith.index_cast %get3A_1354 : i32 to index
    %get3A_1356 = arith.constant 128 : index
    %get3A_1357 = tpu.vector_load %arg8[%get3A_1355, %get3A_1356] {strides = array<i32>} : memref<8x256xf32, #tpu.memory_space<vmem>>, vector<1x16xf32>,
    %get3A_1358 = vector.shape_cast %get3A_1357 : vector<1x16xf32> to vector<16xf32>
    %get3A_1359 = arith.constant 3 : i32
    %get3A_1360 = arith.index_cast %get3A_1359 : i32 to index
    %get3A_1361 = arith.constant 128 : index
    %get3A_1362 = tpu.vector_load %arg9[%get3A_1360, %get3A_1361] {strides = array<i32>} : memref<8x256xf32, #tpu.memory_space<vmem>>, vector<1x16xf32>,
    %get3A_1363 = vector.shape_cast %get3A_1362 : vector<1x16xf32> to vector<16xf32>
    %exp3A_1364 = math.exp %get3A_1363 : vector<16xf32>
    %get3A_1365 = arith.constant 3 : i32
    %get3A_1366 = arith.index_cast %get3A_1365 : i32 to index
    %get3A_1367 = arith.constant 128 : index
    %get3A_1368 = tpu.vector_load %arg10[%get3A_1366, %get3A_1367] {strides = array<i32>} : memref<8x256xf32, #tpu.memory_space<vmem>>, vector<1x16xf32>,
    %get3A_1369 = vector.shape_cast %get3A_1368 : vector<1x16xf32> to vector<16xf32>
    %mul3A_1370 = arith.mulf %exp3A_1364, %get3A_1369 : vector<16xf32>
    %add3A_1371 = arith.addf %get3A_1358, %mul3A_1370 : vector<16xf32>
    %swap3A_1372 = arith.constant 3 : i32
    %swap3A_1373 = arith.index_cast %swap3A_1372 : i32 to index
    %swap3A_1374 = arith.constant 128 : index
    %swap3A_1375 = tpu.vector_load %arg10[%swap3A_1373, %swap3A_1374] {strides = array<i32>} : memref<8x256xf32, #tpu.memory_space<vmem>>, vector<1x16xf32>,
    %swap3A_1376 = vector.shape_cast %swap3A_1375 : vector<1x16xf32> to vector<16xf32>
    %swap3A_1377 = vector.shape_cast %add3A_1371 : vector<16xf32> to vector<1x16xf32>
    tpu.vector_store %arg10[%swap3A_1373, %swap3A_1374], %swap3A_1377 {strides = array<i32>} : memref<8x256xf32, #tpu.memory_space<vmem>>, vector<1x16xf32>,
    %get3A_1378 = arith.constant 3 : i32
    %get3A_1379 = arith.index_cast %get3A_1378 : i32 to index
    %get3A_1380 = arith.constant 144 : index
    %get3A_1381 = tpu.vector_load %arg8[%get3A_1379, %get3A_1380] {strides = array<i32>} : memref<8x256xf32, #tpu.memory_space<vmem>>, vector<1x16xf32>,
    %get3A_1382 = vector.shape_cast %get3A_1381 : vector<1x16xf32> to vector<16xf32>
    %get3A_1383 = arith.constant 3 : i32
    %get3A_1384 = arith.index_cast %get3A_1383 : i32 to index
    %get3A_1385 = arith.constant 144 : index
    %get3A_1386 = tpu.vector_load %arg9[%get3A_1384, %get3A_1385] {strides = array<i32>} : memref<8x256xf32, #tpu.memory_space<vmem>>, vector<1x16xf32>,
    %get3A_1387 = vector.shape_cast %get3A_1386 : vector<1x16xf32> to vector<16xf32>
    %exp3A_1388 = math.exp %get3A_1387 : vector<16xf32>
    %get3A_1389 = arith.constant 3 : i32
    %get3A_1390 = arith.index_cast %get3A_1389 : i32 to index
    %get3A_1391 = arith.constant 144 : index
    %get3A_1392 = tpu.vector_load %arg10[%get3A_1390, %get3A_1391] {strides = array<i32>} : memref<8x256xf32, #tpu.memory_space<vmem>>, vector<1x16xf32>,
    %get3A_1393 = vector.shape_cast %get3A_1392 : vector<1x16xf32> to vector<16xf32>
    %mul3A_1394 = arith.mulf %exp3A_1388, %get3A_1393 : vector<16xf32>
    %add3A_1395 = arith.addf %get3A_1382, %mul3A_1394 : vector<16xf32>
    %swap3A_1396 = arith.constant 3 : i32
    %swap3A_1397 = arith.index_cast %swap3A_1396 : i32 to index
    %swap3A_1398 = arith.constant 144 : index
    %swap3A_1399 = tpu.vector_load %arg10[%swap3A_1397, %swap3A_1398] {strides = array<i32>} : memref<8x256xf32, #tpu.memory_space<vmem>>, vector<1x16xf32>,
    %swap3A_1400 = vector.shape_cast %swap3A_1399 : vector<1x16xf32> to vector<16xf32>
    %swap3A_1401 = vector.shape_cast %add3A_1395 : vector<16xf32> to vector<1x16xf32>
    tpu.vector_store %arg10[%swap3A_1397, %swap3A_1398], %swap3A_1401 {strides = array<i32>} : memref<8x256xf32, #tpu.memory_space<vmem>>, vector<1x16xf32>,
    %get3A_1402 = arith.constant 3 : i32
    %get3A_1403 = arith.index_cast %get3A_1402 : i32 to index
    %get3A_1404 = arith.constant 160 : index
    %get3A_1405 = tpu.vector_load %arg8[%get3A_1403, %get3A_1404] {strides = array<i32>} : memref<8x256xf32, #tpu.memory_space<vmem>>, vector<1x16xf32>,
    %get3A_1406 = vector.shape_cast %get3A_1405 : vector<1x16xf32> to vector<16xf32>
    %get3A_1407 = arith.constant 3 : i32
    %get3A_1408 = arith.index_cast %get3A_1407 : i32 to index
    %get3A_1409 = arith.constant 160 : index
    %get3A_1410 = tpu.vector_load %arg9[%get3A_1408, %get3A_1409] {strides = array<i32>} : memref<8x256xf32, #tpu.memory_space<vmem>>, vector<1x16xf32>,
    %get3A_1411 = vector.shape_cast %get3A_1410 : vector<1x16xf32> to vector<16xf32>
    %exp3A_1412 = math.exp %get3A_1411 : vector<16xf32>
    %get3A_1413 = arith.constant 3 : i32
    %get3A_1414 = arith.index_cast %get3A_1413 : i32 to index
    %get3A_1415 = arith.constant 160 : index
    %get3A_1416 = tpu.vector_load %arg10[%get3A_1414, %get3A_1415] {strides = array<i32>} : memref<8x256xf32, #tpu.memory_space<vmem>>, vector<1x16xf32>,
    %get3A_1417 = vector.shape_cast %get3A_1416 : vector<1x16xf32> to vector<16xf32>
    %mul3A_1418 = arith.mulf %exp3A_1412, %get3A_1417 : vector<16xf32>
    %add3A_1419 = arith.addf %get3A_1406, %mul3A_1418 : vector<16xf32>
    %swap3A_1420 = arith.constant 3 : i32
    %swap3A_1421 = arith.index_cast %swap3A_1420 : i32 to index
    %swap3A_1422 = arith.constant 160 : index
    %swap3A_1423 = tpu.vector_load %arg10[%swap3A_1421, %swap3A_1422] {strides = array<i32>} : memref<8x256xf32, #tpu.memory_space<vmem>>, vector<1x16xf32>,
    %swap3A_1424 = vector.shape_cast %swap3A_1423 : vector<1x16xf32> to vector<16xf32>
    %swap3A_1425 = vector.shape_cast %add3A_1419 : vector<16xf32> to vector<1x16xf32>
    tpu.vector_store %arg10[%swap3A_1421, %swap3A_1422], %swap3A_1425 {strides = array<i32>} : memref<8x256xf32, #tpu.memory_space<vmem>>, vector<1x16xf32>,
    %get3A_1426 = arith.constant 3 : i32
    %get3A_1427 = arith.index_cast %get3A_1426 : i32 to index
    %get3A_1428 = arith.constant 176 : index
    %get3A_1429 = tpu.vector_load %arg8[%get3A_1427, %get3A_1428] {strides = array<i32>} : memref<8x256xf32, #tpu.memory_space<vmem>>, vector<1x16xf32>,
    %get3A_1430 = vector.shape_cast %get3A_1429 : vector<1x16xf32> to vector<16xf32>
    %get3A_1431 = arith.constant 3 : i32
    %get3A_1432 = arith.index_cast %get3A_1431 : i32 to index
    %get3A_1433 = arith.constant 176 : index
    %get3A_1434 = tpu.vector_load %arg9[%get3A_1432, %get3A_1433] {strides = array<i32>} : memref<8x256xf32, #tpu.memory_space<vmem>>, vector<1x16xf32>,
    %get3A_1435 = vector.shape_cast %get3A_1434 : vector<1x16xf32> to vector<16xf32>
    %exp3A_1436 = math.exp %get3A_1435 : vector<16xf32>
    %get3A_1437 = arith.constant 3 : i32
    %get3A_1438 = arith.index_cast %get3A_1437 : i32 to index
    %get3A_1439 = arith.constant 176 : index
    %get3A_1440 = tpu.vector_load %arg10[%get3A_1438, %get3A_1439] {strides = array<i32>} : memref<8x256xf32, #tpu.memory_space<vmem>>, vector<1x16xf32>,
    %get3A_1441 = vector.shape_cast %get3A_1440 : vector<1x16xf32> to vector<16xf32>
    %mul3A_1442 = arith.mulf %exp3A_1436, %get3A_1441 : vector<16xf32>
    %add3A_1443 = arith.addf %get3A_1430, %mul3A_1442 : vector<16xf32>
    %swap3A_1444 = arith.constant 3 : i32
    %swap3A_1445 = arith.index_cast %swap3A_1444 : i32 to index
    %swap3A_1446 = arith.constant 176 : index
    %swap3A_1447 = tpu.vector_load %arg10[%swap3A_1445, %swap3A_1446] {strides = array<i32>} : memref<8x256xf32, #tpu.memory_space<vmem>>, vector<1x16xf32>,
    %swap3A_1448 = vector.shape_cast %swap3A_1447 : vector<1x16xf32> to vector<16xf32>
    %swap3A_1449 = vector.shape_cast %add3A_1443 : vector<16xf32> to vector<1x16xf32>
    tpu.vector_store %arg10[%swap3A_1445, %swap3A_1446], %swap3A_1449 {strides = array<i32>} : memref<8x256xf32, #tpu.memory_space<vmem>>, vector<1x16xf32>,
    %get3A_1450 = arith.constant 3 : i32
    %get3A_1451 = arith.index_cast %get3A_1450 : i32 to index
    %get3A_1452 = arith.constant 192 : index
    %get3A_1453 = tpu.vector_load %arg8[%get3A_1451, %get3A_1452] {strides = array<i32>} : memref<8x256xf32, #tpu.memory_space<vmem>>, vector<1x16xf32>,
    %get3A_1454 = vector.shape_cast %get3A_1453 : vector<1x16xf32> to vector<16xf32>
    %get3A_1455 = arith.constant 3 : i32
    %get3A_1456 = arith.index_cast %get3A_1455 : i32 to index
    %get3A_1457 = arith.constant 192 : index
    %get3A_1458 = tpu.vector_load %arg9[%get3A_1456, %get3A_1457] {strides = array<i32>} : memref<8x256xf32, #tpu.memory_space<vmem>>, vector<1x16xf32>,
    %get3A_1459 = vector.shape_cast %get3A_1458 : vector<1x16xf32> to vector<16xf32>
    %exp3A_1460 = math.exp %get3A_1459 : vector<16xf32>
    %get3A_1461 = arith.constant 3 : i32
    %get3A_1462 = arith.index_cast %get3A_1461 : i32 to index
    %get3A_1463 = arith.constant 192 : index
    %get3A_1464 = tpu.vector_load %arg10[%get3A_1462, %get3A_1463] {strides = array<i32>} : memref<8x256xf32, #tpu.memory_space<vmem>>, vector<1x16xf32>,
    %get3A_1465 = vector.shape_cast %get3A_1464 : vector<1x16xf32> to vector<16xf32>
    %mul3A_1466 = arith.mulf %exp3A_1460, %get3A_1465 : vector<16xf32>
    %add3A_1467 = arith.addf %get3A_1454, %mul3A_1466 : vector<16xf32>
    %swap3A_1468 = arith.constant 3 : i32
    %swap3A_1469 = arith.index_cast %swap3A_1468 : i32 to index
    %swap3A_1470 = arith.constant 192 : index
    %swap3A_1471 = tpu.vector_load %arg10[%swap3A_1469, %swap3A_1470] {strides = array<i32>} : memref<8x256xf32, #tpu.memory_space<vmem>>, vector<1x16xf32>,
    %swap3A_1472 = vector.shape_cast %swap3A_1471 : vector<1x16xf32> to vector<16xf32>
    %swap3A_1473 = vector.shape_cast %add3A_1467 : vector<16xf32> to vector<1x16xf32>
    tpu.vector_store %arg10[%swap3A_1469, %swap3A_1470], %swap3A_1473 {strides = array<i32>} : memref<8x256xf32, #tpu.memory_space<vmem>>, vector<1x16xf32>,
    %get3A_1474 = arith.constant 3 : i32
    %get3A_1475 = arith.index_cast %get3A_1474 : i32 to index
    %get3A_1476 = arith.constant 208 : index
    %get3A_1477 = tpu.vector_load %arg8[%get3A_1475, %get3A_1476] {strides = array<i32>} : memref<8x256xf32, #tpu.memory_space<vmem>>, vector<1x16xf32>,
    %get3A_1478 = vector.shape_cast %get3A_1477 : vector<1x16xf32> to vector<16xf32>
    %get3A_1479 = arith.constant 3 : i32
    %get3A_1480 = arith.index_cast %get3A_1479 : i32 to index
    %get3A_1481 = arith.constant 208 : index
    %get3A_1482 = tpu.vector_load %arg9[%get3A_1480, %get3A_1481] {strides = array<i32>} : memref<8x256xf32, #tpu.memory_space<vmem>>, vector<1x16xf32>,
    %get3A_1483 = vector.shape_cast %get3A_1482 : vector<1x16xf32> to vector<16xf32>
    %exp3A_1484 = math.exp %get3A_1483 : vector<16xf32>
    %get3A_1485 = arith.constant 3 : i32
    %get3A_1486 = arith.index_cast %get3A_1485 : i32 to index
    %get3A_1487 = arith.constant 208 : index
    %get3A_1488 = tpu.vector_load %arg10[%get3A_1486, %get3A_1487] {strides = array<i32>} : memref<8x256xf32, #tpu.memory_space<vmem>>, vector<1x16xf32>,
    %get3A_1489 = vector.shape_cast %get3A_1488 : vector<1x16xf32> to vector<16xf32>
    %mul3A_1490 = arith.mulf %exp3A_1484, %get3A_1489 : vector<16xf32>
    %add3A_1491 = arith.addf %get3A_1478, %mul3A_1490 : vector<16xf32>
    %swap3A_1492 = arith.constant 3 : i32
    %swap3A_1493 = arith.index_cast %swap3A_1492 : i32 to index
    %swap3A_1494 = arith.constant 208 : index
    %swap3A_1495 = tpu.vector_load %arg10[%swap3A_1493, %swap3A_1494] {strides = array<i32>} : memref<8x256xf32, #tpu.memory_space<vmem>>, vector<1x16xf32>,
    %swap3A_1496 = vector.shape_cast %swap3A_1495 : vector<1x16xf32> to vector<16xf32>
    %swap3A_1497 = vector.shape_cast %add3A_1491 : vector<16xf32> to vector<1x16xf32>
    tpu.vector_store %arg10[%swap3A_1493, %swap3A_1494], %swap3A_1497 {strides = array<i32>} : memref<8x256xf32, #tpu.memory_space<vmem>>, vector<1x16xf32>,
    %get3A_1498 = arith.constant 3 : i32
    %get3A_1499 = arith.index_cast %get3A_1498 : i32 to index
    %get3A_1500 = arith.constant 224 : index
    %get3A_1501 = tpu.vector_load %arg8[%get3A_1499, %get3A_1500] {strides = array<i32>} : memref<8x256xf32, #tpu.memory_space<vmem>>, vector<1x16xf32>,
    %get3A_1502 = vector.shape_cast %get3A_1501 : vector<1x16xf32> to vector<16xf32>
    %get3A_1503 = arith.constant 3 : i32
    %get3A_1504 = arith.index_cast %get3A_1503 : i32 to index
    %get3A_1505 = arith.constant 224 : index
    %get3A_1506 = tpu.vector_load %arg9[%get3A_1504, %get3A_1505] {strides = array<i32>} : memref<8x256xf32, #tpu.memory_space<vmem>>, vector<1x16xf32>,
    %get3A_1507 = vector.shape_cast %get3A_1506 : vector<1x16xf32> to vector<16xf32>
    %exp3A_1508 = math.exp %get3A_1507 : vector<16xf32>
    %get3A_1509 = arith.constant 3 : i32
    %get3A_1510 = arith.index_cast %get3A_1509 : i32 to index
    %get3A_1511 = arith.constant 224 : index
    %get3A_1512 = tpu.vector_load %arg10[%get3A_1510, %get3A_1511] {strides = array<i32>} : memref<8x256xf32, #tpu.memory_space<vmem>>, vector<1x16xf32>,
    %get3A_1513 = vector.shape_cast %get3A_1512 : vector<1x16xf32> to vector<16xf32>
    %mul3A_1514 = arith.mulf %exp3A_1508, %get3A_1513 : vector<16xf32>
    %add3A_1515 = arith.addf %get3A_1502, %mul3A_1514 : vector<16xf32>
    %swap3A_1516 = arith.constant 3 : i32
    %swap3A_1517 = arith.index_cast %swap3A_1516 : i32 to index
    %swap3A_1518 = arith.constant 224 : index
    %swap3A_1519 = tpu.vector_load %arg10[%swap3A_1517, %swap3A_1518] {strides = array<i32>} : memref<8x256xf32, #tpu.memory_space<vmem>>, vector<1x16xf32>,
    %swap3A_1520 = vector.shape_cast %swap3A_1519 : vector<1x16xf32> to vector<16xf32>
    %swap3A_1521 = vector.shape_cast %add3A_1515 : vector<16xf32> to vector<1x16xf32>
    tpu.vector_store %arg10[%swap3A_1517, %swap3A_1518], %swap3A_1521 {strides = array<i32>} : memref<8x256xf32, #tpu.memory_space<vmem>>, vector<1x16xf32>,
    %get3A_1522 = arith.constant 3 : i32
    %get3A_1523 = arith.index_cast %get3A_1522 : i32 to index
    %get3A_1524 = arith.constant 240 : index
    %get3A_1525 = tpu.vector_load %arg8[%get3A_1523, %get3A_1524] {strides = array<i32>} : memref<8x256xf32, #tpu.memory_space<vmem>>, vector<1x16xf32>,
    %get3A_1526 = vector.shape_cast %get3A_1525 : vector<1x16xf32> to vector<16xf32>
    %get3A_1527 = arith.constant 3 : i32
    %get3A_1528 = arith.index_cast %get3A_1527 : i32 to index
    %get3A_1529 = arith.constant 240 : index
    %get3A_1530 = tpu.vector_load %arg9[%get3A_1528, %get3A_1529] {strides = array<i32>} : memref<8x256xf32, #tpu.memory_space<vmem>>, vector<1x16xf32>,
    %get3A_1531 = vector.shape_cast %get3A_1530 : vector<1x16xf32> to vector<16xf32>
    %exp3A_1532 = math.exp %get3A_1531 : vector<16xf32>
    %get3A_1533 = arith.constant 3 : i32
    %get3A_1534 = arith.index_cast %get3A_1533 : i32 to index
    %get3A_1535 = arith.constant 240 : index
    %get3A_1536 = tpu.vector_load %arg10[%get3A_1534, %get3A_1535] {strides = array<i32>} : memref<8x256xf32, #tpu.memory_space<vmem>>, vector<1x16xf32>,
    %get3A_1537 = vector.shape_cast %get3A_1536 : vector<1x16xf32> to vector<16xf32>
    %mul3A_1538 = arith.mulf %exp3A_1532, %get3A_1537 : vector<16xf32>
    %add3A_1539 = arith.addf %get3A_1526, %mul3A_1538 : vector<16xf32>
    %swap3A_1540 = arith.constant 3 : i32
    %swap3A_1541 = arith.index_cast %swap3A_1540 : i32 to index
    %swap3A_1542 = arith.constant 240 : index
    %swap3A_1543 = tpu.vector_load %arg10[%swap3A_1541, %swap3A_1542] {strides = array<i32>} : memref<8x256xf32, #tpu.memory_space<vmem>>, vector<1x16xf32>,
    %swap3A_1544 = vector.shape_cast %swap3A_1543 : vector<1x16xf32> to vector<16xf32>
    %swap3A_1545 = vector.shape_cast %add3A_1539 : vector<16xf32> to vector<1x16xf32>
    tpu.vector_store %arg10[%swap3A_1541, %swap3A_1542], %swap3A_1545 {strides = array<i32>} : memref<8x256xf32, #tpu.memory_space<vmem>>, vector<1x16xf32>,
    %get3A_1546 = arith.constant 4 : i32
    %get3A_1547 = arith.index_cast %get3A_1546 : i32 to index
    %get3A_1548 = arith.constant 0 : index
    %get3A_1549 = tpu.vector_load %arg8[%get3A_1547, %get3A_1548] {strides = array<i32>} : memref<8x256xf32, #tpu.memory_space<vmem>>, vector<1x16xf32>,
    %get3A_1550 = vector.shape_cast %get3A_1549 : vector<1x16xf32> to vector<16xf32>
    %get3A_1551 = arith.constant 4 : i32
    %get3A_1552 = arith.index_cast %get3A_1551 : i32 to index
    %get3A_1553 = arith.constant 0 : index
    %get3A_1554 = tpu.vector_load %arg9[%get3A_1552, %get3A_1553] {strides = array<i32>} : memref<8x256xf32, #tpu.memory_space<vmem>>, vector<1x16xf32>,
    %get3A_1555 = vector.shape_cast %get3A_1554 : vector<1x16xf32> to vector<16xf32>
    %exp3A_1556 = math.exp %get3A_1555 : vector<16xf32>
    %get3A_1557 = arith.constant 4 : i32
    %get3A_1558 = arith.index_cast %get3A_1557 : i32 to index
    %get3A_1559 = arith.constant 0 : index
    %get3A_1560 = tpu.vector_load %arg10[%get3A_1558, %get3A_1559] {strides = array<i32>} : memref<8x256xf32, #tpu.memory_space<vmem>>, vector<1x16xf32>,
    %get3A_1561 = vector.shape_cast %get3A_1560 : vector<1x16xf32> to vector<16xf32>
    %mul3A_1562 = arith.mulf %exp3A_1556, %get3A_1561 : vector<16xf32>
    %add3A_1563 = arith.addf %get3A_1550, %mul3A_1562 : vector<16xf32>
    %swap3A_1564 = arith.constant 4 : i32
    %swap3A_1565 = arith.index_cast %swap3A_1564 : i32 to index
    %swap3A_1566 = arith.constant 0 : index
    %swap3A_1567 = tpu.vector_load %arg10[%swap3A_1565, %swap3A_1566] {strides = array<i32>} : memref<8x256xf32, #tpu.memory_space<vmem>>, vector<1x16xf32>,
    %swap3A_1568 = vector.shape_cast %swap3A_1567 : vector<1x16xf32> to vector<16xf32>
    %swap3A_1569 = vector.shape_cast %add3A_1563 : vector<16xf32> to vector<1x16xf32>
    tpu.vector_store %arg10[%swap3A_1565, %swap3A_1566], %swap3A_1569 {strides = array<i32>} : memref<8x256xf32, #tpu.memory_space<vmem>>, vector<1x16xf32>,
    %get3A_1570 = arith.constant 4 : i32
    %get3A_1571 = arith.index_cast %get3A_1570 : i32 to index
    %get3A_1572 = arith.constant 16 : index
    %get3A_1573 = tpu.vector_load %arg8[%get3A_1571, %get3A_1572] {strides = array<i32>} : memref<8x256xf32, #tpu.memory_space<vmem>>, vector<1x16xf32>,
    %get3A_1574 = vector.shape_cast %get3A_1573 : vector<1x16xf32> to vector<16xf32>
    %get3A_1575 = arith.constant 4 : i32
    %get3A_1576 = arith.index_cast %get3A_1575 : i32 to index
    %get3A_1577 = arith.constant 16 : index
    %get3A_1578 = tpu.vector_load %arg9[%get3A_1576, %get3A_1577] {strides = array<i32>} : memref<8x256xf32, #tpu.memory_space<vmem>>, vector<1x16xf32>,
    %get3A_1579 = vector.shape_cast %get3A_1578 : vector<1x16xf32> to vector<16xf32>
    %exp3A_1580 = math.exp %get3A_1579 : vector<16xf32>
    %get3A_1581 = arith.constant 4 : i32
    %get3A_1582 = arith.index_cast %get3A_1581 : i32 to index
    %get3A_1583 = arith.constant 16 : index
    %get3A_1584 = tpu.vector_load %arg10[%get3A_1582, %get3A_1583] {strides = array<i32>} : memref<8x256xf32, #tpu.memory_space<vmem>>, vector<1x16xf32>,
    %get3A_1585 = vector.shape_cast %get3A_1584 : vector<1x16xf32> to vector<16xf32>
    %mul3A_1586 = arith.mulf %exp3A_1580, %get3A_1585 : vector<16xf32>
    %add3A_1587 = arith.addf %get3A_1574, %mul3A_1586 : vector<16xf32>
    %swap3A_1588 = arith.constant 4 : i32
    %swap3A_1589 = arith.index_cast %swap3A_1588 : i32 to index
    %swap3A_1590 = arith.constant 16 : index
    %swap3A_1591 = tpu.vector_load %arg10[%swap3A_1589, %swap3A_1590] {strides = array<i32>} : memref<8x256xf32, #tpu.memory_space<vmem>>, vector<1x16xf32>,
    %swap3A_1592 = vector.shape_cast %swap3A_1591 : vector<1x16xf32> to vector<16xf32>
    %swap3A_1593 = vector.shape_cast %add3A_1587 : vector<16xf32> to vector<1x16xf32>
    tpu.vector_store %arg10[%swap3A_1589, %swap3A_1590], %swap3A_1593 {strides = array<i32>} : memref<8x256xf32, #tpu.memory_space<vmem>>, vector<1x16xf32>,
    %get3A_1594 = arith.constant 4 : i32
    %get3A_1595 = arith.index_cast %get3A_1594 : i32 to index
    %get3A_1596 = arith.constant 32 : index
    %get3A_1597 = tpu.vector_load %arg8[%get3A_1595, %get3A_1596] {strides = array<i32>} : memref<8x256xf32, #tpu.memory_space<vmem>>, vector<1x16xf32>,
    %get3A_1598 = vector.shape_cast %get3A_1597 : vector<1x16xf32> to vector<16xf32>
    %get3A_1599 = arith.constant 4 : i32
    %get3A_1600 = arith.index_cast %get3A_1599 : i32 to index
    %get3A_1601 = arith.constant 32 : index
    %get3A_1602 = tpu.vector_load %arg9[%get3A_1600, %get3A_1601] {strides = array<i32>} : memref<8x256xf32, #tpu.memory_space<vmem>>, vector<1x16xf32>,
    %get3A_1603 = vector.shape_cast %get3A_1602 : vector<1x16xf32> to vector<16xf32>
    %exp3A_1604 = math.exp %get3A_1603 : vector<16xf32>
    %get3A_1605 = arith.constant 4 : i32
    %get3A_1606 = arith.index_cast %get3A_1605 : i32 to index
    %get3A_1607 = arith.constant 32 : index
    %get3A_1608 = tpu.vector_load %arg10[%get3A_1606, %get3A_1607] {strides = array<i32>} : memref<8x256xf32, #tpu.memory_space<vmem>>, vector<1x16xf32>,
    %get3A_1609 = vector.shape_cast %get3A_1608 : vector<1x16xf32> to vector<16xf32>
    %mul3A_1610 = arith.mulf %exp3A_1604, %get3A_1609 : vector<16xf32>
    %add3A_1611 = arith.addf %get3A_1598, %mul3A_1610 : vector<16xf32>
    %swap3A_1612 = arith.constant 4 : i32
    %swap3A_1613 = arith.index_cast %swap3A_1612 : i32 to index
    %swap3A_1614 = arith.constant 32 : index
    %swap3A_1615 = tpu.vector_load %arg10[%swap3A_1613, %swap3A_1614] {strides = array<i32>} : memref<8x256xf32, #tpu.memory_space<vmem>>, vector<1x16xf32>,
    %swap3A_1616 = vector.shape_cast %swap3A_1615 : vector<1x16xf32> to vector<16xf32>
    %swap3A_1617 = vector.shape_cast %add3A_1611 : vector<16xf32> to vector<1x16xf32>
    tpu.vector_store %arg10[%swap3A_1613, %swap3A_1614], %swap3A_1617 {strides = array<i32>} : memref<8x256xf32, #tpu.memory_space<vmem>>, vector<1x16xf32>,
    %get3A_1618 = arith.constant 4 : i32
    %get3A_1619 = arith.index_cast %get3A_1618 : i32 to index
    %get3A_1620 = arith.constant 48 : index
    %get3A_1621 = tpu.vector_load %arg8[%get3A_1619, %get3A_1620] {strides = array<i32>} : memref<8x256xf32, #tpu.memory_space<vmem>>, vector<1x16xf32>,
    %get3A_1622 = vector.shape_cast %get3A_1621 : vector<1x16xf32> to vector<16xf32>
    %get3A_1623 = arith.constant 4 : i32
    %get3A_1624 = arith.index_cast %get3A_1623 : i32 to index
    %get3A_1625 = arith.constant 48 : index
    %get3A_1626 = tpu.vector_load %arg9[%get3A_1624, %get3A_1625] {strides = array<i32>} : memref<8x256xf32, #tpu.memory_space<vmem>>, vector<1x16xf32>,
    %get3A_1627 = vector.shape_cast %get3A_1626 : vector<1x16xf32> to vector<16xf32>
    %exp3A_1628 = math.exp %get3A_1627 : vector<16xf32>
    %get3A_1629 = arith.constant 4 : i32
    %get3A_1630 = arith.index_cast %get3A_1629 : i32 to index
    %get3A_1631 = arith.constant 48 : index
    %get3A_1632 = tpu.vector_load %arg10[%get3A_1630, %get3A_1631] {strides = array<i32>} : memref<8x256xf32, #tpu.memory_space<vmem>>, vector<1x16xf32>,
    %get3A_1633 = vector.shape_cast %get3A_1632 : vector<1x16xf32> to vector<16xf32>
    %mul3A_1634 = arith.mulf %exp3A_1628, %get3A_1633 : vector<16xf32>
    %add3A_1635 = arith.addf %get3A_1622, %mul3A_1634 : vector<16xf32>
    %swap3A_1636 = arith.constant 4 : i32
    %swap3A_1637 = arith.index_cast %swap3A_1636 : i32 to index
    %swap3A_1638 = arith.constant 48 : index
    %swap3A_1639 = tpu.vector_load %arg10[%swap3A_1637, %swap3A_1638] {strides = array<i32>} : memref<8x256xf32, #tpu.memory_space<vmem>>, vector<1x16xf32>,
    %swap3A_1640 = vector.shape_cast %swap3A_1639 : vector<1x16xf32> to vector<16xf32>
    %swap3A_1641 = vector.shape_cast %add3A_1635 : vector<16xf32> to vector<1x16xf32>
    tpu.vector_store %arg10[%swap3A_1637, %swap3A_1638], %swap3A_1641 {strides = array<i32>} : memref<8x256xf32, #tpu.memory_space<vmem>>, vector<1x16xf32>,
    %get3A_1642 = arith.constant 4 : i32
    %get3A_1643 = arith.index_cast %get3A_1642 : i32 to index
    %get3A_1644 = arith.constant 64 : index
    %get3A_1645 = tpu.vector_load %arg8[%get3A_1643, %get3A_1644] {strides = array<i32>} : memref<8x256xf32, #tpu.memory_space<vmem>>, vector<1x16xf32>,
    %get3A_1646 = vector.shape_cast %get3A_1645 : vector<1x16xf32> to vector<16xf32>
    %get3A_1647 = arith.constant 4 : i32
    %get3A_1648 = arith.index_cast %get3A_1647 : i32 to index
    %get3A_1649 = arith.constant 64 : index
    %get3A_1650 = tpu.vector_load %arg9[%get3A_1648, %get3A_1649] {strides = array<i32>} : memref<8x256xf32, #tpu.memory_space<vmem>>, vector<1x16xf32>,
    %get3A_1651 = vector.shape_cast %get3A_1650 : vector<1x16xf32> to vector<16xf32>
    %exp3A_1652 = math.exp %get3A_1651 : vector<16xf32>
    %get3A_1653 = arith.constant 4 : i32
    %get3A_1654 = arith.index_cast %get3A_1653 : i32 to index
    %get3A_1655 = arith.constant 64 : index
    %get3A_1656 = tpu.vector_load %arg10[%get3A_1654, %get3A_1655] {strides = array<i32>} : memref<8x256xf32, #tpu.memory_space<vmem>>, vector<1x16xf32>,
    %get3A_1657 = vector.shape_cast %get3A_1656 : vector<1x16xf32> to vector<16xf32>
    %mul3A_1658 = arith.mulf %exp3A_1652, %get3A_1657 : vector<16xf32>
    %add3A_1659 = arith.addf %get3A_1646, %mul3A_1658 : vector<16xf32>
    %swap3A_1660 = arith.constant 4 : i32
    %swap3A_1661 = arith.index_cast %swap3A_1660 : i32 to index
    %swap3A_1662 = arith.constant 64 : index
    %swap3A_1663 = tpu.vector_load %arg10[%swap3A_1661, %swap3A_1662] {strides = array<i32>} : memref<8x256xf32, #tpu.memory_space<vmem>>, vector<1x16xf32>,
    %swap3A_1664 = vector.shape_cast %swap3A_1663 : vector<1x16xf32> to vector<16xf32>
    %swap3A_1665 = vector.shape_cast %add3A_1659 : vector<16xf32> to vector<1x16xf32>
    tpu.vector_store %arg10[%swap3A_1661, %swap3A_1662], %swap3A_1665 {strides = array<i32>} : memref<8x256xf32, #tpu.memory_space<vmem>>, vector<1x16xf32>,
    %get3A_1666 = arith.constant 4 : i32
    %get3A_1667 = arith.index_cast %get3A_1666 : i32 to index
    %get3A_1668 = arith.constant 80 : index
    %get3A_1669 = tpu.vector_load %arg8[%get3A_1667, %get3A_1668] {strides = array<i32>} : memref<8x256xf32, #tpu.memory_space<vmem>>, vector<1x16xf32>,
    %get3A_1670 = vector.shape_cast %get3A_1669 : vector<1x16xf32> to vector<16xf32>
    %get3A_1671 = arith.constant 4 : i32
    %get3A_1672 = arith.index_cast %get3A_1671 : i32 to index
    %get3A_1673 = arith.constant 80 : index
    %get3A_1674 = tpu.vector_load %arg9[%get3A_1672, %get3A_1673] {strides = array<i32>} : memref<8x256xf32, #tpu.memory_space<vmem>>, vector<1x16xf32>,
    %get3A_1675 = vector.shape_cast %get3A_1674 : vector<1x16xf32> to vector<16xf32>
    %exp3A_1676 = math.exp %get3A_1675 : vector<16xf32>
    %get3A_1677 = arith.constant 4 : i32
    %get3A_1678 = arith.index_cast %get3A_1677 : i32 to index
    %get3A_1679 = arith.constant 80 : index
    %get3A_1680 = tpu.vector_load %arg10[%get3A_1678, %get3A_1679] {strides = array<i32>} : memref<8x256xf32, #tpu.memory_space<vmem>>, vector<1x16xf32>,
    %get3A_1681 = vector.shape_cast %get3A_1680 : vector<1x16xf32> to vector<16xf32>
    %mul3A_1682 = arith.mulf %exp3A_1676, %get3A_1681 : vector<16xf32>
    %add3A_1683 = arith.addf %get3A_1670, %mul3A_1682 : vector<16xf32>
    %swap3A_1684 = arith.constant 4 : i32
    %swap3A_1685 = arith.index_cast %swap3A_1684 : i32 to index
    %swap3A_1686 = arith.constant 80 : index
    %swap3A_1687 = tpu.vector_load %arg10[%swap3A_1685, %swap3A_1686] {strides = array<i32>} : memref<8x256xf32, #tpu.memory_space<vmem>>, vector<1x16xf32>,
    %swap3A_1688 = vector.shape_cast %swap3A_1687 : vector<1x16xf32> to vector<16xf32>
    %swap3A_1689 = vector.shape_cast %add3A_1683 : vector<16xf32> to vector<1x16xf32>
    tpu.vector_store %arg10[%swap3A_1685, %swap3A_1686], %swap3A_1689 {strides = array<i32>} : memref<8x256xf32, #tpu.memory_space<vmem>>, vector<1x16xf32>,
    %get3A_1690 = arith.constant 4 : i32
    %get3A_1691 = arith.index_cast %get3A_1690 : i32 to index
    %get3A_1692 = arith.constant 96 : index
    %get3A_1693 = tpu.vector_load %arg8[%get3A_1691, %get3A_1692] {strides = array<i32>} : memref<8x256xf32, #tpu.memory_space<vmem>>, vector<1x16xf32>,
    %get3A_1694 = vector.shape_cast %get3A_1693 : vector<1x16xf32> to vector<16xf32>
    %get3A_1695 = arith.constant 4 : i32
    %get3A_1696 = arith.index_cast %get3A_1695 : i32 to index
    %get3A_1697 = arith.constant 96 : index
    %get3A_1698 = tpu.vector_load %arg9[%get3A_1696, %get3A_1697] {strides = array<i32>} : memref<8x256xf32, #tpu.memory_space<vmem>>, vector<1x16xf32>,
    %get3A_1699 = vector.shape_cast %get3A_1698 : vector<1x16xf32> to vector<16xf32>
    %exp3A_1700 = math.exp %get3A_1699 : vector<16xf32>
    %get3A_1701 = arith.constant 4 : i32
    %get3A_1702 = arith.index_cast %get3A_1701 : i32 to index
    %get3A_1703 = arith.constant 96 : index
    %get3A_1704 = tpu.vector_load %arg10[%get3A_1702, %get3A_1703] {strides = array<i32>} : memref<8x256xf32, #tpu.memory_space<vmem>>, vector<1x16xf32>,
    %get3A_1705 = vector.shape_cast %get3A_1704 : vector<1x16xf32> to vector<16xf32>
    %mul3A_1706 = arith.mulf %exp3A_1700, %get3A_1705 : vector<16xf32>
    %add3A_1707 = arith.addf %get3A_1694, %mul3A_1706 : vector<16xf32>
    %swap3A_1708 = arith.constant 4 : i32
    %swap3A_1709 = arith.index_cast %swap3A_1708 : i32 to index
    %swap3A_1710 = arith.constant 96 : index
    %swap3A_1711 = tpu.vector_load %arg10[%swap3A_1709, %swap3A_1710] {strides = array<i32>} : memref<8x256xf32, #tpu.memory_space<vmem>>, vector<1x16xf32>,
    %swap3A_1712 = vector.shape_cast %swap3A_1711 : vector<1x16xf32> to vector<16xf32>
    %swap3A_1713 = vector.shape_cast %add3A_1707 : vector<16xf32> to vector<1x16xf32>
    tpu.vector_store %arg10[%swap3A_1709, %swap3A_1710], %swap3A_1713 {strides = array<i32>} : memref<8x256xf32, #tpu.memory_space<vmem>>, vector<1x16xf32>,
    %get3A_1714 = arith.constant 4 : i32
    %get3A_1715 = arith.index_cast %get3A_1714 : i32 to index
    %get3A_1716 = arith.constant 112 : index
    %get3A_1717 = tpu.vector_load %arg8[%get3A_1715, %get3A_1716] {strides = array<i32>} : memref<8x256xf32, #tpu.memory_space<vmem>>, vector<1x16xf32>,
    %get3A_1718 = vector.shape_cast %get3A_1717 : vector<1x16xf32> to vector<16xf32>
    %get3A_1719 = arith.constant 4 : i32
    %get3A_1720 = arith.index_cast %get3A_1719 : i32 to index
    %get3A_1721 = arith.constant 112 : index
    %get3A_1722 = tpu.vector_load %arg9[%get3A_1720, %get3A_1721] {strides = array<i32>} : memref<8x256xf32, #tpu.memory_space<vmem>>, vector<1x16xf32>,
    %get3A_1723 = vector.shape_cast %get3A_1722 : vector<1x16xf32> to vector<16xf32>
    %exp3A_1724 = math.exp %get3A_1723 : vector<16xf32>
    %get3A_1725 = arith.constant 4 : i32
    %get3A_1726 = arith.index_cast %get3A_1725 : i32 to index
    %get3A_1727 = arith.constant 112 : index
    %get3A_1728 = tpu.vector_load %arg10[%get3A_1726, %get3A_1727] {strides = array<i32>} : memref<8x256xf32, #tpu.memory_space<vmem>>, vector<1x16xf32>,
    %get3A_1729 = vector.shape_cast %get3A_1728 : vector<1x16xf32> to vector<16xf32>
    %mul3A_1730 = arith.mulf %exp3A_1724, %get3A_1729 : vector<16xf32>
    %add3A_1731 = arith.addf %get3A_1718, %mul3A_1730 : vector<16xf32>
    %swap3A_1732 = arith.constant 4 : i32
    %swap3A_1733 = arith.index_cast %swap3A_1732 : i32 to index
    %swap3A_1734 = arith.constant 112 : index
    %swap3A_1735 = tpu.vector_load %arg10[%swap3A_1733, %swap3A_1734] {strides = array<i32>} : memref<8x256xf32, #tpu.memory_space<vmem>>, vector<1x16xf32>,
    %swap3A_1736 = vector.shape_cast %swap3A_1735 : vector<1x16xf32> to vector<16xf32>
    %swap3A_1737 = vector.shape_cast %add3A_1731 : vector<16xf32> to vector<1x16xf32>
    tpu.vector_store %arg10[%swap3A_1733, %swap3A_1734], %swap3A_1737 {strides = array<i32>} : memref<8x256xf32, #tpu.memory_space<vmem>>, vector<1x16xf32>,
    %get3A_1738 = arith.constant 4 : i32
    %get3A_1739 = arith.index_cast %get3A_1738 : i32 to index
    %get3A_1740 = arith.constant 128 : index
    %get3A_1741 = tpu.vector_load %arg8[%get3A_1739, %get3A_1740] {strides = array<i32>} : memref<8x256xf32, #tpu.memory_space<vmem>>, vector<1x16xf32>,
    %get3A_1742 = vector.shape_cast %get3A_1741 : vector<1x16xf32> to vector<16xf32>
    %get3A_1743 = arith.constant 4 : i32
    %get3A_1744 = arith.index_cast %get3A_1743 : i32 to index
    %get3A_1745 = arith.constant 128 : index
    %get3A_1746 = tpu.vector_load %arg9[%get3A_1744, %get3A_1745] {strides = array<i32>} : memref<8x256xf32, #tpu.memory_space<vmem>>, vector<1x16xf32>,
    %get3A_1747 = vector.shape_cast %get3A_1746 : vector<1x16xf32> to vector<16xf32>
    %exp3A_1748 = math.exp %get3A_1747 : vector<16xf32>
    %get3A_1749 = arith.constant 4 : i32
    %get3A_1750 = arith.index_cast %get3A_1749 : i32 to index
    %get3A_1751 = arith.constant 128 : index
    %get3A_1752 = tpu.vector_load %arg10[%get3A_1750, %get3A_1751] {strides = array<i32>} : memref<8x256xf32, #tpu.memory_space<vmem>>, vector<1x16xf32>,
    %get3A_1753 = vector.shape_cast %get3A_1752 : vector<1x16xf32> to vector<16xf32>
    %mul3A_1754 = arith.mulf %exp3A_1748, %get3A_1753 : vector<16xf32>
    %add3A_1755 = arith.addf %get3A_1742, %mul3A_1754 : vector<16xf32>
    %swap3A_1756 = arith.constant 4 : i32
    %swap3A_1757 = arith.index_cast %swap3A_1756 : i32 to index
    %swap3A_1758 = arith.constant 128 : index
    %swap3A_1759 = tpu.vector_load %arg10[%swap3A_1757, %swap3A_1758] {strides = array<i32>} : memref<8x256xf32, #tpu.memory_space<vmem>>, vector<1x16xf32>,
    %swap3A_1760 = vector.shape_cast %swap3A_1759 : vector<1x16xf32> to vector<16xf32>
    %swap3A_1761 = vector.shape_cast %add3A_1755 : vector<16xf32> to vector<1x16xf32>
    tpu.vector_store %arg10[%swap3A_1757, %swap3A_1758], %swap3A_1761 {strides = array<i32>} : memref<8x256xf32, #tpu.memory_space<vmem>>, vector<1x16xf32>,
    %get3A_1762 = arith.constant 4 : i32
    %get3A_1763 = arith.index_cast %get3A_1762 : i32 to index
    %get3A_1764 = arith.constant 144 : index
    %get3A_1765 = tpu.vector_load %arg8[%get3A_1763, %get3A_1764] {strides = array<i32>} : memref<8x256xf32, #tpu.memory_space<vmem>>, vector<1x16xf32>,
    %get3A_1766 = vector.shape_cast %get3A_1765 : vector<1x16xf32> to vector<16xf32>
    %get3A_1767 = arith.constant 4 : i32
    %get3A_1768 = arith.index_cast %get3A_1767 : i32 to index
    %get3A_1769 = arith.constant 144 : index
    %get3A_1770 = tpu.vector_load %arg9[%get3A_1768, %get3A_1769] {strides = array<i32>} : memref<8x256xf32, #tpu.memory_space<vmem>>, vector<1x16xf32>,
    %get3A_1771 = vector.shape_cast %get3A_1770 : vector<1x16xf32> to vector<16xf32>
    %exp3A_1772 = math.exp %get3A_1771 : vector<16xf32>
    %get3A_1773 = arith.constant 4 : i32
    %get3A_1774 = arith.index_cast %get3A_1773 : i32 to index
    %get3A_1775 = arith.constant 144 : index
    %get3A_1776 = tpu.vector_load %arg10[%get3A_1774, %get3A_1775] {strides = array<i32>} : memref<8x256xf32, #tpu.memory_space<vmem>>, vector<1x16xf32>,
    %get3A_1777 = vector.shape_cast %get3A_1776 : vector<1x16xf32> to vector<16xf32>
    %mul3A_1778 = arith.mulf %exp3A_1772, %get3A_1777 : vector<16xf32>
    %add3A_1779 = arith.addf %get3A_1766, %mul3A_1778 : vector<16xf32>
    %swap3A_1780 = arith.constant 4 : i32
    %swap3A_1781 = arith.index_cast %swap3A_1780 : i32 to index
    %swap3A_1782 = arith.constant 144 : index
    %swap3A_1783 = tpu.vector_load %arg10[%swap3A_1781, %swap3A_1782] {strides = array<i32>} : memref<8x256xf32, #tpu.memory_space<vmem>>, vector<1x16xf32>,
    %swap3A_1784 = vector.shape_cast %swap3A_1783 : vector<1x16xf32> to vector<16xf32>
    %swap3A_1785 = vector.shape_cast %add3A_1779 : vector<16xf32> to vector<1x16xf32>
    tpu.vector_store %arg10[%swap3A_1781, %swap3A_1782], %swap3A_1785 {strides = array<i32>} : memref<8x256xf32, #tpu.memory_space<vmem>>, vector<1x16xf32>,
    %get3A_1786 = arith.constant 4 : i32
    %get3A_1787 = arith.index_cast %get3A_1786 : i32 to index
    %get3A_1788 = arith.constant 160 : index
    %get3A_1789 = tpu.vector_load %arg8[%get3A_1787, %get3A_1788] {strides = array<i32>} : memref<8x256xf32, #tpu.memory_space<vmem>>, vector<1x16xf32>,
    %get3A_1790 = vector.shape_cast %get3A_1789 : vector<1x16xf32> to vector<16xf32>
    %get3A_1791 = arith.constant 4 : i32
    %get3A_1792 = arith.index_cast %get3A_1791 : i32 to index
    %get3A_1793 = arith.constant 160 : index
    %get3A_1794 = tpu.vector_load %arg9[%get3A_1792, %get3A_1793] {strides = array<i32>} : memref<8x256xf32, #tpu.memory_space<vmem>>, vector<1x16xf32>,
    %get3A_1795 = vector.shape_cast %get3A_1794 : vector<1x16xf32> to vector<16xf32>
    %exp3A_1796 = math.exp %get3A_1795 : vector<16xf32>
    %get3A_1797 = arith.constant 4 : i32
    %get3A_1798 = arith.index_cast %get3A_1797 : i32 to index
    %get3A_1799 = arith.constant 160 : index
    %get3A_1800 = tpu.vector_load %arg10[%get3A_1798, %get3A_1799] {strides = array<i32>} : memref<8x256xf32, #tpu.memory_space<vmem>>, vector<1x16xf32>,
    %get3A_1801 = vector.shape_cast %get3A_1800 : vector<1x16xf32> to vector<16xf32>
    %mul3A_1802 = arith.mulf %exp3A_1796, %get3A_1801 : vector<16xf32>
    %add3A_1803 = arith.addf %get3A_1790, %mul3A_1802 : vector<16xf32>
    %swap3A_1804 = arith.constant 4 : i32
    %swap3A_1805 = arith.index_cast %swap3A_1804 : i32 to index
    %swap3A_1806 = arith.constant 160 : index
    %swap3A_1807 = tpu.vector_load %arg10[%swap3A_1805, %swap3A_1806] {strides = array<i32>} : memref<8x256xf32, #tpu.memory_space<vmem>>, vector<1x16xf32>,
    %swap3A_1808 = vector.shape_cast %swap3A_1807 : vector<1x16xf32> to vector<16xf32>
    %swap3A_1809 = vector.shape_cast %add3A_1803 : vector<16xf32> to vector<1x16xf32>
    tpu.vector_store %arg10[%swap3A_1805, %swap3A_1806], %swap3A_1809 {strides = array<i32>} : memref<8x256xf32, #tpu.memory_space<vmem>>, vector<1x16xf32>,
    %get3A_1810 = arith.constant 4 : i32
    %get3A_1811 = arith.index_cast %get3A_1810 : i32 to index
    %get3A_1812 = arith.constant 176 : index
    %get3A_1813 = tpu.vector_load %arg8[%get3A_1811, %get3A_1812] {strides = array<i32>} : memref<8x256xf32, #tpu.memory_space<vmem>>, vector<1x16xf32>,
    %get3A_1814 = vector.shape_cast %get3A_1813 : vector<1x16xf32> to vector<16xf32>
    %get3A_1815 = arith.constant 4 : i32
    %get3A_1816 = arith.index_cast %get3A_1815 : i32 to index
    %get3A_1817 = arith.constant 176 : index
    %get3A_1818 = tpu.vector_load %arg9[%get3A_1816, %get3A_1817] {strides = array<i32>} : memref<8x256xf32, #tpu.memory_space<vmem>>, vector<1x16xf32>,
    %get3A_1819 = vector.shape_cast %get3A_1818 : vector<1x16xf32> to vector<16xf32>
    %exp3A_1820 = math.exp %get3A_1819 : vector<16xf32>
    %get3A_1821 = arith.constant 4 : i32
    %get3A_1822 = arith.index_cast %get3A_1821 : i32 to index
    %get3A_1823 = arith.constant 176 : index
    %get3A_1824 = tpu.vector_load %arg10[%get3A_1822, %get3A_1823] {strides = array<i32>} : memref<8x256xf32, #tpu.memory_space<vmem>>, vector<1x16xf32>,
    %get3A_1825 = vector.shape_cast %get3A_1824 : vector<1x16xf32> to vector<16xf32>
    %mul3A_1826 = arith.mulf %exp3A_1820, %get3A_1825 : vector<16xf32>
    %add3A_1827 = arith.addf %get3A_1814, %mul3A_1826 : vector<16xf32>
    %swap3A_1828 = arith.constant 4 : i32
    %swap3A_1829 = arith.index_cast %swap3A_1828 : i32 to index
    %swap3A_1830 = arith.constant 176 : index
    %swap3A_1831 = tpu.vector_load %arg10[%swap3A_1829, %swap3A_1830] {strides = array<i32>} : memref<8x256xf32, #tpu.memory_space<vmem>>, vector<1x16xf32>,
    %swap3A_1832 = vector.shape_cast %swap3A_1831 : vector<1x16xf32> to vector<16xf32>
    %swap3A_1833 = vector.shape_cast %add3A_1827 : vector<16xf32> to vector<1x16xf32>
    tpu.vector_store %arg10[%swap3A_1829, %swap3A_1830], %swap3A_1833 {strides = array<i32>} : memref<8x256xf32, #tpu.memory_space<vmem>>, vector<1x16xf32>,
    %get3A_1834 = arith.constant 4 : i32
    %get3A_1835 = arith.index_cast %get3A_1834 : i32 to index
    %get3A_1836 = arith.constant 192 : index
    %get3A_1837 = tpu.vector_load %arg8[%get3A_1835, %get3A_1836] {strides = array<i32>} : memref<8x256xf32, #tpu.memory_space<vmem>>, vector<1x16xf32>,
    %get3A_1838 = vector.shape_cast %get3A_1837 : vector<1x16xf32> to vector<16xf32>
    %get3A_1839 = arith.constant 4 : i32
    %get3A_1840 = arith.index_cast %get3A_1839 : i32 to index
    %get3A_1841 = arith.constant 192 : index
    %get3A_1842 = tpu.vector_load %arg9[%get3A_1840, %get3A_1841] {strides = array<i32>} : memref<8x256xf32, #tpu.memory_space<vmem>>, vector<1x16xf32>,
    %get3A_1843 = vector.shape_cast %get3A_1842 : vector<1x16xf32> to vector<16xf32>
    %exp3A_1844 = math.exp %get3A_1843 : vector<16xf32>
    %get3A_1845 = arith.constant 4 : i32
    %get3A_1846 = arith.index_cast %get3A_1845 : i32 to index
    %get3A_1847 = arith.constant 192 : index
    %get3A_1848 = tpu.vector_load %arg10[%get3A_1846, %get3A_1847] {strides = array<i32>} : memref<8x256xf32, #tpu.memory_space<vmem>>, vector<1x16xf32>,
    %get3A_1849 = vector.shape_cast %get3A_1848 : vector<1x16xf32> to vector<16xf32>
    %mul3A_1850 = arith.mulf %exp3A_1844, %get3A_1849 : vector<16xf32>
    %add3A_1851 = arith.addf %get3A_1838, %mul3A_1850 : vector<16xf32>
    %swap3A_1852 = arith.constant 4 : i32
    %swap3A_1853 = arith.index_cast %swap3A_1852 : i32 to index
    %swap3A_1854 = arith.constant 192 : index
    %swap3A_1855 = tpu.vector_load %arg10[%swap3A_1853, %swap3A_1854] {strides = array<i32>} : memref<8x256xf32, #tpu.memory_space<vmem>>, vector<1x16xf32>,
    %swap3A_1856 = vector.shape_cast %swap3A_1855 : vector<1x16xf32> to vector<16xf32>
    %swap3A_1857 = vector.shape_cast %add3A_1851 : vector<16xf32> to vector<1x16xf32>
    tpu.vector_store %arg10[%swap3A_1853, %swap3A_1854], %swap3A_1857 {strides = array<i32>} : memref<8x256xf32, #tpu.memory_space<vmem>>, vector<1x16xf32>,
    %get3A_1858 = arith.constant 4 : i32
    %get3A_1859 = arith.index_cast %get3A_1858 : i32 to index
    %get3A_1860 = arith.constant 208 : index
    %get3A_1861 = tpu.vector_load %arg8[%get3A_1859, %get3A_1860] {strides = array<i32>} : memref<8x256xf32, #tpu.memory_space<vmem>>, vector<1x16xf32>,
    %get3A_1862 = vector.shape_cast %get3A_1861 : vector<1x16xf32> to vector<16xf32>
    %get3A_1863 = arith.constant 4 : i32
    %get3A_1864 = arith.index_cast %get3A_1863 : i32 to index
    %get3A_1865 = arith.constant 208 : index
    %get3A_1866 = tpu.vector_load %arg9[%get3A_1864, %get3A_1865] {strides = array<i32>} : memref<8x256xf32, #tpu.memory_space<vmem>>, vector<1x16xf32>,
    %get3A_1867 = vector.shape_cast %get3A_1866 : vector<1x16xf32> to vector<16xf32>
    %exp3A_1868 = math.exp %get3A_1867 : vector<16xf32>
    %get3A_1869 = arith.constant 4 : i32
    %get3A_1870 = arith.index_cast %get3A_1869 : i32 to index
    %get3A_1871 = arith.constant 208 : index
    %get3A_1872 = tpu.vector_load %arg10[%get3A_1870, %get3A_1871] {strides = array<i32>} : memref<8x256xf32, #tpu.memory_space<vmem>>, vector<1x16xf32>,
    %get3A_1873 = vector.shape_cast %get3A_1872 : vector<1x16xf32> to vector<16xf32>
    %mul3A_1874 = arith.mulf %exp3A_1868, %get3A_1873 : vector<16xf32>
    %add3A_1875 = arith.addf %get3A_1862, %mul3A_1874 : vector<16xf32>
    %swap3A_1876 = arith.constant 4 : i32
    %swap3A_1877 = arith.index_cast %swap3A_1876 : i32 to index
    %swap3A_1878 = arith.constant 208 : index
    %swap3A_1879 = tpu.vector_load %arg10[%swap3A_1877, %swap3A_1878] {strides = array<i32>} : memref<8x256xf32, #tpu.memory_space<vmem>>, vector<1x16xf32>,
    %swap3A_1880 = vector.shape_cast %swap3A_1879 : vector<1x16xf32> to vector<16xf32>
    %swap3A_1881 = vector.shape_cast %add3A_1875 : vector<16xf32> to vector<1x16xf32>
    tpu.vector_store %arg10[%swap3A_1877, %swap3A_1878], %swap3A_1881 {strides = array<i32>} : memref<8x256xf32, #tpu.memory_space<vmem>>, vector<1x16xf32>,
    %get3A_1882 = arith.constant 4 : i32
    %get3A_1883 = arith.index_cast %get3A_1882 : i32 to index
    %get3A_1884 = arith.constant 224 : index
    %get3A_1885 = tpu.vector_load %arg8[%get3A_1883, %get3A_1884] {strides = array<i32>} : memref<8x256xf32, #tpu.memory_space<vmem>>, vector<1x16xf32>,
    %get3A_1886 = vector.shape_cast %get3A_1885 : vector<1x16xf32> to vector<16xf32>
    %get3A_1887 = arith.constant 4 : i32
    %get3A_1888 = arith.index_cast %get3A_1887 : i32 to index
    %get3A_1889 = arith.constant 224 : index
    %get3A_1890 = tpu.vector_load %arg9[%get3A_1888, %get3A_1889] {strides = array<i32>} : memref<8x256xf32, #tpu.memory_space<vmem>>, vector<1x16xf32>,
    %get3A_1891 = vector.shape_cast %get3A_1890 : vector<1x16xf32> to vector<16xf32>
    %exp3A_1892 = math.exp %get3A_1891 : vector<16xf32>
    %get3A_1893 = arith.constant 4 : i32
    %get3A_1894 = arith.index_cast %get3A_1893 : i32 to index
    %get3A_1895 = arith.constant 224 : index
    %get3A_1896 = tpu.vector_load %arg10[%get3A_1894, %get3A_1895] {strides = array<i32>} : memref<8x256xf32, #tpu.memory_space<vmem>>, vector<1x16xf32>,
    %get3A_1897 = vector.shape_cast %get3A_1896 : vector<1x16xf32> to vector<16xf32>
    %mul3A_1898 = arith.mulf %exp3A_1892, %get3A_1897 : vector<16xf32>
    %add3A_1899 = arith.addf %get3A_1886, %mul3A_1898 : vector<16xf32>
    %swap3A_1900 = arith.constant 4 : i32
    %swap3A_1901 = arith.index_cast %swap3A_1900 : i32 to index
    %swap3A_1902 = arith.constant 224 : index
    %swap3A_1903 = tpu.vector_load %arg10[%swap3A_1901, %swap3A_1902] {strides = array<i32>} : memref<8x256xf32, #tpu.memory_space<vmem>>, vector<1x16xf32>,
    %swap3A_1904 = vector.shape_cast %swap3A_1903 : vector<1x16xf32> to vector<16xf32>
    %swap3A_1905 = vector.shape_cast %add3A_1899 : vector<16xf32> to vector<1x16xf32>
    tpu.vector_store %arg10[%swap3A_1901, %swap3A_1902], %swap3A_1905 {strides = array<i32>} : memref<8x256xf32, #tpu.memory_space<vmem>>, vector<1x16xf32>,
    %get3A_1906 = arith.constant 4 : i32
    %get3A_1907 = arith.index_cast %get3A_1906 : i32 to index
    %get3A_1908 = arith.constant 240 : index
    %get3A_1909 = tpu.vector_load %arg8[%get3A_1907, %get3A_1908] {strides = array<i32>} : memref<8x256xf32, #tpu.memory_space<vmem>>, vector<1x16xf32>,
    %get3A_1910 = vector.shape_cast %get3A_1909 : vector<1x16xf32> to vector<16xf32>
    %get3A_1911 = arith.constant 4 : i32
    %get3A_1912 = arith.index_cast %get3A_1911 : i32 to index
    %get3A_1913 = arith.constant 240 : index
    %get3A_1914 = tpu.vector_load %arg9[%get3A_1912, %get3A_1913] {strides = array<i32>} : memref<8x256xf32, #tpu.memory_space<vmem>>, vector<1x16xf32>,
    %get3A_1915 = vector.shape_cast %get3A_1914 : vector<1x16xf32> to vector<16xf32>
    %exp3A_1916 = math.exp %get3A_1915 : vector<16xf32>
    %get3A_1917 = arith.constant 4 : i32
    %get3A_1918 = arith.index_cast %get3A_1917 : i32 to index
    %get3A_1919 = arith.constant 240 : index
    %get3A_1920 = tpu.vector_load %arg10[%get3A_1918, %get3A_1919] {strides = array<i32>} : memref<8x256xf32, #tpu.memory_space<vmem>>, vector<1x16xf32>,
    %get3A_1921 = vector.shape_cast %get3A_1920 : vector<1x16xf32> to vector<16xf32>
    %mul3A_1922 = arith.mulf %exp3A_1916, %get3A_1921 : vector<16xf32>
    %add3A_1923 = arith.addf %get3A_1910, %mul3A_1922 : vector<16xf32>
    %swap3A_1924 = arith.constant 4 : i32
    %swap3A_1925 = arith.index_cast %swap3A_1924 : i32 to index
    %swap3A_1926 = arith.constant 240 : index
    %swap3A_1927 = tpu.vector_load %arg10[%swap3A_1925, %swap3A_1926] {strides = array<i32>} : memref<8x256xf32, #tpu.memory_space<vmem>>, vector<1x16xf32>,
    %swap3A_1928 = vector.shape_cast %swap3A_1927 : vector<1x16xf32> to vector<16xf32>
    %swap3A_1929 = vector.shape_cast %add3A_1923 : vector<16xf32> to vector<1x16xf32>
    tpu.vector_store %arg10[%swap3A_1925, %swap3A_1926], %swap3A_1929 {strides = array<i32>} : memref<8x256xf32, #tpu.memory_space<vmem>>, vector<1x16xf32>,
    %get3A_1930 = arith.constant 5 : i32
    %get3A_1931 = arith.index_cast %get3A_1930 : i32 to index
    %get3A_1932 = arith.constant 0 : index
    %get3A_1933 = tpu.vector_load %arg8[%get3A_1931, %get3A_1932] {strides = array<i32>} : memref<8x256xf32, #tpu.memory_space<vmem>>, vector<1x16xf32>,
    %get3A_1934 = vector.shape_cast %get3A_1933 : vector<1x16xf32> to vector<16xf32>
    %get3A_1935 = arith.constant 5 : i32
    %get3A_1936 = arith.index_cast %get3A_1935 : i32 to index
    %get3A_1937 = arith.constant 0 : index
    %get3A_1938 = tpu.vector_load %arg9[%get3A_1936, %get3A_1937] {strides = array<i32>} : memref<8x256xf32, #tpu.memory_space<vmem>>, vector<1x16xf32>,
    %get3A_1939 = vector.shape_cast %get3A_1938 : vector<1x16xf32> to vector<16xf32>
    %exp3A_1940 = math.exp %get3A_1939 : vector<16xf32>
    %get3A_1941 = arith.constant 5 : i32
    %get3A_1942 = arith.index_cast %get3A_1941 : i32 to index
    %get3A_1943 = arith.constant 0 : index
    %get3A_1944 = tpu.vector_load %arg10[%get3A_1942, %get3A_1943] {strides = array<i32>} : memref<8x256xf32, #tpu.memory_space<vmem>>, vector<1x16xf32>,
    %get3A_1945 = vector.shape_cast %get3A_1944 : vector<1x16xf32> to vector<16xf32>
    %mul3A_1946 = arith.mulf %exp3A_1940, %get3A_1945 : vector<16xf32>
    %add3A_1947 = arith.addf %get3A_1934, %mul3A_1946 : vector<16xf32>
    %swap3A_1948 = arith.constant 5 : i32
    %swap3A_1949 = arith.index_cast %swap3A_1948 : i32 to index
    %swap3A_1950 = arith.constant 0 : index
    %swap3A_1951 = tpu.vector_load %arg10[%swap3A_1949, %swap3A_1950] {strides = array<i32>} : memref<8x256xf32, #tpu.memory_space<vmem>>, vector<1x16xf32>,
    %swap3A_1952 = vector.shape_cast %swap3A_1951 : vector<1x16xf32> to vector<16xf32>
    %swap3A_1953 = vector.shape_cast %add3A_1947 : vector<16xf32> to vector<1x16xf32>
    tpu.vector_store %arg10[%swap3A_1949, %swap3A_1950], %swap3A_1953 {strides = array<i32>} : memref<8x256xf32, #tpu.memory_space<vmem>>, vector<1x16xf32>,
    %get3A_1954 = arith.constant 5 : i32
    %get3A_1955 = arith.index_cast %get3A_1954 : i32 to index
    %get3A_1956 = arith.constant 16 : index
    %get3A_1957 = tpu.vector_load %arg8[%get3A_1955, %get3A_1956] {strides = array<i32>} : memref<8x256xf32, #tpu.memory_space<vmem>>, vector<1x16xf32>,
    %get3A_1958 = vector.shape_cast %get3A_1957 : vector<1x16xf32> to vector<16xf32>
    %get3A_1959 = arith.constant 5 : i32
    %get3A_1960 = arith.index_cast %get3A_1959 : i32 to index
    %get3A_1961 = arith.constant 16 : index
    %get3A_1962 = tpu.vector_load %arg9[%get3A_1960, %get3A_1961] {strides = array<i32>} : memref<8x256xf32, #tpu.memory_space<vmem>>, vector<1x16xf32>,
    %get3A_1963 = vector.shape_cast %get3A_1962 : vector<1x16xf32> to vector<16xf32>
    %exp3A_1964 = math.exp %get3A_1963 : vector<16xf32>
    %get3A_1965 = arith.constant 5 : i32
    %get3A_1966 = arith.index_cast %get3A_1965 : i32 to index
    %get3A_1967 = arith.constant 16 : index
    %get3A_1968 = tpu.vector_load %arg10[%get3A_1966, %get3A_1967] {strides = array<i32>} : memref<8x256xf32, #tpu.memory_space<vmem>>, vector<1x16xf32>,
    %get3A_1969 = vector.shape_cast %get3A_1968 : vector<1x16xf32> to vector<16xf32>
    %mul3A_1970 = arith.mulf %exp3A_1964, %get3A_1969 : vector<16xf32>
    %add3A_1971 = arith.addf %get3A_1958, %mul3A_1970 : vector<16xf32>
    %swap3A_1972 = arith.constant 5 : i32
    %swap3A_1973 = arith.index_cast %swap3A_1972 : i32 to index
    %swap3A_1974 = arith.constant 16 : index
    %swap3A_1975 = tpu.vector_load %arg10[%swap3A_1973, %swap3A_1974] {strides = array<i32>} : memref<8x256xf32, #tpu.memory_space<vmem>>, vector<1x16xf32>,
    %swap3A_1976 = vector.shape_cast %swap3A_1975 : vector<1x16xf32> to vector<16xf32>
    %swap3A_1977 = vector.shape_cast %add3A_1971 : vector<16xf32> to vector<1x16xf32>
    tpu.vector_store %arg10[%swap3A_1973, %swap3A_1974], %swap3A_1977 {strides = array<i32>} : memref<8x256xf32, #tpu.memory_space<vmem>>, vector<1x16xf32>,
    %get3A_1978 = arith.constant 5 : i32
    %get3A_1979 = arith.index_cast %get3A_1978 : i32 to index
    %get3A_1980 = arith.constant 32 : index
    %get3A_1981 = tpu.vector_load %arg8[%get3A_1979, %get3A_1980] {strides = array<i32>} : memref<8x256xf32, #tpu.memory_space<vmem>>, vector<1x16xf32>,
    %get3A_1982 = vector.shape_cast %get3A_1981 : vector<1x16xf32> to vector<16xf32>
    %get3A_1983 = arith.constant 5 : i32
    %get3A_1984 = arith.index_cast %get3A_1983 : i32 to index
    %get3A_1985 = arith.constant 32 : index
    %get3A_1986 = tpu.vector_load %arg9[%get3A_1984, %get3A_1985] {strides = array<i32>} : memref<8x256xf32, #tpu.memory_space<vmem>>, vector<1x16xf32>,
    %get3A_1987 = vector.shape_cast %get3A_1986 : vector<1x16xf32> to vector<16xf32>
    %exp3A_1988 = math.exp %get3A_1987 : vector<16xf32>
    %get3A_1989 = arith.constant 5 : i32
    %get3A_1990 = arith.index_cast %get3A_1989 : i32 to index
    %get3A_1991 = arith.constant 32 : index
    %get3A_1992 = tpu.vector_load %arg10[%get3A_1990, %get3A_1991] {strides = array<i32>} : memref<8x256xf32, #tpu.memory_space<vmem>>, vector<1x16xf32>,
    %get3A_1993 = vector.shape_cast %get3A_1992 : vector<1x16xf32> to vector<16xf32>
    %mul3A_1994 = arith.mulf %exp3A_1988, %get3A_1993 : vector<16xf32>
    %add3A_1995 = arith.addf %get3A_1982, %mul3A_1994 : vector<16xf32>
    %swap3A_1996 = arith.constant 5 : i32
    %swap3A_1997 = arith.index_cast %swap3A_1996 : i32 to index
    %swap3A_1998 = arith.constant 32 : index
    %swap3A_1999 = tpu.vector_load %arg10[%swap3A_1997, %swap3A_1998] {strides = array<i32>} : memref<8x256xf32, #tpu.memory_space<vmem>>, vector<1x16xf32>,
    %swap3A_2000 = vector.shape_cast %swap3A_1999 : vector<1x16xf32> to vector<16xf32>
    %swap3A_2001 = vector.shape_cast %add3A_1995 : vector<16xf32> to vector<1x16xf32>
    tpu.vector_store %arg10[%swap3A_1997, %swap3A_1998], %swap3A_2001 {strides = array<i32>} : memref<8x256xf32, #tpu.memory_space<vmem>>, vector<1x16xf32>,
    %get3A_2002 = arith.constant 5 : i32
    %get3A_2003 = arith.index_cast %get3A_2002 : i32 to index
    %get3A_2004 = arith.constant 48 : index
    %get3A_2005 = tpu.vector_load %arg8[%get3A_2003, %get3A_2004] {strides = array<i32>} : memref<8x256xf32, #tpu.memory_space<vmem>>, vector<1x16xf32>,
    %get3A_2006 = vector.shape_cast %get3A_2005 : vector<1x16xf32> to vector<16xf32>
    %get3A_2007 = arith.constant 5 : i32
    %get3A_2008 = arith.index_cast %get3A_2007 : i32 to index
    %get3A_2009 = arith.constant 48 : index
    %get3A_2010 = tpu.vector_load %arg9[%get3A_2008, %get3A_2009] {strides = array<i32>} : memref<8x256xf32, #tpu.memory_space<vmem>>, vector<1x16xf32>,
    %get3A_2011 = vector.shape_cast %get3A_2010 : vector<1x16xf32> to vector<16xf32>
    %exp3A_2012 = math.exp %get3A_2011 : vector<16xf32>
    %get3A_2013 = arith.constant 5 : i32
    %get3A_2014 = arith.index_cast %get3A_2013 : i32 to index
    %get3A_2015 = arith.constant 48 : index
    %get3A_2016 = tpu.vector_load %arg10[%get3A_2014, %get3A_2015] {strides = array<i32>} : memref<8x256xf32, #tpu.memory_space<vmem>>, vector<1x16xf32>,
    %get3A_2017 = vector.shape_cast %get3A_2016 : vector<1x16xf32> to vector<16xf32>
    %mul3A_2018 = arith.mulf %exp3A_2012, %get3A_2017 : vector<16xf32>
    %add3A_2019 = arith.addf %get3A_2006, %mul3A_2018 : vector<16xf32>
    %swap3A_2020 = arith.constant 5 : i32
    %swap3A_2021 = arith.index_cast %swap3A_2020 : i32 to index
    %swap3A_2022 = arith.constant 48 : index
    %swap3A_2023 = tpu.vector_load %arg10[%swap3A_2021, %swap3A_2022] {strides = array<i32>} : memref<8x256xf32, #tpu.memory_space<vmem>>, vector<1x16xf32>,
    %swap3A_2024 = vector.shape_cast %swap3A_2023 : vector<1x16xf32> to vector<16xf32>
    %swap3A_2025 = vector.shape_cast %add3A_2019 : vector<16xf32> to vector<1x16xf32>
    tpu.vector_store %arg10[%swap3A_2021, %swap3A_2022], %swap3A_2025 {strides = array<i32>} : memref<8x256xf32, #tpu.memory_space<vmem>>, vector<1x16xf32>,
    %get3A_2026 = arith.constant 5 : i32
    %get3A_2027 = arith.index_cast %get3A_2026 : i32 to index
    %get3A_2028 = arith.constant 64 : index
    %get3A_2029 = tpu.vector_load %arg8[%get3A_2027, %get3A_2028] {strides = array<i32>} : memref<8x256xf32, #tpu.memory_space<vmem>>, vector<1x16xf32>,
    %get3A_2030 = vector.shape_cast %get3A_2029 : vector<1x16xf32> to vector<16xf32>
    %get3A_2031 = arith.constant 5 : i32
    %get3A_2032 = arith.index_cast %get3A_2031 : i32 to index
    %get3A_2033 = arith.constant 64 : index
    %get3A_2034 = tpu.vector_load %arg9[%get3A_2032, %get3A_2033] {strides = array<i32>} : memref<8x256xf32, #tpu.memory_space<vmem>>, vector<1x16xf32>,
    %get3A_2035 = vector.shape_cast %get3A_2034 : vector<1x16xf32> to vector<16xf32>
    %exp3A_2036 = math.exp %get3A_2035 : vector<16xf32>
    %get3A_2037 = arith.constant 5 : i32
    %get3A_2038 = arith.index_cast %get3A_2037 : i32 to index
    %get3A_2039 = arith.constant 64 : index
    %get3A_2040 = tpu.vector_load %arg10[%get3A_2038, %get3A_2039] {strides = array<i32>} : memref<8x256xf32, #tpu.memory_space<vmem>>, vector<1x16xf32>,
    %get3A_2041 = vector.shape_cast %get3A_2040 : vector<1x16xf32> to vector<16xf32>
    %mul3A_2042 = arith.mulf %exp3A_2036, %get3A_2041 : vector<16xf32>
    %add3A_2043 = arith.addf %get3A_2030, %mul3A_2042 : vector<16xf32>
    %swap3A_2044 = arith.constant 5 : i32
    %swap3A_2045 = arith.index_cast %swap3A_2044 : i32 to index
    %swap3A_2046 = arith.constant 64 : index
    %swap3A_2047 = tpu.vector_load %arg10[%swap3A_2045, %swap3A_2046] {strides = array<i32>} : memref<8x256xf32, #tpu.memory_space<vmem>>, vector<1x16xf32>,
    %swap3A_2048 = vector.shape_cast %swap3A_2047 : vector<1x16xf32> to vector<16xf32>
    %swap3A_2049 = vector.shape_cast %add3A_2043 : vector<16xf32> to vector<1x16xf32>
    tpu.vector_store %arg10[%swap3A_2045, %swap3A_2046], %swap3A_2049 {strides = array<i32>} : memref<8x256xf32, #tpu.memory_space<vmem>>, vector<1x16xf32>,
    %get3A_2050 = arith.constant 5 : i32
    %get3A_2051 = arith.index_cast %get3A_2050 : i32 to index
    %get3A_2052 = arith.constant 80 : index
    %get3A_2053 = tpu.vector_load %arg8[%get3A_2051, %get3A_2052] {strides = array<i32>} : memref<8x256xf32, #tpu.memory_space<vmem>>, vector<1x16xf32>,
    %get3A_2054 = vector.shape_cast %get3A_2053 : vector<1x16xf32> to vector<16xf32>
    %get3A_2055 = arith.constant 5 : i32
    %get3A_2056 = arith.index_cast %get3A_2055 : i32 to index
    %get3A_2057 = arith.constant 80 : index
    %get3A_2058 = tpu.vector_load %arg9[%get3A_2056, %get3A_2057] {strides = array<i32>} : memref<8x256xf32, #tpu.memory_space<vmem>>, vector<1x16xf32>,
    %get3A_2059 = vector.shape_cast %get3A_2058 : vector<1x16xf32> to vector<16xf32>
    %exp3A_2060 = math.exp %get3A_2059 : vector<16xf32>
    %get3A_2061 = arith.constant 5 : i32
    %get3A_2062 = arith.index_cast %get3A_2061 : i32 to index
    %get3A_2063 = arith.constant 80 : index
    %get3A_2064 = tpu.vector_load %arg10[%get3A_2062, %get3A_2063] {strides = array<i32>} : memref<8x256xf32, #tpu.memory_space<vmem>>, vector<1x16xf32>,
    %get3A_2065 = vector.shape_cast %get3A_2064 : vector<1x16xf32> to vector<16xf32>
    %mul3A_2066 = arith.mulf %exp3A_2060, %get3A_2065 : vector<16xf32>
    %add3A_2067 = arith.addf %get3A_2054, %mul3A_2066 : vector<16xf32>
    %swap3A_2068 = arith.constant 5 : i32
    %swap3A_2069 = arith.index_cast %swap3A_2068 : i32 to index
    %swap3A_2070 = arith.constant 80 : index
    %swap3A_2071 = tpu.vector_load %arg10[%swap3A_2069, %swap3A_2070] {strides = array<i32>} : memref<8x256xf32, #tpu.memory_space<vmem>>, vector<1x16xf32>,
    %swap3A_2072 = vector.shape_cast %swap3A_2071 : vector<1x16xf32> to vector<16xf32>
    %swap3A_2073 = vector.shape_cast %add3A_2067 : vector<16xf32> to vector<1x16xf32>
    tpu.vector_store %arg10[%swap3A_2069, %swap3A_2070], %swap3A_2073 {strides = array<i32>} : memref<8x256xf32, #tpu.memory_space<vmem>>, vector<1x16xf32>,
    %get3A_2074 = arith.constant 5 : i32
    %get3A_2075 = arith.index_cast %get3A_2074 : i32 to index
    %get3A_2076 = arith.constant 96 : index
    %get3A_2077 = tpu.vector_load %arg8[%get3A_2075, %get3A_2076] {strides = array<i32>} : memref<8x256xf32, #tpu.memory_space<vmem>>, vector<1x16xf32>,
    %get3A_2078 = vector.shape_cast %get3A_2077 : vector<1x16xf32> to vector<16xf32>
    %get3A_2079 = arith.constant 5 : i32
    %get3A_2080 = arith.index_cast %get3A_2079 : i32 to index
    %get3A_2081 = arith.constant 96 : index
    %get3A_2082 = tpu.vector_load %arg9[%get3A_2080, %get3A_2081] {strides = array<i32>} : memref<8x256xf32, #tpu.memory_space<vmem>>, vector<1x16xf32>,
    %get3A_2083 = vector.shape_cast %get3A_2082 : vector<1x16xf32> to vector<16xf32>
    %exp3A_2084 = math.exp %get3A_2083 : vector<16xf32>
    %get3A_2085 = arith.constant 5 : i32
    %get3A_2086 = arith.index_cast %get3A_2085 : i32 to index
    %get3A_2087 = arith.constant 96 : index
    %get3A_2088 = tpu.vector_load %arg10[%get3A_2086, %get3A_2087] {strides = array<i32>} : memref<8x256xf32, #tpu.memory_space<vmem>>, vector<1x16xf32>,
    %get3A_2089 = vector.shape_cast %get3A_2088 : vector<1x16xf32> to vector<16xf32>
    %mul3A_2090 = arith.mulf %exp3A_2084, %get3A_2089 : vector<16xf32>
    %add3A_2091 = arith.addf %get3A_2078, %mul3A_2090 : vector<16xf32>
    %swap3A_2092 = arith.constant 5 : i32
    %swap3A_2093 = arith.index_cast %swap3A_2092 : i32 to index
    %swap3A_2094 = arith.constant 96 : index
    %swap3A_2095 = tpu.vector_load %arg10[%swap3A_2093, %swap3A_2094] {strides = array<i32>} : memref<8x256xf32, #tpu.memory_space<vmem>>, vector<1x16xf32>,
    %swap3A_2096 = vector.shape_cast %swap3A_2095 : vector<1x16xf32> to vector<16xf32>
    %swap3A_2097 = vector.shape_cast %add3A_2091 : vector<16xf32> to vector<1x16xf32>
    tpu.vector_store %arg10[%swap3A_2093, %swap3A_2094], %swap3A_2097 {strides = array<i32>} : memref<8x256xf32, #tpu.memory_space<vmem>>, vector<1x16xf32>,
    %get3A_2098 = arith.constant 5 : i32
    %get3A_2099 = arith.index_cast %get3A_2098 : i32 to index
    %get3A_2100 = arith.constant 112 : index
    %get3A_2101 = tpu.vector_load %arg8[%get3A_2099, %get3A_2100] {strides = array<i32>} : memref<8x256xf32, #tpu.memory_space<vmem>>, vector<1x16xf32>,
    %get3A_2102 = vector.shape_cast %get3A_2101 : vector<1x16xf32> to vector<16xf32>
    %get3A_2103 = arith.constant 5 : i32
    %get3A_2104 = arith.index_cast %get3A_2103 : i32 to index
    %get3A_2105 = arith.constant 112 : index
    %get3A_2106 = tpu.vector_load %arg9[%get3A_2104, %get3A_2105] {strides = array<i32>} : memref<8x256xf32, #tpu.memory_space<vmem>>, vector<1x16xf32>,
    %get3A_2107 = vector.shape_cast %get3A_2106 : vector<1x16xf32> to vector<16xf32>
    %exp3A_2108 = math.exp %get3A_2107 : vector<16xf32>
    %get3A_2109 = arith.constant 5 : i32
    %get3A_2110 = arith.index_cast %get3A_2109 : i32 to index
    %get3A_2111 = arith.constant 112 : index
    %get3A_2112 = tpu.vector_load %arg10[%get3A_2110, %get3A_2111] {strides = array<i32>} : memref<8x256xf32, #tpu.memory_space<vmem>>, vector<1x16xf32>,
    %get3A_2113 = vector.shape_cast %get3A_2112 : vector<1x16xf32> to vector<16xf32>
    %mul3A_2114 = arith.mulf %exp3A_2108, %get3A_2113 : vector<16xf32>
    %add3A_2115 = arith.addf %get3A_2102, %mul3A_2114 : vector<16xf32>
    %swap3A_2116 = arith.constant 5 : i32
    %swap3A_2117 = arith.index_cast %swap3A_2116 : i32 to index
    %swap3A_2118 = arith.constant 112 : index
    %swap3A_2119 = tpu.vector_load %arg10[%swap3A_2117, %swap3A_2118] {strides = array<i32>} : memref<8x256xf32, #tpu.memory_space<vmem>>, vector<1x16xf32>,
    %swap3A_2120 = vector.shape_cast %swap3A_2119 : vector<1x16xf32> to vector<16xf32>
    %swap3A_2121 = vector.shape_cast %add3A_2115 : vector<16xf32> to vector<1x16xf32>
    tpu.vector_store %arg10[%swap3A_2117, %swap3A_2118], %swap3A_2121 {strides = array<i32>} : memref<8x256xf32, #tpu.memory_space<vmem>>, vector<1x16xf32>,
    %get3A_2122 = arith.constant 5 : i32
    %get3A_2123 = arith.index_cast %get3A_2122 : i32 to index
    %get3A_2124 = arith.constant 128 : index
    %get3A_2125 = tpu.vector_load %arg8[%get3A_2123, %get3A_2124] {strides = array<i32>} : memref<8x256xf32, #tpu.memory_space<vmem>>, vector<1x16xf32>,
    %get3A_2126 = vector.shape_cast %get3A_2125 : vector<1x16xf32> to vector<16xf32>
    %get3A_2127 = arith.constant 5 : i32
    %get3A_2128 = arith.index_cast %get3A_2127 : i32 to index
    %get3A_2129 = arith.constant 128 : index
    %get3A_2130 = tpu.vector_load %arg9[%get3A_2128, %get3A_2129] {strides = array<i32>} : memref<8x256xf32, #tpu.memory_space<vmem>>, vector<1x16xf32>,
    %get3A_2131 = vector.shape_cast %get3A_2130 : vector<1x16xf32> to vector<16xf32>
    %exp3A_2132 = math.exp %get3A_2131 : vector<16xf32>
    %get3A_2133 = arith.constant 5 : i32
    %get3A_2134 = arith.index_cast %get3A_2133 : i32 to index
    %get3A_2135 = arith.constant 128 : index
    %get3A_2136 = tpu.vector_load %arg10[%get3A_2134, %get3A_2135] {strides = array<i32>} : memref<8x256xf32, #tpu.memory_space<vmem>>, vector<1x16xf32>,
    %get3A_2137 = vector.shape_cast %get3A_2136 : vector<1x16xf32> to vector<16xf32>
    %mul3A_2138 = arith.mulf %exp3A_2132, %get3A_2137 : vector<16xf32>
    %add3A_2139 = arith.addf %get3A_2126, %mul3A_2138 : vector<16xf32>
    %swap3A_2140 = arith.constant 5 : i32
    %swap3A_2141 = arith.index_cast %swap3A_2140 : i32 to index
    %swap3A_2142 = arith.constant 128 : index
    %swap3A_2143 = tpu.vector_load %arg10[%swap3A_2141, %swap3A_2142] {strides = array<i32>} : memref<8x256xf32, #tpu.memory_space<vmem>>, vector<1x16xf32>,
    %swap3A_2144 = vector.shape_cast %swap3A_2143 : vector<1x16xf32> to vector<16xf32>
    %swap3A_2145 = vector.shape_cast %add3A_2139 : vector<16xf32> to vector<1x16xf32>
    tpu.vector_store %arg10[%swap3A_2141, %swap3A_2142], %swap3A_2145 {strides = array<i32>} : memref<8x256xf32, #tpu.memory_space<vmem>>, vector<1x16xf32>,
    %get3A_2146 = arith.constant 5 : i32
    %get3A_2147 = arith.index_cast %get3A_2146 : i32 to index
    %get3A_2148 = arith.constant 144 : index
    %get3A_2149 = tpu.vector_load %arg8[%get3A_2147, %get3A_2148] {strides = array<i32>} : memref<8x256xf32, #tpu.memory_space<vmem>>, vector<1x16xf32>,
    %get3A_2150 = vector.shape_cast %get3A_2149 : vector<1x16xf32> to vector<16xf32>
    %get3A_2151 = arith.constant 5 : i32
    %get3A_2152 = arith.index_cast %get3A_2151 : i32 to index
    %get3A_2153 = arith.constant 144 : index
    %get3A_2154 = tpu.vector_load %arg9[%get3A_2152, %get3A_2153] {strides = array<i32>} : memref<8x256xf32, #tpu.memory_space<vmem>>, vector<1x16xf32>,
    %get3A_2155 = vector.shape_cast %get3A_2154 : vector<1x16xf32> to vector<16xf32>
    %exp3A_2156 = math.exp %get3A_2155 : vector<16xf32>
    %get3A_2157 = arith.constant 5 : i32
    %get3A_2158 = arith.index_cast %get3A_2157 : i32 to index
    %get3A_2159 = arith.constant 144 : index
    %get3A_2160 = tpu.vector_load %arg10[%get3A_2158, %get3A_2159] {strides = array<i32>} : memref<8x256xf32, #tpu.memory_space<vmem>>, vector<1x16xf32>,
    %get3A_2161 = vector.shape_cast %get3A_2160 : vector<1x16xf32> to vector<16xf32>
    %mul3A_2162 = arith.mulf %exp3A_2156, %get3A_2161 : vector<16xf32>
    %add3A_2163 = arith.addf %get3A_2150, %mul3A_2162 : vector<16xf32>
    %swap3A_2164 = arith.constant 5 : i32
    %swap3A_2165 = arith.index_cast %swap3A_2164 : i32 to index
    %swap3A_2166 = arith.constant 144 : index
    %swap3A_2167 = tpu.vector_load %arg10[%swap3A_2165, %swap3A_2166] {strides = array<i32>} : memref<8x256xf32, #tpu.memory_space<vmem>>, vector<1x16xf32>,
    %swap3A_2168 = vector.shape_cast %swap3A_2167 : vector<1x16xf32> to vector<16xf32>
    %swap3A_2169 = vector.shape_cast %add3A_2163 : vector<16xf32> to vector<1x16xf32>
    tpu.vector_store %arg10[%swap3A_2165, %swap3A_2166], %swap3A_2169 {strides = array<i32>} : memref<8x256xf32, #tpu.memory_space<vmem>>, vector<1x16xf32>,
    %get3A_2170 = arith.constant 5 : i32
    %get3A_2171 = arith.index_cast %get3A_2170 : i32 to index
    %get3A_2172 = arith.constant 160 : index
    %get3A_2173 = tpu.vector_load %arg8[%get3A_2171, %get3A_2172] {strides = array<i32>} : memref<8x256xf32, #tpu.memory_space<vmem>>, vector<1x16xf32>,
    %get3A_2174 = vector.shape_cast %get3A_2173 : vector<1x16xf32> to vector<16xf32>
    %get3A_2175 = arith.constant 5 : i32
    %get3A_2176 = arith.index_cast %get3A_2175 : i32 to index
    %get3A_2177 = arith.constant 160 : index
    %get3A_2178 = tpu.vector_load %arg9[%get3A_2176, %get3A_2177] {strides = array<i32>} : memref<8x256xf32, #tpu.memory_space<vmem>>, vector<1x16xf32>,
    %get3A_2179 = vector.shape_cast %get3A_2178 : vector<1x16xf32> to vector<16xf32>
    %exp3A_2180 = math.exp %get3A_2179 : vector<16xf32>
    %get3A_2181 = arith.constant 5 : i32
    %get3A_2182 = arith.index_cast %get3A_2181 : i32 to index
    %get3A_2183 = arith.constant 160 : index
    %get3A_2184 = tpu.vector_load %arg10[%get3A_2182, %get3A_2183] {strides = array<i32>} : memref<8x256xf32, #tpu.memory_space<vmem>>, vector<1x16xf32>,
    %get3A_2185 = vector.shape_cast %get3A_2184 : vector<1x16xf32> to vector<16xf32>
    %mul3A_2186 = arith.mulf %exp3A_2180, %get3A_2185 : vector<16xf32>
    %add3A_2187 = arith.addf %get3A_2174, %mul3A_2186 : vector<16xf32>
    %swap3A_2188 = arith.constant 5 : i32
    %swap3A_2189 = arith.index_cast %swap3A_2188 : i32 to index
    %swap3A_2190 = arith.constant 160 : index
    %swap3A_2191 = tpu.vector_load %arg10[%swap3A_2189, %swap3A_2190] {strides = array<i32>} : memref<8x256xf32, #tpu.memory_space<vmem>>, vector<1x16xf32>,
    %swap3A_2192 = vector.shape_cast %swap3A_2191 : vector<1x16xf32> to vector<16xf32>
    %swap3A_2193 = vector.shape_cast %add3A_2187 : vector<16xf32> to vector<1x16xf32>
    tpu.vector_store %arg10[%swap3A_2189, %swap3A_2190], %swap3A_2193 {strides = array<i32>} : memref<8x256xf32, #tpu.memory_space<vmem>>, vector<1x16xf32>,
    %get3A_2194 = arith.constant 5 : i32
    %get3A_2195 = arith.index_cast %get3A_2194 : i32 to index
    %get3A_2196 = arith.constant 176 : index
    %get3A_2197 = tpu.vector_load %arg8[%get3A_2195, %get3A_2196] {strides = array<i32>} : memref<8x256xf32, #tpu.memory_space<vmem>>, vector<1x16xf32>,
    %get3A_2198 = vector.shape_cast %get3A_2197 : vector<1x16xf32> to vector<16xf32>
    %get3A_2199 = arith.constant 5 : i32
    %get3A_2200 = arith.index_cast %get3A_2199 : i32 to index
    %get3A_2201 = arith.constant 176 : index
    %get3A_2202 = tpu.vector_load %arg9[%get3A_2200, %get3A_2201] {strides = array<i32>} : memref<8x256xf32, #tpu.memory_space<vmem>>, vector<1x16xf32>,
    %get3A_2203 = vector.shape_cast %get3A_2202 : vector<1x16xf32> to vector<16xf32>
    %exp3A_2204 = math.exp %get3A_2203 : vector<16xf32>
    %get3A_2205 = arith.constant 5 : i32
    %get3A_2206 = arith.index_cast %get3A_2205 : i32 to index
    %get3A_2207 = arith.constant 176 : index
    %get3A_2208 = tpu.vector_load %arg10[%get3A_2206, %get3A_2207] {strides = array<i32>} : memref<8x256xf32, #tpu.memory_space<vmem>>, vector<1x16xf32>,
    %get3A_2209 = vector.shape_cast %get3A_2208 : vector<1x16xf32> to vector<16xf32>
    %mul3A_2210 = arith.mulf %exp3A_2204, %get3A_2209 : vector<16xf32>
    %add3A_2211 = arith.addf %get3A_2198, %mul3A_2210 : vector<16xf32>
    %swap3A_2212 = arith.constant 5 : i32
    %swap3A_2213 = arith.index_cast %swap3A_2212 : i32 to index
    %swap3A_2214 = arith.constant 176 : index
    %swap3A_2215 = tpu.vector_load %arg10[%swap3A_2213, %swap3A_2214] {strides = array<i32>} : memref<8x256xf32, #tpu.memory_space<vmem>>, vector<1x16xf32>,
    %swap3A_2216 = vector.shape_cast %swap3A_2215 : vector<1x16xf32> to vector<16xf32>
    %swap3A_2217 = vector.shape_cast %add3A_2211 : vector<16xf32> to vector<1x16xf32>
    tpu.vector_store %arg10[%swap3A_2213, %swap3A_2214], %swap3A_2217 {strides = array<i32>} : memref<8x256xf32, #tpu.memory_space<vmem>>, vector<1x16xf32>,
    %get3A_2218 = arith.constant 5 : i32
    %get3A_2219 = arith.index_cast %get3A_2218 : i32 to index
    %get3A_2220 = arith.constant 192 : index
    %get3A_2221 = tpu.vector_load %arg8[%get3A_2219, %get3A_2220] {strides = array<i32>} : memref<8x256xf32, #tpu.memory_space<vmem>>, vector<1x16xf32>,
    %get3A_2222 = vector.shape_cast %get3A_2221 : vector<1x16xf32> to vector<16xf32>
    %get3A_2223 = arith.constant 5 : i32
    %get3A_2224 = arith.index_cast %get3A_2223 : i32 to index
    %get3A_2225 = arith.constant 192 : index
    %get3A_2226 = tpu.vector_load %arg9[%get3A_2224, %get3A_2225] {strides = array<i32>} : memref<8x256xf32, #tpu.memory_space<vmem>>, vector<1x16xf32>,
    %get3A_2227 = vector.shape_cast %get3A_2226 : vector<1x16xf32> to vector<16xf32>
    %exp3A_2228 = math.exp %get3A_2227 : vector<16xf32>
    %get3A_2229 = arith.constant 5 : i32
    %get3A_2230 = arith.index_cast %get3A_2229 : i32 to index
    %get3A_2231 = arith.constant 192 : index
    %get3A_2232 = tpu.vector_load %arg10[%get3A_2230, %get3A_2231] {strides = array<i32>} : memref<8x256xf32, #tpu.memory_space<vmem>>, vector<1x16xf32>,
    %get3A_2233 = vector.shape_cast %get3A_2232 : vector<1x16xf32> to vector<16xf32>
    %mul3A_2234 = arith.mulf %exp3A_2228, %get3A_2233 : vector<16xf32>
    %add3A_2235 = arith.addf %get3A_2222, %mul3A_2234 : vector<16xf32>
    %swap3A_2236 = arith.constant 5 : i32
    %swap3A_2237 = arith.index_cast %swap3A_2236 : i32 to index
    %swap3A_2238 = arith.constant 192 : index
    %swap3A_2239 = tpu.vector_load %arg10[%swap3A_2237, %swap3A_2238] {strides = array<i32>} : memref<8x256xf32, #tpu.memory_space<vmem>>, vector<1x16xf32>,
    %swap3A_2240 = vector.shape_cast %swap3A_2239 : vector<1x16xf32> to vector<16xf32>
    %swap3A_2241 = vector.shape_cast %add3A_2235 : vector<16xf32> to vector<1x16xf32>
    tpu.vector_store %arg10[%swap3A_2237, %swap3A_2238], %swap3A_2241 {strides = array<i32>} : memref<8x256xf32, #tpu.memory_space<vmem>>, vector<1x16xf32>,
    %get3A_2242 = arith.constant 5 : i32
    %get3A_2243 = arith.index_cast %get3A_2242 : i32 to index
    %get3A_2244 = arith.constant 208 : index
    %get3A_2245 = tpu.vector_load %arg8[%get3A_2243, %get3A_2244] {strides = array<i32>} : memref<8x256xf32, #tpu.memory_space<vmem>>, vector<1x16xf32>,
    %get3A_2246 = vector.shape_cast %get3A_2245 : vector<1x16xf32> to vector<16xf32>
    %get3A_2247 = arith.constant 5 : i32
    %get3A_2248 = arith.index_cast %get3A_2247 : i32 to index
    %get3A_2249 = arith.constant 208 : index
    %get3A_2250 = tpu.vector_load %arg9[%get3A_2248, %get3A_2249] {strides = array<i32>} : memref<8x256xf32, #tpu.memory_space<vmem>>, vector<1x16xf32>,
    %get3A_2251 = vector.shape_cast %get3A_2250 : vector<1x16xf32> to vector<16xf32>
    %exp3A_2252 = math.exp %get3A_2251 : vector<16xf32>
    %get3A_2253 = arith.constant 5 : i32
    %get3A_2254 = arith.index_cast %get3A_2253 : i32 to index
    %get3A_2255 = arith.constant 208 : index
    %get3A_2256 = tpu.vector_load %arg10[%get3A_2254, %get3A_2255] {strides = array<i32>} : memref<8x256xf32, #tpu.memory_space<vmem>>, vector<1x16xf32>,
    %get3A_2257 = vector.shape_cast %get3A_2256 : vector<1x16xf32> to vector<16xf32>
    %mul3A_2258 = arith.mulf %exp3A_2252, %get3A_2257 : vector<16xf32>
    %add3A_2259 = arith.addf %get3A_2246, %mul3A_2258 : vector<16xf32>
    %swap3A_2260 = arith.constant 5 : i32
    %swap3A_2261 = arith.index_cast %swap3A_2260 : i32 to index
    %swap3A_2262 = arith.constant 208 : index
    %swap3A_2263 = tpu.vector_load %arg10[%swap3A_2261, %swap3A_2262] {strides = array<i32>} : memref<8x256xf32, #tpu.memory_space<vmem>>, vector<1x16xf32>,
    %swap3A_2264 = vector.shape_cast %swap3A_2263 : vector<1x16xf32> to vector<16xf32>
    %swap3A_2265 = vector.shape_cast %add3A_2259 : vector<16xf32> to vector<1x16xf32>
    tpu.vector_store %arg10[%swap3A_2261, %swap3A_2262], %swap3A_2265 {strides = array<i32>} : memref<8x256xf32, #tpu.memory_space<vmem>>, vector<1x16xf32>,
    %get3A_2266 = arith.constant 5 : i32
    %get3A_2267 = arith.index_cast %get3A_2266 : i32 to index
    %get3A_2268 = arith.constant 224 : index
    %get3A_2269 = tpu.vector_load %arg8[%get3A_2267, %get3A_2268] {strides = array<i32>} : memref<8x256xf32, #tpu.memory_space<vmem>>, vector<1x16xf32>,
    %get3A_2270 = vector.shape_cast %get3A_2269 : vector<1x16xf32> to vector<16xf32>
    %get3A_2271 = arith.constant 5 : i32
    %get3A_2272 = arith.index_cast %get3A_2271 : i32 to index
    %get3A_2273 = arith.constant 224 : index
    %get3A_2274 = tpu.vector_load %arg9[%get3A_2272, %get3A_2273] {strides = array<i32>} : memref<8x256xf32, #tpu.memory_space<vmem>>, vector<1x16xf32>,
    %get3A_2275 = vector.shape_cast %get3A_2274 : vector<1x16xf32> to vector<16xf32>
    %exp3A_2276 = math.exp %get3A_2275 : vector<16xf32>
    %get3A_2277 = arith.constant 5 : i32
    %get3A_2278 = arith.index_cast %get3A_2277 : i32 to index
    %get3A_2279 = arith.constant 224 : index
    %get3A_2280 = tpu.vector_load %arg10[%get3A_2278, %get3A_2279] {strides = array<i32>} : memref<8x256xf32, #tpu.memory_space<vmem>>, vector<1x16xf32>,
    %get3A_2281 = vector.shape_cast %get3A_2280 : vector<1x16xf32> to vector<16xf32>
    %mul3A_2282 = arith.mulf %exp3A_2276, %get3A_2281 : vector<16xf32>
    %add3A_2283 = arith.addf %get3A_2270, %mul3A_2282 : vector<16xf32>
    %swap3A_2284 = arith.constant 5 : i32
    %swap3A_2285 = arith.index_cast %swap3A_2284 : i32 to index
    %swap3A_2286 = arith.constant 224 : index
    %swap3A_2287 = tpu.vector_load %arg10[%swap3A_2285, %swap3A_2286] {strides = array<i32>} : memref<8x256xf32, #tpu.memory_space<vmem>>, vector<1x16xf32>,
    %swap3A_2288 = vector.shape_cast %swap3A_2287 : vector<1x16xf32> to vector<16xf32>
    %swap3A_2289 = vector.shape_cast %add3A_2283 : vector<16xf32> to vector<1x16xf32>
    tpu.vector_store %arg10[%swap3A_2285, %swap3A_2286], %swap3A_2289 {strides = array<i32>} : memref<8x256xf32, #tpu.memory_space<vmem>>, vector<1x16xf32>,
    %get3A_2290 = arith.constant 5 : i32
    %get3A_2291 = arith.index_cast %get3A_2290 : i32 to index
    %get3A_2292 = arith.constant 240 : index
    %get3A_2293 = tpu.vector_load %arg8[%get3A_2291, %get3A_2292] {strides = array<i32>} : memref<8x256xf32, #tpu.memory_space<vmem>>, vector<1x16xf32>,
    %get3A_2294 = vector.shape_cast %get3A_2293 : vector<1x16xf32> to vector<16xf32>
    %get3A_2295 = arith.constant 5 : i32
    %get3A_2296 = arith.index_cast %get3A_2295 : i32 to index
    %get3A_2297 = arith.constant 240 : index
    %get3A_2298 = tpu.vector_load %arg9[%get3A_2296, %get3A_2297] {strides = array<i32>} : memref<8x256xf32, #tpu.memory_space<vmem>>, vector<1x16xf32>,
    %get3A_2299 = vector.shape_cast %get3A_2298 : vector<1x16xf32> to vector<16xf32>
    %exp3A_2300 = math.exp %get3A_2299 : vector<16xf32>
    %get3A_2301 = arith.constant 5 : i32
    %get3A_2302 = arith.index_cast %get3A_2301 : i32 to index
    %get3A_2303 = arith.constant 240 : index
    %get3A_2304 = tpu.vector_load %arg10[%get3A_2302, %get3A_2303] {strides = array<i32>} : memref<8x256xf32, #tpu.memory_space<vmem>>, vector<1x16xf32>,
    %get3A_2305 = vector.shape_cast %get3A_2304 : vector<1x16xf32> to vector<16xf32>
    %mul3A_2306 = arith.mulf %exp3A_2300, %get3A_2305 : vector<16xf32>
    %add3A_2307 = arith.addf %get3A_2294, %mul3A_2306 : vector<16xf32>
    %swap3A_2308 = arith.constant 5 : i32
    %swap3A_2309 = arith.index_cast %swap3A_2308 : i32 to index
    %swap3A_2310 = arith.constant 240 : index
    %swap3A_2311 = tpu.vector_load %arg10[%swap3A_2309, %swap3A_2310] {strides = array<i32>} : memref<8x256xf32, #tpu.memory_space<vmem>>, vector<1x16xf32>,
    %swap3A_2312 = vector.shape_cast %swap3A_2311 : vector<1x16xf32> to vector<16xf32>
    %swap3A_2313 = vector.shape_cast %add3A_2307 : vector<16xf32> to vector<1x16xf32>
    tpu.vector_store %arg10[%swap3A_2309, %swap3A_2310], %swap3A_2313 {strides = array<i32>} : memref<8x256xf32, #tpu.memory_space<vmem>>, vector<1x16xf32>,
    %get3A_2314 = arith.constant 6 : i32
    %get3A_2315 = arith.index_cast %get3A_2314 : i32 to index
    %get3A_2316 = arith.constant 0 : index
    %get3A_2317 = tpu.vector_load %arg8[%get3A_2315, %get3A_2316] {strides = array<i32>} : memref<8x256xf32, #tpu.memory_space<vmem>>, vector<1x16xf32>,
    %get3A_2318 = vector.shape_cast %get3A_2317 : vector<1x16xf32> to vector<16xf32>
    %get3A_2319 = arith.constant 6 : i32
    %get3A_2320 = arith.index_cast %get3A_2319 : i32 to index
    %get3A_2321 = arith.constant 0 : index
    %get3A_2322 = tpu.vector_load %arg9[%get3A_2320, %get3A_2321] {strides = array<i32>} : memref<8x256xf32, #tpu.memory_space<vmem>>, vector<1x16xf32>,
    %get3A_2323 = vector.shape_cast %get3A_2322 : vector<1x16xf32> to vector<16xf32>
    %exp3A_2324 = math.exp %get3A_2323 : vector<16xf32>
    %get3A_2325 = arith.constant 6 : i32
    %get3A_2326 = arith.index_cast %get3A_2325 : i32 to index
    %get3A_2327 = arith.constant 0 : index
    %get3A_2328 = tpu.vector_load %arg10[%get3A_2326, %get3A_2327] {strides = array<i32>} : memref<8x256xf32, #tpu.memory_space<vmem>>, vector<1x16xf32>,
    %get3A_2329 = vector.shape_cast %get3A_2328 : vector<1x16xf32> to vector<16xf32>
    %mul3A_2330 = arith.mulf %exp3A_2324, %get3A_2329 : vector<16xf32>
    %add3A_2331 = arith.addf %get3A_2318, %mul3A_2330 : vector<16xf32>
    %swap3A_2332 = arith.constant 6 : i32
    %swap3A_2333 = arith.index_cast %swap3A_2332 : i32 to index
    %swap3A_2334 = arith.constant 0 : index
    %swap3A_2335 = tpu.vector_load %arg10[%swap3A_2333, %swap3A_2334] {strides = array<i32>} : memref<8x256xf32, #tpu.memory_space<vmem>>, vector<1x16xf32>,
    %swap3A_2336 = vector.shape_cast %swap3A_2335 : vector<1x16xf32> to vector<16xf32>
    %swap3A_2337 = vector.shape_cast %add3A_2331 : vector<16xf32> to vector<1x16xf32>
    tpu.vector_store %arg10[%swap3A_2333, %swap3A_2334], %swap3A_2337 {strides = array<i32>} : memref<8x256xf32, #tpu.memory_space<vmem>>, vector<1x16xf32>,
    %get3A_2338 = arith.constant 6 : i32
    %get3A_2339 = arith.index_cast %get3A_2338 : i32 to index
    %get3A_2340 = arith.constant 16 : index
    %get3A_2341 = tpu.vector_load %arg8[%get3A_2339, %get3A_2340] {strides = array<i32>} : memref<8x256xf32, #tpu.memory_space<vmem>>, vector<1x16xf32>,
    %get3A_2342 = vector.shape_cast %get3A_2341 : vector<1x16xf32> to vector<16xf32>
    %get3A_2343 = arith.constant 6 : i32
    %get3A_2344 = arith.index_cast %get3A_2343 : i32 to index
    %get3A_2345 = arith.constant 16 : index
    %get3A_2346 = tpu.vector_load %arg9[%get3A_2344, %get3A_2345] {strides = array<i32>} : memref<8x256xf32, #tpu.memory_space<vmem>>, vector<1x16xf32>,
    %get3A_2347 = vector.shape_cast %get3A_2346 : vector<1x16xf32> to vector<16xf32>
    %exp3A_2348 = math.exp %get3A_2347 : vector<16xf32>
    %get3A_2349 = arith.constant 6 : i32
    %get3A_2350 = arith.index_cast %get3A_2349 : i32 to index
    %get3A_2351 = arith.constant 16 : index
    %get3A_2352 = tpu.vector_load %arg10[%get3A_2350, %get3A_2351] {strides = array<i32>} : memref<8x256xf32, #tpu.memory_space<vmem>>, vector<1x16xf32>,
    %get3A_2353 = vector.shape_cast %get3A_2352 : vector<1x16xf32> to vector<16xf32>
    %mul3A_2354 = arith.mulf %exp3A_2348, %get3A_2353 : vector<16xf32>
    %add3A_2355 = arith.addf %get3A_2342, %mul3A_2354 : vector<16xf32>
    %swap3A_2356 = arith.constant 6 : i32
    %swap3A_2357 = arith.index_cast %swap3A_2356 : i32 to index
    %swap3A_2358 = arith.constant 16 : index
    %swap3A_2359 = tpu.vector_load %arg10[%swap3A_2357, %swap3A_2358] {strides = array<i32>} : memref<8x256xf32, #tpu.memory_space<vmem>>, vector<1x16xf32>,
    %swap3A_2360 = vector.shape_cast %swap3A_2359 : vector<1x16xf32> to vector<16xf32>
    %swap3A_2361 = vector.shape_cast %add3A_2355 : vector<16xf32> to vector<1x16xf32>
    tpu.vector_store %arg10[%swap3A_2357, %swap3A_2358], %swap3A_2361 {strides = array<i32>} : memref<8x256xf32, #tpu.memory_space<vmem>>, vector<1x16xf32>,
    %get3A_2362 = arith.constant 6 : i32
    %get3A_2363 = arith.index_cast %get3A_2362 : i32 to index
    %get3A_2364 = arith.constant 32 : index
    %get3A_2365 = tpu.vector_load %arg8[%get3A_2363, %get3A_2364] {strides = array<i32>} : memref<8x256xf32, #tpu.memory_space<vmem>>, vector<1x16xf32>,
    %get3A_2366 = vector.shape_cast %get3A_2365 : vector<1x16xf32> to vector<16xf32>
    %get3A_2367 = arith.constant 6 : i32
    %get3A_2368 = arith.index_cast %get3A_2367 : i32 to index
    %get3A_2369 = arith.constant 32 : index
    %get3A_2370 = tpu.vector_load %arg9[%get3A_2368, %get3A_2369] {strides = array<i32>} : memref<8x256xf32, #tpu.memory_space<vmem>>, vector<1x16xf32>,
    %get3A_2371 = vector.shape_cast %get3A_2370 : vector<1x16xf32> to vector<16xf32>
    %exp3A_2372 = math.exp %get3A_2371 : vector<16xf32>
    %get3A_2373 = arith.constant 6 : i32
    %get3A_2374 = arith.index_cast %get3A_2373 : i32 to index
    %get3A_2375 = arith.constant 32 : index
    %get3A_2376 = tpu.vector_load %arg10[%get3A_2374, %get3A_2375] {strides = array<i32>} : memref<8x256xf32, #tpu.memory_space<vmem>>, vector<1x16xf32>,
    %get3A_2377 = vector.shape_cast %get3A_2376 : vector<1x16xf32> to vector<16xf32>
    %mul3A_2378 = arith.mulf %exp3A_2372, %get3A_2377 : vector<16xf32>
    %add3A_2379 = arith.addf %get3A_2366, %mul3A_2378 : vector<16xf32>
    %swap3A_2380 = arith.constant 6 : i32
    %swap3A_2381 = arith.index_cast %swap3A_2380 : i32 to index
    %swap3A_2382 = arith.constant 32 : index
    %swap3A_2383 = tpu.vector_load %arg10[%swap3A_2381, %swap3A_2382] {strides = array<i32>} : memref<8x256xf32, #tpu.memory_space<vmem>>, vector<1x16xf32>,
    %swap3A_2384 = vector.shape_cast %swap3A_2383 : vector<1x16xf32> to vector<16xf32>
    %swap3A_2385 = vector.shape_cast %add3A_2379 : vector<16xf32> to vector<1x16xf32>
    tpu.vector_store %arg10[%swap3A_2381, %swap3A_2382], %swap3A_2385 {strides = array<i32>} : memref<8x256xf32, #tpu.memory_space<vmem>>, vector<1x16xf32>,
    %get3A_2386 = arith.constant 6 : i32
    %get3A_2387 = arith.index_cast %get3A_2386 : i32 to index
    %get3A_2388 = arith.constant 48 : index
    %get3A_2389 = tpu.vector_load %arg8[%get3A_2387, %get3A_2388] {strides = array<i32>} : memref<8x256xf32, #tpu.memory_space<vmem>>, vector<1x16xf32>,
    %get3A_2390 = vector.shape_cast %get3A_2389 : vector<1x16xf32> to vector<16xf32>
    %get3A_2391 = arith.constant 6 : i32
    %get3A_2392 = arith.index_cast %get3A_2391 : i32 to index
    %get3A_2393 = arith.constant 48 : index
    %get3A_2394 = tpu.vector_load %arg9[%get3A_2392, %get3A_2393] {strides = array<i32>} : memref<8x256xf32, #tpu.memory_space<vmem>>, vector<1x16xf32>,
    %get3A_2395 = vector.shape_cast %get3A_2394 : vector<1x16xf32> to vector<16xf32>
    %exp3A_2396 = math.exp %get3A_2395 : vector<16xf32>
    %get3A_2397 = arith.constant 6 : i32
    %get3A_2398 = arith.index_cast %get3A_2397 : i32 to index
    %get3A_2399 = arith.constant 48 : index
    %get3A_2400 = tpu.vector_load %arg10[%get3A_2398, %get3A_2399] {strides = array<i32>} : memref<8x256xf32, #tpu.memory_space<vmem>>, vector<1x16xf32>,
    %get3A_2401 = vector.shape_cast %get3A_2400 : vector<1x16xf32> to vector<16xf32>
    %mul3A_2402 = arith.mulf %exp3A_2396, %get3A_2401 : vector<16xf32>
    %add3A_2403 = arith.addf %get3A_2390, %mul3A_2402 : vector<16xf32>
    %swap3A_2404 = arith.constant 6 : i32
    %swap3A_2405 = arith.index_cast %swap3A_2404 : i32 to index
    %swap3A_2406 = arith.constant 48 : index
    %swap3A_2407 = tpu.vector_load %arg10[%swap3A_2405, %swap3A_2406] {strides = array<i32>} : memref<8x256xf32, #tpu.memory_space<vmem>>, vector<1x16xf32>,
    %swap3A_2408 = vector.shape_cast %swap3A_2407 : vector<1x16xf32> to vector<16xf32>
    %swap3A_2409 = vector.shape_cast %add3A_2403 : vector<16xf32> to vector<1x16xf32>
    tpu.vector_store %arg10[%swap3A_2405, %swap3A_2406], %swap3A_2409 {strides = array<i32>} : memref<8x256xf32, #tpu.memory_space<vmem>>, vector<1x16xf32>,
    %get3A_2410 = arith.constant 6 : i32
    %get3A_2411 = arith.index_cast %get3A_2410 : i32 to index
    %get3A_2412 = arith.constant 64 : index
    %get3A_2413 = tpu.vector_load %arg8[%get3A_2411, %get3A_2412] {strides = array<i32>} : memref<8x256xf32, #tpu.memory_space<vmem>>, vector<1x16xf32>,
    %get3A_2414 = vector.shape_cast %get3A_2413 : vector<1x16xf32> to vector<16xf32>
    %get3A_2415 = arith.constant 6 : i32
    %get3A_2416 = arith.index_cast %get3A_2415 : i32 to index
    %get3A_2417 = arith.constant 64 : index
    %get3A_2418 = tpu.vector_load %arg9[%get3A_2416, %get3A_2417] {strides = array<i32>} : memref<8x256xf32, #tpu.memory_space<vmem>>, vector<1x16xf32>,
    %get3A_2419 = vector.shape_cast %get3A_2418 : vector<1x16xf32> to vector<16xf32>
    %exp3A_2420 = math.exp %get3A_2419 : vector<16xf32>
    %get3A_2421 = arith.constant 6 : i32
    %get3A_2422 = arith.index_cast %get3A_2421 : i32 to index
    %get3A_2423 = arith.constant 64 : index
    %get3A_2424 = tpu.vector_load %arg10[%get3A_2422, %get3A_2423] {strides = array<i32>} : memref<8x256xf32, #tpu.memory_space<vmem>>, vector<1x16xf32>,
    %get3A_2425 = vector.shape_cast %get3A_2424 : vector<1x16xf32> to vector<16xf32>
    %mul3A_2426 = arith.mulf %exp3A_2420, %get3A_2425 : vector<16xf32>
    %add3A_2427 = arith.addf %get3A_2414, %mul3A_2426 : vector<16xf32>
    %swap3A_2428 = arith.constant 6 : i32
    %swap3A_2429 = arith.index_cast %swap3A_2428 : i32 to index
    %swap3A_2430 = arith.constant 64 : index
    %swap3A_2431 = tpu.vector_load %arg10[%swap3A_2429, %swap3A_2430] {strides = array<i32>} : memref<8x256xf32, #tpu.memory_space<vmem>>, vector<1x16xf32>,
    %swap3A_2432 = vector.shape_cast %swap3A_2431 : vector<1x16xf32> to vector<16xf32>
    %swap3A_2433 = vector.shape_cast %add3A_2427 : vector<16xf32> to vector<1x16xf32>
    tpu.vector_store %arg10[%swap3A_2429, %swap3A_2430], %swap3A_2433 {strides = array<i32>} : memref<8x256xf32, #tpu.memory_space<vmem>>, vector<1x16xf32>,
    %get3A_2434 = arith.constant 6 : i32
    %get3A_2435 = arith.index_cast %get3A_2434 : i32 to index
    %get3A_2436 = arith.constant 80 : index
    %get3A_2437 = tpu.vector_load %arg8[%get3A_2435, %get3A_2436] {strides = array<i32>} : memref<8x256xf32, #tpu.memory_space<vmem>>, vector<1x16xf32>,
    %get3A_2438 = vector.shape_cast %get3A_2437 : vector<1x16xf32> to vector<16xf32>
    %get3A_2439 = arith.constant 6 : i32
    %get3A_2440 = arith.index_cast %get3A_2439 : i32 to index
    %get3A_2441 = arith.constant 80 : index
    %get3A_2442 = tpu.vector_load %arg9[%get3A_2440, %get3A_2441] {strides = array<i32>} : memref<8x256xf32, #tpu.memory_space<vmem>>, vector<1x16xf32>,
    %get3A_2443 = vector.shape_cast %get3A_2442 : vector<1x16xf32> to vector<16xf32>
    %exp3A_2444 = math.exp %get3A_2443 : vector<16xf32>
    %get3A_2445 = arith.constant 6 : i32
    %get3A_2446 = arith.index_cast %get3A_2445 : i32 to index
    %get3A_2447 = arith.constant 80 : index
    %get3A_2448 = tpu.vector_load %arg10[%get3A_2446, %get3A_2447] {strides = array<i32>} : memref<8x256xf32, #tpu.memory_space<vmem>>, vector<1x16xf32>,
    %get3A_2449 = vector.shape_cast %get3A_2448 : vector<1x16xf32> to vector<16xf32>
    %mul3A_2450 = arith.mulf %exp3A_2444, %get3A_2449 : vector<16xf32>
    %add3A_2451 = arith.addf %get3A_2438, %mul3A_2450 : vector<16xf32>
    %swap3A_2452 = arith.constant 6 : i32
    %swap3A_2453 = arith.index_cast %swap3A_2452 : i32 to index
    %swap3A_2454 = arith.constant 80 : index
    %swap3A_2455 = tpu.vector_load %arg10[%swap3A_2453, %swap3A_2454] {strides = array<i32>} : memref<8x256xf32, #tpu.memory_space<vmem>>, vector<1x16xf32>,
    %swap3A_2456 = vector.shape_cast %swap3A_2455 : vector<1x16xf32> to vector<16xf32>
    %swap3A_2457 = vector.shape_cast %add3A_2451 : vector<16xf32> to vector<1x16xf32>
    tpu.vector_store %arg10[%swap3A_2453, %swap3A_2454], %swap3A_2457 {strides = array<i32>} : memref<8x256xf32, #tpu.memory_space<vmem>>, vector<1x16xf32>,
    %get3A_2458 = arith.constant 6 : i32
    %get3A_2459 = arith.index_cast %get3A_2458 : i32 to index
    %get3A_2460 = arith.constant 96 : index
    %get3A_2461 = tpu.vector_load %arg8[%get3A_2459, %get3A_2460] {strides = array<i32>} : memref<8x256xf32, #tpu.memory_space<vmem>>, vector<1x16xf32>,
    %get3A_2462 = vector.shape_cast %get3A_2461 : vector<1x16xf32> to vector<16xf32>
    %get3A_2463 = arith.constant 6 : i32
    %get3A_2464 = arith.index_cast %get3A_2463 : i32 to index
    %get3A_2465 = arith.constant 96 : index
    %get3A_2466 = tpu.vector_load %arg9[%get3A_2464, %get3A_2465] {strides = array<i32>} : memref<8x256xf32, #tpu.memory_space<vmem>>, vector<1x16xf32>,
    %get3A_2467 = vector.shape_cast %get3A_2466 : vector<1x16xf32> to vector<16xf32>
    %exp3A_2468 = math.exp %get3A_2467 : vector<16xf32>
    %get3A_2469 = arith.constant 6 : i32
    %get3A_2470 = arith.index_cast %get3A_2469 : i32 to index
    %get3A_2471 = arith.constant 96 : index
    %get3A_2472 = tpu.vector_load %arg10[%get3A_2470, %get3A_2471] {strides = array<i32>} : memref<8x256xf32, #tpu.memory_space<vmem>>, vector<1x16xf32>,
    %get3A_2473 = vector.shape_cast %get3A_2472 : vector<1x16xf32> to vector<16xf32>
    %mul3A_2474 = arith.mulf %exp3A_2468, %get3A_2473 : vector<16xf32>
    %add3A_2475 = arith.addf %get3A_2462, %mul3A_2474 : vector<16xf32>
    %swap3A_2476 = arith.constant 6 : i32
    %swap3A_2477 = arith.index_cast %swap3A_2476 : i32 to index
    %swap3A_2478 = arith.constant 96 : index
    %swap3A_2479 = tpu.vector_load %arg10[%swap3A_2477, %swap3A_2478] {strides = array<i32>} : memref<8x256xf32, #tpu.memory_space<vmem>>, vector<1x16xf32>,
    %swap3A_2480 = vector.shape_cast %swap3A_2479 : vector<1x16xf32> to vector<16xf32>
    %swap3A_2481 = vector.shape_cast %add3A_2475 : vector<16xf32> to vector<1x16xf32>
    tpu.vector_store %arg10[%swap3A_2477, %swap3A_2478], %swap3A_2481 {strides = array<i32>} : memref<8x256xf32, #tpu.memory_space<vmem>>, vector<1x16xf32>,
    %get3A_2482 = arith.constant 6 : i32
    %get3A_2483 = arith.index_cast %get3A_2482 : i32 to index
    %get3A_2484 = arith.constant 112 : index
    %get3A_2485 = tpu.vector_load %arg8[%get3A_2483, %get3A_2484] {strides = array<i32>} : memref<8x256xf32, #tpu.memory_space<vmem>>, vector<1x16xf32>,
    %get3A_2486 = vector.shape_cast %get3A_2485 : vector<1x16xf32> to vector<16xf32>
    %get3A_2487 = arith.constant 6 : i32
    %get3A_2488 = arith.index_cast %get3A_2487 : i32 to index
    %get3A_2489 = arith.constant 112 : index
    %get3A_2490 = tpu.vector_load %arg9[%get3A_2488, %get3A_2489] {strides = array<i32>} : memref<8x256xf32, #tpu.memory_space<vmem>>, vector<1x16xf32>,
    %get3A_2491 = vector.shape_cast %get3A_2490 : vector<1x16xf32> to vector<16xf32>
    %exp3A_2492 = math.exp %get3A_2491 : vector<16xf32>
    %get3A_2493 = arith.constant 6 : i32
    %get3A_2494 = arith.index_cast %get3A_2493 : i32 to index
    %get3A_2495 = arith.constant 112 : index
    %get3A_2496 = tpu.vector_load %arg10[%get3A_2494, %get3A_2495] {strides = array<i32>} : memref<8x256xf32, #tpu.memory_space<vmem>>, vector<1x16xf32>,
    %get3A_2497 = vector.shape_cast %get3A_2496 : vector<1x16xf32> to vector<16xf32>
    %mul3A_2498 = arith.mulf %exp3A_2492, %get3A_2497 : vector<16xf32>
    %add3A_2499 = arith.addf %get3A_2486, %mul3A_2498 : vector<16xf32>
    %swap3A_2500 = arith.constant 6 : i32
    %swap3A_2501 = arith.index_cast %swap3A_2500 : i32 to index
    %swap3A_2502 = arith.constant 112 : index
    %swap3A_2503 = tpu.vector_load %arg10[%swap3A_2501, %swap3A_2502] {strides = array<i32>} : memref<8x256xf32, #tpu.memory_space<vmem>>, vector<1x16xf32>,
    %swap3A_2504 = vector.shape_cast %swap3A_2503 : vector<1x16xf32> to vector<16xf32>
    %swap3A_2505 = vector.shape_cast %add3A_2499 : vector<16xf32> to vector<1x16xf32>
    tpu.vector_store %arg10[%swap3A_2501, %swap3A_2502], %swap3A_2505 {strides = array<i32>} : memref<8x256xf32, #tpu.memory_space<vmem>>, vector<1x16xf32>,
    %get3A_2506 = arith.constant 6 : i32
    %get3A_2507 = arith.index_cast %get3A_2506 : i32 to index
    %get3A_2508 = arith.constant 128 : index
    %get3A_2509 = tpu.vector_load %arg8[%get3A_2507, %get3A_2508] {strides = array<i32>} : memref<8x256xf32, #tpu.memory_space<vmem>>, vector<1x16xf32>,
    %get3A_2510 = vector.shape_cast %get3A_2509 : vector<1x16xf32> to vector<16xf32>
    %get3A_2511 = arith.constant 6 : i32
    %get3A_2512 = arith.index_cast %get3A_2511 : i32 to index
    %get3A_2513 = arith.constant 128 : index
    %get3A_2514 = tpu.vector_load %arg9[%get3A_2512, %get3A_2513] {strides = array<i32>} : memref<8x256xf32, #tpu.memory_space<vmem>>, vector<1x16xf32>,
    %get3A_2515 = vector.shape_cast %get3A_2514 : vector<1x16xf32> to vector<16xf32>
    %exp3A_2516 = math.exp %get3A_2515 : vector<16xf32>
    %get3A_2517 = arith.constant 6 : i32
    %get3A_2518 = arith.index_cast %get3A_2517 : i32 to index
    %get3A_2519 = arith.constant 128 : index
    %get3A_2520 = tpu.vector_load %arg10[%get3A_2518, %get3A_2519] {strides = array<i32>} : memref<8x256xf32, #tpu.memory_space<vmem>>, vector<1x16xf32>,
    %get3A_2521 = vector.shape_cast %get3A_2520 : vector<1x16xf32> to vector<16xf32>
    %mul3A_2522 = arith.mulf %exp3A_2516, %get3A_2521 : vector<16xf32>
    %add3A_2523 = arith.addf %get3A_2510, %mul3A_2522 : vector<16xf32>
    %swap3A_2524 = arith.constant 6 : i32
    %swap3A_2525 = arith.index_cast %swap3A_2524 : i32 to index
    %swap3A_2526 = arith.constant 128 : index
    %swap3A_2527 = tpu.vector_load %arg10[%swap3A_2525, %swap3A_2526] {strides = array<i32>} : memref<8x256xf32, #tpu.memory_space<vmem>>, vector<1x16xf32>,
    %swap3A_2528 = vector.shape_cast %swap3A_2527 : vector<1x16xf32> to vector<16xf32>
    %swap3A_2529 = vector.shape_cast %add3A_2523 : vector<16xf32> to vector<1x16xf32>
    tpu.vector_store %arg10[%swap3A_2525, %swap3A_2526], %swap3A_2529 {strides = array<i32>} : memref<8x256xf32, #tpu.memory_space<vmem>>, vector<1x16xf32>,
    %get3A_2530 = arith.constant 6 : i32
    %get3A_2531 = arith.index_cast %get3A_2530 : i32 to index
    %get3A_2532 = arith.constant 144 : index
    %get3A_2533 = tpu.vector_load %arg8[%get3A_2531, %get3A_2532] {strides = array<i32>} : memref<8x256xf32, #tpu.memory_space<vmem>>, vector<1x16xf32>,
    %get3A_2534 = vector.shape_cast %get3A_2533 : vector<1x16xf32> to vector<16xf32>
    %get3A_2535 = arith.constant 6 : i32
    %get3A_2536 = arith.index_cast %get3A_2535 : i32 to index
    %get3A_2537 = arith.constant 144 : index
    %get3A_2538 = tpu.vector_load %arg9[%get3A_2536, %get3A_2537] {strides = array<i32>} : memref<8x256xf32, #tpu.memory_space<vmem>>, vector<1x16xf32>,
    %get3A_2539 = vector.shape_cast %get3A_2538 : vector<1x16xf32> to vector<16xf32>
    %exp3A_2540 = math.exp %get3A_2539 : vector<16xf32>
    %get3A_2541 = arith.constant 6 : i32
    %get3A_2542 = arith.index_cast %get3A_2541 : i32 to index
    %get3A_2543 = arith.constant 144 : index
    %get3A_2544 = tpu.vector_load %arg10[%get3A_2542, %get3A_2543] {strides = array<i32>} : memref<8x256xf32, #tpu.memory_space<vmem>>, vector<1x16xf32>,
    %get3A_2545 = vector.shape_cast %get3A_2544 : vector<1x16xf32> to vector<16xf32>
    %mul3A_2546 = arith.mulf %exp3A_2540, %get3A_2545 : vector<16xf32>
    %add3A_2547 = arith.addf %get3A_2534, %mul3A_2546 : vector<16xf32>
    %swap3A_2548 = arith.constant 6 : i32
    %swap3A_2549 = arith.index_cast %swap3A_2548 : i32 to index
    %swap3A_2550 = arith.constant 144 : index
    %swap3A_2551 = tpu.vector_load %arg10[%swap3A_2549, %swap3A_2550] {strides = array<i32>} : memref<8x256xf32, #tpu.memory_space<vmem>>, vector<1x16xf32>,
    %swap3A_2552 = vector.shape_cast %swap3A_2551 : vector<1x16xf32> to vector<16xf32>
    %swap3A_2553 = vector.shape_cast %add3A_2547 : vector<16xf32> to vector<1x16xf32>
    tpu.vector_store %arg10[%swap3A_2549, %swap3A_2550], %swap3A_2553 {strides = array<i32>} : memref<8x256xf32, #tpu.memory_space<vmem>>, vector<1x16xf32>,
    %get3A_2554 = arith.constant 6 : i32
    %get3A_2555 = arith.index_cast %get3A_2554 : i32 to index
    %get3A_2556 = arith.constant 160 : index
    %get3A_2557 = tpu.vector_load %arg8[%get3A_2555, %get3A_2556] {strides = array<i32>} : memref<8x256xf32, #tpu.memory_space<vmem>>, vector<1x16xf32>,
    %get3A_2558 = vector.shape_cast %get3A_2557 : vector<1x16xf32> to vector<16xf32>
    %get3A_2559 = arith.constant 6 : i32
    %get3A_2560 = arith.index_cast %get3A_2559 : i32 to index
    %get3A_2561 = arith.constant 160 : index
    %get3A_2562 = tpu.vector_load %arg9[%get3A_2560, %get3A_2561] {strides = array<i32>} : memref<8x256xf32, #tpu.memory_space<vmem>>, vector<1x16xf32>,
    %get3A_2563 = vector.shape_cast %get3A_2562 : vector<1x16xf32> to vector<16xf32>
    %exp3A_2564 = math.exp %get3A_2563 : vector<16xf32>
    %get3A_2565 = arith.constant 6 : i32
    %get3A_2566 = arith.index_cast %get3A_2565 : i32 to index
    %get3A_2567 = arith.constant 160 : index
    %get3A_2568 = tpu.vector_load %arg10[%get3A_2566, %get3A_2567] {strides = array<i32>} : memref<8x256xf32, #tpu.memory_space<vmem>>, vector<1x16xf32>,
    %get3A_2569 = vector.shape_cast %get3A_2568 : vector<1x16xf32> to vector<16xf32>
    %mul3A_2570 = arith.mulf %exp3A_2564, %get3A_2569 : vector<16xf32>
    %add3A_2571 = arith.addf %get3A_2558, %mul3A_2570 : vector<16xf32>
    %swap3A_2572 = arith.constant 6 : i32
    %swap3A_2573 = arith.index_cast %swap3A_2572 : i32 to index
    %swap3A_2574 = arith.constant 160 : index
    %swap3A_2575 = tpu.vector_load %arg10[%swap3A_2573, %swap3A_2574] {strides = array<i32>} : memref<8x256xf32, #tpu.memory_space<vmem>>, vector<1x16xf32>,
    %swap3A_2576 = vector.shape_cast %swap3A_2575 : vector<1x16xf32> to vector<16xf32>
    %swap3A_2577 = vector.shape_cast %add3A_2571 : vector<16xf32> to vector<1x16xf32>
    tpu.vector_store %arg10[%swap3A_2573, %swap3A_2574], %swap3A_2577 {strides = array<i32>} : memref<8x256xf32, #tpu.memory_space<vmem>>, vector<1x16xf32>,
    %get3A_2578 = arith.constant 6 : i32
    %get3A_2579 = arith.index_cast %get3A_2578 : i32 to index
    %get3A_2580 = arith.constant 176 : index
    %get3A_2581 = tpu.vector_load %arg8[%get3A_2579, %get3A_2580] {strides = array<i32>} : memref<8x256xf32, #tpu.memory_space<vmem>>, vector<1x16xf32>,
    %get3A_2582 = vector.shape_cast %get3A_2581 : vector<1x16xf32> to vector<16xf32>
    %get3A_2583 = arith.constant 6 : i32
    %get3A_2584 = arith.index_cast %get3A_2583 : i32 to index
    %get3A_2585 = arith.constant 176 : index
    %get3A_2586 = tpu.vector_load %arg9[%get3A_2584, %get3A_2585] {strides = array<i32>} : memref<8x256xf32, #tpu.memory_space<vmem>>, vector<1x16xf32>,
    %get3A_2587 = vector.shape_cast %get3A_2586 : vector<1x16xf32> to vector<16xf32>
    %exp3A_2588 = math.exp %get3A_2587 : vector<16xf32>
    %get3A_2589 = arith.constant 6 : i32
    %get3A_2590 = arith.index_cast %get3A_2589 : i32 to index
    %get3A_2591 = arith.constant 176 : index
    %get3A_2592 = tpu.vector_load %arg10[%get3A_2590, %get3A_2591] {strides = array<i32>} : memref<8x256xf32, #tpu.memory_space<vmem>>, vector<1x16xf32>,
    %get3A_2593 = vector.shape_cast %get3A_2592 : vector<1x16xf32> to vector<16xf32>
    %mul3A_2594 = arith.mulf %exp3A_2588, %get3A_2593 : vector<16xf32>
    %add3A_2595 = arith.addf %get3A_2582, %mul3A_2594 : vector<16xf32>
    %swap3A_2596 = arith.constant 6 : i32
    %swap3A_2597 = arith.index_cast %swap3A_2596 : i32 to index
    %swap3A_2598 = arith.constant 176 : index
    %swap3A_2599 = tpu.vector_load %arg10[%swap3A_2597, %swap3A_2598] {strides = array<i32>} : memref<8x256xf32, #tpu.memory_space<vmem>>, vector<1x16xf32>,
    %swap3A_2600 = vector.shape_cast %swap3A_2599 : vector<1x16xf32> to vector<16xf32>
    %swap3A_2601 = vector.shape_cast %add3A_2595 : vector<16xf32> to vector<1x16xf32>
    tpu.vector_store %arg10[%swap3A_2597, %swap3A_2598], %swap3A_2601 {strides = array<i32>} : memref<8x256xf32, #tpu.memory_space<vmem>>, vector<1x16xf32>,
    %get3A_2602 = arith.constant 6 : i32
    %get3A_2603 = arith.index_cast %get3A_2602 : i32 to index
    %get3A_2604 = arith.constant 192 : index
    %get3A_2605 = tpu.vector_load %arg8[%get3A_2603, %get3A_2604] {strides = array<i32>} : memref<8x256xf32, #tpu.memory_space<vmem>>, vector<1x16xf32>,
    %get3A_2606 = vector.shape_cast %get3A_2605 : vector<1x16xf32> to vector<16xf32>
    %get3A_2607 = arith.constant 6 : i32
    %get3A_2608 = arith.index_cast %get3A_2607 : i32 to index
    %get3A_2609 = arith.constant 192 : index
    %get3A_2610 = tpu.vector_load %arg9[%get3A_2608, %get3A_2609] {strides = array<i32>} : memref<8x256xf32, #tpu.memory_space<vmem>>, vector<1x16xf32>,
    %get3A_2611 = vector.shape_cast %get3A_2610 : vector<1x16xf32> to vector<16xf32>
    %exp3A_2612 = math.exp %get3A_2611 : vector<16xf32>
    %get3A_2613 = arith.constant 6 : i32
    %get3A_2614 = arith.index_cast %get3A_2613 : i32 to index
    %get3A_2615 = arith.constant 192 : index
    %get3A_2616 = tpu.vector_load %arg10[%get3A_2614, %get3A_2615] {strides = array<i32>} : memref<8x256xf32, #tpu.memory_space<vmem>>, vector<1x16xf32>,
    %get3A_2617 = vector.shape_cast %get3A_2616 : vector<1x16xf32> to vector<16xf32>
    %mul3A_2618 = arith.mulf %exp3A_2612, %get3A_2617 : vector<16xf32>
    %add3A_2619 = arith.addf %get3A_2606, %mul3A_2618 : vector<16xf32>
    %swap3A_2620 = arith.constant 6 : i32
    %swap3A_2621 = arith.index_cast %swap3A_2620 : i32 to index
    %swap3A_2622 = arith.constant 192 : index
    %swap3A_2623 = tpu.vector_load %arg10[%swap3A_2621, %swap3A_2622] {strides = array<i32>} : memref<8x256xf32, #tpu.memory_space<vmem>>, vector<1x16xf32>,
    %swap3A_2624 = vector.shape_cast %swap3A_2623 : vector<1x16xf32> to vector<16xf32>
    %swap3A_2625 = vector.shape_cast %add3A_2619 : vector<16xf32> to vector<1x16xf32>
    tpu.vector_store %arg10[%swap3A_2621, %swap3A_2622], %swap3A_2625 {strides = array<i32>} : memref<8x256xf32, #tpu.memory_space<vmem>>, vector<1x16xf32>,
    %get3A_2626 = arith.constant 6 : i32
    %get3A_2627 = arith.index_cast %get3A_2626 : i32 to index
    %get3A_2628 = arith.constant 208 : index
    %get3A_2629 = tpu.vector_load %arg8[%get3A_2627, %get3A_2628] {strides = array<i32>} : memref<8x256xf32, #tpu.memory_space<vmem>>, vector<1x16xf32>,
    %get3A_2630 = vector.shape_cast %get3A_2629 : vector<1x16xf32> to vector<16xf32>
    %get3A_2631 = arith.constant 6 : i32
    %get3A_2632 = arith.index_cast %get3A_2631 : i32 to index
    %get3A_2633 = arith.constant 208 : index
    %get3A_2634 = tpu.vector_load %arg9[%get3A_2632, %get3A_2633] {strides = array<i32>} : memref<8x256xf32, #tpu.memory_space<vmem>>, vector<1x16xf32>,
    %get3A_2635 = vector.shape_cast %get3A_2634 : vector<1x16xf32> to vector<16xf32>
    %exp3A_2636 = math.exp %get3A_2635 : vector<16xf32>
    %get3A_2637 = arith.constant 6 : i32
    %get3A_2638 = arith.index_cast %get3A_2637 : i32 to index
    %get3A_2639 = arith.constant 208 : index
    %get3A_2640 = tpu.vector_load %arg10[%get3A_2638, %get3A_2639] {strides = array<i32>} : memref<8x256xf32, #tpu.memory_space<vmem>>, vector<1x16xf32>,
    %get3A_2641 = vector.shape_cast %get3A_2640 : vector<1x16xf32> to vector<16xf32>
    %mul3A_2642 = arith.mulf %exp3A_2636, %get3A_2641 : vector<16xf32>
    %add3A_2643 = arith.addf %get3A_2630, %mul3A_2642 : vector<16xf32>
    %swap3A_2644 = arith.constant 6 : i32
    %swap3A_2645 = arith.index_cast %swap3A_2644 : i32 to index
    %swap3A_2646 = arith.constant 208 : index
    %swap3A_2647 = tpu.vector_load %arg10[%swap3A_2645, %swap3A_2646] {strides = array<i32>} : memref<8x256xf32, #tpu.memory_space<vmem>>, vector<1x16xf32>,
    %swap3A_2648 = vector.shape_cast %swap3A_2647 : vector<1x16xf32> to vector<16xf32>
    %swap3A_2649 = vector.shape_cast %add3A_2643 : vector<16xf32> to vector<1x16xf32>
    tpu.vector_store %arg10[%swap3A_2645, %swap3A_2646], %swap3A_2649 {strides = array<i32>} : memref<8x256xf32, #tpu.memory_space<vmem>>, vector<1x16xf32>,
    %get3A_2650 = arith.constant 6 : i32
    %get3A_2651 = arith.index_cast %get3A_2650 : i32 to index
    %get3A_2652 = arith.constant 224 : index
    %get3A_2653 = tpu.vector_load %arg8[%get3A_2651, %get3A_2652] {strides = array<i32>} : memref<8x256xf32, #tpu.memory_space<vmem>>, vector<1x16xf32>,
    %get3A_2654 = vector.shape_cast %get3A_2653 : vector<1x16xf32> to vector<16xf32>
    %get3A_2655 = arith.constant 6 : i32
    %get3A_2656 = arith.index_cast %get3A_2655 : i32 to index
    %get3A_2657 = arith.constant 224 : index
    %get3A_2658 = tpu.vector_load %arg9[%get3A_2656, %get3A_2657] {strides = array<i32>} : memref<8x256xf32, #tpu.memory_space<vmem>>, vector<1x16xf32>,
    %get3A_2659 = vector.shape_cast %get3A_2658 : vector<1x16xf32> to vector<16xf32>
    %exp3A_2660 = math.exp %get3A_2659 : vector<16xf32>
    %get3A_2661 = arith.constant 6 : i32
    %get3A_2662 = arith.index_cast %get3A_2661 : i32 to index
    %get3A_2663 = arith.constant 224 : index
    %get3A_2664 = tpu.vector_load %arg10[%get3A_2662, %get3A_2663] {strides = array<i32>} : memref<8x256xf32, #tpu.memory_space<vmem>>, vector<1x16xf32>,
    %get3A_2665 = vector.shape_cast %get3A_2664 : vector<1x16xf32> to vector<16xf32>
    %mul3A_2666 = arith.mulf %exp3A_2660, %get3A_2665 : vector<16xf32>
    %add3A_2667 = arith.addf %get3A_2654, %mul3A_2666 : vector<16xf32>
    %swap3A_2668 = arith.constant 6 : i32
    %swap3A_2669 = arith.index_cast %swap3A_2668 : i32 to index
    %swap3A_2670 = arith.constant 224 : index
    %swap3A_2671 = tpu.vector_load %arg10[%swap3A_2669, %swap3A_2670] {strides = array<i32>} : memref<8x256xf32, #tpu.memory_space<vmem>>, vector<1x16xf32>,
    %swap3A_2672 = vector.shape_cast %swap3A_2671 : vector<1x16xf32> to vector<16xf32>
    %swap3A_2673 = vector.shape_cast %add3A_2667 : vector<16xf32> to vector<1x16xf32>
    tpu.vector_store %arg10[%swap3A_2669, %swap3A_2670], %swap3A_2673 {strides = array<i32>} : memref<8x256xf32, #tpu.memory_space<vmem>>, vector<1x16xf32>,
    %get3A_2674 = arith.constant 6 : i32
    %get3A_2675 = arith.index_cast %get3A_2674 : i32 to index
    %get3A_2676 = arith.constant 240 : index
    %get3A_2677 = tpu.vector_load %arg8[%get3A_2675, %get3A_2676] {strides = array<i32>} : memref<8x256xf32, #tpu.memory_space<vmem>>, vector<1x16xf32>,
    %get3A_2678 = vector.shape_cast %get3A_2677 : vector<1x16xf32> to vector<16xf32>
    %get3A_2679 = arith.constant 6 : i32
    %get3A_2680 = arith.index_cast %get3A_2679 : i32 to index
    %get3A_2681 = arith.constant 240 : index
    %get3A_2682 = tpu.vector_load %arg9[%get3A_2680, %get3A_2681] {strides = array<i32>} : memref<8x256xf32, #tpu.memory_space<vmem>>, vector<1x16xf32>,
    %get3A_2683 = vector.shape_cast %get3A_2682 : vector<1x16xf32> to vector<16xf32>
    %exp3A_2684 = math.exp %get3A_2683 : vector<16xf32>
    %get3A_2685 = arith.constant 6 : i32
    %get3A_2686 = arith.index_cast %get3A_2685 : i32 to index
    %get3A_2687 = arith.constant 240 : index
    %get3A_2688 = tpu.vector_load %arg10[%get3A_2686, %get3A_2687] {strides = array<i32>} : memref<8x256xf32, #tpu.memory_space<vmem>>, vector<1x16xf32>,
    %get3A_2689 = vector.shape_cast %get3A_2688 : vector<1x16xf32> to vector<16xf32>
    %mul3A_2690 = arith.mulf %exp3A_2684, %get3A_2689 : vector<16xf32>
    %add3A_2691 = arith.addf %get3A_2678, %mul3A_2690 : vector<16xf32>
    %swap3A_2692 = arith.constant 6 : i32
    %swap3A_2693 = arith.index_cast %swap3A_2692 : i32 to index
    %swap3A_2694 = arith.constant 240 : index
    %swap3A_2695 = tpu.vector_load %arg10[%swap3A_2693, %swap3A_2694] {strides = array<i32>} : memref<8x256xf32, #tpu.memory_space<vmem>>, vector<1x16xf32>,
    %swap3A_2696 = vector.shape_cast %swap3A_2695 : vector<1x16xf32> to vector<16xf32>
    %swap3A_2697 = vector.shape_cast %add3A_2691 : vector<16xf32> to vector<1x16xf32>
    tpu.vector_store %arg10[%swap3A_2693, %swap3A_2694], %swap3A_2697 {strides = array<i32>} : memref<8x256xf32, #tpu.memory_space<vmem>>, vector<1x16xf32>,
    %get3A_2698 = arith.constant 7 : i32
    %get3A_2699 = arith.index_cast %get3A_2698 : i32 to index
    %get3A_2700 = arith.constant 0 : index
    %get3A_2701 = tpu.vector_load %arg8[%get3A_2699, %get3A_2700] {strides = array<i32>} : memref<8x256xf32, #tpu.memory_space<vmem>>, vector<1x16xf32>,
    %get3A_2702 = vector.shape_cast %get3A_2701 : vector<1x16xf32> to vector<16xf32>
    %get3A_2703 = arith.constant 7 : i32
    %get3A_2704 = arith.index_cast %get3A_2703 : i32 to index
    %get3A_2705 = arith.constant 0 : index
    %get3A_2706 = tpu.vector_load %arg9[%get3A_2704, %get3A_2705] {strides = array<i32>} : memref<8x256xf32, #tpu.memory_space<vmem>>, vector<1x16xf32>,
    %get3A_2707 = vector.shape_cast %get3A_2706 : vector<1x16xf32> to vector<16xf32>
    %exp3A_2708 = math.exp %get3A_2707 : vector<16xf32>
    %get3A_2709 = arith.constant 7 : i32
    %get3A_2710 = arith.index_cast %get3A_2709 : i32 to index
    %get3A_2711 = arith.constant 0 : index
    %get3A_2712 = tpu.vector_load %arg10[%get3A_2710, %get3A_2711] {strides = array<i32>} : memref<8x256xf32, #tpu.memory_space<vmem>>, vector<1x16xf32>,
    %get3A_2713 = vector.shape_cast %get3A_2712 : vector<1x16xf32> to vector<16xf32>
    %mul3A_2714 = arith.mulf %exp3A_2708, %get3A_2713 : vector<16xf32>
    %add3A_2715 = arith.addf %get3A_2702, %mul3A_2714 : vector<16xf32>
    %swap3A_2716 = arith.constant 7 : i32
    %swap3A_2717 = arith.index_cast %swap3A_2716 : i32 to index
    %swap3A_2718 = arith.constant 0 : index
    %swap3A_2719 = tpu.vector_load %arg10[%swap3A_2717, %swap3A_2718] {strides = array<i32>} : memref<8x256xf32, #tpu.memory_space<vmem>>, vector<1x16xf32>,
    %swap3A_2720 = vector.shape_cast %swap3A_2719 : vector<1x16xf32> to vector<16xf32>
    %swap3A_2721 = vector.shape_cast %add3A_2715 : vector<16xf32> to vector<1x16xf32>
    tpu.vector_store %arg10[%swap3A_2717, %swap3A_2718], %swap3A_2721 {strides = array<i32>} : memref<8x256xf32, #tpu.memory_space<vmem>>, vector<1x16xf32>,
    %get3A_2722 = arith.constant 7 : i32
    %get3A_2723 = arith.index_cast %get3A_2722 : i32 to index
    %get3A_2724 = arith.constant 16 : index
    %get3A_2725 = tpu.vector_load %arg8[%get3A_2723, %get3A_2724] {strides = array<i32>} : memref<8x256xf32, #tpu.memory_space<vmem>>, vector<1x16xf32>,
    %get3A_2726 = vector.shape_cast %get3A_2725 : vector<1x16xf32> to vector<16xf32>
    %get3A_2727 = arith.constant 7 : i32
    %get3A_2728 = arith.index_cast %get3A_2727 : i32 to index
    %get3A_2729 = arith.constant 16 : index
    %get3A_2730 = tpu.vector_load %arg9[%get3A_2728, %get3A_2729] {strides = array<i32>} : memref<8x256xf32, #tpu.memory_space<vmem>>, vector<1x16xf32>,
    %get3A_2731 = vector.shape_cast %get3A_2730 : vector<1x16xf32> to vector<16xf32>
    %exp3A_2732 = math.exp %get3A_2731 : vector<16xf32>
    %get3A_2733 = arith.constant 7 : i32
    %get3A_2734 = arith.index_cast %get3A_2733 : i32 to index
    %get3A_2735 = arith.constant 16 : index
    %get3A_2736 = tpu.vector_load %arg10[%get3A_2734, %get3A_2735] {strides = array<i32>} : memref<8x256xf32, #tpu.memory_space<vmem>>, vector<1x16xf32>,
    %get3A_2737 = vector.shape_cast %get3A_2736 : vector<1x16xf32> to vector<16xf32>
    %mul3A_2738 = arith.mulf %exp3A_2732, %get3A_2737 : vector<16xf32>
    %add3A_2739 = arith.addf %get3A_2726, %mul3A_2738 : vector<16xf32>
    %swap3A_2740 = arith.constant 7 : i32
    %swap3A_2741 = arith.index_cast %swap3A_2740 : i32 to index
    %swap3A_2742 = arith.constant 16 : index
    %swap3A_2743 = tpu.vector_load %arg10[%swap3A_2741, %swap3A_2742] {strides = array<i32>} : memref<8x256xf32, #tpu.memory_space<vmem>>, vector<1x16xf32>,
    %swap3A_2744 = vector.shape_cast %swap3A_2743 : vector<1x16xf32> to vector<16xf32>
    %swap3A_2745 = vector.shape_cast %add3A_2739 : vector<16xf32> to vector<1x16xf32>
    tpu.vector_store %arg10[%swap3A_2741, %swap3A_2742], %swap3A_2745 {strides = array<i32>} : memref<8x256xf32, #tpu.memory_space<vmem>>, vector<1x16xf32>,
    %get3A_2746 = arith.constant 7 : i32
    %get3A_2747 = arith.index_cast %get3A_2746 : i32 to index
    %get3A_2748 = arith.constant 32 : index
    %get3A_2749 = tpu.vector_load %arg8[%get3A_2747, %get3A_2748] {strides = array<i32>} : memref<8x256xf32, #tpu.memory_space<vmem>>, vector<1x16xf32>,
    %get3A_2750 = vector.shape_cast %get3A_2749 : vector<1x16xf32> to vector<16xf32>
    %get3A_2751 = arith.constant 7 : i32
    %get3A_2752 = arith.index_cast %get3A_2751 : i32 to index
    %get3A_2753 = arith.constant 32 : index
    %get3A_2754 = tpu.vector_load %arg9[%get3A_2752, %get3A_2753] {strides = array<i32>} : memref<8x256xf32, #tpu.memory_space<vmem>>, vector<1x16xf32>,
    %get3A_2755 = vector.shape_cast %get3A_2754 : vector<1x16xf32> to vector<16xf32>
    %exp3A_2756 = math.exp %get3A_2755 : vector<16xf32>
    %get3A_2757 = arith.constant 7 : i32
    %get3A_2758 = arith.index_cast %get3A_2757 : i32 to index
    %get3A_2759 = arith.constant 32 : index
    %get3A_2760 = tpu.vector_load %arg10[%get3A_2758, %get3A_2759] {strides = array<i32>} : memref<8x256xf32, #tpu.memory_space<vmem>>, vector<1x16xf32>,
    %get3A_2761 = vector.shape_cast %get3A_2760 : vector<1x16xf32> to vector<16xf32>
    %mul3A_2762 = arith.mulf %exp3A_2756, %get3A_2761 : vector<16xf32>
    %add3A_2763 = arith.addf %get3A_2750, %mul3A_2762 : vector<16xf32>
    %swap3A_2764 = arith.constant 7 : i32
    %swap3A_2765 = arith.index_cast %swap3A_2764 : i32 to index
    %swap3A_2766 = arith.constant 32 : index
    %swap3A_2767 = tpu.vector_load %arg10[%swap3A_2765, %swap3A_2766] {strides = array<i32>} : memref<8x256xf32, #tpu.memory_space<vmem>>, vector<1x16xf32>,
    %swap3A_2768 = vector.shape_cast %swap3A_2767 : vector<1x16xf32> to vector<16xf32>
    %swap3A_2769 = vector.shape_cast %add3A_2763 : vector<16xf32> to vector<1x16xf32>
    tpu.vector_store %arg10[%swap3A_2765, %swap3A_2766], %swap3A_2769 {strides = array<i32>} : memref<8x256xf32, #tpu.memory_space<vmem>>, vector<1x16xf32>,
    %get3A_2770 = arith.constant 7 : i32
    %get3A_2771 = arith.index_cast %get3A_2770 : i32 to index
    %get3A_2772 = arith.constant 48 : index
    %get3A_2773 = tpu.vector_load %arg8[%get3A_2771, %get3A_2772] {strides = array<i32>} : memref<8x256xf32, #tpu.memory_space<vmem>>, vector<1x16xf32>,
    %get3A_2774 = vector.shape_cast %get3A_2773 : vector<1x16xf32> to vector<16xf32>
    %get3A_2775 = arith.constant 7 : i32
    %get3A_2776 = arith.index_cast %get3A_2775 : i32 to index
    %get3A_2777 = arith.constant 48 : index
    %get3A_2778 = tpu.vector_load %arg9[%get3A_2776, %get3A_2777] {strides = array<i32>} : memref<8x256xf32, #tpu.memory_space<vmem>>, vector<1x16xf32>,
    %get3A_2779 = vector.shape_cast %get3A_2778 : vector<1x16xf32> to vector<16xf32>
    %exp3A_2780 = math.exp %get3A_2779 : vector<16xf32>
    %get3A_2781 = arith.constant 7 : i32
    %get3A_2782 = arith.index_cast %get3A_2781 : i32 to index
    %get3A_2783 = arith.constant 48 : index
    %get3A_2784 = tpu.vector_load %arg10[%get3A_2782, %get3A_2783] {strides = array<i32>} : memref<8x256xf32, #tpu.memory_space<vmem>>, vector<1x16xf32>,
    %get3A_2785 = vector.shape_cast %get3A_2784 : vector<1x16xf32> to vector<16xf32>
    %mul3A_2786 = arith.mulf %exp3A_2780, %get3A_2785 : vector<16xf32>
    %add3A_2787 = arith.addf %get3A_2774, %mul3A_2786 : vector<16xf32>
    %swap3A_2788 = arith.constant 7 : i32
    %swap3A_2789 = arith.index_cast %swap3A_2788 : i32 to index
    %swap3A_2790 = arith.constant 48 : index
    %swap3A_2791 = tpu.vector_load %arg10[%swap3A_2789, %swap3A_2790] {strides = array<i32>} : memref<8x256xf32, #tpu.memory_space<vmem>>, vector<1x16xf32>,
    %swap3A_2792 = vector.shape_cast %swap3A_2791 : vector<1x16xf32> to vector<16xf32>
    %swap3A_2793 = vector.shape_cast %add3A_2787 : vector<16xf32> to vector<1x16xf32>
    tpu.vector_store %arg10[%swap3A_2789, %swap3A_2790], %swap3A_2793 {strides = array<i32>} : memref<8x256xf32, #tpu.memory_space<vmem>>, vector<1x16xf32>,
    %get3A_2794 = arith.constant 7 : i32
    %get3A_2795 = arith.index_cast %get3A_2794 : i32 to index
    %get3A_2796 = arith.constant 64 : index
    %get3A_2797 = tpu.vector_load %arg8[%get3A_2795, %get3A_2796] {strides = array<i32>} : memref<8x256xf32, #tpu.memory_space<vmem>>, vector<1x16xf32>,
    %get3A_2798 = vector.shape_cast %get3A_2797 : vector<1x16xf32> to vector<16xf32>
    %get3A_2799 = arith.constant 7 : i32
    %get3A_2800 = arith.index_cast %get3A_2799 : i32 to index
    %get3A_2801 = arith.constant 64 : index
    %get3A_2802 = tpu.vector_load %arg9[%get3A_2800, %get3A_2801] {strides = array<i32>} : memref<8x256xf32, #tpu.memory_space<vmem>>, vector<1x16xf32>,
    %get3A_2803 = vector.shape_cast %get3A_2802 : vector<1x16xf32> to vector<16xf32>
    %exp3A_2804 = math.exp %get3A_2803 : vector<16xf32>
    %get3A_2805 = arith.constant 7 : i32
    %get3A_2806 = arith.index_cast %get3A_2805 : i32 to index
    %get3A_2807 = arith.constant 64 : index
    %get3A_2808 = tpu.vector_load %arg10[%get3A_2806, %get3A_2807] {strides = array<i32>} : memref<8x256xf32, #tpu.memory_space<vmem>>, vector<1x16xf32>,
    %get3A_2809 = vector.shape_cast %get3A_2808 : vector<1x16xf32> to vector<16xf32>
    %mul3A_2810 = arith.mulf %exp3A_2804, %get3A_2809 : vector<16xf32>
    %add3A_2811 = arith.addf %get3A_2798, %mul3A_2810 : vector<16xf32>
    %swap3A_2812 = arith.constant 7 : i32
    %swap3A_2813 = arith.index_cast %swap3A_2812 : i32 to index
    %swap3A_2814 = arith.constant 64 : index
    %swap3A_2815 = tpu.vector_load %arg10[%swap3A_2813, %swap3A_2814] {strides = array<i32>} : memref<8x256xf32, #tpu.memory_space<vmem>>, vector<1x16xf32>,
    %swap3A_2816 = vector.shape_cast %swap3A_2815 : vector<1x16xf32> to vector<16xf32>
    %swap3A_2817 = vector.shape_cast %add3A_2811 : vector<16xf32> to vector<1x16xf32>
    tpu.vector_store %arg10[%swap3A_2813, %swap3A_2814], %swap3A_2817 {strides = array<i32>} : memref<8x256xf32, #tpu.memory_space<vmem>>, vector<1x16xf32>,
    %get3A_2818 = arith.constant 7 : i32
    %get3A_2819 = arith.index_cast %get3A_2818 : i32 to index
    %get3A_2820 = arith.constant 80 : index
    %get3A_2821 = tpu.vector_load %arg8[%get3A_2819, %get3A_2820] {strides = array<i32>} : memref<8x256xf32, #tpu.memory_space<vmem>>, vector<1x16xf32>,
    %get3A_2822 = vector.shape_cast %get3A_2821 : vector<1x16xf32> to vector<16xf32>
    %get3A_2823 = arith.constant 7 : i32
    %get3A_2824 = arith.index_cast %get3A_2823 : i32 to index
    %get3A_2825 = arith.constant 80 : index
    %get3A_2826 = tpu.vector_load %arg9[%get3A_2824, %get3A_2825] {strides = array<i32>} : memref<8x256xf32, #tpu.memory_space<vmem>>, vector<1x16xf32>,
    %get3A_2827 = vector.shape_cast %get3A_2826 : vector<1x16xf32> to vector<16xf32>
    %exp3A_2828 = math.exp %get3A_2827 : vector<16xf32>
    %get3A_2829 = arith.constant 7 : i32
    %get3A_2830 = arith.index_cast %get3A_2829 : i32 to index
    %get3A_2831 = arith.constant 80 : index
    %get3A_2832 = tpu.vector_load %arg10[%get3A_2830, %get3A_2831] {strides = array<i32>} : memref<8x256xf32, #tpu.memory_space<vmem>>, vector<1x16xf32>,
    %get3A_2833 = vector.shape_cast %get3A_2832 : vector<1x16xf32> to vector<16xf32>
    %mul3A_2834 = arith.mulf %exp3A_2828, %get3A_2833 : vector<16xf32>
    %add3A_2835 = arith.addf %get3A_2822, %mul3A_2834 : vector<16xf32>
    %swap3A_2836 = arith.constant 7 : i32
    %swap3A_2837 = arith.index_cast %swap3A_2836 : i32 to index
    %swap3A_2838 = arith.constant 80 : index
    %swap3A_2839 = tpu.vector_load %arg10[%swap3A_2837, %swap3A_2838] {strides = array<i32>} : memref<8x256xf32, #tpu.memory_space<vmem>>, vector<1x16xf32>,
    %swap3A_2840 = vector.shape_cast %swap3A_2839 : vector<1x16xf32> to vector<16xf32>
    %swap3A_2841 = vector.shape_cast %add3A_2835 : vector<16xf32> to vector<1x16xf32>
    tpu.vector_store %arg10[%swap3A_2837, %swap3A_2838], %swap3A_2841 {strides = array<i32>} : memref<8x256xf32, #tpu.memory_space<vmem>>, vector<1x16xf32>,
    %get3A_2842 = arith.constant 7 : i32
    %get3A_2843 = arith.index_cast %get3A_2842 : i32 to index
    %get3A_2844 = arith.constant 96 : index
    %get3A_2845 = tpu.vector_load %arg8[%get3A_2843, %get3A_2844] {strides = array<i32>} : memref<8x256xf32, #tpu.memory_space<vmem>>, vector<1x16xf32>,
    %get3A_2846 = vector.shape_cast %get3A_2845 : vector<1x16xf32> to vector<16xf32>
    %get3A_2847 = arith.constant 7 : i32
    %get3A_2848 = arith.index_cast %get3A_2847 : i32 to index
    %get3A_2849 = arith.constant 96 : index
    %get3A_2850 = tpu.vector_load %arg9[%get3A_2848, %get3A_2849] {strides = array<i32>} : memref<8x256xf32, #tpu.memory_space<vmem>>, vector<1x16xf32>,
    %get3A_2851 = vector.shape_cast %get3A_2850 : vector<1x16xf32> to vector<16xf32>
    %exp3A_2852 = math.exp %get3A_2851 : vector<16xf32>
    %get3A_2853 = arith.constant 7 : i32
    %get3A_2854 = arith.index_cast %get3A_2853 : i32 to index
    %get3A_2855 = arith.constant 96 : index
    %get3A_2856 = tpu.vector_load %arg10[%get3A_2854, %get3A_2855] {strides = array<i32>} : memref<8x256xf32, #tpu.memory_space<vmem>>, vector<1x16xf32>,
    %get3A_2857 = vector.shape_cast %get3A_2856 : vector<1x16xf32> to vector<16xf32>
    %mul3A_2858 = arith.mulf %exp3A_2852, %get3A_2857 : vector<16xf32>
    %add3A_2859 = arith.addf %get3A_2846, %mul3A_2858 : vector<16xf32>
    %swap3A_2860 = arith.constant 7 : i32
    %swap3A_2861 = arith.index_cast %swap3A_2860 : i32 to index
    %swap3A_2862 = arith.constant 96 : index
    %swap3A_2863 = tpu.vector_load %arg10[%swap3A_2861, %swap3A_2862] {strides = array<i32>} : memref<8x256xf32, #tpu.memory_space<vmem>>, vector<1x16xf32>,
    %swap3A_2864 = vector.shape_cast %swap3A_2863 : vector<1x16xf32> to vector<16xf32>
    %swap3A_2865 = vector.shape_cast %add3A_2859 : vector<16xf32> to vector<1x16xf32>
    tpu.vector_store %arg10[%swap3A_2861, %swap3A_2862], %swap3A_2865 {strides = array<i32>} : memref<8x256xf32, #tpu.memory_space<vmem>>, vector<1x16xf32>,
    %get3A_2866 = arith.constant 7 : i32
    %get3A_2867 = arith.index_cast %get3A_2866 : i32 to index
    %get3A_2868 = arith.constant 112 : index
    %get3A_2869 = tpu.vector_load %arg8[%get3A_2867, %get3A_2868] {strides = array<i32>} : memref<8x256xf32, #tpu.memory_space<vmem>>, vector<1x16xf32>,
    %get3A_2870 = vector.shape_cast %get3A_2869 : vector<1x16xf32> to vector<16xf32>
    %get3A_2871 = arith.constant 7 : i32
    %get3A_2872 = arith.index_cast %get3A_2871 : i32 to index
    %get3A_2873 = arith.constant 112 : index
    %get3A_2874 = tpu.vector_load %arg9[%get3A_2872, %get3A_2873] {strides = array<i32>} : memref<8x256xf32, #tpu.memory_space<vmem>>, vector<1x16xf32>,
    %get3A_2875 = vector.shape_cast %get3A_2874 : vector<1x16xf32> to vector<16xf32>
    %exp3A_2876 = math.exp %get3A_2875 : vector<16xf32>
    %get3A_2877 = arith.constant 7 : i32
    %get3A_2878 = arith.index_cast %get3A_2877 : i32 to index
    %get3A_2879 = arith.constant 112 : index
    %get3A_2880 = tpu.vector_load %arg10[%get3A_2878, %get3A_2879] {strides = array<i32>} : memref<8x256xf32, #tpu.memory_space<vmem>>, vector<1x16xf32>,
    %get3A_2881 = vector.shape_cast %get3A_2880 : vector<1x16xf32> to vector<16xf32>
    %mul3A_2882 = arith.mulf %exp3A_2876, %get3A_2881 : vector<16xf32>
    %add3A_2883 = arith.addf %get3A_2870, %mul3A_2882 : vector<16xf32>
    %swap3A_2884 = arith.constant 7 : i32
    %swap3A_2885 = arith.index_cast %swap3A_2884 : i32 to index
    %swap3A_2886 = arith.constant 112 : index
    %swap3A_2887 = tpu.vector_load %arg10[%swap3A_2885, %swap3A_2886] {strides = array<i32>} : memref<8x256xf32, #tpu.memory_space<vmem>>, vector<1x16xf32>,
    %swap3A_2888 = vector.shape_cast %swap3A_2887 : vector<1x16xf32> to vector<16xf32>
    %swap3A_2889 = vector.shape_cast %add3A_2883 : vector<16xf32> to vector<1x16xf32>
    tpu.vector_store %arg10[%swap3A_2885, %swap3A_2886], %swap3A_2889 {strides = array<i32>} : memref<8x256xf32, #tpu.memory_space<vmem>>, vector<1x16xf32>,
    %get3A_2890 = arith.constant 7 : i32
    %get3A_2891 = arith.index_cast %get3A_2890 : i32 to index
    %get3A_2892 = arith.constant 128 : index
    %get3A_2893 = tpu.vector_load %arg8[%get3A_2891, %get3A_2892] {strides = array<i32>} : memref<8x256xf32, #tpu.memory_space<vmem>>, vector<1x16xf32>,
    %get3A_2894 = vector.shape_cast %get3A_2893 : vector<1x16xf32> to vector<16xf32>
    %get3A_2895 = arith.constant 7 : i32
    %get3A_2896 = arith.index_cast %get3A_2895 : i32 to index
    %get3A_2897 = arith.constant 128 : index
    %get3A_2898 = tpu.vector_load %arg9[%get3A_2896, %get3A_2897] {strides = array<i32>} : memref<8x256xf32, #tpu.memory_space<vmem>>, vector<1x16xf32>,
    %get3A_2899 = vector.shape_cast %get3A_2898 : vector<1x16xf32> to vector<16xf32>
    %exp3A_2900 = math.exp %get3A_2899 : vector<16xf32>
    %get3A_2901 = arith.constant 7 : i32
    %get3A_2902 = arith.index_cast %get3A_2901 : i32 to index
    %get3A_2903 = arith.constant 128 : index
    %get3A_2904 = tpu.vector_load %arg10[%get3A_2902, %get3A_2903] {strides = array<i32>} : memref<8x256xf32, #tpu.memory_space<vmem>>, vector<1x16xf32>,
    %get3A_2905 = vector.shape_cast %get3A_2904 : vector<1x16xf32> to vector<16xf32>
    %mul3A_2906 = arith.mulf %exp3A_2900, %get3A_2905 : vector<16xf32>
    %add3A_2907 = arith.addf %get3A_2894, %mul3A_2906 : vector<16xf32>
    %swap3A_2908 = arith.constant 7 : i32
    %swap3A_2909 = arith.index_cast %swap3A_2908 : i32 to index
    %swap3A_2910 = arith.constant 128 : index
    %swap3A_2911 = tpu.vector_load %arg10[%swap3A_2909, %swap3A_2910] {strides = array<i32>} : memref<8x256xf32, #tpu.memory_space<vmem>>, vector<1x16xf32>,
    %swap3A_2912 = vector.shape_cast %swap3A_2911 : vector<1x16xf32> to vector<16xf32>
    %swap3A_2913 = vector.shape_cast %add3A_2907 : vector<16xf32> to vector<1x16xf32>
    tpu.vector_store %arg10[%swap3A_2909, %swap3A_2910], %swap3A_2913 {strides = array<i32>} : memref<8x256xf32, #tpu.memory_space<vmem>>, vector<1x16xf32>,
    %get3A_2914 = arith.constant 7 : i32
    %get3A_2915 = arith.index_cast %get3A_2914 : i32 to index
    %get3A_2916 = arith.constant 144 : index
    %get3A_2917 = tpu.vector_load %arg8[%get3A_2915, %get3A_2916] {strides = array<i32>} : memref<8x256xf32, #tpu.memory_space<vmem>>, vector<1x16xf32>,
    %get3A_2918 = vector.shape_cast %get3A_2917 : vector<1x16xf32> to vector<16xf32>
    %get3A_2919 = arith.constant 7 : i32
    %get3A_2920 = arith.index_cast %get3A_2919 : i32 to index
    %get3A_2921 = arith.constant 144 : index
    %get3A_2922 = tpu.vector_load %arg9[%get3A_2920, %get3A_2921] {strides = array<i32>} : memref<8x256xf32, #tpu.memory_space<vmem>>, vector<1x16xf32>,
    %get3A_2923 = vector.shape_cast %get3A_2922 : vector<1x16xf32> to vector<16xf32>
    %exp3A_2924 = math.exp %get3A_2923 : vector<16xf32>
    %get3A_2925 = arith.constant 7 : i32
    %get3A_2926 = arith.index_cast %get3A_2925 : i32 to index
    %get3A_2927 = arith.constant 144 : index
    %get3A_2928 = tpu.vector_load %arg10[%get3A_2926, %get3A_2927] {strides = array<i32>} : memref<8x256xf32, #tpu.memory_space<vmem>>, vector<1x16xf32>,
    %get3A_2929 = vector.shape_cast %get3A_2928 : vector<1x16xf32> to vector<16xf32>
    %mul3A_2930 = arith.mulf %exp3A_2924, %get3A_2929 : vector<16xf32>
    %add3A_2931 = arith.addf %get3A_2918, %mul3A_2930 : vector<16xf32>
    %swap3A_2932 = arith.constant 7 : i32
    %swap3A_2933 = arith.index_cast %swap3A_2932 : i32 to index
    %swap3A_2934 = arith.constant 144 : index
    %swap3A_2935 = tpu.vector_load %arg10[%swap3A_2933, %swap3A_2934] {strides = array<i32>} : memref<8x256xf32, #tpu.memory_space<vmem>>, vector<1x16xf32>,
    %swap3A_2936 = vector.shape_cast %swap3A_2935 : vector<1x16xf32> to vector<16xf32>
    %swap3A_2937 = vector.shape_cast %add3A_2931 : vector<16xf32> to vector<1x16xf32>
    tpu.vector_store %arg10[%swap3A_2933, %swap3A_2934], %swap3A_2937 {strides = array<i32>} : memref<8x256xf32, #tpu.memory_space<vmem>>, vector<1x16xf32>,
    %get3A_2938 = arith.constant 7 : i32
    %get3A_2939 = arith.index_cast %get3A_2938 : i32 to index
    %get3A_2940 = arith.constant 160 : index
    %get3A_2941 = tpu.vector_load %arg8[%get3A_2939, %get3A_2940] {strides = array<i32>} : memref<8x256xf32, #tpu.memory_space<vmem>>, vector<1x16xf32>,
    %get3A_2942 = vector.shape_cast %get3A_2941 : vector<1x16xf32> to vector<16xf32>
    %get3A_2943 = arith.constant 7 : i32
    %get3A_2944 = arith.index_cast %get3A_2943 : i32 to index
    %get3A_2945 = arith.constant 160 : index
    %get3A_2946 = tpu.vector_load %arg9[%get3A_2944, %get3A_2945] {strides = array<i32>} : memref<8x256xf32, #tpu.memory_space<vmem>>, vector<1x16xf32>,
    %get3A_2947 = vector.shape_cast %get3A_2946 : vector<1x16xf32> to vector<16xf32>
    %exp3A_2948 = math.exp %get3A_2947 : vector<16xf32>
    %get3A_2949 = arith.constant 7 : i32
    %get3A_2950 = arith.index_cast %get3A_2949 : i32 to index
    %get3A_2951 = arith.constant 160 : index
    %get3A_2952 = tpu.vector_load %arg10[%get3A_2950, %get3A_2951] {strides = array<i32>} : memref<8x256xf32, #tpu.memory_space<vmem>>, vector<1x16xf32>,
    %get3A_2953 = vector.shape_cast %get3A_2952 : vector<1x16xf32> to vector<16xf32>
    %mul3A_2954 = arith.mulf %exp3A_2948, %get3A_2953 : vector<16xf32>
    %add3A_2955 = arith.addf %get3A_2942, %mul3A_2954 : vector<16xf32>
    %swap3A_2956 = arith.constant 7 : i32
    %swap3A_2957 = arith.index_cast %swap3A_2956 : i32 to index
    %swap3A_2958 = arith.constant 160 : index
    %swap3A_2959 = tpu.vector_load %arg10[%swap3A_2957, %swap3A_2958] {strides = array<i32>} : memref<8x256xf32, #tpu.memory_space<vmem>>, vector<1x16xf32>,
    %swap3A_2960 = vector.shape_cast %swap3A_2959 : vector<1x16xf32> to vector<16xf32>
    %swap3A_2961 = vector.shape_cast %add3A_2955 : vector<16xf32> to vector<1x16xf32>
    tpu.vector_store %arg10[%swap3A_2957, %swap3A_2958], %swap3A_2961 {strides = array<i32>} : memref<8x256xf32, #tpu.memory_space<vmem>>, vector<1x16xf32>,
    %get3A_2962 = arith.constant 7 : i32
    %get3A_2963 = arith.index_cast %get3A_2962 : i32 to index
    %get3A_2964 = arith.constant 176 : index
    %get3A_2965 = tpu.vector_load %arg8[%get3A_2963, %get3A_2964] {strides = array<i32>} : memref<8x256xf32, #tpu.memory_space<vmem>>, vector<1x16xf32>,
    %get3A_2966 = vector.shape_cast %get3A_2965 : vector<1x16xf32> to vector<16xf32>
    %get3A_2967 = arith.constant 7 : i32
    %get3A_2968 = arith.index_cast %get3A_2967 : i32 to index
    %get3A_2969 = arith.constant 176 : index
    %get3A_2970 = tpu.vector_load %arg9[%get3A_2968, %get3A_2969] {strides = array<i32>} : memref<8x256xf32, #tpu.memory_space<vmem>>, vector<1x16xf32>,
    %get3A_2971 = vector.shape_cast %get3A_2970 : vector<1x16xf32> to vector<16xf32>
    %exp3A_2972 = math.exp %get3A_2971 : vector<16xf32>
    %get3A_2973 = arith.constant 7 : i32
    %get3A_2974 = arith.index_cast %get3A_2973 : i32 to index
    %get3A_2975 = arith.constant 176 : index
    %get3A_2976 = tpu.vector_load %arg10[%get3A_2974, %get3A_2975] {strides = array<i32>} : memref<8x256xf32, #tpu.memory_space<vmem>>, vector<1x16xf32>,
    %get3A_2977 = vector.shape_cast %get3A_2976 : vector<1x16xf32> to vector<16xf32>
    %mul3A_2978 = arith.mulf %exp3A_2972, %get3A_2977 : vector<16xf32>
    %add3A_2979 = arith.addf %get3A_2966, %mul3A_2978 : vector<16xf32>
    %swap3A_2980 = arith.constant 7 : i32
    %swap3A_2981 = arith.index_cast %swap3A_2980 : i32 to index
    %swap3A_2982 = arith.constant 176 : index
    %swap3A_2983 = tpu.vector_load %arg10[%swap3A_2981, %swap3A_2982] {strides = array<i32>} : memref<8x256xf32, #tpu.memory_space<vmem>>, vector<1x16xf32>,
    %swap3A_2984 = vector.shape_cast %swap3A_2983 : vector<1x16xf32> to vector<16xf32>
    %swap3A_2985 = vector.shape_cast %add3A_2979 : vector<16xf32> to vector<1x16xf32>
    tpu.vector_store %arg10[%swap3A_2981, %swap3A_2982], %swap3A_2985 {strides = array<i32>} : memref<8x256xf32, #tpu.memory_space<vmem>>, vector<1x16xf32>,
    %get3A_2986 = arith.constant 7 : i32
    %get3A_2987 = arith.index_cast %get3A_2986 : i32 to index
    %get3A_2988 = arith.constant 192 : index
    %get3A_2989 = tpu.vector_load %arg8[%get3A_2987, %get3A_2988] {strides = array<i32>} : memref<8x256xf32, #tpu.memory_space<vmem>>, vector<1x16xf32>,
    %get3A_2990 = vector.shape_cast %get3A_2989 : vector<1x16xf32> to vector<16xf32>
    %get3A_2991 = arith.constant 7 : i32
    %get3A_2992 = arith.index_cast %get3A_2991 : i32 to index
    %get3A_2993 = arith.constant 192 : index
    %get3A_2994 = tpu.vector_load %arg9[%get3A_2992, %get3A_2993] {strides = array<i32>} : memref<8x256xf32, #tpu.memory_space<vmem>>, vector<1x16xf32>,
    %get3A_2995 = vector.shape_cast %get3A_2994 : vector<1x16xf32> to vector<16xf32>
    %exp3A_2996 = math.exp %get3A_2995 : vector<16xf32>
    %get3A_2997 = arith.constant 7 : i32
    %get3A_2998 = arith.index_cast %get3A_2997 : i32 to index
    %get3A_2999 = arith.constant 192 : index
    %get3A_3000 = tpu.vector_load %arg10[%get3A_2998, %get3A_2999] {strides = array<i32>} : memref<8x256xf32, #tpu.memory_space<vmem>>, vector<1x16xf32>,
    %get3A_3001 = vector.shape_cast %get3A_3000 : vector<1x16xf32> to vector<16xf32>
    %mul3A_3002 = arith.mulf %exp3A_2996, %get3A_3001 : vector<16xf32>
    %add3A_3003 = arith.addf %get3A_2990, %mul3A_3002 : vector<16xf32>
    %swap3A_3004 = arith.constant 7 : i32
    %swap3A_3005 = arith.index_cast %swap3A_3004 : i32 to index
    %swap3A_3006 = arith.constant 192 : index
    %swap3A_3007 = tpu.vector_load %arg10[%swap3A_3005, %swap3A_3006] {strides = array<i32>} : memref<8x256xf32, #tpu.memory_space<vmem>>, vector<1x16xf32>,
    %swap3A_3008 = vector.shape_cast %swap3A_3007 : vector<1x16xf32> to vector<16xf32>
    %swap3A_3009 = vector.shape_cast %add3A_3003 : vector<16xf32> to vector<1x16xf32>
    tpu.vector_store %arg10[%swap3A_3005, %swap3A_3006], %swap3A_3009 {strides = array<i32>} : memref<8x256xf32, #tpu.memory_space<vmem>>, vector<1x16xf32>,
    %get3A_3010 = arith.constant 7 : i32
    %get3A_3011 = arith.index_cast %get3A_3010 : i32 to index
    %get3A_3012 = arith.constant 208 : index
    %get3A_3013 = tpu.vector_load %arg8[%get3A_3011, %get3A_3012] {strides = array<i32>} : memref<8x256xf32, #tpu.memory_space<vmem>>, vector<1x16xf32>,
    %get3A_3014 = vector.shape_cast %get3A_3013 : vector<1x16xf32> to vector<16xf32>
    %get3A_3015 = arith.constant 7 : i32
    %get3A_3016 = arith.index_cast %get3A_3015 : i32 to index
    %get3A_3017 = arith.constant 208 : index
    %get3A_3018 = tpu.vector_load %arg9[%get3A_3016, %get3A_3017] {strides = array<i32>} : memref<8x256xf32, #tpu.memory_space<vmem>>, vector<1x16xf32>,
    %get3A_3019 = vector.shape_cast %get3A_3018 : vector<1x16xf32> to vector<16xf32>
    %exp3A_3020 = math.exp %get3A_3019 : vector<16xf32>
    %get3A_3021 = arith.constant 7 : i32
    %get3A_3022 = arith.index_cast %get3A_3021 : i32 to index
    %get3A_3023 = arith.constant 208 : index
    %get3A_3024 = tpu.vector_load %arg10[%get3A_3022, %get3A_3023] {strides = array<i32>} : memref<8x256xf32, #tpu.memory_space<vmem>>, vector<1x16xf32>,
    %get3A_3025 = vector.shape_cast %get3A_3024 : vector<1x16xf32> to vector<16xf32>
    %mul3A_3026 = arith.mulf %exp3A_3020, %get3A_3025 : vector<16xf32>
    %add3A_3027 = arith.addf %get3A_3014, %mul3A_3026 : vector<16xf32>
    %swap3A_3028 = arith.constant 7 : i32
    %swap3A_3029 = arith.index_cast %swap3A_3028 : i32 to index
    %swap3A_3030 = arith.constant 208 : index
    %swap3A_3031 = tpu.vector_load %arg10[%swap3A_3029, %swap3A_3030] {strides = array<i32>} : memref<8x256xf32, #tpu.memory_space<vmem>>, vector<1x16xf32>,
    %swap3A_3032 = vector.shape_cast %swap3A_3031 : vector<1x16xf32> to vector<16xf32>
    %swap3A_3033 = vector.shape_cast %add3A_3027 : vector<16xf32> to vector<1x16xf32>
    tpu.vector_store %arg10[%swap3A_3029, %swap3A_3030], %swap3A_3033 {strides = array<i32>} : memref<8x256xf32, #tpu.memory_space<vmem>>, vector<1x16xf32>,
    %get3A_3034 = arith.constant 7 : i32
    %get3A_3035 = arith.index_cast %get3A_3034 : i32 to index
    %get3A_3036 = arith.constant 224 : index
    %get3A_3037 = tpu.vector_load %arg8[%get3A_3035, %get3A_3036] {strides = array<i32>} : memref<8x256xf32, #tpu.memory_space<vmem>>, vector<1x16xf32>,
    %get3A_3038 = vector.shape_cast %get3A_3037 : vector<1x16xf32> to vector<16xf32>
    %get3A_3039 = arith.constant 7 : i32
    %get3A_3040 = arith.index_cast %get3A_3039 : i32 to index
    %get3A_3041 = arith.constant 224 : index
    %get3A_3042 = tpu.vector_load %arg9[%get3A_3040, %get3A_3041] {strides = array<i32>} : memref<8x256xf32, #tpu.memory_space<vmem>>, vector<1x16xf32>,
    %get3A_3043 = vector.shape_cast %get3A_3042 : vector<1x16xf32> to vector<16xf32>
    %exp3A_3044 = math.exp %get3A_3043 : vector<16xf32>
    %get3A_3045 = arith.constant 7 : i32
    %get3A_3046 = arith.index_cast %get3A_3045 : i32 to index
    %get3A_3047 = arith.constant 224 : index
    %get3A_3048 = tpu.vector_load %arg10[%get3A_3046, %get3A_3047] {strides = array<i32>} : memref<8x256xf32, #tpu.memory_space<vmem>>, vector<1x16xf32>,
    %get3A_3049 = vector.shape_cast %get3A_3048 : vector<1x16xf32> to vector<16xf32>
    %mul3A_3050 = arith.mulf %exp3A_3044, %get3A_3049 : vector<16xf32>
    %add3A_3051 = arith.addf %get3A_3038, %mul3A_3050 : vector<16xf32>
    %swap3A_3052 = arith.constant 7 : i32
    %swap3A_3053 = arith.index_cast %swap3A_3052 : i32 to index
    %swap3A_3054 = arith.constant 224 : index
    %swap3A_3055 = tpu.vector_load %arg10[%swap3A_3053, %swap3A_3054] {strides = array<i32>} : memref<8x256xf32, #tpu.memory_space<vmem>>, vector<1x16xf32>,
    %swap3A_3056 = vector.shape_cast %swap3A_3055 : vector<1x16xf32> to vector<16xf32>
    %swap3A_3057 = vector.shape_cast %add3A_3051 : vector<16xf32> to vector<1x16xf32>
    tpu.vector_store %arg10[%swap3A_3053, %swap3A_3054], %swap3A_3057 {strides = array<i32>} : memref<8x256xf32, #tpu.memory_space<vmem>>, vector<1x16xf32>,
    %get3A_3058 = arith.constant 7 : i32
    %get3A_3059 = arith.index_cast %get3A_3058 : i32 to index
    %get3A_3060 = arith.constant 240 : index
    %get3A_3061 = tpu.vector_load %arg8[%get3A_3059, %get3A_3060] {strides = array<i32>} : memref<8x256xf32, #tpu.memory_space<vmem>>, vector<1x16xf32>,
    %get3A_3062 = vector.shape_cast %get3A_3061 : vector<1x16xf32> to vector<16xf32>
    %get3A_3063 = arith.constant 7 : i32
    %get3A_3064 = arith.index_cast %get3A_3063 : i32 to index
    %get3A_3065 = arith.constant 240 : index
    %get3A_3066 = tpu.vector_load %arg9[%get3A_3064, %get3A_3065] {strides = array<i32>} : memref<8x256xf32, #tpu.memory_space<vmem>>, vector<1x16xf32>,
    %get3A_3067 = vector.shape_cast %get3A_3066 : vector<1x16xf32> to vector<16xf32>
    %exp3A_3068 = math.exp %get3A_3067 : vector<16xf32>
    %get3A_3069 = arith.constant 7 : i32
    %get3A_3070 = arith.index_cast %get3A_3069 : i32 to index
    %get3A_3071 = arith.constant 240 : index
    %get3A_3072 = tpu.vector_load %arg10[%get3A_3070, %get3A_3071] {strides = array<i32>} : memref<8x256xf32, #tpu.memory_space<vmem>>, vector<1x16xf32>,
    %get3A_3073 = vector.shape_cast %get3A_3072 : vector<1x16xf32> to vector<16xf32>
    %mul3A_3074 = arith.mulf %exp3A_3068, %get3A_3073 : vector<16xf32>
    %add3A_3075 = arith.addf %get3A_3062, %mul3A_3074 : vector<16xf32>
    %swap3A_3076 = arith.constant 7 : i32
    %swap3A_3077 = arith.index_cast %swap3A_3076 : i32 to index
    %swap3A_3078 = arith.constant 240 : index
    %swap3A_3079 = tpu.vector_load %arg10[%swap3A_3077, %swap3A_3078] {strides = array<i32>} : memref<8x256xf32, #tpu.memory_space<vmem>>, vector<1x16xf32>,
    %swap3A_3080 = vector.shape_cast %swap3A_3079 : vector<1x16xf32> to vector<16xf32>
    %swap3A_3081 = vector.shape_cast %add3A_3075 : vector<16xf32> to vector<1x16xf32>
    tpu.vector_store %arg10[%swap3A_3077, %swap3A_3078], %swap3A_3081 {strides = array<i32>} : memref<8x256xf32, #tpu.memory_space<vmem>>, vector<1x16xf32>,
    "tpu.region"() ({
      %run_scoped3A = tpu.sem_alloc : memref<!tpu.dma_semaphore, #tpu.memory_space<semaphore_mem>>
      %dma_start3A_3082 = arith.constant 0 : i32
      %dma_start3A_3083 = tpu.memref_slice %arg6[%mul3A_2, %dma_start3A_3082] : memref<256x256xf32, #tpu.memory_space<hbm>> -> memref<8x256xf32, #tpu.memory_space<hbm>>
      %dma_start3A_3084 = arith.constant 0 : i32
      %dma_start3A_3085 = tpu.memref_slice %arg6[%mul3A_2, %dma_start3A_3084] : memref<256x256xf32, #tpu.memory_space<hbm>> -> memref<8x256xf32, #tpu.memory_space<hbm>>
      tpu.enqueue_dma source(%arg10 : memref<8x256xf32, #tpu.memory_space<vmem>>) target(%dma_start3A_3085 : memref<8x256xf32, #tpu.memory_space<hbm>>) target_semaphore(%run_scoped3A : memref<!tpu.dma_semaphore, #tpu.memory_space<semaphore_mem>>)
      %dma_wait3A_3086 = arith.constant 0 : i32
      %dma_wait3A_3087 = tpu.memref_slice %arg6[%mul3A_2, %dma_wait3A_3086] : memref<256x256xf32, #tpu.memory_space<hbm>> -> memref<8x256xf32, #tpu.memory_space<hbm>>
      %dma_wait3A_3088 = arith.constant 0 : i32
      %dma_wait3A_3089 = tpu.memref_slice %arg6[%mul3A_2, %dma_wait3A_3088] : memref<256x256xf32, #tpu.memory_space<hbm>> -> memref<8x256xf32, #tpu.memory_space<hbm>>
      tpu.wait_dma2 semaphore(%run_scoped3A : memref<!tpu.dma_semaphore, #tpu.memory_space<semaphore_mem>>) src(%arg10 : memref<8x256xf32, #tpu.memory_space<vmem>>) dst(%dma_wait3A_3089 : memref<8x256xf32, #tpu.memory_space<hbm>>)
      tpu.yield
    }) : () -> ()
    return
  }
}

module attributes {stable_mosaic.version = 14 : i64} {
  func.func @_logits_body(%arg0: memref<256x256xf32, #tpu.memory_space<vmem>>, %arg1: memref<1024x256xf32, #tpu.memory_space<vmem>>, %arg2: memref<1024x256xf32, #tpu.memory_space<vmem>>, %arg3: memref<256xi32, #tpu.memory_space<vmem>>, %arg4: memref<256xf32, #tpu.memory_space<vmem>>) attributes {dimension_semantics = [], scalar_prefetch = 0 : i64, scratch_operands = 0 : i64, tpu.core_type = #tpu.core_type<tc>} {
    %get3A = arith.constant 0 : index
    %get3A_0 = arith.constant 0 : index
    %get3A_1 = vector.load %arg0[%get3A, %get3A_0] : memref<256x256xf32, #tpu.memory_space<vmem>>, vector<256x256xf32>
    %get3A_2 = arith.constant 0 : index
    %get3A_3 = arith.constant 0 : index
    %get3A_4 = vector.load %arg1[%get3A_2, %get3A_3] : memref<1024x256xf32, #tpu.memory_space<vmem>>, vector<1024x256xf32>
    %get3A_5 = arith.constant 0 : index
    %get3A_6 = arith.constant 0 : index
    %get3A_7 = vector.load %arg2[%get3A_5, %get3A_6] : memref<1024x256xf32, #tpu.memory_space<vmem>>, vector<1024x256xf32>
    %mul3A = arith.constant -2.000000e+00 : f32
    %mul3A_8 = vector.broadcast %mul3A : f32 to vector<1024x256xf32>
    %mul3A_9 = arith.mulf %mul3A_8, %get3A_7 : vector<1024x256xf32>
    %exp3A = math.exp %mul3A_9 : vector<1024x256xf32>
    %mul3A_10 = arith.mulf %get3A_4, %exp3A : vector<1024x256xf32>
    %mul3A_11 = arith.mulf %get3A_4, %mul3A_10 : vector<1024x256xf32>
    %reduce_sum3A = arith.constant dense<0.000000e+00> : vector<1024xf32>
    %reduce_sum3A_12 = vector.multi_reduction <add>, %mul3A_11, %reduce_sum3A [1] : vector<1024x256xf32> to vector<1024xf32>
    %mul3A_13 = arith.constant -5.000000e-01 : f32
    %mul3A_14 = vector.broadcast %mul3A_13 : f32 to vector<1024xf32>
    %mul3A_15 = arith.mulf %mul3A_14, %reduce_sum3A_12 : vector<1024xf32>
    %reduce_sum3A_16 = arith.constant dense<0.000000e+00> : vector<1024xf32>
    %reduce_sum3A_17 = vector.multi_reduction <add>, %get3A_7, %reduce_sum3A_16 [1] : vector<1024x256xf32> to vector<1024xf32>
    %sub3A = arith.subf %mul3A_15, %reduce_sum3A_17 : vector<1024xf32>
    %sub3A_18 = arith.constant 235.24826 : f32
    %sub3A_19 = vector.broadcast %sub3A_18 : f32 to vector<1024xf32>
    %sub3A_20 = arith.subf %sub3A, %sub3A_19 : vector<1024xf32>
    %dot_general3A = arith.constant dense<0.000000e+00> : vector<256x1024xf32>
    %dot_general3A_21 = tpu.matmul %get3A_1, %mul3A_10, %dot_general3A {dimension_numbers = #tpu.dot_dimension_numbers<[1], [1], [0], [0], [0, 0, 1, 0], [], []>, precision = #tpu.contract_precision<fp32>, transpose_lhs_hint = false} : vector<256x256xf32>, vector<1024x256xf32>, vector<256x1024xf32> -> vector<256x1024xf32>
    %mul3A_22 = arith.mulf %get3A_1, %get3A_1 : vector<256x256xf32>
    %dot_general3A_23 = arith.constant dense<0.000000e+00> : vector<256x1024xf32>
    %dot_general3A_24 = tpu.matmul %mul3A_22, %exp3A, %dot_general3A_23 {dimension_numbers = #tpu.dot_dimension_numbers<[1], [1], [0], [0], [0, 0, 1, 0], [], []>, precision = #tpu.contract_precision<fp32>, transpose_lhs_hint = false} : vector<256x256xf32>, vector<1024x256xf32>, vector<256x1024xf32> -> vector<256x1024xf32>
    %mul3A_25 = arith.constant 5.000000e-01 : f32
    %mul3A_26 = vector.broadcast %mul3A_25 : f32 to vector<256x1024xf32>
    %mul3A_27 = arith.mulf %mul3A_26, %dot_general3A_24 : vector<256x1024xf32>
    %sub3A_28 = arith.subf %dot_general3A_21, %mul3A_27 : vector<256x1024xf32>
    %broadcast_in_dim3A = vector.shape_cast %sub3A_20 : vector<1024xf32> to vector<1x1024xf32>
    %add3A = vector.broadcast %broadcast_in_dim3A : vector<1x1024xf32> to vector<256x1024xf32>
    %add3A_29 = arith.addf %sub3A_28, %add3A : vector<256x1024xf32>
    %argmax3A = tpu.reduce_index %add3A_29 {axis = 1 : i32, kind = #tpu.reduction_kind<arg_max>} : vector<256x1024xf32> -> vector<256xi32>
    %swap3A = arith.constant 0 : index
    %swap3A_30 = vector.load %arg3[%swap3A] : memref<256xi32, #tpu.memory_space<vmem>>, vector<256xi32>
    tpu.vector_store %arg3[%swap3A], %argmax3A {strides = array<i32>} : memref<256xi32, #tpu.memory_space<vmem>>, vector<256xi32>,
    %reduce_max3A = arith.constant dense<0xFF800000> : vector<256xf32>
    %reduce_max3A_31 = vector.multi_reduction <maximumf>, %add3A_29, %reduce_max3A [1] : vector<256x1024xf32> to vector<256xf32>
    %swap3A_32 = arith.constant 0 : index
    %swap3A_33 = vector.load %arg4[%swap3A_32] : memref<256xf32, #tpu.memory_space<vmem>>, vector<256xf32>
    tpu.vector_store %arg4[%swap3A_32], %reduce_max3A_31 {strides = array<i32>} : memref<256xf32, #tpu.memory_space<vmem>>, vector<256xf32>,
    return
  }
}

</mosaic_0001>

<sc_bundles>
// kernel: kernel.4.cloned.1.call-start
scs
__scs_entry_jumppad:
0x0: {  	(pc) =	sbr.rel $0x88, $3  }
0x1: {  	(tag) =	ssettag $0x0;
	lr =	simm.s32 $0x1  }
0x2: {  	[smem:$0x3F9E] =	sst lr;
	_ =	strace $0xD0000000  }
0x3: {  	_ = 	snop  }
0x4: {  	_ = 	snop  }
0x5: {  	_ = 	snop  }
0x6: {  	_ = 	snop  }
0x7: {  	_ = 	snop  }
__scs_overlays_trampoline_lowered:
0x8: {  	[smem:$0x3FAD] =	sst s0  }
0x9: {  	[smem:$0x3FAE] =	sst s1  }
0xa: {  	[smem:$0x3FAF] =	sst s2  }
0xb: {  	[smem:$0x3FB0] =	sst s3  }
0xc: {  	[smem:$0x3FB1] =	sst s4  }
0xd: {  	[smem:$0x3FB2] =	sst s5  }
0xe: {  	[smem:$0x3FB3] =	sst s6  }
0xf: {  	[smem:$0x3FB4] =	sst s7  }
0x10: {  	[smem:$0x3FB5] =	sst s8  }
0x11: {  	[smem:$0x3FB6] =	sst s9;
	s0 =	simm.s32 @!p0 $0x0  }
0x12: {  	s1 =	sld [smem:$0x3F9C];
	s0 =	simm.s32 @p0 $0x1  }
0x13: {  	[smem:$0x3FB7] =	sst s0;
	s0 =	simm.s32 @!p1 $0x0  }
0x14: {  	s2 =	sld [smem:$0x3F9B];
	s0 =	simm.s32 @p1 $0x1  }
0x15: {  	[smem:$0x3FB8] =	sst s0;
	s0 =	simm.s32 @!p2 $0x0  }
0x16: {  	s3 =	sld [smem:$0x3FDB];
	s0 =	simm.s32 @p2 $0x1  }
0x17: {  	s4 =	simm.s32 $0x1BF5;
	[smem:$0x3FBA] =	sst s0  }
0x18: {  	s0 =	sld [smem:$0x3F9D];
	_ =	swait.ge [sflag:s4], $0x0  }
0x19: {  	s7 =	sld [smem:$0x3F9E]  }
0x1a: {  	s8 =	sadd.s32 $0xFFFFE003, lr  }
0x1b: {  	s9 =	sadd.s32 $0xFFFFFEF7, lr;
	s5 =	simm.s32 $0xFFFFFFFF;
	p2 =	slt.u32 s8, $0xFFFFF086  }
0x1c: {  	p1 =	slt.u32 s9, $0xF7A;
	s5 =	simm.s32 @!p2 $0x0  }
0x1d: {  	s5 =	simm.s32 @p1 $0x1;
	p0 =	seq.s32 s7, s2  }
0x1e: {  	s7 =	smul.u32 @!p0 $0xF7A, s2;
	p2 =	seq.s32 @!p0 s5, $0x0  }
0x1f: {  	s9 =	smul.u32 $0xF7A, s1;
	s8 =	simm.s32 @!p0 $0x1BF5;
	p2 =	por !p2, p0  }
0x20: {  	[sflag:s8] =	ssyncset.s32 @!p0 $0xFFFFF086;
	s6 =	sadd.s32 @!p0 s3, s7;
	s7 =	simm.s32 @!p0 $0x108  }
0x21: {  	s3 =	sadd.s32 s3, s9;
	s6 =	sadd.s32 @!p0 $0x88, s6;
	s7 =	simm.s32 @p2 $0x1082  }
0x22: {  	[simem:s7], [sflag:s8] =	dma.local @!p0 [hbm:s6], $0xF7A  }
0x23: {  	s9 =	sor.u32 $0xD0000000, s2;
	s6 =	simm.s32 $0x108;
	_ =	swait.ge @!p0 [sflag:s8], $0x0  }
0x24: {  	s3 =	sadd.s32 $0x88, s3;
	s6 =	simm.s32 @!p1 $0x1082;
	[sflag:s4] =	ssyncset.s32 $0xFFFFF086  }
0x25: {  	[simem:s6], [sflag:s4] =	dma.local [hbm:s3], $0xF7A  }
0x26: {  	[smem:$0x3F9E] =	sst s1;
	(tag) =	ssettag s2;
	_ =	strace s9  }
0x27: {  	s1 =	sld [smem:$0x3FAE]  }
0x28: {  	s2 =	sld [smem:$0x3FAF]  }
0x29: {  	s4 =	sld [smem:$0x3FB1]  }
0x2a: {  	p0 =	seq.s32 s5, $0x0;
	s5 =	sld [smem:$0x3FB2]  }
0x2b: {  	s6 =	sld [smem:$0x3FB3]  }
0x2c: {  	s7 =	sld [smem:$0x3FB4]  }
0x2d: {  	s3 =	simm.s32 $0x108;
	s8 =	sld [smem:$0x3FB5]  }
0x2e: {  	s3 =	simm.s32 @!p0 $0x1082;
	s9 =	sld [smem:$0x3FB6]  }
0x2f: {  	lr =	sadd.s32 s0, s3;
	s0 =	sld [smem:$0x3FAD]  }
0x30: {  	s3 =	sld [smem:$0x3FB0]  }
0x31: {  	[smem:$0x3FB9] =	sst s10  }
0x32: {  	s10 =	sld [smem:$0x3FB7];
	_ =	sdelay $0x3  }
0x33: {  	p0 =	seq.s32 s10, $0x1;
	s10 =	sld [smem:$0x3FB9];
	_ =	sdelay $0x3  }
0x34: {  	[smem:$0x3FB9] =	sst s10  }
0x35: {  	s10 =	sld [smem:$0x3FB8];
	_ =	sdelay $0x3  }
0x36: {  	p1 =	seq.s32 s10, $0x1;
	s10 =	sld [smem:$0x3FB9];
	_ =	sdelay $0x3  }
0x37: {  	[smem:$0x3FB9] =	sst s10  }
0x38: {  	s10 =	sld [smem:$0x3FBA]  }
0x39: {  	_ = 	snop;
	(pc) =	sbr.ind lr, $3  }
0x3a: {  	_ = 	snop  }
0x3b: {  	_ = 	snop  }
0x3c: {  	p2 =	seq.s32 s10, $0x1;
	s10 =	sld [smem:$0x3FB9]  }
0x3d: {  	_ =	shalt  }
0x3e: {  	_ =	shalt  }
0x3f: {  	_ =	shalt  }
0x40: {  	_ =	shalt  }
0x41: {  	_ =	shalt  }
0x42: {  	_ =	shalt  }
0x43: {  	_ =	shalt  }
0x44: {  	_ =	shalt  }
0x45: {  	_ =	shalt  }
0x46: {  	_ =	shalt  }
0x47: {  	_ =	shalt  }
0x48: {  	_ =	shalt  }
0x49: {  	_ =	shalt  }
0x4a: {  	_ =	shalt  }
0x4b: {  	_ =	shalt  }
0x4c: {  	_ =	shalt  }
0x4d: {  	_ =	shalt  }
0x4e: {  	_ =	shalt  }
0x4f: {  	_ =	shalt  }
0x50: {  	_ =	shalt  }
0x51: {  	_ =	shalt  }
0x52: {  	_ =	shalt  }
0x53: {  	_ =	shalt  }
0x54: {  	_ =	shalt  }
0x55: {  	_ =	shalt  }
0x56: {  	_ =	shalt  }
0x57: {  	_ =	shalt  }
0x58: {  	_ =	shalt  }
0x59: {  	_ =	shalt  }
0x5a: {  	_ =	shalt  }
0x5b: {  	_ =	shalt  }
0x5c: {  	_ =	shalt  }
0x5d: {  	_ =	shalt  }
0x5e: {  	_ =	shalt  }
0x5f: {  	_ =	shalt  }
0x60: {  	_ =	shalt  }
0x61: {  	_ =	shalt  }
0x62: {  	_ =	shalt  }
0x63: {  	_ =	shalt  }
0x64: {  	_ =	shalt  }
0x65: {  	_ =	shalt  }
0x66: {  	_ =	shalt  }
0x67: {  	_ =	shalt  }
0x68: {  	_ =	shalt  }
0x69: {  	_ =	shalt  }
0x6a: {  	_ =	shalt  }
0x6b: {  	_ =	shalt  }
0x6c: {  	_ =	shalt  }
0x6d: {  	_ =	shalt  }
0x6e: {  	_ =	shalt  }
0x6f: {  	_ =	shalt  }
0x70: {  	_ =	shalt  }
0x71: {  	_ =	shalt  }
0x72: {  	_ =	shalt  }
0x73: {  	_ =	shalt  }
0x74: {  	_ =	shalt  }
0x75: {  	_ =	shalt  }
0x76: {  	_ =	shalt  }
0x77: {  	_ =	shalt  }
0x78: {  	_ =	shalt  }
0x79: {  	_ =	shalt  }
0x7a: {  	_ =	shalt  }
0x7b: {  	_ =	shalt  }
0x7c: {  	_ =	shalt  }
0x7d: {  	_ =	shalt  }
0x7e: {  	_ =	shalt  }
0x7f: {  	_ =	shalt  }
0x80: {  	_ =	shalt  }
0x81: {  	_ =	shalt  }
0x82: {  	_ =	shalt  }
0x83: {  	_ =	shalt  }
0x84: {  	_ =	shalt  }
0x85: {  	_ =	shalt  }
0x86: {  	_ =	shalt  }
0x87: {  	_ =	shalt  }
.Lfunc_end0:
.L_simem_size_0:
called_computation_lowered:
.L_overlay_start_0:
0x88: {  	s2 =	sld [smem:$0x3FD9]  }
0x89: {  	s3 =	sld [smem:$0x3FFE];
	_ =	sdelay $0x1  }
0x8a: {  	s1 =	srdreg.scid  }
0x8b: {  	s0 =	sand.u32 $0x1, s1  }
0x8c: {  	s14 =	sshll.u32 s0, $0xA;
	s2 =	sadd.s32 s3, s2  }
0x8d: {  	s2 =	sadd.s32 s2, s14  }
0x8e: {  	[smem:$0x3FC5] =	sst s2  }
0x8f: {  	_ = 	snop  }
0x90: {  	s2 =	sld [smem:$0x3FD0];
	_ =	sdelay $0x1  }
0x91: {  	s15 =	sld [smem:$0x3FC8]  }
0x92: {  	s5 =	simm.s32 $0xA;
	s6 =	simm.s32 $0x10;
	s4 =	sld [smem:$0x3FC7]  }
0x93: {  	[smem:s6], [sflag:s5] =	dma.local [hbm:s2], $0x1  }
0x94: {  	_ =	swait.eq [sflag:s5], $0x1  }
0x95: {  	[sflag:s5] =	ssyncset.done $0x0  }
0x96: {  	[sflag:s5] =	ssyncadd.s32 $0xFFFFFFFF  }
0x97: {  	s16 =	sld [smem:$0x10];
	(tm) =	ssettm $0x1  }
0x98: {  	s17 =	sld [smem:$0x3FFB];
	_ =	sdelay $0x3  }
0x99: {  	_ =	strace s17  }
0x9a: {  	s5 =	sld [smem:$0x3FFC];
	_ =	sdelay $0x3  }
0x9b: {  	_ =	strace s5  }
0x9c: {  	s5 =	sld [smem:$0x3FFD];
	_ =	sdelay $0x3  }
0x9d: {  	_ =	strace s5  }
0x9e: {  	_ =	strace $0x8FFFFFFF  }
0x9f: {  	s18 =	sld [smem:$0x3FDB];
	_ =	sdelay $0x1  }
0xa0: {  	s19 =	simm.s32 $_scs_section_size  }
0xa1: {  	s7 =	simm.s32 $_size__tile_overlayer_lowered;
	s8 =	simm.s32 $_tile_overlayer_lowered  }
0xa2: {  	s22 =	simm.s32 $0x1BFF;
	s21 =	sshll.u32 s8, $0x1;
	s5 =	sadd.s32 s19, s18  }
0xa3: {  	s9 =	simm.s32 $0x0;
	s20 =	sshll.u32 s7, $0x1;
	s7 =	sadd.s32 s21, s5  }
0xa4: {  	[timem:s9], [sflag:s22] =	dma.local [hbm:s7], s20  }
0xa5: {  	_ =	swait.ge [sflag:s22], s20  }
0xa6: {  	s6 =	ssub.s32 $0x0, s20;
	[sflag:s22] =	ssyncset.done $0x0  }
0xa7: {  	[sflag:s22] =	ssyncadd.s32 s6;
	_ =	sdelay $0x1  }
0xa8: {  	s23 =	simm.s32 $0x1B8B  }
0xa9: {  	_ =	swait.ge [sflag:s23], $0x1  }
0xaa: {  	[sflag:s23] =	ssyncset.done $0x0  }
0xab: {  	s25 =	simm.s32 $0x1B8E;
	s24 =	sld [smem:$0x3FFE];
	[sflag:s23] =	ssyncadd.s32 $0xFFFFFFFF  }
0xac: {  	s26 =	simm.s32 $execute0_lowered;
	[smem:$0x3FD2] =	sst s25  }
0xad: {  	s7 =	sshll.u32 s26, $0x1;
	_ =	strace $0x80000046;
	[dreg:$0x1] =	wrdreg $0xFFFFFFFF  }
0xae: {  	s28 =	simm.s32 $_size_execute0_lowered;
	s5 =	sadd.s32 s5, s7;
	[dreg:$0x0] =	wrdreg $0x0  }
0xaf: {  	s7 =	sshll.u32 s28, $0x1;
	[dreg:$0x2] =	wrdreg s5  }
0xb0: {  	[dreg:$0x3] =	wrdreg s7  }
0xb1: {  	[dreg:$0x4] =	wrdreg $0xC0  }
0xb2: {  	_ =	task [dreg:s9], $0x5FFFF  }
0xb3: {  	[dreg:$0x1] =	wrdreg $0xFFFFFFFF  }
0xb4: {  	[dreg:$0x0] =	wrdreg $0x60  }
0xb5: {  	[dreg:$0x2] =	wrdreg s15  }
0xb6: {  	[dreg:$0x3] =	wrdreg s4  }
0xb7: {  	[dreg:$0x4] =	wrdreg s24  }
0xb8: {  	[dreg:$0x5] =	wrdreg s16  }
0xb9: {  	[dreg:$0x6] =	wrdreg $0x9  }
0xba: {  	_ =	task.clear_ibuf [dreg:s9], $0x7FFFF;
	_ =	strace $0x90000046  }
0xbb: {  	s29 =	simm.s32 $0x9;
	_ =	strace $0x80000048  }
0xbc: {  	_ =	swait.ge [sflag:s29], $0x1  }
0xbd: {  	[sflag:s29] =	ssyncadd.s32 $0xFFFFFFFF  }
0xbe: {  	_ =	strace $0x90000048  }
0xbf: {  	_ =	sfence  }
0xc0: {  	s30 =	sld [smem:$0x0];
	_ =	sdelay $0x2  }
0xc1: {  	s31 =	sshll.u32 s1, $0xD;
	s1 =	sshrl.u32 s1, $0x2  }
0xc2: {  	s3 =	sand.u32 $0x4000, s31;
	s1 =	sadd.s32 s1, s30  }
0xc3: {  	s0 =	sor.u32 s3, s0;
	s1 =	sshll.u32 s1, $0x11  }
0xc4: {  	s0 =	sor.u32 s1, s0  }
0xc5: {  	s0 =	sadd.s32 $0x8F2B, s0  }
0xc6: {  	[sflag:s0] =	ssyncadd.remote.s32 $0x1  }
0xc7: {  	_ =	sfence.sel $0xFFFF  }
0xc8: {  	[dreg:$0x0] =	wrdreg $0xFFFFFFFF;
	(pc) =	sbr.abs _section_cstart, $3  }
0xc9: {  	[dreg:$0x1] =	wrdreg $0xFFFFFFFF  }
0xca: {  	_ =	task.clear_ibuf [dreg:s9], $0x2FFFF;
	_ =	strace $0x9FFFFFFF  }
0xcb: {  	(tm) =	ssettm $0x7FFFFFFF  }
tec
execute0_lowered:
.L_overlay_start_1:
0x0: {  	(tag) =	ssettag $0x1  }
0x1: {  	s1 =	rddreg [dreg:$0x0]  }
0x2: {  	s2 =	rddreg [dreg:$0x1]  }
0x3: {  	s5 =	rddreg [dreg:$0x2]  }
0x4: {  	s7 =	rddreg [dreg:$0x3]  }
0x5: {  	s0 =	rddreg [dreg:$0x4];
	s6 =	srdreg.scid  }
0x6: {  	s4 =	simm.s32 $0x0;
	s3 =	stileid.u32;
	s12 =	simm.s32 $0x1080  }
0x7: {  	s13 =	simm.s32 $0x1;
	s6 =	sand.u32 $0x1, s6;
	[smem:$0x7FF] =	sst s4  }
0x8: {  	s8 =	sshll.u32 s3, $0x4;
	s9 =	sshll.u32 s6, $0x3;
	s6 =	ssub.s32 $0x2, s6  }
0x9: {  	v0 =	vlaneseq.u32;
	_ =	strace $0x80000047;
	s8 =	sor.u32 s9, s8;
	s10 =	sshrl.u32 s6, $0x1  }
0xa: {  	v1 =	vshrl.u32 v0, $0x3;
	s9 =	sshrl.u32 s8, $0x3;
	s8 =	sshll.u32 s8, $0x5;
	s10 =	ssub.s32 s6, s10  }
0xb: {  	v0 =	vand.u32 $0x7, v0;
	v63 =	vmul.u32 $0x8, v1;
	s9 =	sadd.s32 s9, s5;
	s11 =	sadd.s32 s8, s5;
	s7 =	sadd.s32 s7, s8  }
0xc: {  	[tilespmem:$0x1FFE0] =	vst v0;
	s8 =	smax.u32 s10, $0x1;
	s10 =	simm.s32 $0x80;
	s5 =	sadd.s32 $0x3200, s9  }
0xd: {  	vm0 =	vmmov $0xffff;
	[tilespmem:$0x1FFF0] =	vst v63;
	s6 =	sadd.s32 $0x1200, s11;
	s9 =	simm.s32 $0x2;
	s11 =	simm.s32 $0x880  }
.LBB2_1:
0xe: {  	[tilespmem:s4], [sflag:$0x2] =	stream.linear.gather [hbm4b:s5+s4], $0x8, $0x38;
	[tilespmem:$0x1880] =	vst v63  }
0xf: {  	_ =	swait.ge [sflag:s9], $0x8  }
0x10: {  	[sflag:s9] =	ssyncset.done $0x0  }
0x11: {  	[sflag:s9] =	ssyncadd.s32 $0xFFFFFFF8  }
0x12: {  	v0 =	vld.msk [tilespmem:$0x0], $0xff;
	_ =	sdelay $0x2  }
0x13: {  	v2 =	vld [tilespmem:$0x1FFE0];
	_ =	sdelay $0x1  }
0x14: {  	v3 =	vld [tilespmem:$0x1FFF0];
	v1 =	vshll.u32 v0, $0x1  }
0x15: {  	v0 =	vand.u32 $0x7, v0;
	v1 =	vand.u32 $0xFFFFFFF0, v1  }
0x16: {  	v0 =	vor.u32 v0, v1  }
0x17: {  	v0 =	vperm.xlane v0, v2;
	_ =	sdelay $0x1  }
0x18: {  	v0 =	vadd.s32 v3, v0;
	_ =	sdelay $0x4  }
0x19: {  	[tilespmem:s10], [sflag:$0x1] =	stream.indirect_vreg.gather [hbm4b:s1+s4], $0x80, v0, vm0, $0xb8;
	[tilespmem:$0x1880] =	vst v63  }
0x1a: {  	v0 =	vld.msk [tilespmem:$0x0], $0xff;
	_ =	sdelay $0x4  }
0x1b: {  	v59 =	vshll.u32 v0, $0x1  }
0x1c: {  	v0 =	vand.u32 $0x7, v0;
	v1 =	vand.u32 $0xFFFFFFF0, v59  }
0x1d: {  	v0 =	vor.u32 v0, v1  }
0x1e: {  	v0 =	vperm.xlane v0, v2;
	_ =	sdelay $0x1  }
0x1f: {  	v0 =	vadd.s32 v3, v0;
	_ =	sdelay $0x4  }
0x20: {  	[tilespmem:s11], [sflag:$0x1] =	stream.indirect_vreg.gather [hbm4b:s2+s4], $0x80, v0, vm0, $0xb8;
	[tilespmem:$0x1880] =	vst v63  }
0x21: {  	_ = 	snop  }
0x22: {  	[tilespmem:s12], [sflag:$0x2] =	stream.linear.gather [hbm4b:s6+s4], $0x800, $0x38;
	[tilespmem:$0x1880] =	vst v63  }
0x23: {  	_ =	swait.ge [sflag:s9], $0x800  }
0x24: {  	[sflag:s9] =	ssyncset.done $0x0  }
0x25: {  	[sflag:s9] =	ssyncadd.s32 $0xFFFFF800  }
0x26: {  	_ =	swait.ge [sflag:s13], $0x800  }
0x27: {  	[sflag:s13] =	ssyncset.done $0x0  }
0x28: {  	[sflag:s13] =	ssyncadd.s32 $0xFFFFF800  }
0x29: {  	_ =	swait.ge [sflag:s13], $0x800  }
0x2a: {  	[sflag:s13] =	ssyncset.done $0x0  }
0x2b: {  	[sflag:s13] =	ssyncadd.s32 $0xFFFFF800  }
0x2c: {  	v41 =	vld [tilespmem:$0x80]  }
0x2d: {  	v1 =	vld [tilespmem:$0x880]  }
0x2e: {  	v13 =	vld [tilespmem:$0x1080]  }
0x2f: {  	v39 =	vld [tilespmem:$0x90]  }
0x30: {  	v4 =	vld [tilespmem:$0x890]  }
0x31: {  	v16 =	vld [tilespmem:$0x1090]  }
0x32: {  	v38 =	vld [tilespmem:$0xA0]  }
0x33: {  	v6 =	vld [tilespmem:$0x8A0]  }
0x34: {  	v20 =	vld [tilespmem:$0x10A0]  }
0x35: {  	v37 =	vld [tilespmem:$0xB0]  }
0x36: {  	v9 =	vld [tilespmem:$0x8B0]  }
0x37: {  	v25 =	vld [tilespmem:$0x10B0]  }
0x38: {  	v35 =	vld [tilespmem:$0xC0]  }
0x39: {  	v11 =	vld [tilespmem:$0x8C0]  }
0x3a: {  	v31 =	vld [tilespmem:$0x10C0]  }
0x3b: {  	v32 =	vld [tilespmem:$0xD0]  }
0x3c: {  	v34 =	vld [tilespmem:$0x8D0]  }
0x3d: {  	v46 =	vld [tilespmem:$0x10D0]  }
0x3e: {  	v26 =	vld [tilespmem:$0xE0]  }
0x3f: {  	v40 =	vld [tilespmem:$0x8E0]  }
0x40: {  	v47 =	vld [tilespmem:$0x10E0]  }
0x41: {  	v21 =	vld [tilespmem:$0xF0]  }
0x42: {  	v42 =	vld [tilespmem:$0x8F0]  }
0x43: {  	v48 =	vld [tilespmem:$0x10F0]  }
0x44: {  	v19 =	vld [tilespmem:$0x480]  }
0x45: {  	v43 =	vld [tilespmem:$0xC80]  }
0x46: {  	v49 =	vld [tilespmem:$0x1480]  }
0x47: {  	v18 =	vld [tilespmem:$0x490]  }
0x48: {  	v44 =	vld [tilespmem:$0xC90]  }
0x49: {  	v50 =	vld [tilespmem:$0x1490]  }
0x4a: {  	v17 =	vld [tilespmem:$0x4A0]  }
0x4b: {  	v45 =	vld [tilespmem:$0xCA0]  }
0x4c: {  	v51 =	vld [tilespmem:$0x14A0]  }
0x4d: {  	v15 =	vld [tilespmem:$0x4B0]  }
0x4e: {  	v52 =	vld [tilespmem:$0xCB0]  }
0x4f: {  	v53 =	vld [tilespmem:$0x14B0]  }
0x50: {  	v14 =	vld [tilespmem:$0x4C0]  }
0x51: {  	v54 =	vld [tilespmem:$0xCC0]  }
0x52: {  	v55 =	vld [tilespmem:$0x14C0]  }
0x53: {  	v12 =	vld [tilespmem:$0x4D0]  }
0x54: {  	v56 =	vld [tilespmem:$0xCD0]  }
0x55: {  	v33 =	vld [tilespmem:$0x14D0]  }
0x56: {  	v10 =	vld [tilespmem:$0x4E0]  }
0x57: {  	v57 =	vld [tilespmem:$0xCE0]  }
0x58: {  	v29 =	vld [tilespmem:$0x14E0]  }
0x59: {  	v60 =	vld [tilespmem:$0x4F0]  }
0x5a: {  	v58 =	vld [tilespmem:$0xCF0]  }
0x5b: {  	v22 =	vld [tilespmem:$0x14F0]  }
0x5c: {  	v61 =	vld [tilespmem:$0x100]  }
0x5d: {  	v59 =	vld [tilespmem:$0x900]  }
0x5e: {  	v27 =	vld [tilespmem:$0x1100]  }
0x5f: {  	v62 =	vld [tilespmem:$0x110]  }
0x60: {  	v23 =	vld [tilespmem:$0x1110]  }
0x61: {  	v63 =	vld [tilespmem:$0x120]  }
0x62: {  	v28 =	vld [tilespmem:$0x1120]  }
0x63: {  	v5 =	vld [tilespmem:$0x130]  }
0x64: {  	v24 =	vld [tilespmem:$0x1130]  }
0x65: {  	v7 =	vld [tilespmem:$0x140]  }
0x66: {  	v30 =	vld [tilespmem:$0x1140]  }
0x67: {  	v8 =	vld [tilespmem:$0x150]  }
0x68: {  	v36 =	vld [tilespmem:$0x1150]  }
0x69: {  	[tilespmem:$0x1F9C0] =	vst v60;
	v60 =	vld [tilespmem:$0x910]  }
0x6a: {  	[tilespmem:$0x1F9D0] =	vst v61;
	v61 =	vld [tilespmem:$0x920]  }
0x6b: {  	[tilespmem:$0x1F9E0] =	vst v62;
	v62 =	vld [tilespmem:$0x930];
	v1 =	vmul.f32 $1.442695020e+00, v1  }
0x6c: {  	[tilespmem:$0x1F9F0] =	vst v63;
	v63 =	vld [tilespmem:$0x940];
	v4 =	vmul.f32 $1.442695020e+00, v4;
	v6 =	vmul.f32 $1.442695020e+00, v6  }
0x6d: {  	[tilespmem:$0x1FA10] =	vst v7;
	v9 =	vmul.f32 $1.442695020e+00, v9;
	v7 =	vld [tilespmem:$0x950];
	v3 =	vmul.f32 $1.442695020e+00, v40  }
0x6e: {  	[tilespmem:$0x1FA00] =	vst v5;
	v5 =	vmul.f32 $1.442695020e+00, v42;
	v40 =	vld [tilespmem:$0x1160];
	(erf) = vpow2.f32 v1  }
0x6f: {  	v42 =	vld [tilespmem:$0x1170];
	v1 =	vmul.f32 $1.442695020e+00, v44;
	(erf) = vpow2.f32 v4  }
0x70: {  	[tilespmem:$0x1FA20] =	vst v8;
	v8 =	vld [tilespmem:$0x530];
	(erf) = vpow2.f32 v6;
	v6 =	vmul.f32 $1.442695020e+00, v11  }
0x71: {  	v44 =	vld [tilespmem:$0x1510];
	(erf) = vpow2.f32 v9;
	v9 =	vmul.f32 $1.442695020e+00, v34  }
0x72: {  	v34 =	vld [tilespmem:$0x160];
	(erf) = vpow2.f32 v6  }
0x73: {  	v6 =	vmul.f32 $1.442695020e+00, v43;
	v43 =	vld [tilespmem:$0x170];
	(erf) = vpow2.f32 v9  }
0x74: {  	v2 =	vmul.f32 $1.442695020e+00, v45;
	v9 =	vld [tilespmem:$0x500];
	(erf) = vpow2.f32 v3  }
0x75: {  	v3 =	vmul.f32 $1.442695020e+00, v52;
	v52 =	vld [tilespmem:$0x1500];
	(erf) = vpow2.f32 v5  }
0x76: {  	v5 =	vld [tilespmem:$0xD10];
	(erf) = vpow2.f32 v6  }
0x77: {  	[tilespmem:$0x1FA30] =	vst v34;
	v34 =	vld [tilespmem:$0x960];
	v45 =	vpop (erf);
	(erf) = vpow2.f32 v1  }
0x78: {  	v54 =	vmul.f32 $1.442695020e+00, v54;
	v6 =	vld [tilespmem:$0xD00];
	(erf) = vpow2.f32 v2;
	v11 =	vpop (erf)  }
0x79: {  	[tilespmem:$0x1FA40] =	vst v43;
	v43 =	vld [tilespmem:$0x970];
	(erf) = vpow2.f32 v3;
	v2 =	vpop (erf)  }
0x7a: {  	v45 =	vmul.f32 v45, v13;
	v13 =	vld [tilespmem:$0x520];
	(erf) = vpow2.f32 v54;
	v4 =	vpop (erf)  }
0x7b: {  	v11 =	vmul.f32 v11, v16;
	v16 =	vld [tilespmem:$0xD20];
	v1 =	vpop (erf)  }
0x7c: {  	v54 =	vld [tilespmem:$0x510];
	v3 =	vpop (erf)  }
0x7d: {  	v2 =	vmul.f32 v2, v20;
	v11 =	vadd.f32 v11, v39;
	v39 =	vld [tilespmem:$0x180];
	v0 =	vpop (erf)  }
0x7e: {  	v4 =	vmul.f32 v4, v25;
	v25 =	vmul.f32 v1, v31;
	v1 =	vld [tilespmem:$0x1520];
	v20 =	vpop (erf)  }
0x7f: {  	v59 =	vmul.f32 $1.442695020e+00, v59;
	v2 =	vadd.f32 v2, v38;
	v38 =	vld [tilespmem:$0x980];
	v31 =	vpop (erf)  }
0x80: {  	v41 =	vadd.f32 v45, v41;
	v3 =	vmul.f32 v3, v46;
	v4 =	vadd.f32 v4, v37;
	v37 =	vld [tilespmem:$0x1180];
	v46 =	vpop (erf)  }
0x81: {  	v0 =	vmul.f32 v0, v47;
	v47 =	vld [tilespmem:$0xD30];
	v49 =	vmul.f32 v31, v49;
	v31 =	vpop (erf)  }
0x82: {  	[tilespmem:$0x1080] =	vst v41;
	v41 =	vadd.f32 v25, v35;
	v35 =	vld [tilespmem:$0x190];
	v48 =	vmul.f32 v20, v48;
	v20 =	vmul.f32 v31, v51;
	v51 =	vpop (erf)  }
0x83: {  	v3 =	vadd.f32 v3, v32;
	v32 =	vld [tilespmem:$0x990];
	v31 =	vmul.f32 $1.442695020e+00, v56;
	v53 =	vmul.f32 v51, v53;
	v51 =	vpop (erf)  }
0x84: {  	[tilespmem:$0x10B0] =	vst v4;
	v4 =	vld [tilespmem:$0x11A0];
	v55 =	vmul.f32 v51, v55;
	v51 =	vmul.f32 $1.442695020e+00, v57  }
0x85: {  	v0 =	vadd.f32 v0, v26;
	v26 =	vld [tilespmem:$0x1190];
	(erf) = vpow2.f32 v31;
	v31 =	vmul.f32 $1.442695020e+00, v58  }
0x86: {  	v50 =	vmul.f32 v46, v50;
	v46 =	vld [tilespmem:$0x1530];
	(erf) = vpow2.f32 v51  }
0x87: {  	v56 =	vld [tilespmem:$0x540];
	(erf) = vpow2.f32 v31;
	v31 =	vmul.f32 $1.442695020e+00, v60  }
0x88: {  	v57 =	vld [tilespmem:$0xD40];
	(erf) = vpow2.f32 v59;
	v59 =	vmul.f32 $1.442695020e+00, v61  }
0x89: {  	v62 =	vmul.f32 $1.442695020e+00, v62;
	v58 =	vld [tilespmem:$0x1540];
	(erf) = vpow2.f32 v31  }
0x8a: {  	v51 =	vld [tilespmem:$0x550];
	(erf) = vpow2.f32 v59;
	v59 =	vmul.f32 $1.442695020e+00, v63  }
0x8b: {  	v7 =	vmul.f32 $1.442695020e+00, v7;
	v60 =	vld [tilespmem:$0xD50];
	(erf) = vpow2.f32 v62  }
0x8c: {  	v61 =	vld [tilespmem:$0x1550];
	(erf) = vpow2.f32 v59;
	v59 =	vmul.f32 $1.442695020e+00, v34  }
0x8d: {  	v31 =	vld [tilespmem:$0x560];
	(erf) = vpow2.f32 v7;
	v7 =	vmul.f32 $1.442695020e+00, v43  }
0x8e: {  	v6 =	vmul.f32 $1.442695020e+00, v6;
	v63 =	vld [tilespmem:$0xD60];
	(erf) = vpow2.f32 v59  }
0x8f: {  	v5 =	vmul.f32 $1.442695020e+00, v5;
	v62 =	vld [tilespmem:$0x1560];
	v45 =	vpop (erf);
	(erf) = vpow2.f32 v7  }
0x90: {  	v34 =	vld [tilespmem:$0x570];
	(erf) = vpow2.f32 v6  }
0x91: {  	v43 =	vld [tilespmem:$0xD70];
	v6 =	vmul.f32 $1.442695020e+00, v16;
	v7 =	vpop (erf);
	(erf) = vpow2.f32 v5  }
0x92: {  	v59 =	vld [tilespmem:$0x1570];
	v5 =	vmul.f32 $1.442695020e+00, v47;
	v47 =	vmul.f32 $1.442695020e+00, v57  }
0x93: {  	v57 =	vmul.f32 $1.442695020e+00, v60;
	v60 =	vmul.f32 $1.442695020e+00, v63;
	v63 =	vadd.f32 v48, v21;
	v21 =	vld [tilespmem:$0x1A0]  }
0x94: {  	[tilespmem:$0x1090] =	vst v11;
	v48 =	vadd.f32 v49, v19;
	v49 =	vmul.f32 $1.442695020e+00, v38;
	v38 =	vld [tilespmem:$0x9A0];
	v16 =	vpop (erf);
	(erf) = vpow2.f32 v6  }
0x95: {  	v11 =	vpop (erf);
	(erf) = vpow2.f32 v5;
	[tilespmem:$0x10F0] =	vst v63;
	v63 =	vadd.f32 v20, v17;
	v17 =	vld [tilespmem:$0x1B0]  }
0x96: {  	v20 =	vld [tilespmem:$0x1590];
	v25 =	vpop (erf);
	(erf) = vpow2.f32 v47  }
0x97: {  	v11 =	vmul.f32 v11, v27;
	v27 =	vld [tilespmem:$0x11C0];
	v5 =	vpop (erf);
	(erf) = vpow2.f32 v57  }
0x98: {  	v57 =	vmul.f32 v45, v33;
	v45 =	vmul.f32 v16, v22;
	v16 =	vld [tilespmem:$0x9B0]  }
0x99: {  	[tilespmem:$0x14A0] =	vst v63;
	v63 =	vld [tilespmem:$0x9C0]  }
0x9a: {  	[tilespmem:$0x1480] =	vst v48;
	v48 =	vadd.f32 v55, v14;
	v33 =	vld [tilespmem:$0x1F9C0]  }
0x9b: {  	[tilespmem:$0x10C0] =	vst v41;
	v47 =	vmul.f32 $1.442695020e+00, v43;
	v43 =	vadd.f32 v53, v15;
	v22 =	vld [tilespmem:$0x1D0]  }
0x9c: {  	[tilespmem:$0x14C0] =	vst v48;
	v48 =	vld [tilespmem:$0x1FA00];
	v6 =	vpop (erf)  }
0x9d: {  	v7 =	vmul.f32 v7, v29;
	(erf) = vpow2.f32 v60;
	[tilespmem:$0x14B0] =	vst v43;
	v43 =	vld [tilespmem:$0x1F9E0];
	v41 =	vpop (erf)  }
0x9e: {  	v53 =	vadd.f32 v57, v12;
	v6 =	vmul.f32 v6, v24;
	v24 =	vld [tilespmem:$0x1C0];
	v19 =	vpop (erf);
	(erf) = vpow2.f32 v47  }
0x9f: {  	v57 =	vadd.f32 v7, v10;
	(erf) = vpow2.f32 v49;
	v49 =	vmul.f32 v25, v23;
	v23 =	vld [tilespmem:$0x11B0]  }
0xa0: {  	[tilespmem:$0x14D0] =	vst v53;
	v53 =	vld [tilespmem:$0x1FA10]  }
0xa1: {  	[tilespmem:$0x14E0] =	vst v57;
	v57 =	vld [tilespmem:$0x9F0]  }
0xa2: {  	v50 =	vadd.f32 v50, v18;
	v60 =	vpop (erf);
	v25 =	vld [tilespmem:$0x1FA40]  }
0xa3: {  	[tilespmem:$0x10A0] =	vst v2;
	v10 =	vmul.f32 v60, v40;
	v40 =	vld [tilespmem:$0x1F9D0]  }
0xa4: {  	[tilespmem:$0x10D0] =	vst v3;
	v29 =	vpop (erf);
	v2 =	vadd.f32 v45, v33;
	v45 =	vld [tilespmem:$0x9D0]  }
0xa5: {  	[tilespmem:$0x1490] =	vst v50;
	v47 =	vpop (erf);
	v3 =	vmul.f32 v29, v42;
	v29 =	vld [tilespmem:$0x11D0]  }
0xa6: {  	v50 =	vpop (erf);
	v15 =	vmul.f32 v47, v52;
	[tilespmem:$0x14F0] =	vst v2;
	v2 =	vadd.f32 v49, v43;
	v52 =	vld [tilespmem:$0x9E0]  }
0xa7: {  	v43 =	vld [tilespmem:$0xDC0];
	v55 =	vpop (erf)  }
0xa8: {  	v60 =	vpop (erf);
	[tilespmem:$0x1110] =	vst v2;
	v2 =	vadd.f32 v6, v48;
	v48 =	vld [tilespmem:$0x11E0]  }
0xa9: {  	v14 =	vmul.f32 v60, v46;
	v46 =	vld [tilespmem:$0x1F9F0]  }
0xaa: {  	v60 =	vld [tilespmem:$0xD80]  }
0xab: {  	[tilespmem:$0x10E0] =	vst v0;
	v12 =	vmul.f32 v41, v30;
	v41 =	vmul.f32 v50, v44;
	v0 =	vadd.f32 v11, v40;
	v40 =	vld [tilespmem:$0xDB0]  }
0xac: {  	v30 =	vmul.f32 $1.442695020e+00, v45;
	v45 =	vld [tilespmem:$0x1E0]  }
0xad: {  	v41 =	vadd.f32 v41, v54;
	v54 =	vld [tilespmem:$0x11F0]  }
0xae: {  	v7 =	vmul.f32 v19, v36;
	v36 =	vpop (erf);
	v11 =	vld [tilespmem:$0xDF0]  }
0xaf: {  	v19 =	vmul.f32 v36, v58;
	v58 =	vld [tilespmem:$0x1FA20]  }
0xb0: {  	v1 =	vmul.f32 v55, v1;
	v42 =	vpop (erf);
	v36 =	vld [tilespmem:$0xDA0]  }
0xb1: {  	v55 =	vmul.f32 $1.442695020e+00, v38;
	v44 =	vpop (erf);
	v38 =	vmul.f32 $1.442695020e+00, v52;
	v52 =	vld [tilespmem:$0x1F0]  }
0xb2: {  	v18 =	vmul.f32 v44, v62;
	v62 =	vmul.f32 $1.442695020e+00, v63;
	v63 =	vld [tilespmem:$0xD90]  }
0xb3: {  	v44 =	vadd.f32 v1, v13;
	v1 =	vld [tilespmem:$0xDE0]  }
0xb4: {  	v5 =	vmul.f32 v5, v28;
	v47 =	vpop (erf);
	v13 =	vld [tilespmem:$0x1610]  }
0xb5: {  	v6 =	vmul.f32 v47, v59;
	v59 =	vmul.f32 $1.442695020e+00, v16;
	v16 =	vld [tilespmem:$0x590]  }
0xb6: {  	v50 =	vmul.f32 $1.442695020e+00, v32;
	v47 =	vadd.f32 v14, v8;
	v8 =	vld [tilespmem:$0x270]  }
0xb7: {  	[tilespmem:$0x1100] =	vst v0;
	v0 =	vadd.f32 v5, v46;
	v5 =	vmul.f32 v42, v61;
	v61 =	vld [tilespmem:$0x1FA30]  }
0xb8: {  	(erf) = vpow2.f32 v50;
	[tilespmem:$0x1130] =	vst v2;
	v50 =	vadd.f32 v19, v56;
	v2 =	vadd.f32 v7, v58;
	v58 =	vld [tilespmem:$0x580]  }
0xb9: {  	v46 =	vmul.f32 $1.442695020e+00, v60;
	v56 =	vadd.f32 v18, v31;
	v60 =	vadd.f32 v6, v34;
	v34 =	vld [tilespmem:$0x15B0]  }
0xba: {  	v6 =	vld [tilespmem:$0x260]  }
0xbb: {  	[tilespmem:$0x1560] =	vst v56;
	v56 =	vld [tilespmem:$0x5D0]  }
0xbc: {  	(erf) = vpow2.f32 v55;
	v49 =	vpop (erf);
	[tilespmem:$0x1120] =	vst v0;
	v0 =	vadd.f32 v12, v53;
	v53 =	vadd.f32 v5, v51;
	v5 =	vld [tilespmem:$0x250]  }
0xbd: {  	(erf) = vpow2.f32 v59;
	v12 =	vmul.f32 v49, v37;
	v37 =	vadd.f32 v15, v9;
	v9 =	vld [tilespmem:$0x600]  }
0xbe: {  	(erf) = vpow2.f32 v62;
	v49 =	vmul.f32 $1.442695020e+00, v63;
	v63 =	vld [tilespmem:$0x1580]  }
0xbf: {  	(erf) = vpow2.f32 v30;
	v30 =	vld [tilespmem:$0x15A0]  }
0xc0: {  	[tilespmem:$0x1570] =	vst v60;
	v60 =	vld [tilespmem:$0x210]  }
0xc1: {  	[tilespmem:$0x1FA60] =	vst v13;
	v13 =	vld [tilespmem:$0xE50]  }
0xc2: {  	(erf) = vpow2.f32 v38;
	v38 =	vld [tilespmem:$0x15C0]  }
0xc3: {  	v42 =	vmul.f32 $1.442695020e+00, v57;
	v57 =	vpop (erf);
	[tilespmem:$0x1FBA0] =	vst v8;
	v8 =	vld [tilespmem:$0x6C0]  }
0xc4: {  	[tilespmem:$0x1140] =	vst v0;
	v0 =	vadd.f32 v10, v61;
	v61 =	vmul.f32 v57, v26;
	v26 =	vld [tilespmem:$0x5A0]  }
0xc5: {  	[tilespmem:$0x1150] =	vst v2;
	v2 =	vadd.f32 v3, v25;
	(erf) = vpow2.f32 v42;
	v42 =	vld [tilespmem:$0x5B0]  }
0xc6: {  	v57 =	vld [tilespmem:$0x5E0]  }
0xc7: {  	[tilespmem:$0x1170] =	vst v2;
	v2 =	vld [tilespmem:$0xA60]  }
0xc8: {  	v12 =	vadd.f32 v12, v39;
	v62 =	vpop (erf);
	v10 =	vld [tilespmem:$0x1600]  }
0xc9: {  	v14 =	vmul.f32 v62, v4;
	v62 =	vld [tilespmem:$0x220]  }
0xca: {  	[tilespmem:$0x1180] =	vst v12;
	v12 =	vld [tilespmem:$0x610]  }
0xcb: {  	[tilespmem:$0x1FB90] =	vst v6;
	v6 =	vld [tilespmem:$0xA80]  }
0xcc: {  	v18 =	vadd.f32 v61, v35;
	v61 =	vld [tilespmem:$0x15E0]  }
0xcd: {  	[tilespmem:$0x1160] =	vst v0;
	v0 =	vld [tilespmem:$0xA50]  }
0xce: {  	v7 =	vmul.f32 $1.442695020e+00, v36;
	(erf) = vpow2.f32 v46;
	[tilespmem:$0x1FBB0] =	vst v9;
	v9 =	vld [tilespmem:$0xE60]  }
0xcf: {  	(erf) = vpow2.f32 v49;
	[tilespmem:$0x1FAE0] =	vst v56;
	v56 =	vld [tilespmem:$0x12B0]  }
0xd0: {  	(erf) = vpow2.f32 v7;
	v7 =	vld [tilespmem:$0x15F0]  }
0xd1: {  	v21 =	vadd.f32 v14, v21;
	v14 =	vld [tilespmem:$0x620]  }
0xd2: {  	v55 =	vmul.f32 $1.442695020e+00, v40;
	[tilespmem:$0x1FB20] =	vst v60;
	v60 =	vld [tilespmem:$0x6A0]  }
0xd3: {  	v59 =	vmul.f32 $1.442695020e+00, v43;
	[tilespmem:$0x1190] =	vst v18;
	v18 =	vld [tilespmem:$0xA00]  }
0xd4: {  	(erf) = vpow2.f32 v55;
	[tilespmem:$0x1FDE0] =	vst v8;
	v8 =	vld [tilespmem:$0x300]  }
0xd5: {  	v15 =	vpop (erf);
	(erf) = vpow2.f32 v59;
	v59 =	vld [tilespmem:$0x200]  }
0xd6: {  	[tilespmem:$0x1FAF0] =	vst v57;
	v57 =	vld [tilespmem:$0x1250]  }
0xd7: {  	[tilespmem:$0x11A0] =	vst v21;
	v21 =	vld [tilespmem:$0x1640]  }
0xd8: {  	[tilespmem:$0x1FA50] =	vst v10;
	v10 =	vld [tilespmem:$0xAB0]  }
0xd9: {  	v4 =	vmul.f32 v15, v23;
	v15 =	vld [tilespmem:$0x1620]  }
0xda: {  	[tilespmem:$0x1FBC0] =	vst v12;
	v12 =	vld [tilespmem:$0xA90]  }
0xdb: {  	v19 =	vpop (erf);
	[tilespmem:$0x1FB40] =	vst v62;
	v62 =	vld [tilespmem:$0x6B0]  }
0xdc: {  	v23 =	vmul.f32 v19, v27;
	v25 =	vpop (erf);
	v19 =	vld [tilespmem:$0x640]  }
0xdd: {  	v28 =	vmul.f32 v25, v29;
	v25 =	vld [tilespmem:$0x1200]  }
0xde: {  	v27 =	vadd.f32 v4, v17;
	v4 =	vld [tilespmem:$0x240]  }
0xdf: {  	v17 =	vld [tilespmem:$0x1630]  }
0xe0: {  	[tilespmem:$0x1FBD0] =	vst v14;
	v14 =	vld [tilespmem:$0xE70]  }
0xe1: {  	v29 =	vpop (erf);
	[tilespmem:$0x1FDC0] =	vst v60;
	v60 =	vld [tilespmem:$0x6F0]  }
0xe2: {  	v32 =	vmul.f32 v29, v48;
	v29 =	vld [tilespmem:$0xA30]  }
0xe3: {  	v31 =	vadd.f32 v23, v24;
	v23 =	vld [tilespmem:$0x1260]  }
0xe4: {  	v24 =	vld [tilespmem:$0x1650]  }
0xe5: {  	[tilespmem:$0x1FE20] =	vst v8;
	v8 =	vld [tilespmem:$0x320]  }
0xe6: {  	[tilespmem:$0x11B0] =	vst v27;
	v27 =	vld [tilespmem:$0xA10]  }
0xe7: {  	[tilespmem:$0x1FB10] =	vst v59;
	v59 =	vld [tilespmem:$0x1210]  }
0xe8: {  	v35 =	vadd.f32 v28, v22;
	v28 =	vld [tilespmem:$0xA20]  }
0xe9: {  	v33 =	vpop (erf);
	v22 =	vld [tilespmem:$0x650]  }
0xea: {  	v36 =	vmul.f32 v33, v54;
	v33 =	vld [tilespmem:$0x660]  }
0xeb: {  	[tilespmem:$0x1FA90] =	vst v21;
	v21 =	vld [tilespmem:$0xAF0]  }
0xec: {  	[tilespmem:$0x1500] =	vst v37;
	v37 =	vpop (erf);
	v39 =	vadd.f32 v32, v45;
	v45 =	vld [tilespmem:$0x5C0]  }
0xed: {  	v40 =	vmul.f32 v37, v63;
	v63 =	vld [tilespmem:$0x230]  }
0xee: {  	v32 =	vld [tilespmem:$0xA40]  }
0xef: {  	[tilespmem:$0x11C0] =	vst v31;
	v31 =	vld [tilespmem:$0x1240]  }
0xf0: {  	[tilespmem:$0x1FA70] =	vst v15;
	v15 =	vld [tilespmem:$0xE40]  }
0xf1: {  	[tilespmem:$0x1510] =	vst v41;
	v37 =	vld [tilespmem:$0x280]  }
0xf2: {  	[tilespmem:$0x1FDD0] =	vst v62;
	v62 =	vld [tilespmem:$0x16F0]  }
0xf3: {  	v41 =	vpop (erf);
	[tilespmem:$0x11D0] =	vst v35;
	v35 =	vld [tilespmem:$0x1220]  }
0xf4: {  	v3 =	vmul.f32 v41, v20;
	v20 =	vld [tilespmem:$0x1270]  }
0xf5: {  	v43 =	vadd.f32 v36, v52;
	v36 =	vld [tilespmem:$0x670]  }
0xf6: {  	[tilespmem:$0x1520] =	vst v44;
	v41 =	vld [tilespmem:$0x12A0]  }
0xf7: {  	v44 =	vpop (erf);
	[tilespmem:$0x1FBF0] =	vst v19;
	v19 =	vld [tilespmem:$0xAD0]  }
0xf8: {  	[tilespmem:$0x1530] =	vst v47;
	v47 =	vmul.f32 v44, v30;
	v30 =	vld [tilespmem:$0x15D0]  }
0xf9: {  	v46 =	vadd.f32 v40, v58;
	v58 =	vld [tilespmem:$0x5F0]  }
0xfa: {  	[tilespmem:$0x1FB70] =	vst v4;
	v4 =	vld [tilespmem:$0xE00]  }
0xfb: {  	[tilespmem:$0x11E0] =	vst v39;
	v39 =	vld [tilespmem:$0x290]  }
0xfc: {  	v40 =	vld [tilespmem:$0x2A0]  }
0xfd: {  	[tilespmem:$0x1FA80] =	vst v17;
	v17 =	vld [tilespmem:$0xAC0]  }
0xfe: {  	v44 =	vld [tilespmem:$0x2D0]  }
0xff: {  	[tilespmem:$0x1FE10] =	vst v60;
	v60 =	vld [tilespmem:$0x1310]  }
0x100: {  	v49 =	vadd.f32 v3, v16;
	v3 =	vld [tilespmem:$0xA70]  }
0x101: {  	v48 =	vpop (erf);
	v16 =	vld [tilespmem:$0x630]  }
0x102: {  	[tilespmem:$0x1540] =	vst v50;
	v50 =	vmul.f32 v48, v34;
	v34 =	vld [tilespmem:$0x1660]  }
0x103: {  	[tilespmem:$0x11F0] =	vst v43;
	v43 =	vld [tilespmem:$0x2C0]  }
0x104: {  	v48 =	vld [tilespmem:$0x680]  }
0x105: {  	[tilespmem:$0x1FAA0] =	vst v24;
	v24 =	vld [tilespmem:$0xEA0]  }
0x106: {  	[tilespmem:$0x1FE40] =	vst v8;
	v8 =	vld [tilespmem:$0xB30]  }
0x107: {  	v51 =	vpop (erf);
	v52 =	vadd.f32 v47, v26;
	v26 =	vld [tilespmem:$0x1230]  }
0x108: {  	[tilespmem:$0x1550] =	vst v53;
	v53 =	vmul.f32 v51, v38;
	v38 =	vld [tilespmem:$0x1280]  }
0x109: {  	[tilespmem:$0x1580] =	vst v46;
	v46 =	vld [tilespmem:$0x2E0]  }
0x10a: {  	v47 =	vld [tilespmem:$0x2F0]  }
0x10b: {  	v51 =	vld [tilespmem:$0x1680]  }
0x10c: {  	[tilespmem:$0x1FC00] =	vst v22;
	v22 =	vld [tilespmem:$0xE90]  }
0x10d: {  	[tilespmem:$0x1FC10] =	vst v33;
	v33 =	vld [tilespmem:$0x16C0]  }
0x10e: {  	[tilespmem:$0x1FB60] =	vst v63;
	v63 =	vld [tilespmem:$0x1290]  }
0x10f: {  	[tilespmem:$0x1FB80] =	vst v5;
	v54 =	vadd.f32 v50, v42;
	v42 =	vld [tilespmem:$0x2B0]  }
0x110: {  	[tilespmem:$0x1FC50] =	vst v37;
	v37 =	vld [tilespmem:$0x12C0]  }
0x111: {  	[tilespmem:$0x1590] =	vst v49;
	v50 =	vld [tilespmem:$0xAE0]  }
0x112: {  	v49 =	vld [tilespmem:$0x690];
	[tilespmem:$0x1FC70] =	vst v62  }
0x113: {  	v62 =	vld [tilespmem:$0xB10];
	[tilespmem:$0x15A0] =	vst v52  }
0x114: {  	v55 =	vadd.f32 v53, v45;
	v45 =	vld [tilespmem:$0xDD0];
	[tilespmem:$0x1FC30] =	vst v36  }
0x115: {  	v53 =	vld [tilespmem:$0xE10];
	[tilespmem:$0x1FAD0] =	vst v41  }
0x116: {  	v36 =	vld [tilespmem:$0x12D0];
	[tilespmem:$0x15B0] =	vst v54  }
0x117: {  	v52 =	vld [tilespmem:$0x12E0];
	[tilespmem:$0x1FB00] =	vst v58  }
0x118: {  	v41 =	vld [tilespmem:$0xEB0];
	[tilespmem:$0x1FC80] =	vst v39  }
0x119: {  	v54 =	vld [tilespmem:$0xE20];
	[tilespmem:$0x1FCB0] =	vst v40  }
0x11a: {  	v58 =	vld [tilespmem:$0x1670];
	[tilespmem:$0x1FD40] =	vst v44  }
0x11b: {  	v40 =	vld [tilespmem:$0x1690];
	[tilespmem:$0x1FCA0] =	vst v60  }
0x11c: {  	v44 =	vld [tilespmem:$0x16A0];
	[tilespmem:$0x15C0] =	vst v55  }
0x11d: {  	v39 =	vld [tilespmem:$0x16D0];
	[tilespmem:$0x1FBE0] =	vst v16  }
0x11e: {  	v60 =	vld [tilespmem:$0xB20];
	[tilespmem:$0x1FAB0] =	vst v34  }
0x11f: {  	v55 =	vld [tilespmem:$0xE30];
	[tilespmem:$0x1FD10] =	vst v43  }
0x120: {  	v16 =	vld [tilespmem:$0xAA0];
	[tilespmem:$0x1FDA0] =	vst v48  }
0x121: {  	v34 =	vld [tilespmem:$0xEC0];
	[tilespmem:$0x1FB30] =	vst v8  }
0x122: {  	[tilespmem:$0x1FC20] =	vst v33;
	v33 =	vld [tilespmem:$0x1300]  }
0x123: {  	[tilespmem:$0x1FC40] =	vst v39;
	v39 =	vld [tilespmem:$0x310]  }
0x124: {  	v43 =	vld [tilespmem:$0x6E0];
	[tilespmem:$0x1FAC0] =	vst v38  }
0x125: {  	v48 =	vld [tilespmem:$0xEE0];
	[tilespmem:$0x1FD70] =	vst v46  }
0x126: {  	v8 =	vld [tilespmem:$0xB40];
	[tilespmem:$0x1FD90] =	vst v47  }
0x127: {  	[tilespmem:$0x1FC90] =	vst v33;
	v33 =	vld [tilespmem:$0x1320]  }
0x128: {  	[tilespmem:$0x1FE30] =	vst v39;
	v39 =	vld [tilespmem:$0x330]  }
0x129: {  	v47 =	vld [tilespmem:$0xE80];
	[tilespmem:$0x1FCE0] =	vst v42  }
0x12a: {  	v38 =	vld [tilespmem:$0x6D0];
	[tilespmem:$0x1FDB0] =	vst v49  }
0x12b: {  	v46 =	vld [tilespmem:$0x16E0];
	[tilespmem:$0x1FE00] =	vst v43  }
0x12c: {  	[tilespmem:$0x1FCC0] =	vst v33;
	v33 =	vld [tilespmem:$0x1330]  }
0x12d: {  	[tilespmem:$0x1FE50] =	vst v39;
	v39 =	vld [tilespmem:$0x340]  }
0x12e: {  	v42 =	vld [tilespmem:$0x12F0];
	[tilespmem:$0x1FB50] =	vst v8  }
0x12f: {  	v49 =	vld [tilespmem:$0x16B0];
	[tilespmem:$0x1FDF0] =	vst v38  }
0x130: {  	v45 =	vmul.f32 $1.442695020e+00, v45;
	v43 =	vld [tilespmem:$0xEF0];
	[tilespmem:$0x1FC60] =	vst v46  }
0x131: {  	v1 =	vmul.f32 $1.442695020e+00, v1;
	v38 =	vld [tilespmem:$0xED0];
	[tilespmem:$0x1FCD0] =	vst v33  }
0x132: {  	v11 =	vmul.f32 $1.442695020e+00, v11;
	(erf) = vpow2.f32 v45;
	v46 =	vld [tilespmem:$0xB00];
	[tilespmem:$0x1FE60] =	vst v39  }
0x133: {  	v18 =	vmul.f32 $1.442695020e+00, v18;
	v5 =	vld [tilespmem:$0x1340];
	(erf) = vpow2.f32 v1  }
0x134: {  	v39 =	vmul.f32 $1.442695020e+00, v27;
	(erf) = vpow2.f32 v11  }
0x135: {  	(erf) = vpow2.f32 v18;
	v18 =	vmul.f32 $1.442695020e+00, v28  }
0x136: {  	v28 =	vmul.f32 $1.442695020e+00, v29;
	(erf) = vpow2.f32 v39  }
0x137: {  	v32 =	vmul.f32 $1.442695020e+00, v32;
	(erf) = vpow2.f32 v18  }
0x138: {  	v0 =	vmul.f32 $1.442695020e+00, v0;
	(erf) = vpow2.f32 v28  }
0x139: {  	[tilespmem:$0x1FCF0] =	vst v5;
	v5 =	vmul.f32 $1.442695020e+00, v2;
	(erf) = vpow2.f32 v32  }
0x13a: {  	v11 =	vmul.f32 $1.442695020e+00, v3;
	v18 =	vld [tilespmem:$0x1370];
	(erf) = vpow2.f32 v0  }
0x13b: {  	v8 =	vld [tilespmem:$0x370];
	v1 =	vpop (erf);
	(erf) = vpow2.f32 v5  }
0x13c: {  	(erf) = vpow2.f32 v11;
	v2 =	vpop (erf)  }
0x13d: {  	v3 =	vpop (erf)  }
0x13e: {  	v11 =	vpop (erf)  }
0x13f: {  	v5 =	vmul.f32 v1, v30;
	[tilespmem:$0x1FD30] =	vst v18;
	v18 =	vpop (erf)  }
0x140: {  	[tilespmem:$0x1FE90] =	vst v8;
	v8 =	vmul.f32 v11, v25;
	v30 =	vpop (erf);
	v11 =	vmul.f32 v18, v59;
	v59 =	vld [tilespmem:$0x720]  }
0x141: {  	v4 =	vmul.f32 $1.442695020e+00, v4;
	v2 =	vmul.f32 v2, v61;
	v61 =	vpop (erf)  }
0x142: {  	v13 =	vmul.f32 $1.442695020e+00, v13;
	v1 =	vmul.f32 $1.442695020e+00, v53;
	v25 =	vpop (erf)  }
0x143: {  	(erf) = vpow2.f32 v4;
	v26 =	vmul.f32 v61, v26;
	v61 =	vpop (erf)  }
0x144: {  	v7 =	vmul.f32 v3, v7;
	v18 =	vmul.f32 v30, v35;
	v35 =	vpop (erf)  }
0x145: {  	v3 =	vmul.f32 v61, v57;
	v57 =	vld [tilespmem:$0x1720];
	[tilespmem:$0x1FEC0] =	vst v59;
	v23 =	vmul.f32 v35, v23;
	v59 =	vpop (erf)  }
0x146: {  	v33 =	vld [tilespmem:$0x350];
	v35 =	vmul.f32 v59, v20;
	v20 =	vmul.f32 $1.442695020e+00, v54  }
0x147: {  	v45 =	vld [tilespmem:$0xB50];
	(erf) = vpow2.f32 v1;
	v30 =	vmul.f32 $1.442695020e+00, v55  }
0x148: {  	v55 =	vmul.f32 $1.442695020e+00, v15;
	v54 =	vld [tilespmem:$0x740];
	(erf) = vpow2.f32 v20  }
0x149: {  	v27 =	vld [tilespmem:$0x1350];
	v1 =	vmul.f32 $1.442695020e+00, v16;
	(erf) = vpow2.f32 v30  }
0x14a: {  	v29 =	vld [tilespmem:$0x360];
	[tilespmem:$0x1FD80] =	vst v57;
	v57 =	vmul.f32 $1.442695020e+00, v9;
	(erf) = vpow2.f32 v55  }
0x14b: {  	v39 =	vld [tilespmem:$0xB60];
	v20 =	vmul.f32 $1.442695020e+00, v14;
	(erf) = vpow2.f32 v13  }
0x14c: {  	[tilespmem:$0x1FE70] =	vst v33;
	v9 =	vld [tilespmem:$0x750];
	v30 =	vmul.f32 $1.442695020e+00, v6;
	(erf) = vpow2.f32 v57  }
0x14d: {  	v33 =	vld [tilespmem:$0x1360];
	[tilespmem:$0x1FEE0] =	vst v54;
	v54 =	vmul.f32 $1.442695020e+00, v12;
	(erf) = vpow2.f32 v20  }
0x14e: {  	[tilespmem:$0x1FD00] =	vst v27;
	v27 =	vld [tilespmem:$0x700];
	v16 =	vmul.f32 $1.442695020e+00, v10;
	(erf) = vpow2.f32 v30  }
0x14f: {  	v28 =	vld [tilespmem:$0x1700];
	v31 =	vmul.f32 v25, v31;
	(erf) = vpow2.f32 v54  }
0x150: {  	v32 =	vld [tilespmem:$0xF00];
	v20 =	vmul.f32 $1.442695020e+00, v17;
	(erf) = vpow2.f32 v1  }
0x151: {  	v25 =	vld [tilespmem:$0x770];
	[tilespmem:$0x1FF00] =	vst v9;
	v9 =	vpop (erf);
	v30 =	vmul.f32 $1.442695020e+00, v19;
	(erf) = vpow2.f32 v16  }
0x152: {  	v50 =	vmul.f32 $1.442695020e+00, v50;
	[tilespmem:$0x1FE80] =	vst v29;
	v29 =	vld [tilespmem:$0x710];
	v10 =	vpop (erf);
	(erf) = vpow2.f32 v20  }
0x153: {  	v21 =	vmul.f32 $1.442695020e+00, v21;
	v53 =	vld [tilespmem:$0xF30];
	[tilespmem:$0x1FD20] =	vst v33;
	v12 =	vpop (erf);
	(erf) = vpow2.f32 v30  }
0x154: {  	v47 =	vmul.f32 $1.442695020e+00, v47;
	v33 =	vld [tilespmem:$0xB70];
	[tilespmem:$0x1FEA0] =	vst v27;
	v16 =	vpop (erf);
	(erf) = vpow2.f32 v50  }
0x155: {  	[tilespmem:$0x1FD50] =	vst v28;
	v28 =	vld [tilespmem:$0x1710];
	v17 =	vmul.f32 $1.442695020e+00, v22;
	v19 =	vpop (erf);
	(erf) = vpow2.f32 v21  }
0x156: {  	v27 =	vld [tilespmem:$0xF50];
	[tilespmem:$0x1FF50] =	vst v25;
	v22 =	vmul.f32 $1.442695020e+00, v24;
	v25 =	vpop (erf);
	(erf) = vpow2.f32 v47  }
0x157: {  	[tilespmem:$0x1FEB0] =	vst v29;
	v29 =	vld [tilespmem:$0xF10];
	v21 =	vpop (erf);
	(erf) = vpow2.f32 v17  }
0x158: {  	v24 =	vpop (erf);
	(erf) = vpow2.f32 v22;
	v22 =	vld [tilespmem:$0x1FA60]  }
0x159: {  	v15 =	vld [tilespmem:$0xF40]  }
0x15a: {  	v61 =	vld [tilespmem:$0x730]  }
0x15b: {  	[tilespmem:$0x1FD60] =	vst v28;
	v28 =	vld [tilespmem:$0xF20]  }
0x15c: {  	v59 =	vld [tilespmem:$0x1740]  }
0x15d: {  	v0 =	vmul.f32 v10, v22;
	v22 =	vld [tilespmem:$0x1FAA0]  }
0x15e: {  	v14 =	vld [tilespmem:$0xF60]  }
0x15f: {  	[tilespmem:$0x1FED0] =	vst v61;
	v61 =	vld [tilespmem:$0x1730]  }
0x160: {  	v30 =	vld [tilespmem:$0x380]  }
0x161: {  	v55 =	vld [tilespmem:$0x760]  }
0x162: {  	v1 =	vmul.f32 v25, v22;
	v25 =	vld [tilespmem:$0x13A0]  }
0x163: {  	v20 =	vld [tilespmem:$0x1380]  }
0x164: {  	v17 =	vld [tilespmem:$0x1FA50]  }
0x165: {  	[tilespmem:$0x1FF70] =	vst v30;
	v30 =	vld [tilespmem:$0x390]  }
0x166: {  	v10 =	vld [tilespmem:$0x1FA70]  }
0x167: {  	[tilespmem:$0x1FF30] =	vst v25;
	v25 =	vld [tilespmem:$0x1FAC0]  }
0x168: {  	v13 =	vld [tilespmem:$0xF70]  }
0x169: {  	v57 =	vld [tilespmem:$0x1750]  }
0x16a: {  	[tilespmem:$0x1FEF0] =	vst v20;
	v20 =	vld [tilespmem:$0x1390]  }
0x16b: {  	v9 =	vmul.f32 v9, v17;
	[tilespmem:$0x1FF80] =	vst v30;
	v30 =	vpop (erf);
	v17 =	vmul.f32 v12, v10;
	v12 =	vld [tilespmem:$0x1FA80]  }
0x16c: {  	v10 =	vmul.f32 v30, v25;
	v30 =	vld [tilespmem:$0x1FAD0]  }
0x16d: {  	[tilespmem:$0x1FF20] =	vst v55;
	v55 =	vld [tilespmem:$0x1760]  }
0x16e: {  	v54 =	vld [tilespmem:$0x1770];
	v4 =	vpop (erf)  }
0x16f: {  	v41 =	vmul.f32 $1.442695020e+00, v41;
	[tilespmem:$0x1FF10] =	vst v20;
	v20 =	vld [tilespmem:$0x1FA90];
	v6 =	vpop (erf)  }
0x170: {  	v63 =	vmul.f32 v4, v63;
	v22 =	vld [tilespmem:$0x1FAB0];
	v16 =	vmul.f32 v16, v12;
	v12 =	vpop (erf)  }
0x171: {  	v4 =	vmul.f32 v6, v30;
	v6 =	vmul.f32 v12, v56;
	v56 =	vld [tilespmem:$0x13B0]  }
0x172: {  	v58 =	vmul.f32 v24, v58;
	v24 =	vld [tilespmem:$0x3B0]  }
0x173: {  	(erf) = vpow2.f32 v41;
	v41 =	vld [tilespmem:$0x3A0]  }
0x174: {  	v50 =	vld [tilespmem:$0xB80];
	v19 =	vmul.f32 v19, v20;
	v20 =	vpop (erf)  }
0x175: {  	v47 =	vld [tilespmem:$0xB90];
	v22 =	vmul.f32 v21, v22;
	v21 =	vpop (erf)  }
0x176: {  	v25 =	vpop (erf);
	[tilespmem:$0x1FF40] =	vst v56;
	v56 =	vmul.f32 v20, v37;
	v37 =	vmul.f32 v21, v36;
	v36 =	vld [tilespmem:$0x3C0]  }
0x177: {  	[tilespmem:$0x1FFA0] =	vst v24;
	v24 =	vld [tilespmem:$0xBB0];
	v12 =	vpop (erf)  }
0x178: {  	[tilespmem:$0x1FF90] =	vst v41;
	v41 =	vld [tilespmem:$0xBA0];
	v21 =	vpop (erf)  }
0x179: {  	v20 =	vmul.f32 v12, v42;
	v42 =	vld [tilespmem:$0xBC0];
	v30 =	vpop (erf)  }
0x17a: {  	v12 =	vmul.f32 v30, v40;
	v30 =	vld [tilespmem:$0x13D0]  }
0x17b: {  	v40 =	vpop (erf);
	[tilespmem:$0x1FFB0] =	vst v36;
	v36 =	vmul.f32 v25, v52;
	v25 =	vmul.f32 v21, v51;
	v51 =	vld [tilespmem:$0x13C0]  }
0x17c: {  	v44 =	vmul.f32 v40, v44;
	v40 =	vld [tilespmem:$0x3D0];
	v21 =	vmul.f32 $1.442695020e+00, v34  }
0x17d: {  	v52 =	vpop (erf);
	v34 =	vmul.f32 $1.442695020e+00, v38;
	v38 =	vmul.f32 $1.442695020e+00, v43;
	v43 =	vld [tilespmem:$0x3E0]  }
0x17e: {  	v52 =	vmul.f32 v52, v49;
	v49 =	vmul.f32 $1.442695020e+00, v48;
	v48 =	vld [tilespmem:$0x1FAF0]  }
0x17f: {  	(erf) = vpow2.f32 v21;
	v21 =	vld [tilespmem:$0x1FB60]  }
0x180: {  	[tilespmem:$0x1FF60] =	vst v51;
	v51 =	vld [tilespmem:$0x1FAE0]  }
0x181: {  	[tilespmem:$0x1FFC0] =	vst v40;
	v40 =	vld [tilespmem:$0xBD0];
	(erf) = vpow2.f32 v34  }
0x182: {  	v34 =	vld [tilespmem:$0xBE0];
	(erf) = vpow2.f32 v49  }
0x183: {  	v49 =	vmul.f32 $1.442695020e+00, v46;
	v46 =	vmul.f32 $1.442695020e+00, v60;
	v60 =	vld [tilespmem:$0x1FB20]  }
0x184: {  	[tilespmem:$0x1FFD0] =	vst v43;
	v43 =	vld [tilespmem:$0x13E0]  }
0x185: {  	v5 =	vadd.f32 v5, v51;
	v51 =	vld [tilespmem:$0x1FB00]  }
0x186: {  	v62 =	vmul.f32 $1.442695020e+00, v62;
	(erf) = vpow2.f32 v38;
	v38 =	vld [tilespmem:$0x1FB10]  }
0x187: {  	v2 =	vadd.f32 v2, v48;
	(erf) = vpow2.f32 v49;
	v48 =	vld [tilespmem:$0x3F0]  }
0x188: {  	(erf) = vpow2.f32 v62;
	v62 =	vld [tilespmem:$0x1FB30]  }
0x189: {  	v49 =	vld [tilespmem:$0x1FB70]  }
0x18a: {  	(erf) = vpow2.f32 v46;
	v46 =	vld [tilespmem:$0x13F0];
	[tilespmem:$0x15D0] =	vst v5;
	v5 =	vadd.f32 v7, v51  }
0x18b: {  	[tilespmem:$0x15E0] =	vst v2;
	v2 =	vadd.f32 v8, v38;
	v38 =	vld [tilespmem:$0xBF0]  }
0x18c: {  	[tilespmem:$0x15F0] =	vst v5;
	v5 =	vadd.f32 v11, v60;
	v11 =	vld [tilespmem:$0x1FB40]  }
0x18d: {  	v7 =	vmul.f32 $1.442695020e+00, v62;
	v62 =	vmul.f32 $1.442695020e+00, v33;
	v33 =	vld [tilespmem:$0x1FBA0]  }
0x18e: {  	v60 =	vld [tilespmem:$0x1FB80]  }
0x18f: {  	[tilespmem:$0x1210] =	vst v5;
	v5 =	vadd.f32 v26, v21;
	v26 =	vmul.f32 $1.442695020e+00, v45;
	v45 =	vld [tilespmem:$0x780]  }
0x190: {  	v21 =	vld [tilespmem:$0xF80]  }
0x191: {  	[tilespmem:$0x1200] =	vst v2;
	v2 =	vadd.f32 v18, v11;
	v18 =	vld [tilespmem:$0x1FB50]  }
0x192: {  	v11 =	vld [tilespmem:$0x1FB90]  }
0x193: {  	v3 =	vadd.f32 v3, v60;
	v60 =	vld [tilespmem:$0x1FBC0]  }
0x194: {  	[tilespmem:$0x1220] =	vst v2;
	v2 =	vadd.f32 v31, v49;
	v31 =	vld [tilespmem:$0x790]  }
0x195: {  	v49 =	vld [tilespmem:$0x1FBB0]  }
0x196: {  	[tilespmem:$0x1250] =	vst v3;
	v3 =	vadd.f32 v35, v33;
	v33 =	vld [tilespmem:$0x1FBD0]  }
0x197: {  	v35 =	vmul.f32 $1.442695020e+00, v15;
	v15 =	vld [tilespmem:$0xFA0]  }
0x198: {  	[tilespmem:$0x1270] =	vst v3;
	v3 =	vld [tilespmem:$0x17B0];
	v8 =	vmul.f32 $1.442695020e+00, v18  }
0x199: {  	(erf) = vpow2.f32 v7;
	v18 =	vld [tilespmem:$0x1780]  }
0x19a: {  	v51 =	vmul.f32 $1.442695020e+00, v39;
	[tilespmem:$0x1240] =	vst v2;
	v2 =	vadd.f32 v23, v11;
	v23 =	vld [tilespmem:$0xF90];
	(erf) = vpow2.f32 v8  }
0x19b: {  	v39 =	vmul.f32 $1.442695020e+00, v29;
	v0 =	vadd.f32 v0, v60;
	v11 =	vld [tilespmem:$0x7B0];
	(erf) = vpow2.f32 v26  }
0x19c: {  	v60 =	vld [tilespmem:$0x1FC00];
	[tilespmem:$0x1260] =	vst v2;
	v2 =	vadd.f32 v9, v49;
	v26 =	vmul.f32 $1.442695020e+00, v32;
	(erf) = vpow2.f32 v51  }
0x19d: {  	v7 =	vpop (erf);
	v51 =	vmul.f32 $1.442695020e+00, v28;
	v28 =	vld [tilespmem:$0x7A0];
	(erf) = vpow2.f32 v62  }
0x19e: {  	v32 =	vpop (erf);
	[tilespmem:$0x1600] =	vst v2;
	v2 =	vadd.f32 v17, v33;
	v33 =	vld [tilespmem:$0xFB0];
	(erf) = vpow2.f32 v26  }
0x19f: {  	v29 =	vpop (erf);
	v62 =	vmul.f32 $1.442695020e+00, v53;
	(erf) = vpow2.f32 v39;
	v39 =	vld [tilespmem:$0x1FBE0]  }
0x1a0: {  	v9 =	vpop (erf);
	v26 =	vld [tilespmem:$0x1790];
	(erf) = vpow2.f32 v51  }
0x1a1: {  	[tilespmem:$0x1230] =	vst v5;
	v49 =	vmul.f32 $1.442695020e+00, v27;
	v5 =	vpop (erf);
	v51 =	vld [tilespmem:$0x1FBF0];
	(erf) = vpow2.f32 v62  }
0x1a2: {  	v17 =	vpop (erf);
	(erf) = vpow2.f32 v35;
	v35 =	vld [tilespmem:$0xFC0]  }
0x1a3: {  	v27 =	vpop (erf);
	(erf) = vpow2.f32 v49;
	v49 =	vld [tilespmem:$0x1FC20]  }
0x1a4: {  	[tilespmem:$0x1610] =	vst v0;
	v53 =	vmul.f32 $1.442695020e+00, v14;
	v0 =	vadd.f32 v16, v39;
	v16 =	vld [tilespmem:$0x17A0]  }
0x1a5: {  	v39 =	vld [tilespmem:$0x1FC10]  }
0x1a6: {  	v14 =	vpop (erf);
	v62 =	vmul.f32 $1.442695020e+00, v13;
	(erf) = vpow2.f32 v53;
	v53 =	vld [tilespmem:$0x1FC40]  }
0x1a7: {  	[tilespmem:$0x1620] =	vst v2;
	v13 =	vpop (erf);
	v2 =	vadd.f32 v19, v51;
	v51 =	vld [tilespmem:$0x1FC30]  }
0x1a8: {  	v8 =	vpop (erf);
	(erf) = vpow2.f32 v62;
	v62 =	vld [tilespmem:$0x1FC70]  }
0x1a9: {  	[tilespmem:$0x1630] =	vst v0;
	v0 =	vadd.f32 v1, v60;
	v1 =	vld [tilespmem:$0x7C0]  }
0x1aa: {  	v60 =	vld [tilespmem:$0x1FC60]  }
0x1ab: {  	v7 =	vmul.f32 v7, v49;
	v49 =	vld [tilespmem:$0x1FCA0]  }
0x1ac: {  	[tilespmem:$0x1640] =	vst v2;
	v2 =	vadd.f32 v22, v39;
	v39 =	vld [tilespmem:$0x1FC90]  }
0x1ad: {  	[tilespmem:$0x1650] =	vst v0;
	v0 =	vadd.f32 v58, v51;
	v58 =	vld [tilespmem:$0x1FC50]  }
0x1ae: {  	v19 =	vmul.f32 v32, v53;
	v53 =	vld [tilespmem:$0x1FCC0]  }
0x1af: {  	v51 =	vld [tilespmem:$0x1FCB0]  }
0x1b0: {  	v9 =	vmul.f32 v9, v62;
	v62 =	vld [tilespmem:$0x1FCF0]  }
0x1b1: {  	v29 =	vmul.f32 v29, v60;
	v60 =	vld [tilespmem:$0x1FCE0]  }
0x1b2: {  	[tilespmem:$0x1660] =	vst v2;
	v2 =	vadd.f32 v10, v58;
	v10 =	vld [tilespmem:$0x1FC80]  }
0x1b3: {  	v58 =	vld [tilespmem:$0x1FCD0]  }
0x1b4: {  	[tilespmem:$0x1280] =	vst v2;
	v2 =	vadd.f32 v4, v51;
	v4 =	vld [tilespmem:$0x7D0]  }
0x1b5: {  	v51 =	vmul.f32 v13, v62;
	v62 =	vld [tilespmem:$0x1FD30]  }
0x1b6: {  	v13 =	vld [tilespmem:$0x1FD10]  }
0x1b7: {  	[tilespmem:$0x1670] =	vst v0;
	v0 =	vadd.f32 v63, v10;
	v63 =	vld [tilespmem:$0x1FD00]  }
0x1b8: {  	v22 =	vpop (erf);
	[tilespmem:$0x12A0] =	vst v2;
	v2 =	vld [tilespmem:$0x7E0]  }
0x1b9: {  	v32 =	vpop (erf);
	v10 =	vld [tilespmem:$0x17C0]  }
0x1ba: {  	v39 =	vmul.f32 v5, v39;
	v5 =	vpop (erf);
	v32 =	vmul.f32 v32, v62;
	v62 =	vld [tilespmem:$0x1FD70]  }
0x1bb: {  	v17 =	vmul.f32 v17, v49;
	v49 =	vpop (erf);
	[tilespmem:$0x1290] =	vst v0;
	v0 =	vadd.f32 v6, v60;
	v60 =	vld [tilespmem:$0x1FD20]  }
0x1bc: {  	v27 =	vmul.f32 v27, v53;
	v6 =	vpop (erf);
	v53 =	vmul.f32 v8, v63;
	v63 =	vld [tilespmem:$0x1FD40]  }
0x1bd: {  	v14 =	vmul.f32 v14, v58;
	v58 =	vld [tilespmem:$0xFD0];
	v13 =	vadd.f32 v56, v13;
	v56 =	vpop (erf)  }
0x1be: {  	v56 =	vmul.f32 v56, v61;
	v61 =	vld [tilespmem:$0xFE0]  }
0x1bf: {  	v36 =	vadd.f32 v36, v62;
	v62 =	vld [tilespmem:$0x1FD90]  }
0x1c0: {  	v22 =	vmul.f32 v22, v60;
	v60 =	vld [tilespmem:$0x1FD60]  }
0x1c1: {  	[tilespmem:$0x12B0] =	vst v0;
	v0 =	vadd.f32 v37, v63;
	v37 =	vld [tilespmem:$0x1FD50]  }
0x1c2: {  	v63 =	vld [tilespmem:$0x1FD80]  }
0x1c3: {  	v8 =	vld [tilespmem:$0x17D0]  }
0x1c4: {  	[tilespmem:$0x12E0] =	vst v36;
	v36 =	vld [tilespmem:$0x1FDA0];
	v20 =	vadd.f32 v20, v62  }
0x1c5: {  	[tilespmem:$0x12D0] =	vst v0;
	v0 =	vld [tilespmem:$0x7F0]  }
0x1c6: {  	[tilespmem:$0x12F0] =	vst v20;
	v20 =	vld [tilespmem:$0x1FDC0];
	v37 =	vmul.f32 v5, v37;
	v5 =	vpop (erf)  }
0x1c7: {  	[tilespmem:$0x12C0] =	vst v13;
	v49 =	vmul.f32 v49, v60;
	v60 =	vmul.f32 v6, v63;
	v6 =	vld [tilespmem:$0x410];
	v13 =	vpop (erf)  }
0x1c8: {  	v57 =	vmul.f32 v13, v57;
	v63 =	vpop (erf);
	v13 =	vld [tilespmem:$0x17E0]  }
0x1c9: {  	v59 =	vmul.f32 v5, v59;
	v5 =	vadd.f32 v25, v36;
	v25 =	vmul.f32 v63, v55;
	v63 =	vld [tilespmem:$0x1FDB0]  }
0x1ca: {  	v55 =	vmul.f32 $1.442695020e+00, v50;
	v50 =	vld [tilespmem:$0xFF0]  }
0x1cb: {  	[tilespmem:$0x1680] =	vst v5;
	v5 =	vld [tilespmem:$0x400]  }
0x1cc: {  	v47 =	vmul.f32 $1.442695020e+00, v47;
	v62 =	vpop (erf);
	v44 =	vadd.f32 v44, v20;
	v20 =	vld [tilespmem:$0x17F0]  }
0x1cd: {  	v36 =	vmul.f32 v62, v54;
	v54 =	vmul.f32 $1.442695020e+00, v41;
	v41 =	vld [tilespmem:$0xC00]  }
0x1ce: {  	(erf) = vpow2.f32 v55;
	v55 =	vld [tilespmem:$0x1FDD0]  }
0x1cf: {  	(erf) = vpow2.f32 v47;
	v47 =	vld [tilespmem:$0x1FDF0]  }
0x1d0: {  	[tilespmem:$0x16A0] =	vst v44;
	v44 =	vmul.f32 $1.442695020e+00, v42;
	v42 =	vld [tilespmem:$0x1FE50]  }
0x1d1: {  	v24 =	vmul.f32 $1.442695020e+00, v24;
	(erf) = vpow2.f32 v54;
	v54 =	vld [tilespmem:$0x1FE00]  }
0x1d2: {  	v12 =	vadd.f32 v12, v63;
	v63 =	vld [tilespmem:$0x1FDE0]  }
0x1d3: {  	(erf) = vpow2.f32 v24;
	v24 =	vld [tilespmem:$0xC10]  }
0x1d4: {  	v62 =	vadd.f32 v52, v55;
	v55 =	vmul.f32 $1.442695020e+00, v34;
	v34 =	vld [tilespmem:$0x1FE20]  }
0x1d5: {  	v52 =	vmul.f32 $1.442695020e+00, v40;
	v40 =	vld [tilespmem:$0x1FE40]  }
0x1d6: {  	[tilespmem:$0x1690] =	vst v12;
	v12 =	vadd.f32 v19, v47;
	v19 =	vld [tilespmem:$0x1400]  }
0x1d7: {  	v47 =	vld [tilespmem:$0x1FE60]  }
0x1d8: {  	(erf) = vpow2.f32 v44;
	[tilespmem:$0x16B0] =	vst v62;
	v62 =	vld [tilespmem:$0x1FE10]  }
0x1d9: {  	(erf) = vpow2.f32 v52;
	v52 =	vld [tilespmem:$0x1FE70]  }
0x1da: {  	v7 =	vadd.f32 v7, v63;
	v63 =	vmul.f32 $1.442695020e+00, v38;
	v38 =	vld [tilespmem:$0x1FE30]  }
0x1db: {  	[tilespmem:$0x16D0] =	vst v12;
	v12 =	vld [tilespmem:$0x430]  }
0x1dc: {  	(erf) = vpow2.f32 v55;
	v55 =	vld [tilespmem:$0xC30]  }
0x1dd: {  	[tilespmem:$0x16C0] =	vst v7;
	v7 =	vadd.f32 v29, v54;
	v29 =	vld [tilespmem:$0x1410]  }
0x1de: {  	v21 =	vmul.f32 $1.442695020e+00, v21;
	v54 =	vmul.f32 $1.442695020e+00, v58;
	v58 =	vld [tilespmem:$0x1FE80]  }
0x1df: {  	(erf) = vpow2.f32 v63;
	v63 =	vmul.f32 $1.442695020e+00, v50;
	v50 =	vld [tilespmem:$0x1FEB0]  }
0x1e0: {  	v14 =	vadd.f32 v14, v42;
	(erf) = vpow2.f32 v21;
	v21 =	vld [tilespmem:$0xC20]  }
0x1e1: {  	v9 =	vadd.f32 v9, v62;
	v62 =	vld [tilespmem:$0x1FE90]  }
0x1e2: {  	[tilespmem:$0x1330] =	vst v14;
	v14 =	vadd.f32 v53, v52;
	v53 =	vld [tilespmem:$0x1FEC0]  }
0x1e3: {  	[tilespmem:$0x16E0] =	vst v7;
	v7 =	vadd.f32 v39, v34;
	v17 =	vadd.f32 v17, v38;
	v38 =	vld [tilespmem:$0x1430]  }
0x1e4: {  	v39 =	vmul.f32 $1.442695020e+00, v23;
	[tilespmem:$0x16F0] =	vst v9;
	v9 =	vld [tilespmem:$0x420]  }
0x1e5: {  	v15 =	vmul.f32 $1.442695020e+00, v15;
	[tilespmem:$0x1300] =	vst v7;
	v7 =	vadd.f32 v27, v40;
	v27 =	vld [tilespmem:$0x1420]  }
0x1e6: {  	v44 =	vmul.f32 $1.442695020e+00, v33;
	(erf) = vpow2.f32 v39;
	[tilespmem:$0x1350] =	vst v14;
	v14 =	vld [tilespmem:$0x440]  }
0x1e7: {  	v23 =	vpop (erf);
	(erf) = vpow2.f32 v15;
	v15 =	vld [tilespmem:$0x450]  }
0x1e8: {  	[tilespmem:$0x1320] =	vst v7;
	v7 =	vadd.f32 v51, v47;
	(erf) = vpow2.f32 v44;
	v44 =	vld [tilespmem:$0x1FEA0]  }
0x1e9: {  	v51 =	vmul.f32 $1.442695020e+00, v35;
	v47 =	vmul.f32 $1.442695020e+00, v41;
	v41 =	vld [tilespmem:$0xC40]  }
0x1ea: {  	[tilespmem:$0x1340] =	vst v7;
	v7 =	vadd.f32 v22, v58;
	v58 =	vld [tilespmem:$0x1FEF0]  }
0x1eb: {  	v33 =	vpop (erf);
	(erf) = vpow2.f32 v51;
	v51 =	vadd.f32 v49, v50;
	v49 =	vld [tilespmem:$0x1450]  }
0x1ec: {  	v61 =	vmul.f32 $1.442695020e+00, v61;
	v34 =	vpop (erf);
	(erf) = vpow2.f32 v54;
	v54 =	vld [tilespmem:$0x1FED0]  }
0x1ed: {  	v22 =	vpop (erf);
	[tilespmem:$0x1360] =	vst v7;
	v7 =	vld [tilespmem:$0x1440]  }
0x1ee: {  	v39 =	vpop (erf);
	(erf) = vpow2.f32 v61;
	v61 =	vld [tilespmem:$0x1FF10]  }
0x1ef: {  	[tilespmem:$0x1710] =	vst v51;
	v51 =	vld [tilespmem:$0x1FF40]  }
0x1f0: {  	v37 =	vadd.f32 v37, v44;
	v44 =	vld [tilespmem:$0xC50]  }
0x1f1: {  	v40 =	vpop (erf);
	(erf) = vpow2.f32 v63;
	v63 =	vld [tilespmem:$0x1FF20]  }
0x1f2: {  	v52 =	vmul.f32 $1.442695020e+00, v24;
	v32 =	vadd.f32 v32, v62;
	v30 =	vmul.f32 v40, v30;
	v40 =	vld [tilespmem:$0x1460]  }
0x1f3: {  	v21 =	vmul.f32 $1.442695020e+00, v21;
	v24 =	vpop (erf);
	(erf) = vpow2.f32 v47;
	[tilespmem:$0x1700] =	vst v37;
	v37 =	vadd.f32 v60, v53;
	v53 =	vld [tilespmem:$0x1FF50]  }
0x1f4: {  	[tilespmem:$0x1370] =	vst v32;
	v42 =	vpop (erf);
	(erf) = vpow2.f32 v52;
	v32 =	vadd.f32 v56, v54;
	v56 =	vld [tilespmem:$0x1FEE0]  }
0x1f5: {  	v35 =	vpop (erf);
	(erf) = vpow2.f32 v21;
	v21 =	vld [tilespmem:$0x460]  }
0x1f6: {  	v54 =	vld [tilespmem:$0x1FF60]  }
0x1f7: {  	v18 =	vmul.f32 v35, v18;
	v35 =	vld [tilespmem:$0xC70]  }
0x1f8: {  	v33 =	vmul.f32 v33, v61;
	v61 =	vld [tilespmem:$0x1FF90]  }
0x1f9: {  	[tilespmem:$0x1310] =	vst v17;
	v17 =	vadd.f32 v25, v63;
	v63 =	vld [tilespmem:$0x1FFA0]  }
0x1fa: {  	[tilespmem:$0x1720] =	vst v37;
	v37 =	vadd.f32 v59, v56;
	v59 =	vld [tilespmem:$0x1FF00]  }
0x1fb: {  	v56 =	vld [tilespmem:$0x1FF70]  }
0x1fc: {  	v55 =	vmul.f32 $1.442695020e+00, v55;
	v47 =	vpop (erf);
	[tilespmem:$0x1740] =	vst v37;
	v37 =	vld [tilespmem:$0x1FF30]  }
0x1fd: {  	v62 =	vpop (erf);
	v26 =	vmul.f32 v47, v26;
	v47 =	vld [tilespmem:$0x1FFB0]  }
0x1fe: {  	v23 =	vmul.f32 v23, v58;
	v22 =	vmul.f32 v22, v51;
	v51 =	vld [tilespmem:$0x1000];
	v52 =	vpop (erf)  }
0x1ff: {  	(erf) = vpow2.f32 v55;
	[tilespmem:$0x1730] =	vst v32;
	v3 =	vmul.f32 v52, v3;
	v52 =	vld [tilespmem:$0x1FFC0];
	v32 =	vadd.f32 v36, v53  }
0x200: {  	v16 =	vmul.f32 v62, v16;
	v55 =	vpop (erf);
	[tilespmem:$0x1760] =	vst v17;
	v22 =	vadd.f32 v22, v63;
	v63 =	vld [tilespmem:$0x1030];
	v60 =	vadd.f32 v57, v59  }
0x201: {  	v10 =	vmul.f32 v55, v10;
	[tilespmem:$0x1770] =	vst v32;
	v17 =	vadd.f32 v23, v56;
	v59 =	vld [tilespmem:$0x1FF80];
	v25 =	vmul.f32 v34, v37  }
0x202: {  	v58 =	vpop (erf);
	v16 =	vadd.f32 v16, v28;
	v36 =	vmul.f32 v39, v54;
	v54 =	vld [tilespmem:$0x1FFD0];
	v3 =	vadd.f32 v3, v11;
	[tilespmem:$0x13B0] =	vst v22  }
0x203: {  	v8 =	vmul.f32 v58, v8;
	v39 =	vld [tilespmem:$0x800];
	v1 =	vadd.f32 v10, v1;
	[tilespmem:$0x1380] =	vst v17;
	v17 =	vadd.f32 v25, v61  }
0x204: {  	v22 =	vadd.f32 v30, v52;
	v57 =	vmul.f32 v24, v43;
	v56 =	vmul.f32 $1.442695020e+00, v41;
	v37 =	vld [tilespmem:$0xC60];
	[tilespmem:$0x1750] =	vst v60;
	v60 =	vpop (erf)  }
0x205: {  	v30 =	vld [tilespmem:$0x1800];
	v24 =	vmul.f32 v42, v46;
	v42 =	vmul.f32 $1.442695020e+00, v51;
	v62 =	vpop (erf);
	[tilespmem:$0x13A0] =	vst v17;
	v17 =	vadd.f32 v36, v47  }
0x206: {  	[tilespmem:$0x17A0] =	vst v16;
	v43 =	vld [tilespmem:$0x470];
	(erf) = vpow2.f32 v56;
	v52 =	vmul.f32 $1.442695020e+00, v63;
	v32 =	vadd.f32 v33, v59;
	v46 =	vpop (erf)  }
0x207: {  	v13 =	vmul.f32 v60, v13;
	v59 =	vmul.f32 $1.442695020e+00, v44;
	v50 =	vpop (erf);
	[tilespmem:$0x13C0] =	vst v17;
	v17 =	vadd.f32 v57, v54;
	v57 =	vld [tilespmem:$0x1010]  }
0x208: {  	[tilespmem:$0x17B0] =	vst v3;
	v60 =	vld [tilespmem:$0x1020];
	v20 =	vmul.f32 v62, v20;
	v19 =	vmul.f32 v46, v19;
	v53 =	vpop (erf)  }
0x209: {  	[tilespmem:$0x17C0] =	vst v1;
	v41 =	vld [tilespmem:$0x1040];
	v58 =	vadd.f32 v24, v48;
	v62 =	vmul.f32 $1.442695020e+00, v37;
	(erf) = vpow2.f32 v59;
	v55 =	vpop (erf)  }
0x20a: {  	v51 =	vld [tilespmem:$0x810];
	[tilespmem:$0x13D0] =	vst v22;
	v61 =	vadd.f32 v18, v45;
	v24 =	vmul.f32 v55, v38;
	v38 =	vmul.f32 $1.442695020e+00, v35  }
0x20b: {  	[tilespmem:$0x13F0] =	vst v58;
	v44 =	vld [tilespmem:$0x1050];
	v25 =	vmul.f32 v50, v29;
	(erf) = vpow2.f32 v62  }
0x20c: {  	[tilespmem:$0x1780] =	vst v61;
	v37 =	vadd.f32 v26, v31;
	v46 =	vld [tilespmem:$0x1060];
	(erf) = vpow2.f32 v38;
	v45 =	vmul.f32 $1.442695020e+00, v57  }
0x20d: {  	v48 =	vld [tilespmem:$0x1070];
	[tilespmem:$0x1390] =	vst v32;
	v47 =	vmul.f32 $1.442695020e+00, v60;
	(erf) = vpow2.f32 v42  }
0x20e: {  	v22 =	vld [tilespmem:$0x1830];
	v50 =	vadd.f32 v8, v4;
	v23 =	vmul.f32 v53, v27;
	[tilespmem:$0x1790] =	vst v37;
	(erf) = vpow2.f32 v45  }
0x20f: {  	v34 =	vld [tilespmem:$0x1470];
	v0 =	vadd.f32 v20, v0;
	[tilespmem:$0x13E0] =	vst v17;
	v55 =	vmul.f32 $1.442695020e+00, v41;
	(erf) = vpow2.f32 v47  }
0x210: {  	v56 =	vld [tilespmem:$0x820];
	v53 =	vadd.f32 v13, v2;
	[tilespmem:$0x17D0] =	vst v50;
	v57 =	vmul.f32 $1.442695020e+00, v44;
	(erf) = vpow2.f32 v52  }
0x211: {  	v63 =	vld [tilespmem:$0x830];
	v58 =	vadd.f32 v19, v5;
	[tilespmem:$0x17F0] =	vst v0;
	v60 =	vmul.f32 $1.442695020e+00, v46;
	(erf) = vpow2.f32 v55  }
0x212: {  	v59 =	vld [tilespmem:$0x1820];
	v18 =	vmul.f32 $1.442695020e+00, v48;
	v61 =	vadd.f32 v25, v6;
	[tilespmem:$0x17E0] =	vst v53;
	v62 =	vpop (erf);
	(erf) = vpow2.f32 v57  }
0x213: {  	v54 =	vld [tilespmem:$0x1810];
	[tilespmem:$0x1400] =	vst v58;
	v19 =	vadd.f32 v23, v9;
	v6 =	vmul.f32 v62, v7;
	v20 =	vpop (erf);
	(erf) = vpow2.f32 v60  }
0x214: {  	v29 =	vld [tilespmem:$0x1840];
	[tilespmem:$0x1410] =	vst v61;
	v23 =	vadd.f32 v24, v12;
	v7 =	vmul.f32 v20, v49;
	v24 =	vpop (erf);
	(erf) = vpow2.f32 v18  }
0x215: {  	v25 =	vld [tilespmem:$0x840];
	[tilespmem:$0x1420] =	vst v19;
	v27 =	vadd.f32 v6, v14;
	v28 =	vmul.f32 v24, v40;
	v26 =	vpop (erf)  }
0x216: {  	v38 =	vld [tilespmem:$0x1850];
	[tilespmem:$0x1430] =	vst v23;
	v32 =	vadd.f32 v7, v15;
	v31 =	vpop (erf);
	v33 =	vmul.f32 v26, v34  }
0x217: {  	v42 =	vld [tilespmem:$0x1860];
	[tilespmem:$0x1440] =	vst v27;
	v36 =	vadd.f32 v28, v21;
	v37 =	vmul.f32 v31, v30;
	v35 =	vpop (erf)  }
0x218: {  	v45 =	vld [tilespmem:$0x1870];
	[tilespmem:$0x1450] =	vst v32;
	v41 =	vadd.f32 v33, v43;
	v40 =	vpop (erf);
	v2 =	vmul.f32 v35, v54  }
0x219: {  	v34 =	vld [tilespmem:$0x850];
	[tilespmem:$0x1460] =	vst v36;
	v44 =	vadd.f32 v37, v39;
	v43 =	vpop (erf);
	v5 =	vmul.f32 v40, v59  }
0x21a: {  	v49 =	vld [tilespmem:$0x860];
	[tilespmem:$0x1470] =	vst v41;
	v46 =	vpop (erf);
	v47 =	vadd.f32 v2, v51;
	v48 =	vmul.f32 v43, v22  }
0x21b: {  	v53 =	vld [tilespmem:$0x870];
	[tilespmem:$0x1800] =	vst v44;
	v50 =	vpop (erf);
	v51 =	vadd.f32 v5, v56;
	v52 =	vmul.f32 v46, v29  }
0x21c: {  	v54 =	vpop (erf);
	[tilespmem:$0x1810] =	vst v47;
	v55 =	vadd.f32 v48, v63;
	v56 =	vmul.f32 v50, v38  }
0x21d: {  	[tilespmem:$0x1820] =	vst v51;
	v57 =	vadd.f32 v52, v25;
	v58 =	vmul.f32 v54, v42;
	v59 =	vpop (erf)  }
0x21e: {  	[tilespmem:$0x1830] =	vst v55;
	v60 =	vadd.f32 v56, v34;
	v61 =	vmul.f32 v59, v45  }
0x21f: {  	[tilespmem:$0x1840] =	vst v57;
	v62 =	vadd.f32 v58, v49  }
0x220: {  	[tilespmem:$0x1850] =	vst v60;
	v63 =	vadd.f32 v61, v53  }
0x221: {  	p0 =	sne.s32 s8, $0x1;
	[tilespmem:$0x1860] =	vst v62  }
.Ltmp0:
0x222: {  	[tilespmem:$0x1870] =	vst v63;
	(pc) =	sbr.rel @p0 .LBB2_1-.Ltmp0, $4  }
0x223: {  	[hbm4b:s7+s4] =	stream.linear.scatter [tilespmem:s12], [sflag:$0x2], $0x800, $0x38;
	[tilespmem:$0x1880] =	vst v63  }
0x224: {  	_ =	swait.ge [sflag:s9], $0x800  }
0x225: {  	[sflag:s9] =	ssyncset.done $0x0  }
0x226: {  	s8 =	sadd.s32 $0xFFFFFFFF, s8;
	[sflag:s9] =	ssyncadd.s32 $0xFFFFF800  }
0x227: {  	_ =	sfence.sel $0x180000  }
0x228: {  	[bflag:$0x0] =	sbarrier.arrive $0xFFFF  }
0x229: {  	p0 =	sne.s32 s3, $0x0;
	_ =	strace $0x90000047  }
0x22a: {  	s0 =	sadd.s32 @!p0 $0x100000, s0;
	[bflag:$0x2] =	sbarrier.arrive $0xFFFF  }
0x22b: {  	[sflag:s0] =	ssyncadd.tile.s32 @!p0 $0x1;
	_ =	shalt  }
.Lfunc_end2:
_tile_overlayer_lowered:
.L_overlay_start_2:
0x22c: {  	(tag) =	ssettag $0x2  }
0x22d: {  	s0 =	rddreg [dreg:$0x0];
	s2 =	stileid.u32  }
0x22e: {  	s1 =	rddreg [dreg:$0x1];
	p0 =	sne.s32 s2, $0x0  }
0x22f: {  	s3 =	rddreg [dreg:$0x2];
	[bflag:$0x3] =	sbarrier.arrive $0xFFFF;
	s2 =	simm.s32 @!p0 $0x1C02  }
0x230: {  	[timem:s3], [sflag:s2] =	dma.local @!p0 [hbm:s0], s1  }
0x231: {  	s0 =	simm.s32 @!p0 $0x2  }
0x232: {  	_ =	swait.ge @!p0 [sflag:s0], s1  }
0x233: {  	s1 =	ssub.s32 @!p0 $0x0, s1;
	[sflag:s0] =	ssyncset.done @!p0 $0x0  }
0x234: {  	[sflag:s0] =	ssyncadd.s32 @!p0 s1  }
0x235: {  	[bflag:$0x3] =	sbarrier.arrive $0xFFFF  }
0x236: {  	_ =	shalt  }

</sc_bundles>
